<compile_context>
chip_gen: v7x
topology: tpu7x:2x2x1
jax: 0.10.2.dev20260603
libtpu: 0.0.44.dev20260713+nightly
codegen_flags: <defaults>
</compile_context>

<pallas_src>
import functools

import jax
import jax.numpy as jnp
from jax import lax
from jax.experimental import pallas as pl
from jax.experimental.pallas import tpu as pltpu
from jax.experimental.pallas import tpu_sc as plsc

N = 10000
E = 320000
D = 128
H = 128
C = 40
CP = 48

NC = 2
NS = 16
NW = NC * NS
EP = E // NW
KC = 50
NCH = EP // KC
NBUF = 4
GB = 100
NBLK = NCH // GB

ROWS_A = 632
ROWS_B = N - 15 * ROWS_A


def _seg_sum_sc(width):
  mesh = plsc.VectorSubcoreMesh(core_axis_name="c", subcore_axis_name="s")

  @functools.partial(
      pl.kernel,
      out_type=jax.ShapeDtypeStruct((NC, N, width), jnp.float32),
      mesh=mesh,
      compiler_params=pltpu.CompilerParams(use_tc_tiling_on_sc=False),
      scratch_types=[
          pltpu.VMEM((GB, 2, KC), jnp.int32),
          pltpu.VMEM((NBUF, KC, width), jnp.float32),
          pltpu.VMEM_SHARED((N, width), jnp.float32),
          [pltpu.SemaphoreType.DMA] * NBUF,
          [pltpu.SemaphoreType.DMA] * NBUF,
      ],
  )
  def seg_sum(h_hbm, idx_hbm, zeros_hbm, out_hbm,
              idx_v, rows_v, acc_sh, gsems, ssems):
    cid = lax.axis_index("c")
    sid = lax.axis_index("s")
    wid = sid * NC + cid

    def gather(ch, b):
      return pltpu.async_copy(h_hbm.at[idx_v.at[ch, 0]], rows_v.at[b],
                              gsems[b])

    def scatter(ch, b):
      return pltpu.async_copy(rows_v.at[b], acc_sh.at[idx_v.at[ch, 1]],
                              ssems[b], add=True)

    @pl.when(sid < NS - 1)
    def _():
      pltpu.sync_copy(zeros_hbm.at[pl.ds(sid * ROWS_A, ROWS_A)],
                      acc_sh.at[pl.ds(sid * ROWS_A, ROWS_A)])

    @pl.when(sid == NS - 1)
    def _():
      pltpu.sync_copy(zeros_hbm.at[pl.ds((NS - 1) * ROWS_A, ROWS_B)],
                      acc_sh.at[pl.ds((NS - 1) * ROWS_A, ROWS_B)])

    plsc.subcore_barrier()

    for blk in range(NBLK):
      pltpu.sync_copy(idx_hbm.at[wid, pl.ds(blk * GB, GB)], idx_v)
      for b in range(NBUF):
        gather(b, b)

      def body(g, _):
        base = NBUF * g
        for b in range(NBUF):
          pltpu.make_async_copy(h_hbm.at[idx_v.at[base + b, 0]],
                                rows_v.at[b], gsems[b]).wait()
          scatter(base + b, b)
        for b in range(NBUF):
          pltpu.make_async_copy(rows_v.at[b],
                                acc_sh.at[idx_v.at[base + b, 1]],
                                ssems[b]).wait()
          gather(base + NBUF + b, b)
        return 0

      lax.fori_loop(0, GB // NBUF - 1, body, 0)

      last = GB - NBUF
      for b in range(NBUF):
        pltpu.make_async_copy(h_hbm.at[idx_v.at[last + b, 0]],
                              rows_v.at[b], gsems[b]).wait()
        scatter(last + b, b)
      for b in range(NBUF):
        pltpu.make_async_copy(rows_v.at[b],
                              acc_sh.at[idx_v.at[last + b, 1]],
                              ssems[b]).wait()

    plsc.subcore_barrier()

    @pl.when(sid < NS - 1)
    def _():
      pltpu.sync_copy(acc_sh.at[pl.ds(sid * ROWS_A, ROWS_A)],
                      out_hbm.at[cid, pl.ds(sid * ROWS_A, ROWS_A)])

    @pl.when(sid == NS - 1)
    def _():
      pltpu.sync_copy(acc_sh.at[pl.ds((NS - 1) * ROWS_A, ROWS_B)],
                      out_hbm.at[cid, pl.ds((NS - 1) * ROWS_A, ROWS_B)])

  return seg_sum


_seg128 = _seg_sum_sc(D)
_seg48 = _seg_sum_sc(CP)


def _bn0_body(x_ref, g_ref, b_ref, o_ref):
  x = x_ref[...]
  mu = jnp.mean(x, axis=0, keepdims=True)
  var = jnp.mean((x - mu) * (x - mu), axis=0, keepdims=True)
  o_ref[...] = (x - mu) * lax.rsqrt(var + 1e-5) * g_ref[...] + b_ref[...]


def _mid_body(h0_ref, agg_ref, w1_ref, b1_ref, g_ref, be_ref, w2_ref, z_ref):
  t = h0_ref[...] + agg_ref[0] + agg_ref[1]
  h1 = jnp.dot(t, w1_ref[...], preferred_element_type=jnp.float32) + b1_ref[...]
  mu = jnp.mean(h1, axis=0, keepdims=True)
  var = jnp.mean((h1 - mu) * (h1 - mu), axis=0, keepdims=True)
  h2 = jnp.maximum(
      (h1 - mu) * lax.rsqrt(var + 1e-5) * g_ref[...] + be_ref[...], 0.0)
  z_ref[...] = jnp.dot(h2, w2_ref[...], preferred_element_type=jnp.float32)


def _fin_body(z_ref, agg_ref, b2_ref, o_ref):
  o_ref[...] = z_ref[...] + agg_ref[0] + agg_ref[1] + b2_ref[...]


def kernel(x, edge_index, bn0_gamma, bn0_beta, W1, b1, bn1_gamma, bn1_beta,
           W2, b2):
  src = edge_index[0].astype(jnp.int32).reshape(NW, NCH, KC)
  dst = edge_index[1].astype(jnp.int32).reshape(NW, NCH, KC)
  idx = jnp.stack([src, dst], axis=2)

  h0 = pl.pallas_call(
      _bn0_body,
      out_shape=jax.ShapeDtypeStruct((N, D), jnp.float32),
  )(x, bn0_gamma.reshape(1, D), bn0_beta.reshape(1, D))

  zeros128 = jnp.zeros((N, D), jnp.float32)
  agg1 = _seg128(h0, idx, zeros128)

  w2p = jnp.pad(W2, ((0, 0), (0, CP - C)))
  z = pl.pallas_call(
      _mid_body,
      out_shape=jax.ShapeDtypeStruct((N, CP), jnp.float32),
  )(h0, agg1, W1, b1.reshape(1, H), bn1_gamma.reshape(1, H),
    bn1_beta.reshape(1, H), w2p)

  zeros48 = jnp.zeros((N, CP), jnp.float32)
  agg2 = _seg48(z, idx, zeros48)

  b2p = jnp.pad(b2, (0, CP - C)).reshape(1, CP)
  outp = pl.pallas_call(
      _fin_body,
      out_shape=jax.ShapeDtypeStruct((N, CP), jnp.float32),
  )(z, agg2, b2p)
  return outp[:, :C]

# --- scband reference (transcript-rebuilt; emitter-appended) ---
"""Pipeline reference for scband-gin-node-classification-54245436949040 (READ-ONLY COPY).

The authoritative reference and input builder live on the scoring server;
editing this copy changes nothing except your own understanding.
"""

import jax, jax.numpy as jnp
import numpy as np

N = 10000
E = 320000
D = 128
H = 128
C = 40


def _batch_norm(x, gamma, beta):
    mean = jnp.mean(x, axis=0, keepdims=True)
    var = jnp.var(x, axis=0, keepdims=True)
    return (x - mean) / jnp.sqrt(var + 1e-5) * gamma + beta


def _gin_conv(x, edge_index, W, b):
    # GIN aggregation with eps=0: h_i = MLP(x_i + sum_{j in N(i)} x_j)
    src = edge_index[0]
    dst = edge_index[1]
    agg = jax.ops.segment_sum(x[src], dst, num_segments=x.shape[0])
    return (x + agg) @ W + b


def setup_inputs(seed: int = 0) -> dict:
    key = jax.random.key(seed)
    ks = jax.random.split(key, 10)
    x = jax.random.normal(ks[0], (N, D), dtype=jnp.float32)
    edge_index = jax.random.randint(ks[1], (2, E), 0, N)
    bn0_gamma = jnp.ones((D,), dtype=jnp.float32)
    bn0_beta = jnp.zeros((D,), dtype=jnp.float32)
    W1 = jax.random.normal(ks[2], (D, H), dtype=jnp.float32) * (1.0 / np.sqrt(D))
    b1 = jnp.zeros((H,), dtype=jnp.float32)
    bn1_gamma = jnp.ones((H,), dtype=jnp.float32)
    bn1_beta = jnp.zeros((H,), dtype=jnp.float32)
    W2 = jax.random.normal(ks[3], (H, C), dtype=jnp.float32) * (1.0 / np.sqrt(H))
    b2 = jnp.zeros((C,), dtype=jnp.float32)
    return {
        "x": x,
        "edge_index": edge_index,
        "bn0_gamma": bn0_gamma,
        "bn0_beta": bn0_beta,
        "W1": W1,
        "b1": b1,
        "bn1_gamma": bn1_gamma,
        "bn1_beta": bn1_beta,
        "W2": W2,
        "b2": b2,
    }


def reference(x, edge_index, bn0_gamma, bn0_beta, W1, b1, bn1_gamma, bn1_beta, W2, b2):
    # batch_norm0
    h = _batch_norm(x, bn0_gamma, bn0_beta)
    # dropout (p=0.5) skipped: inference mode
    # conv1 (GINConv)
    h = _gin_conv(h, edge_index, W1, b1)
    # batch_norm1
    h = _batch_norm(h, bn1_gamma, bn1_beta)
    # relu
    h = jax.nn.relu(h)
    # dropout skipped (inference)
    # conv2 (GINConv)
    out = _gin_conv(h, edge_index, W2, b2)
    return out

if __name__ == "__main__":
    import jax
    _d = setup_inputs()
    print(jax.jit(kernel)(*tuple(_d.values())))

</pallas_src>

<mosaic_0001>
#map = affine_map<(d0, d1) -> (0, 0)>
#map1 = affine_map<(d0, d1) -> (0, 0, 0, 0)>
#map2 = affine_map<(d0, d1) -> (0, 0, 0)>
module attributes {stable_mosaic.version = 14 : i64} {
  func.func @seg_sum(%arg0: i32, %arg1: i32, %arg2: memref<10000x48xf32, #tpu.memory_space<hbm>>, %arg3: memref<32x200x2x50xi32, #tpu.memory_space<hbm>>, %arg4: memref<10000x48xf32, #tpu.memory_space<hbm>>, %arg5: memref<2x10000x48xf32, #tpu.memory_space<hbm>>, %arg6: memref<100x2x50xi32, #tpu.memory_space<vmem>>, %arg7: memref<4x50x48xf32, #tpu.memory_space<vmem>>, %arg8: memref<10000x48xf32, #tpu.memory_space<vmem_shared>>, %arg9: memref<!tpu.dma_semaphore, #tpu.memory_space<semaphore_mem>>, %arg10: memref<!tpu.dma_semaphore, #tpu.memory_space<semaphore_mem>>, %arg11: memref<!tpu.dma_semaphore, #tpu.memory_space<semaphore_mem>>, %arg12: memref<!tpu.dma_semaphore, #tpu.memory_space<semaphore_mem>>, %arg13: memref<!tpu.dma_semaphore, #tpu.memory_space<semaphore_mem>>, %arg14: memref<!tpu.dma_semaphore, #tpu.memory_space<semaphore_mem>>, %arg15: memref<!tpu.dma_semaphore, #tpu.memory_space<semaphore_mem>>, %arg16: memref<!tpu.dma_semaphore, #tpu.memory_space<semaphore_mem>>) attributes {dimension_semantics = [#tpu.dimension_semantics<core_parallel>, #tpu.dimension_semantics<subcore_parallel>], iteration_bounds = array<i64: 2, 16>, scalar_prefetch = 0 : i64, scratch_operands = 11 : i64, tpu.core_type = #tpu.core_type<sc_vector_subcore>, window_params = [{transform_indices = #map}, {transform_indices = #map1}, {transform_indices = #map}, {transform_indices = #map2}]} {
    %mul3A = arith.constant 2 : i32
    %mul3A_0 = arith.muli %arg1, %mul3A : i32
    %add3A = arith.addi %mul3A_0, %arg0 : i32
    %lt3A = arith.constant 15 : i32
    %lt3A_1 = arith.cmpi slt, %arg1, %lt3A : i32
    %convert_element_type3A = arith.extui %lt3A_1 : i1 to i32
    %cond3A = arith.constant 0 : i32
    %cond3A_2 = arith.cmpi ne, %convert_element_type3A, %cond3A : i32
    scf.if %cond3A_2 {
      %mul3A_445 = arith.constant 632 : i32
      %mul3A_446 = arith.muli %arg1, %mul3A_445 : i32
      %mul3A_447 = arith.constant 632 : i32
      %mul3A_448 = arith.muli %arg1, %mul3A_447 : i32
      "tpu.region"() ({
        %run_scoped3A = tpu.sem_alloc : memref<!tpu.dma_semaphore, #tpu.memory_space<semaphore_mem>>
        %dma_start3A_449 = arith.constant 0 : i32
        %dma_start3A_450 = tpu.memref_slice %arg8[%mul3A_448, %dma_start3A_449] : memref<10000x48xf32, #tpu.memory_space<vmem_shared>> -> memref<632x48xf32, #tpu.memory_space<vmem_shared>>
        %dma_start3A_451 = arith.constant 0 : i32
        %dma_start3A_452 = tpu.memref_slice %arg4[%mul3A_446, %dma_start3A_451] : memref<10000x48xf32, #tpu.memory_space<hbm>> -> memref<632x48xf32, #tpu.memory_space<hbm>>
        tpu.enqueue_dma source(%dma_start3A_452 : memref<632x48xf32, #tpu.memory_space<hbm>>) target(%dma_start3A_450 : memref<632x48xf32, #tpu.memory_space<vmem_shared>>) target_semaphore(%run_scoped3A : memref<!tpu.dma_semaphore, #tpu.memory_space<semaphore_mem>>)
        %dma_wait3A_453 = arith.constant 0 : i32
        %dma_wait3A_454 = tpu.memref_slice %arg8[%mul3A_448, %dma_wait3A_453] : memref<10000x48xf32, #tpu.memory_space<vmem_shared>> -> memref<632x48xf32, #tpu.memory_space<vmem_shared>>
        %dma_wait3A_455 = arith.constant 0 : i32
        %dma_wait3A_456 = tpu.memref_slice %arg4[%mul3A_446, %dma_wait3A_455] : memref<10000x48xf32, #tpu.memory_space<hbm>> -> memref<632x48xf32, #tpu.memory_space<hbm>>
        tpu.wait_dma2 semaphore(%run_scoped3A : memref<!tpu.dma_semaphore, #tpu.memory_space<semaphore_mem>>) src(%dma_wait3A_456 : memref<632x48xf32, #tpu.memory_space<hbm>>) dst(%dma_wait3A_454 : memref<632x48xf32, #tpu.memory_space<vmem_shared>>)
        tpu.yield
      }) : () -> ()
    } else {
    }
    %eq3A = arith.constant 15 : i32
    %eq3A_3 = arith.cmpi eq, %arg1, %eq3A : i32
    %convert_element_type3A_4 = arith.extui %eq3A_3 : i1 to i32
    %cond3A_5 = arith.constant 0 : i32
    %cond3A_6 = arith.cmpi ne, %convert_element_type3A_4, %cond3A_5 : i32
    scf.if %cond3A_6 {
      "tpu.region"() ({
        %run_scoped3A = tpu.sem_alloc : memref<!tpu.dma_semaphore, #tpu.memory_space<semaphore_mem>>
        %dma_start3A_445 = arith.constant 9480 : i32
        %dma_start3A_446 = arith.constant 0 : i32
        %dma_start3A_447 = tpu.memref_slice %arg8[%dma_start3A_445, %dma_start3A_446] : memref<10000x48xf32, #tpu.memory_space<vmem_shared>> -> memref<520x48xf32, #tpu.memory_space<vmem_shared>>
        %dma_start3A_448 = arith.constant 9480 : i32
        %dma_start3A_449 = arith.constant 0 : i32
        %dma_start3A_450 = tpu.memref_slice %arg4[%dma_start3A_448, %dma_start3A_449] : memref<10000x48xf32, #tpu.memory_space<hbm>> -> memref<520x48xf32, #tpu.memory_space<hbm>>
        tpu.enqueue_dma source(%dma_start3A_450 : memref<520x48xf32, #tpu.memory_space<hbm>>) target(%dma_start3A_447 : memref<520x48xf32, #tpu.memory_space<vmem_shared>>) target_semaphore(%run_scoped3A : memref<!tpu.dma_semaphore, #tpu.memory_space<semaphore_mem>>)
        %dma_wait3A_451 = arith.constant 9480 : i32
        %dma_wait3A_452 = arith.constant 0 : i32
        %dma_wait3A_453 = tpu.memref_slice %arg8[%dma_wait3A_451, %dma_wait3A_452] : memref<10000x48xf32, #tpu.memory_space<vmem_shared>> -> memref<520x48xf32, #tpu.memory_space<vmem_shared>>
        %dma_wait3A_454 = arith.constant 9480 : i32
        %dma_wait3A_455 = arith.constant 0 : i32
        %dma_wait3A_456 = tpu.memref_slice %arg4[%dma_wait3A_454, %dma_wait3A_455] : memref<10000x48xf32, #tpu.memory_space<hbm>> -> memref<520x48xf32, #tpu.memory_space<hbm>>
        tpu.wait_dma2 semaphore(%run_scoped3A : memref<!tpu.dma_semaphore, #tpu.memory_space<semaphore_mem>>) src(%dma_wait3A_456 : memref<520x48xf32, #tpu.memory_space<hbm>>) dst(%dma_wait3A_453 : memref<520x48xf32, #tpu.memory_space<vmem_shared>>)
        tpu.yield
      }) : () -> ()
    } else {
    }
    %barrier3A = arith.constant 0 : index
    tpu.barrier barrier_id(%barrier3A)
    "tpu.region"() ({
      %run_scoped3A = tpu.sem_alloc : memref<!tpu.dma_semaphore, #tpu.memory_space<semaphore_mem>>
      %dma_start3A_445 = arith.constant 0 : i32
      %dma_start3A_446 = arith.constant 0 : i32
      %dma_start3A_447 = arith.constant 0 : i32
      %dma_start3A_448 = tpu.memref_slice %arg3[%add3A, %dma_start3A_445, %dma_start3A_446, %dma_start3A_447] : memref<32x200x2x50xi32, #tpu.memory_space<hbm>> -> memref<1x100x2x50xi32, #tpu.memory_space<hbm>>
      %dma_start3A_449 = tpu.memref_squeeze %dma_start3A_448 : memref<1x100x2x50xi32, #tpu.memory_space<hbm>> -> memref<100x2x50xi32, #tpu.memory_space<hbm>>
      %dma_start3A_450 = arith.constant 0 : i32
      %dma_start3A_451 = arith.constant 0 : i32
      %dma_start3A_452 = arith.constant 0 : i32
      %dma_start3A_453 = tpu.memref_slice %arg3[%add3A, %dma_start3A_450, %dma_start3A_451, %dma_start3A_452] : memref<32x200x2x50xi32, #tpu.memory_space<hbm>> -> memref<1x100x2x50xi32, #tpu.memory_space<hbm>>
      %dma_start3A_454 = tpu.memref_squeeze %dma_start3A_453 : memref<1x100x2x50xi32, #tpu.memory_space<hbm>> -> memref<100x2x50xi32, #tpu.memory_space<hbm>>
      tpu.enqueue_dma source(%dma_start3A_454 : memref<100x2x50xi32, #tpu.memory_space<hbm>>) target(%arg6 : memref<100x2x50xi32, #tpu.memory_space<vmem>>) target_semaphore(%run_scoped3A : memref<!tpu.dma_semaphore, #tpu.memory_space<semaphore_mem>>)
      %dma_wait3A_455 = arith.constant 0 : i32
      %dma_wait3A_456 = arith.constant 0 : i32
      %dma_wait3A_457 = arith.constant 0 : i32
      %dma_wait3A_458 = tpu.memref_slice %arg3[%add3A, %dma_wait3A_455, %dma_wait3A_456, %dma_wait3A_457] : memref<32x200x2x50xi32, #tpu.memory_space<hbm>> -> memref<1x100x2x50xi32, #tpu.memory_space<hbm>>
      %dma_wait3A_459 = tpu.memref_squeeze %dma_wait3A_458 : memref<1x100x2x50xi32, #tpu.memory_space<hbm>> -> memref<100x2x50xi32, #tpu.memory_space<hbm>>
      %dma_wait3A_460 = arith.constant 0 : i32
      %dma_wait3A_461 = arith.constant 0 : i32
      %dma_wait3A_462 = arith.constant 0 : i32
      %dma_wait3A_463 = tpu.memref_slice %arg3[%add3A, %dma_wait3A_460, %dma_wait3A_461, %dma_wait3A_462] : memref<32x200x2x50xi32, #tpu.memory_space<hbm>> -> memref<1x100x2x50xi32, #tpu.memory_space<hbm>>
      %dma_wait3A_464 = tpu.memref_squeeze %dma_wait3A_463 : memref<1x100x2x50xi32, #tpu.memory_space<hbm>> -> memref<100x2x50xi32, #tpu.memory_space<hbm>>
      tpu.wait_dma2 semaphore(%run_scoped3A : memref<!tpu.dma_semaphore, #tpu.memory_space<semaphore_mem>>) src(%dma_wait3A_464 : memref<100x2x50xi32, #tpu.memory_space<hbm>>) dst(%arg6 : memref<100x2x50xi32, #tpu.memory_space<vmem>>)
      tpu.yield
    }) : () -> ()
    %dma_start3A = arith.constant 0 : i32
    %dma_start3A_7 = arith.constant 0 : i32
    %dma_start3A_8 = arith.constant 0 : i32
    %dma_start3A_9 = arith.constant 0 : i32
    %dma_start3A_10 = arith.constant 0 : i32
    %dma_start3A_11 = tpu.memref_slice %arg7[%dma_start3A_8, %dma_start3A_9, %dma_start3A_10] : memref<4x50x48xf32, #tpu.memory_space<vmem>> -> memref<1x50x48xf32, #tpu.memory_space<vmem>>
    %dma_start3A_12 = tpu.memref_squeeze %dma_start3A_11 : memref<1x50x48xf32, #tpu.memory_space<vmem>> -> memref<50x48xf32, #tpu.memory_space<vmem>>
    %dma_start3A_13 = arith.constant 0 : i32
    %dma_start3A_14 = tpu.memref_slice %arg6[%dma_start3A, %dma_start3A_7, %dma_start3A_13] : memref<100x2x50xi32, #tpu.memory_space<vmem>> -> memref<1x1x50xi32, #tpu.memory_space<vmem>>
    %dma_start3A_15 = tpu.memref_squeeze %dma_start3A_14 : memref<1x1x50xi32, #tpu.memory_space<vmem>> -> memref<50xi32, #tpu.memory_space<vmem>>
    %dma_start3A_16 = arith.constant 0 : i32
    %dma_start3A_17 = arith.constant 0 : i32
    %dma_start3A_18 = tpu.memref_slice %arg2[%dma_start3A_16, %dma_start3A_17] : memref<10000x48xf32, #tpu.memory_space<hbm>> -> memref<10000x48xf32, #tpu.memory_space<hbm>>
    tpu.enqueue_indirect_dma source(%dma_start3A_18 : memref<10000x48xf32, #tpu.memory_space<hbm>>) target(%dma_start3A_12 : memref<50x48xf32, #tpu.memory_space<vmem>>) offsets(%dma_start3A_15 : memref<50xi32, #tpu.memory_space<vmem>>) semaphore(%arg9 : memref<!tpu.dma_semaphore, #tpu.memory_space<semaphore_mem>>)
    %dma_start3A_19 = arith.constant 1 : i32
    %dma_start3A_20 = arith.constant 0 : i32
    %dma_start3A_21 = arith.constant 1 : i32
    %dma_start3A_22 = arith.constant 0 : i32
    %dma_start3A_23 = arith.constant 0 : i32
    %dma_start3A_24 = tpu.memref_slice %arg7[%dma_start3A_21, %dma_start3A_22, %dma_start3A_23] : memref<4x50x48xf32, #tpu.memory_space<vmem>> -> memref<1x50x48xf32, #tpu.memory_space<vmem>>
    %dma_start3A_25 = tpu.memref_squeeze %dma_start3A_24 : memref<1x50x48xf32, #tpu.memory_space<vmem>> -> memref<50x48xf32, #tpu.memory_space<vmem>>
    %dma_start3A_26 = arith.constant 0 : i32
    %dma_start3A_27 = tpu.memref_slice %arg6[%dma_start3A_19, %dma_start3A_20, %dma_start3A_26] : memref<100x2x50xi32, #tpu.memory_space<vmem>> -> memref<1x1x50xi32, #tpu.memory_space<vmem>>
    %dma_start3A_28 = tpu.memref_squeeze %dma_start3A_27 : memref<1x1x50xi32, #tpu.memory_space<vmem>> -> memref<50xi32, #tpu.memory_space<vmem>>
    %dma_start3A_29 = arith.constant 0 : i32
    %dma_start3A_30 = arith.constant 0 : i32
    %dma_start3A_31 = tpu.memref_slice %arg2[%dma_start3A_29, %dma_start3A_30] : memref<10000x48xf32, #tpu.memory_space<hbm>> -> memref<10000x48xf32, #tpu.memory_space<hbm>>
    tpu.enqueue_indirect_dma source(%dma_start3A_31 : memref<10000x48xf32, #tpu.memory_space<hbm>>) target(%dma_start3A_25 : memref<50x48xf32, #tpu.memory_space<vmem>>) offsets(%dma_start3A_28 : memref<50xi32, #tpu.memory_space<vmem>>) semaphore(%arg10 : memref<!tpu.dma_semaphore, #tpu.memory_space<semaphore_mem>>)
    %dma_start3A_32 = arith.constant 2 : i32
    %dma_start3A_33 = arith.constant 0 : i32
    %dma_start3A_34 = arith.constant 2 : i32
    %dma_start3A_35 = arith.constant 0 : i32
    %dma_start3A_36 = arith.constant 0 : i32
    %dma_start3A_37 = tpu.memref_slice %arg7[%dma_start3A_34, %dma_start3A_35, %dma_start3A_36] : memref<4x50x48xf32, #tpu.memory_space<vmem>> -> memref<1x50x48xf32, #tpu.memory_space<vmem>>
    %dma_start3A_38 = tpu.memref_squeeze %dma_start3A_37 : memref<1x50x48xf32, #tpu.memory_space<vmem>> -> memref<50x48xf32, #tpu.memory_space<vmem>>
    %dma_start3A_39 = arith.constant 0 : i32
    %dma_start3A_40 = tpu.memref_slice %arg6[%dma_start3A_32, %dma_start3A_33, %dma_start3A_39] : memref<100x2x50xi32, #tpu.memory_space<vmem>> -> memref<1x1x50xi32, #tpu.memory_space<vmem>>
    %dma_start3A_41 = tpu.memref_squeeze %dma_start3A_40 : memref<1x1x50xi32, #tpu.memory_space<vmem>> -> memref<50xi32, #tpu.memory_space<vmem>>
    %dma_start3A_42 = arith.constant 0 : i32
    %dma_start3A_43 = arith.constant 0 : i32
    %dma_start3A_44 = tpu.memref_slice %arg2[%dma_start3A_42, %dma_start3A_43] : memref<10000x48xf32, #tpu.memory_space<hbm>> -> memref<10000x48xf32, #tpu.memory_space<hbm>>
    tpu.enqueue_indirect_dma source(%dma_start3A_44 : memref<10000x48xf32, #tpu.memory_space<hbm>>) target(%dma_start3A_38 : memref<50x48xf32, #tpu.memory_space<vmem>>) offsets(%dma_start3A_41 : memref<50xi32, #tpu.memory_space<vmem>>) semaphore(%arg11 : memref<!tpu.dma_semaphore, #tpu.memory_space<semaphore_mem>>)
    %dma_start3A_45 = arith.constant 3 : i32
    %dma_start3A_46 = arith.constant 0 : i32
    %dma_start3A_47 = arith.constant 3 : i32
    %dma_start3A_48 = arith.constant 0 : i32
    %dma_start3A_49 = arith.constant 0 : i32
    %dma_start3A_50 = tpu.memref_slice %arg7[%dma_start3A_47, %dma_start3A_48, %dma_start3A_49] : memref<4x50x48xf32, #tpu.memory_space<vmem>> -> memref<1x50x48xf32, #tpu.memory_space<vmem>>
    %dma_start3A_51 = tpu.memref_squeeze %dma_start3A_50 : memref<1x50x48xf32, #tpu.memory_space<vmem>> -> memref<50x48xf32, #tpu.memory_space<vmem>>
    %dma_start3A_52 = arith.constant 0 : i32
    %dma_start3A_53 = tpu.memref_slice %arg6[%dma_start3A_45, %dma_start3A_46, %dma_start3A_52] : memref<100x2x50xi32, #tpu.memory_space<vmem>> -> memref<1x1x50xi32, #tpu.memory_space<vmem>>
    %dma_start3A_54 = tpu.memref_squeeze %dma_start3A_53 : memref<1x1x50xi32, #tpu.memory_space<vmem>> -> memref<50xi32, #tpu.memory_space<vmem>>
    %dma_start3A_55 = arith.constant 0 : i32
    %dma_start3A_56 = arith.constant 0 : i32
    %dma_start3A_57 = tpu.memref_slice %arg2[%dma_start3A_55, %dma_start3A_56] : memref<10000x48xf32, #tpu.memory_space<hbm>> -> memref<10000x48xf32, #tpu.memory_space<hbm>>
    tpu.enqueue_indirect_dma source(%dma_start3A_57 : memref<10000x48xf32, #tpu.memory_space<hbm>>) target(%dma_start3A_51 : memref<50x48xf32, #tpu.memory_space<vmem>>) offsets(%dma_start3A_54 : memref<50xi32, #tpu.memory_space<vmem>>) semaphore(%arg12 : memref<!tpu.dma_semaphore, #tpu.memory_space<semaphore_mem>>)
    %scan3A = arith.constant 0 : i32
    %scan3A_58 = arith.constant 0 : i32
    %scan3A_59 = arith.constant 24 : i32
    %scan3A_60 = arith.addi %scan3A_58, %scan3A_59 : i32
    %scan3A_61 = arith.constant 1 : i32
    %scan3A_62 = scf.for %scan3A_445 = %scan3A_58 to %scan3A_60 step %scan3A_61 iter_args(%scan3A_446 = %scan3A) -> (i32)  : i32 {
      %mul3A_447 = arith.constant 4 : i32
      %mul3A_448 = arith.muli %mul3A_447, %scan3A_445 : i32
      %add3A_449 = arith.constant 0 : i32
      %add3A_450 = arith.addi %mul3A_448, %add3A_449 : i32
      %dma_wait3A_451 = arith.constant 0 : i32
      %dma_wait3A_452 = arith.constant 0 : i32
      %dma_wait3A_453 = arith.constant 0 : i32
      %dma_wait3A_454 = arith.constant 0 : i32
      %dma_wait3A_455 = tpu.memref_slice %arg7[%dma_wait3A_452, %dma_wait3A_453, %dma_wait3A_454] : memref<4x50x48xf32, #tpu.memory_space<vmem>> -> memref<1x50x48xf32, #tpu.memory_space<vmem>>
      %dma_wait3A_456 = tpu.memref_squeeze %dma_wait3A_455 : memref<1x50x48xf32, #tpu.memory_space<vmem>> -> memref<50x48xf32, #tpu.memory_space<vmem>>
      %dma_wait3A_457 = arith.constant 0 : i32
      %dma_wait3A_458 = tpu.memref_slice %arg6[%add3A_450, %dma_wait3A_451, %dma_wait3A_457] : memref<100x2x50xi32, #tpu.memory_space<vmem>> -> memref<1x1x50xi32, #tpu.memory_space<vmem>>
      %dma_wait3A_459 = tpu.memref_squeeze %dma_wait3A_458 : memref<1x1x50xi32, #tpu.memory_space<vmem>> -> memref<50xi32, #tpu.memory_space<vmem>>
      %dma_wait3A_460 = arith.constant 0 : i32
      %dma_wait3A_461 = arith.constant 0 : i32
      %dma_wait3A_462 = tpu.memref_slice %arg2[%dma_wait3A_460, %dma_wait3A_461] : memref<10000x48xf32, #tpu.memory_space<hbm>> -> memref<10000x48xf32, #tpu.memory_space<hbm>>
      tpu.wait_indirect_dma semaphore(%arg9 : memref<!tpu.dma_semaphore, #tpu.memory_space<semaphore_mem>>) src(%dma_wait3A_462 : memref<10000x48xf32, #tpu.memory_space<hbm>>) dst(%dma_wait3A_456 : memref<50x48xf32, #tpu.memory_space<vmem>>)
      %add3A_463 = arith.constant 0 : i32
      %add3A_464 = arith.addi %mul3A_448, %add3A_463 : i32
      %dma_start3A_465 = arith.constant 0 : i32
      %dma_start3A_466 = arith.constant 1 : i32
      %dma_start3A_467 = arith.constant 0 : i32
      %dma_start3A_468 = arith.constant 0 : i32
      %dma_start3A_469 = tpu.memref_slice %arg7[%dma_start3A_465, %dma_start3A_467, %dma_start3A_468] : memref<4x50x48xf32, #tpu.memory_space<vmem>> -> memref<1x50x48xf32, #tpu.memory_space<vmem>>
      %dma_start3A_470 = tpu.memref_squeeze %dma_start3A_469 : memref<1x50x48xf32, #tpu.memory_space<vmem>> -> memref<50x48xf32, #tpu.memory_space<vmem>>
      %dma_start3A_471 = arith.constant 0 : i32
      %dma_start3A_472 = tpu.memref_slice %arg6[%add3A_464, %dma_start3A_466, %dma_start3A_471] : memref<100x2x50xi32, #tpu.memory_space<vmem>> -> memref<1x1x50xi32, #tpu.memory_space<vmem>>
      %dma_start3A_473 = tpu.memref_squeeze %dma_start3A_472 : memref<1x1x50xi32, #tpu.memory_space<vmem>> -> memref<50xi32, #tpu.memory_space<vmem>>
      %dma_start3A_474 = arith.constant 0 : i32
      %dma_start3A_475 = arith.constant 0 : i32
      %dma_start3A_476 = tpu.memref_slice %arg8[%dma_start3A_474, %dma_start3A_475] : memref<10000x48xf32, #tpu.memory_space<vmem_shared>> -> memref<10000x48xf32, #tpu.memory_space<vmem_shared>>
      tpu.enqueue_indirect_dma source(%dma_start3A_470 : memref<50x48xf32, #tpu.memory_space<vmem>>) target(%dma_start3A_476 : memref<10000x48xf32, #tpu.memory_space<vmem_shared>>) offsets(%dma_start3A_473 : memref<50xi32, #tpu.memory_space<vmem>>) semaphore(%arg13 : memref<!tpu.dma_semaphore, #tpu.memory_space<semaphore_mem>>) {add = true}
      %add3A_477 = arith.constant 1 : i32
      %add3A_478 = arith.addi %mul3A_448, %add3A_477 : i32
      %dma_wait3A_479 = arith.constant 0 : i32
      %dma_wait3A_480 = arith.constant 1 : i32
      %dma_wait3A_481 = arith.constant 0 : i32
      %dma_wait3A_482 = arith.constant 0 : i32
      %dma_wait3A_483 = tpu.memref_slice %arg7[%dma_wait3A_480, %dma_wait3A_481, %dma_wait3A_482] : memref<4x50x48xf32, #tpu.memory_space<vmem>> -> memref<1x50x48xf32, #tpu.memory_space<vmem>>
      %dma_wait3A_484 = tpu.memref_squeeze %dma_wait3A_483 : memref<1x50x48xf32, #tpu.memory_space<vmem>> -> memref<50x48xf32, #tpu.memory_space<vmem>>
      %dma_wait3A_485 = arith.constant 0 : i32
      %dma_wait3A_486 = tpu.memref_slice %arg6[%add3A_478, %dma_wait3A_479, %dma_wait3A_485] : memref<100x2x50xi32, #tpu.memory_space<vmem>> -> memref<1x1x50xi32, #tpu.memory_space<vmem>>
      %dma_wait3A_487 = tpu.memref_squeeze %dma_wait3A_486 : memref<1x1x50xi32, #tpu.memory_space<vmem>> -> memref<50xi32, #tpu.memory_space<vmem>>
      %dma_wait3A_488 = arith.constant 0 : i32
      %dma_wait3A_489 = arith.constant 0 : i32
      %dma_wait3A_490 = tpu.memref_slice %arg2[%dma_wait3A_488, %dma_wait3A_489] : memref<10000x48xf32, #tpu.memory_space<hbm>> -> memref<10000x48xf32, #tpu.memory_space<hbm>>
      tpu.wait_indirect_dma semaphore(%arg10 : memref<!tpu.dma_semaphore, #tpu.memory_space<semaphore_mem>>) src(%dma_wait3A_490 : memref<10000x48xf32, #tpu.memory_space<hbm>>) dst(%dma_wait3A_484 : memref<50x48xf32, #tpu.memory_space<vmem>>)
      %add3A_491 = arith.constant 1 : i32
      %add3A_492 = arith.addi %mul3A_448, %add3A_491 : i32
      %dma_start3A_493 = arith.constant 1 : i32
      %dma_start3A_494 = arith.constant 1 : i32
      %dma_start3A_495 = arith.constant 0 : i32
      %dma_start3A_496 = arith.constant 0 : i32
      %dma_start3A_497 = tpu.memref_slice %arg7[%dma_start3A_493, %dma_start3A_495, %dma_start3A_496] : memref<4x50x48xf32, #tpu.memory_space<vmem>> -> memref<1x50x48xf32, #tpu.memory_space<vmem>>
      %dma_start3A_498 = tpu.memref_squeeze %dma_start3A_497 : memref<1x50x48xf32, #tpu.memory_space<vmem>> -> memref<50x48xf32, #tpu.memory_space<vmem>>
      %dma_start3A_499 = arith.constant 0 : i32
      %dma_start3A_500 = tpu.memref_slice %arg6[%add3A_492, %dma_start3A_494, %dma_start3A_499] : memref<100x2x50xi32, #tpu.memory_space<vmem>> -> memref<1x1x50xi32, #tpu.memory_space<vmem>>
      %dma_start3A_501 = tpu.memref_squeeze %dma_start3A_500 : memref<1x1x50xi32, #tpu.memory_space<vmem>> -> memref<50xi32, #tpu.memory_space<vmem>>
      %dma_start3A_502 = arith.constant 0 : i32
      %dma_start3A_503 = arith.constant 0 : i32
      %dma_start3A_504 = tpu.memref_slice %arg8[%dma_start3A_502, %dma_start3A_503] : memref<10000x48xf32, #tpu.memory_space<vmem_shared>> -> memref<10000x48xf32, #tpu.memory_space<vmem_shared>>
      tpu.enqueue_indirect_dma source(%dma_start3A_498 : memref<50x48xf32, #tpu.memory_space<vmem>>) target(%dma_start3A_504 : memref<10000x48xf32, #tpu.memory_space<vmem_shared>>) offsets(%dma_start3A_501 : memref<50xi32, #tpu.memory_space<vmem>>) semaphore(%arg14 : memref<!tpu.dma_semaphore, #tpu.memory_space<semaphore_mem>>) {add = true}
      %add3A_505 = arith.constant 2 : i32
      %add3A_506 = arith.addi %mul3A_448, %add3A_505 : i32
      %dma_wait3A_507 = arith.constant 0 : i32
      %dma_wait3A_508 = arith.constant 2 : i32
      %dma_wait3A_509 = arith.constant 0 : i32
      %dma_wait3A_510 = arith.constant 0 : i32
      %dma_wait3A_511 = tpu.memref_slice %arg7[%dma_wait3A_508, %dma_wait3A_509, %dma_wait3A_510] : memref<4x50x48xf32, #tpu.memory_space<vmem>> -> memref<1x50x48xf32, #tpu.memory_space<vmem>>
      %dma_wait3A_512 = tpu.memref_squeeze %dma_wait3A_511 : memref<1x50x48xf32, #tpu.memory_space<vmem>> -> memref<50x48xf32, #tpu.memory_space<vmem>>
      %dma_wait3A_513 = arith.constant 0 : i32
      %dma_wait3A_514 = tpu.memref_slice %arg6[%add3A_506, %dma_wait3A_507, %dma_wait3A_513] : memref<100x2x50xi32, #tpu.memory_space<vmem>> -> memref<1x1x50xi32, #tpu.memory_space<vmem>>
      %dma_wait3A_515 = tpu.memref_squeeze %dma_wait3A_514 : memref<1x1x50xi32, #tpu.memory_space<vmem>> -> memref<50xi32, #tpu.memory_space<vmem>>
      %dma_wait3A_516 = arith.constant 0 : i32
      %dma_wait3A_517 = arith.constant 0 : i32
      %dma_wait3A_518 = tpu.memref_slice %arg2[%dma_wait3A_516, %dma_wait3A_517] : memref<10000x48xf32, #tpu.memory_space<hbm>> -> memref<10000x48xf32, #tpu.memory_space<hbm>>
      tpu.wait_indirect_dma semaphore(%arg11 : memref<!tpu.dma_semaphore, #tpu.memory_space<semaphore_mem>>) src(%dma_wait3A_518 : memref<10000x48xf32, #tpu.memory_space<hbm>>) dst(%dma_wait3A_512 : memref<50x48xf32, #tpu.memory_space<vmem>>)
      %add3A_519 = arith.constant 2 : i32
      %add3A_520 = arith.addi %mul3A_448, %add3A_519 : i32
      %dma_start3A_521 = arith.constant 2 : i32
      %dma_start3A_522 = arith.constant 1 : i32
      %dma_start3A_523 = arith.constant 0 : i32
      %dma_start3A_524 = arith.constant 0 : i32
      %dma_start3A_525 = tpu.memref_slice %arg7[%dma_start3A_521, %dma_start3A_523, %dma_start3A_524] : memref<4x50x48xf32, #tpu.memory_space<vmem>> -> memref<1x50x48xf32, #tpu.memory_space<vmem>>
      %dma_start3A_526 = tpu.memref_squeeze %dma_start3A_525 : memref<1x50x48xf32, #tpu.memory_space<vmem>> -> memref<50x48xf32, #tpu.memory_space<vmem>>
      %dma_start3A_527 = arith.constant 0 : i32
      %dma_start3A_528 = tpu.memref_slice %arg6[%add3A_520, %dma_start3A_522, %dma_start3A_527] : memref<100x2x50xi32, #tpu.memory_space<vmem>> -> memref<1x1x50xi32, #tpu.memory_space<vmem>>
      %dma_start3A_529 = tpu.memref_squeeze %dma_start3A_528 : memref<1x1x50xi32, #tpu.memory_space<vmem>> -> memref<50xi32, #tpu.memory_space<vmem>>
      %dma_start3A_530 = arith.constant 0 : i32
      %dma_start3A_531 = arith.constant 0 : i32
      %dma_start3A_532 = tpu.memref_slice %arg8[%dma_start3A_530, %dma_start3A_531] : memref<10000x48xf32, #tpu.memory_space<vmem_shared>> -> memref<10000x48xf32, #tpu.memory_space<vmem_shared>>
      tpu.enqueue_indirect_dma source(%dma_start3A_526 : memref<50x48xf32, #tpu.memory_space<vmem>>) target(%dma_start3A_532 : memref<10000x48xf32, #tpu.memory_space<vmem_shared>>) offsets(%dma_start3A_529 : memref<50xi32, #tpu.memory_space<vmem>>) semaphore(%arg15 : memref<!tpu.dma_semaphore, #tpu.memory_space<semaphore_mem>>) {add = true}
      %add3A_533 = arith.constant 3 : i32
      %add3A_534 = arith.addi %mul3A_448, %add3A_533 : i32
      %dma_wait3A_535 = arith.constant 0 : i32
      %dma_wait3A_536 = arith.constant 3 : i32
      %dma_wait3A_537 = arith.constant 0 : i32
      %dma_wait3A_538 = arith.constant 0 : i32
      %dma_wait3A_539 = tpu.memref_slice %arg7[%dma_wait3A_536, %dma_wait3A_537, %dma_wait3A_538] : memref<4x50x48xf32, #tpu.memory_space<vmem>> -> memref<1x50x48xf32, #tpu.memory_space<vmem>>
      %dma_wait3A_540 = tpu.memref_squeeze %dma_wait3A_539 : memref<1x50x48xf32, #tpu.memory_space<vmem>> -> memref<50x48xf32, #tpu.memory_space<vmem>>
      %dma_wait3A_541 = arith.constant 0 : i32
      %dma_wait3A_542 = tpu.memref_slice %arg6[%add3A_534, %dma_wait3A_535, %dma_wait3A_541] : memref<100x2x50xi32, #tpu.memory_space<vmem>> -> memref<1x1x50xi32, #tpu.memory_space<vmem>>
      %dma_wait3A_543 = tpu.memref_squeeze %dma_wait3A_542 : memref<1x1x50xi32, #tpu.memory_space<vmem>> -> memref<50xi32, #tpu.memory_space<vmem>>
      %dma_wait3A_544 = arith.constant 0 : i32
      %dma_wait3A_545 = arith.constant 0 : i32
      %dma_wait3A_546 = tpu.memref_slice %arg2[%dma_wait3A_544, %dma_wait3A_545] : memref<10000x48xf32, #tpu.memory_space<hbm>> -> memref<10000x48xf32, #tpu.memory_space<hbm>>
      tpu.wait_indirect_dma semaphore(%arg12 : memref<!tpu.dma_semaphore, #tpu.memory_space<semaphore_mem>>) src(%dma_wait3A_546 : memref<10000x48xf32, #tpu.memory_space<hbm>>) dst(%dma_wait3A_540 : memref<50x48xf32, #tpu.memory_space<vmem>>)
      %add3A_547 = arith.constant 3 : i32
      %add3A_548 = arith.addi %mul3A_448, %add3A_547 : i32
      %dma_start3A_549 = arith.constant 3 : i32
      %dma_start3A_550 = arith.constant 1 : i32
      %dma_start3A_551 = arith.constant 0 : i32
      %dma_start3A_552 = arith.constant 0 : i32
      %dma_start3A_553 = tpu.memref_slice %arg7[%dma_start3A_549, %dma_start3A_551, %dma_start3A_552] : memref<4x50x48xf32, #tpu.memory_space<vmem>> -> memref<1x50x48xf32, #tpu.memory_space<vmem>>
      %dma_start3A_554 = tpu.memref_squeeze %dma_start3A_553 : memref<1x50x48xf32, #tpu.memory_space<vmem>> -> memref<50x48xf32, #tpu.memory_space<vmem>>
      %dma_start3A_555 = arith.constant 0 : i32
      %dma_start3A_556 = tpu.memref_slice %arg6[%add3A_548, %dma_start3A_550, %dma_start3A_555] : memref<100x2x50xi32, #tpu.memory_space<vmem>> -> memref<1x1x50xi32, #tpu.memory_space<vmem>>
      %dma_start3A_557 = tpu.memref_squeeze %dma_start3A_556 : memref<1x1x50xi32, #tpu.memory_space<vmem>> -> memref<50xi32, #tpu.memory_space<vmem>>
      %dma_start3A_558 = arith.constant 0 : i32
      %dma_start3A_559 = arith.constant 0 : i32
      %dma_start3A_560 = tpu.memref_slice %arg8[%dma_start3A_558, %dma_start3A_559] : memref<10000x48xf32, #tpu.memory_space<vmem_shared>> -> memref<10000x48xf32, #tpu.memory_space<vmem_shared>>
      tpu.enqueue_indirect_dma source(%dma_start3A_554 : memref<50x48xf32, #tpu.memory_space<vmem>>) target(%dma_start3A_560 : memref<10000x48xf32, #tpu.memory_space<vmem_shared>>) offsets(%dma_start3A_557 : memref<50xi32, #tpu.memory_space<vmem>>) semaphore(%arg16 : memref<!tpu.dma_semaphore, #tpu.memory_space<semaphore_mem>>) {add = true}
      %add3A_561 = arith.constant 0 : i32
      %add3A_562 = arith.addi %mul3A_448, %add3A_561 : i32
      %dma_wait3A_563 = arith.constant 0 : i32
      %dma_wait3A_564 = arith.constant 1 : i32
      %dma_wait3A_565 = arith.constant 0 : i32
      %dma_wait3A_566 = arith.constant 0 : i32
      %dma_wait3A_567 = tpu.memref_slice %arg7[%dma_wait3A_563, %dma_wait3A_565, %dma_wait3A_566] : memref<4x50x48xf32, #tpu.memory_space<vmem>> -> memref<1x50x48xf32, #tpu.memory_space<vmem>>
      %dma_wait3A_568 = tpu.memref_squeeze %dma_wait3A_567 : memref<1x50x48xf32, #tpu.memory_space<vmem>> -> memref<50x48xf32, #tpu.memory_space<vmem>>
      %dma_wait3A_569 = arith.constant 0 : i32
      %dma_wait3A_570 = tpu.memref_slice %arg6[%add3A_562, %dma_wait3A_564, %dma_wait3A_569] : memref<100x2x50xi32, #tpu.memory_space<vmem>> -> memref<1x1x50xi32, #tpu.memory_space<vmem>>
      %dma_wait3A_571 = tpu.memref_squeeze %dma_wait3A_570 : memref<1x1x50xi32, #tpu.memory_space<vmem>> -> memref<50xi32, #tpu.memory_space<vmem>>
      %dma_wait3A_572 = arith.constant 0 : i32
      %dma_wait3A_573 = arith.constant 0 : i32
      %dma_wait3A_574 = tpu.memref_slice %arg8[%dma_wait3A_572, %dma_wait3A_573] : memref<10000x48xf32, #tpu.memory_space<vmem_shared>> -> memref<10000x48xf32, #tpu.memory_space<vmem_shared>>
      tpu.wait_indirect_dma semaphore(%arg13 : memref<!tpu.dma_semaphore, #tpu.memory_space<semaphore_mem>>) src(%dma_wait3A_568 : memref<50x48xf32, #tpu.memory_space<vmem>>) dst(%dma_wait3A_574 : memref<10000x48xf32, #tpu.memory_space<vmem_shared>>)
      %add3A_575 = arith.constant 4 : i32
      %add3A_576 = arith.addi %mul3A_448, %add3A_575 : i32
      %add3A_577 = arith.constant 0 : i32
      %add3A_578 = arith.addi %add3A_576, %add3A_577 : i32
      %dma_start3A_579 = arith.constant 0 : i32
      %dma_start3A_580 = arith.constant 0 : i32
      %dma_start3A_581 = arith.constant 0 : i32
      %dma_start3A_582 = arith.constant 0 : i32
      %dma_start3A_583 = tpu.memref_slice %arg7[%dma_start3A_580, %dma_start3A_581, %dma_start3A_582] : memref<4x50x48xf32, #tpu.memory_space<vmem>> -> memref<1x50x48xf32, #tpu.memory_space<vmem>>
      %dma_start3A_584 = tpu.memref_squeeze %dma_start3A_583 : memref<1x50x48xf32, #tpu.memory_space<vmem>> -> memref<50x48xf32, #tpu.memory_space<vmem>>
      %dma_start3A_585 = arith.constant 0 : i32
      %dma_start3A_586 = tpu.memref_slice %arg6[%add3A_578, %dma_start3A_579, %dma_start3A_585] : memref<100x2x50xi32, #tpu.memory_space<vmem>> -> memref<1x1x50xi32, #tpu.memory_space<vmem>>
      %dma_start3A_587 = tpu.memref_squeeze %dma_start3A_586 : memref<1x1x50xi32, #tpu.memory_space<vmem>> -> memref<50xi32, #tpu.memory_space<vmem>>
      %dma_start3A_588 = arith.constant 0 : i32
      %dma_start3A_589 = arith.constant 0 : i32
      %dma_start3A_590 = tpu.memref_slice %arg2[%dma_start3A_588, %dma_start3A_589] : memref<10000x48xf32, #tpu.memory_space<hbm>> -> memref<10000x48xf32, #tpu.memory_space<hbm>>
      tpu.enqueue_indirect_dma source(%dma_start3A_590 : memref<10000x48xf32, #tpu.memory_space<hbm>>) target(%dma_start3A_584 : memref<50x48xf32, #tpu.memory_space<vmem>>) offsets(%dma_start3A_587 : memref<50xi32, #tpu.memory_space<vmem>>) semaphore(%arg9 : memref<!tpu.dma_semaphore, #tpu.memory_space<semaphore_mem>>)
      %add3A_591 = arith.constant 1 : i32
      %add3A_592 = arith.addi %mul3A_448, %add3A_591 : i32
      %dma_wait3A_593 = arith.constant 1 : i32
      %dma_wait3A_594 = arith.constant 1 : i32
      %dma_wait3A_595 = arith.constant 0 : i32
      %dma_wait3A_596 = arith.constant 0 : i32
      %dma_wait3A_597 = tpu.memref_slice %arg7[%dma_wait3A_593, %dma_wait3A_595, %dma_wait3A_596] : memref<4x50x48xf32, #tpu.memory_space<vmem>> -> memref<1x50x48xf32, #tpu.memory_space<vmem>>
      %dma_wait3A_598 = tpu.memref_squeeze %dma_wait3A_597 : memref<1x50x48xf32, #tpu.memory_space<vmem>> -> memref<50x48xf32, #tpu.memory_space<vmem>>
      %dma_wait3A_599 = arith.constant 0 : i32
      %dma_wait3A_600 = tpu.memref_slice %arg6[%add3A_592, %dma_wait3A_594, %dma_wait3A_599] : memref<100x2x50xi32, #tpu.memory_space<vmem>> -> memref<1x1x50xi32, #tpu.memory_space<vmem>>
      %dma_wait3A_601 = tpu.memref_squeeze %dma_wait3A_600 : memref<1x1x50xi32, #tpu.memory_space<vmem>> -> memref<50xi32, #tpu.memory_space<vmem>>
      %dma_wait3A_602 = arith.constant 0 : i32
      %dma_wait3A_603 = arith.constant 0 : i32
      %dma_wait3A_604 = tpu.memref_slice %arg8[%dma_wait3A_602, %dma_wait3A_603] : memref<10000x48xf32, #tpu.memory_space<vmem_shared>> -> memref<10000x48xf32, #tpu.memory_space<vmem_shared>>
      tpu.wait_indirect_dma semaphore(%arg14 : memref<!tpu.dma_semaphore, #tpu.memory_space<semaphore_mem>>) src(%dma_wait3A_598 : memref<50x48xf32, #tpu.memory_space<vmem>>) dst(%dma_wait3A_604 : memref<10000x48xf32, #tpu.memory_space<vmem_shared>>)
      %add3A_605 = arith.constant 4 : i32
      %add3A_606 = arith.addi %mul3A_448, %add3A_605 : i32
      %add3A_607 = arith.constant 1 : i32
      %add3A_608 = arith.addi %add3A_606, %add3A_607 : i32
      %dma_start3A_609 = arith.constant 0 : i32
      %dma_start3A_610 = arith.constant 1 : i32
      %dma_start3A_611 = arith.constant 0 : i32
      %dma_start3A_612 = arith.constant 0 : i32
      %dma_start3A_613 = tpu.memref_slice %arg7[%dma_start3A_610, %dma_start3A_611, %dma_start3A_612] : memref<4x50x48xf32, #tpu.memory_space<vmem>> -> memref<1x50x48xf32, #tpu.memory_space<vmem>>
      %dma_start3A_614 = tpu.memref_squeeze %dma_start3A_613 : memref<1x50x48xf32, #tpu.memory_space<vmem>> -> memref<50x48xf32, #tpu.memory_space<vmem>>
      %dma_start3A_615 = arith.constant 0 : i32
      %dma_start3A_616 = tpu.memref_slice %arg6[%add3A_608, %dma_start3A_609, %dma_start3A_615] : memref<100x2x50xi32, #tpu.memory_space<vmem>> -> memref<1x1x50xi32, #tpu.memory_space<vmem>>
      %dma_start3A_617 = tpu.memref_squeeze %dma_start3A_616 : memref<1x1x50xi32, #tpu.memory_space<vmem>> -> memref<50xi32, #tpu.memory_space<vmem>>
      %dma_start3A_618 = arith.constant 0 : i32
      %dma_start3A_619 = arith.constant 0 : i32
      %dma_start3A_620 = tpu.memref_slice %arg2[%dma_start3A_618, %dma_start3A_619] : memref<10000x48xf32, #tpu.memory_space<hbm>> -> memref<10000x48xf32, #tpu.memory_space<hbm>>
      tpu.enqueue_indirect_dma source(%dma_start3A_620 : memref<10000x48xf32, #tpu.memory_space<hbm>>) target(%dma_start3A_614 : memref<50x48xf32, #tpu.memory_space<vmem>>) offsets(%dma_start3A_617 : memref<50xi32, #tpu.memory_space<vmem>>) semaphore(%arg10 : memref<!tpu.dma_semaphore, #tpu.memory_space<semaphore_mem>>)
      %add3A_621 = arith.constant 2 : i32
      %add3A_622 = arith.addi %mul3A_448, %add3A_621 : i32
      %dma_wait3A_623 = arith.constant 2 : i32
      %dma_wait3A_624 = arith.constant 1 : i32
      %dma_wait3A_625 = arith.constant 0 : i32
      %dma_wait3A_626 = arith.constant 0 : i32
      %dma_wait3A_627 = tpu.memref_slice %arg7[%dma_wait3A_623, %dma_wait3A_625, %dma_wait3A_626] : memref<4x50x48xf32, #tpu.memory_space<vmem>> -> memref<1x50x48xf32, #tpu.memory_space<vmem>>
      %dma_wait3A_628 = tpu.memref_squeeze %dma_wait3A_627 : memref<1x50x48xf32, #tpu.memory_space<vmem>> -> memref<50x48xf32, #tpu.memory_space<vmem>>
      %dma_wait3A_629 = arith.constant 0 : i32
      %dma_wait3A_630 = tpu.memref_slice %arg6[%add3A_622, %dma_wait3A_624, %dma_wait3A_629] : memref<100x2x50xi32, #tpu.memory_space<vmem>> -> memref<1x1x50xi32, #tpu.memory_space<vmem>>
      %dma_wait3A_631 = tpu.memref_squeeze %dma_wait3A_630 : memref<1x1x50xi32, #tpu.memory_space<vmem>> -> memref<50xi32, #tpu.memory_space<vmem>>
      %dma_wait3A_632 = arith.constant 0 : i32
      %dma_wait3A_633 = arith.constant 0 : i32
      %dma_wait3A_634 = tpu.memref_slice %arg8[%dma_wait3A_632, %dma_wait3A_633] : memref<10000x48xf32, #tpu.memory_space<vmem_shared>> -> memref<10000x48xf32, #tpu.memory_space<vmem_shared>>
      tpu.wait_indirect_dma semaphore(%arg15 : memref<!tpu.dma_semaphore, #tpu.memory_space<semaphore_mem>>) src(%dma_wait3A_628 : memref<50x48xf32, #tpu.memory_space<vmem>>) dst(%dma_wait3A_634 : memref<10000x48xf32, #tpu.memory_space<vmem_shared>>)
      %add3A_635 = arith.constant 4 : i32
      %add3A_636 = arith.addi %mul3A_448, %add3A_635 : i32
      %add3A_637 = arith.constant 2 : i32
      %add3A_638 = arith.addi %add3A_636, %add3A_637 : i32
      %dma_start3A_639 = arith.constant 0 : i32
      %dma_start3A_640 = arith.constant 2 : i32
      %dma_start3A_641 = arith.constant 0 : i32
      %dma_start3A_642 = arith.constant 0 : i32
      %dma_start3A_643 = tpu.memref_slice %arg7[%dma_start3A_640, %dma_start3A_641, %dma_start3A_642] : memref<4x50x48xf32, #tpu.memory_space<vmem>> -> memref<1x50x48xf32, #tpu.memory_space<vmem>>
      %dma_start3A_644 = tpu.memref_squeeze %dma_start3A_643 : memref<1x50x48xf32, #tpu.memory_space<vmem>> -> memref<50x48xf32, #tpu.memory_space<vmem>>
      %dma_start3A_645 = arith.constant 0 : i32
      %dma_start3A_646 = tpu.memref_slice %arg6[%add3A_638, %dma_start3A_639, %dma_start3A_645] : memref<100x2x50xi32, #tpu.memory_space<vmem>> -> memref<1x1x50xi32, #tpu.memory_space<vmem>>
      %dma_start3A_647 = tpu.memref_squeeze %dma_start3A_646 : memref<1x1x50xi32, #tpu.memory_space<vmem>> -> memref<50xi32, #tpu.memory_space<vmem>>
      %dma_start3A_648 = arith.constant 0 : i32
      %dma_start3A_649 = arith.constant 0 : i32
      %dma_start3A_650 = tpu.memref_slice %arg2[%dma_start3A_648, %dma_start3A_649] : memref<10000x48xf32, #tpu.memory_space<hbm>> -> memref<10000x48xf32, #tpu.memory_space<hbm>>
      tpu.enqueue_indirect_dma source(%dma_start3A_650 : memref<10000x48xf32, #tpu.memory_space<hbm>>) target(%dma_start3A_644 : memref<50x48xf32, #tpu.memory_space<vmem>>) offsets(%dma_start3A_647 : memref<50xi32, #tpu.memory_space<vmem>>) semaphore(%arg11 : memref<!tpu.dma_semaphore, #tpu.memory_space<semaphore_mem>>)
      %add3A_651 = arith.constant 3 : i32
      %add3A_652 = arith.addi %mul3A_448, %add3A_651 : i32
      %dma_wait3A_653 = arith.constant 3 : i32
      %dma_wait3A_654 = arith.constant 1 : i32
      %dma_wait3A_655 = arith.constant 0 : i32
      %dma_wait3A_656 = arith.constant 0 : i32
      %dma_wait3A_657 = tpu.memref_slice %arg7[%dma_wait3A_653, %dma_wait3A_655, %dma_wait3A_656] : memref<4x50x48xf32, #tpu.memory_space<vmem>> -> memref<1x50x48xf32, #tpu.memory_space<vmem>>
      %dma_wait3A_658 = tpu.memref_squeeze %dma_wait3A_657 : memref<1x50x48xf32, #tpu.memory_space<vmem>> -> memref<50x48xf32, #tpu.memory_space<vmem>>
      %dma_wait3A_659 = arith.constant 0 : i32
      %dma_wait3A_660 = tpu.memref_slice %arg6[%add3A_652, %dma_wait3A_654, %dma_wait3A_659] : memref<100x2x50xi32, #tpu.memory_space<vmem>> -> memref<1x1x50xi32, #tpu.memory_space<vmem>>
      %dma_wait3A_661 = tpu.memref_squeeze %dma_wait3A_660 : memref<1x1x50xi32, #tpu.memory_space<vmem>> -> memref<50xi32, #tpu.memory_space<vmem>>
      %dma_wait3A_662 = arith.constant 0 : i32
      %dma_wait3A_663 = arith.constant 0 : i32
      %dma_wait3A_664 = tpu.memref_slice %arg8[%dma_wait3A_662, %dma_wait3A_663] : memref<10000x48xf32, #tpu.memory_space<vmem_shared>> -> memref<10000x48xf32, #tpu.memory_space<vmem_shared>>
      tpu.wait_indirect_dma semaphore(%arg16 : memref<!tpu.dma_semaphore, #tpu.memory_space<semaphore_mem>>) src(%dma_wait3A_658 : memref<50x48xf32, #tpu.memory_space<vmem>>) dst(%dma_wait3A_664 : memref<10000x48xf32, #tpu.memory_space<vmem_shared>>)
      %add3A_665 = arith.constant 4 : i32
      %add3A_666 = arith.addi %mul3A_448, %add3A_665 : i32
      %add3A_667 = arith.constant 3 : i32
      %add3A_668 = arith.addi %add3A_666, %add3A_667 : i32
      %dma_start3A_669 = arith.constant 0 : i32
      %dma_start3A_670 = arith.constant 3 : i32
      %dma_start3A_671 = arith.constant 0 : i32
      %dma_start3A_672 = arith.constant 0 : i32
      %dma_start3A_673 = tpu.memref_slice %arg7[%dma_start3A_670, %dma_start3A_671, %dma_start3A_672] : memref<4x50x48xf32, #tpu.memory_space<vmem>> -> memref<1x50x48xf32, #tpu.memory_space<vmem>>
      %dma_start3A_674 = tpu.memref_squeeze %dma_start3A_673 : memref<1x50x48xf32, #tpu.memory_space<vmem>> -> memref<50x48xf32, #tpu.memory_space<vmem>>
      %dma_start3A_675 = arith.constant 0 : i32
      %dma_start3A_676 = tpu.memref_slice %arg6[%add3A_668, %dma_start3A_669, %dma_start3A_675] : memref<100x2x50xi32, #tpu.memory_space<vmem>> -> memref<1x1x50xi32, #tpu.memory_space<vmem>>
      %dma_start3A_677 = tpu.memref_squeeze %dma_start3A_676 : memref<1x1x50xi32, #tpu.memory_space<vmem>> -> memref<50xi32, #tpu.memory_space<vmem>>
      %dma_start3A_678 = arith.constant 0 : i32
      %dma_start3A_679 = arith.constant 0 : i32
      %dma_start3A_680 = tpu.memref_slice %arg2[%dma_start3A_678, %dma_start3A_679] : memref<10000x48xf32, #tpu.memory_space<hbm>> -> memref<10000x48xf32, #tpu.memory_space<hbm>>
      tpu.enqueue_indirect_dma source(%dma_start3A_680 : memref<10000x48xf32, #tpu.memory_space<hbm>>) target(%dma_start3A_674 : memref<50x48xf32, #tpu.memory_space<vmem>>) offsets(%dma_start3A_677 : memref<50xi32, #tpu.memory_space<vmem>>) semaphore(%arg12 : memref<!tpu.dma_semaphore, #tpu.memory_space<semaphore_mem>>)
      %scan3A_681 = arith.constant 0 : i32
      scf.yield %scan3A_681 : i32
    }
    %scan3A_63 = arith.constant 24 : i32
    %dma_wait3A = arith.constant 96 : i32
    %dma_wait3A_64 = arith.constant 0 : i32
    %dma_wait3A_65 = arith.constant 0 : i32
    %dma_wait3A_66 = arith.constant 0 : i32
    %dma_wait3A_67 = arith.constant 0 : i32
    %dma_wait3A_68 = tpu.memref_slice %arg7[%dma_wait3A_65, %dma_wait3A_66, %dma_wait3A_67] : memref<4x50x48xf32, #tpu.memory_space<vmem>> -> memref<1x50x48xf32, #tpu.memory_space<vmem>>
    %dma_wait3A_69 = tpu.memref_squeeze %dma_wait3A_68 : memref<1x50x48xf32, #tpu.memory_space<vmem>> -> memref<50x48xf32, #tpu.memory_space<vmem>>
    %dma_wait3A_70 = arith.constant 0 : i32
    %dma_wait3A_71 = tpu.memref_slice %arg6[%dma_wait3A, %dma_wait3A_64, %dma_wait3A_70] : memref<100x2x50xi32, #tpu.memory_space<vmem>> -> memref<1x1x50xi32, #tpu.memory_space<vmem>>
    %dma_wait3A_72 = tpu.memref_squeeze %dma_wait3A_71 : memref<1x1x50xi32, #tpu.memory_space<vmem>> -> memref<50xi32, #tpu.memory_space<vmem>>
    %dma_wait3A_73 = arith.constant 0 : i32
    %dma_wait3A_74 = arith.constant 0 : i32
    %dma_wait3A_75 = tpu.memref_slice %arg2[%dma_wait3A_73, %dma_wait3A_74] : memref<10000x48xf32, #tpu.memory_space<hbm>> -> memref<10000x48xf32, #tpu.memory_space<hbm>>
    tpu.wait_indirect_dma semaphore(%arg9 : memref<!tpu.dma_semaphore, #tpu.memory_space<semaphore_mem>>) src(%dma_wait3A_75 : memref<10000x48xf32, #tpu.memory_space<hbm>>) dst(%dma_wait3A_69 : memref<50x48xf32, #tpu.memory_space<vmem>>)
    %dma_start3A_76 = arith.constant 0 : i32
    %dma_start3A_77 = arith.constant 96 : i32
    %dma_start3A_78 = arith.constant 1 : i32
    %dma_start3A_79 = arith.constant 0 : i32
    %dma_start3A_80 = arith.constant 0 : i32
    %dma_start3A_81 = tpu.memref_slice %arg7[%dma_start3A_76, %dma_start3A_79, %dma_start3A_80] : memref<4x50x48xf32, #tpu.memory_space<vmem>> -> memref<1x50x48xf32, #tpu.memory_space<vmem>>
    %dma_start3A_82 = tpu.memref_squeeze %dma_start3A_81 : memref<1x50x48xf32, #tpu.memory_space<vmem>> -> memref<50x48xf32, #tpu.memory_space<vmem>>
    %dma_start3A_83 = arith.constant 0 : i32
    %dma_start3A_84 = tpu.memref_slice %arg6[%dma_start3A_77, %dma_start3A_78, %dma_start3A_83] : memref<100x2x50xi32, #tpu.memory_space<vmem>> -> memref<1x1x50xi32, #tpu.memory_space<vmem>>
    %dma_start3A_85 = tpu.memref_squeeze %dma_start3A_84 : memref<1x1x50xi32, #tpu.memory_space<vmem>> -> memref<50xi32, #tpu.memory_space<vmem>>
    %dma_start3A_86 = arith.constant 0 : i32
    %dma_start3A_87 = arith.constant 0 : i32
    %dma_start3A_88 = tpu.memref_slice %arg8[%dma_start3A_86, %dma_start3A_87] : memref<10000x48xf32, #tpu.memory_space<vmem_shared>> -> memref<10000x48xf32, #tpu.memory_space<vmem_shared>>
    tpu.enqueue_indirect_dma source(%dma_start3A_82 : memref<50x48xf32, #tpu.memory_space<vmem>>) target(%dma_start3A_88 : memref<10000x48xf32, #tpu.memory_space<vmem_shared>>) offsets(%dma_start3A_85 : memref<50xi32, #tpu.memory_space<vmem>>) semaphore(%arg13 : memref<!tpu.dma_semaphore, #tpu.memory_space<semaphore_mem>>) {add = true}
    %dma_wait3A_89 = arith.constant 97 : i32
    %dma_wait3A_90 = arith.constant 0 : i32
    %dma_wait3A_91 = arith.constant 1 : i32
    %dma_wait3A_92 = arith.constant 0 : i32
    %dma_wait3A_93 = arith.constant 0 : i32
    %dma_wait3A_94 = tpu.memref_slice %arg7[%dma_wait3A_91, %dma_wait3A_92, %dma_wait3A_93] : memref<4x50x48xf32, #tpu.memory_space<vmem>> -> memref<1x50x48xf32, #tpu.memory_space<vmem>>
    %dma_wait3A_95 = tpu.memref_squeeze %dma_wait3A_94 : memref<1x50x48xf32, #tpu.memory_space<vmem>> -> memref<50x48xf32, #tpu.memory_space<vmem>>
    %dma_wait3A_96 = arith.constant 0 : i32
    %dma_wait3A_97 = tpu.memref_slice %arg6[%dma_wait3A_89, %dma_wait3A_90, %dma_wait3A_96] : memref<100x2x50xi32, #tpu.memory_space<vmem>> -> memref<1x1x50xi32, #tpu.memory_space<vmem>>
    %dma_wait3A_98 = tpu.memref_squeeze %dma_wait3A_97 : memref<1x1x50xi32, #tpu.memory_space<vmem>> -> memref<50xi32, #tpu.memory_space<vmem>>
    %dma_wait3A_99 = arith.constant 0 : i32
    %dma_wait3A_100 = arith.constant 0 : i32
    %dma_wait3A_101 = tpu.memref_slice %arg2[%dma_wait3A_99, %dma_wait3A_100] : memref<10000x48xf32, #tpu.memory_space<hbm>> -> memref<10000x48xf32, #tpu.memory_space<hbm>>
    tpu.wait_indirect_dma semaphore(%arg10 : memref<!tpu.dma_semaphore, #tpu.memory_space<semaphore_mem>>) src(%dma_wait3A_101 : memref<10000x48xf32, #tpu.memory_space<hbm>>) dst(%dma_wait3A_95 : memref<50x48xf32, #tpu.memory_space<vmem>>)
    %dma_start3A_102 = arith.constant 1 : i32
    %dma_start3A_103 = arith.constant 97 : i32
    %dma_start3A_104 = arith.constant 1 : i32
    %dma_start3A_105 = arith.constant 0 : i32
    %dma_start3A_106 = arith.constant 0 : i32
    %dma_start3A_107 = tpu.memref_slice %arg7[%dma_start3A_102, %dma_start3A_105, %dma_start3A_106] : memref<4x50x48xf32, #tpu.memory_space<vmem>> -> memref<1x50x48xf32, #tpu.memory_space<vmem>>
    %dma_start3A_108 = tpu.memref_squeeze %dma_start3A_107 : memref<1x50x48xf32, #tpu.memory_space<vmem>> -> memref<50x48xf32, #tpu.memory_space<vmem>>
    %dma_start3A_109 = arith.constant 0 : i32
    %dma_start3A_110 = tpu.memref_slice %arg6[%dma_start3A_103, %dma_start3A_104, %dma_start3A_109] : memref<100x2x50xi32, #tpu.memory_space<vmem>> -> memref<1x1x50xi32, #tpu.memory_space<vmem>>
    %dma_start3A_111 = tpu.memref_squeeze %dma_start3A_110 : memref<1x1x50xi32, #tpu.memory_space<vmem>> -> memref<50xi32, #tpu.memory_space<vmem>>
    %dma_start3A_112 = arith.constant 0 : i32
    %dma_start3A_113 = arith.constant 0 : i32
    %dma_start3A_114 = tpu.memref_slice %arg8[%dma_start3A_112, %dma_start3A_113] : memref<10000x48xf32, #tpu.memory_space<vmem_shared>> -> memref<10000x48xf32, #tpu.memory_space<vmem_shared>>
    tpu.enqueue_indirect_dma source(%dma_start3A_108 : memref<50x48xf32, #tpu.memory_space<vmem>>) target(%dma_start3A_114 : memref<10000x48xf32, #tpu.memory_space<vmem_shared>>) offsets(%dma_start3A_111 : memref<50xi32, #tpu.memory_space<vmem>>) semaphore(%arg14 : memref<!tpu.dma_semaphore, #tpu.memory_space<semaphore_mem>>) {add = true}
    %dma_wait3A_115 = arith.constant 98 : i32
    %dma_wait3A_116 = arith.constant 0 : i32
    %dma_wait3A_117 = arith.constant 2 : i32
    %dma_wait3A_118 = arith.constant 0 : i32
    %dma_wait3A_119 = arith.constant 0 : i32
    %dma_wait3A_120 = tpu.memref_slice %arg7[%dma_wait3A_117, %dma_wait3A_118, %dma_wait3A_119] : memref<4x50x48xf32, #tpu.memory_space<vmem>> -> memref<1x50x48xf32, #tpu.memory_space<vmem>>
    %dma_wait3A_121 = tpu.memref_squeeze %dma_wait3A_120 : memref<1x50x48xf32, #tpu.memory_space<vmem>> -> memref<50x48xf32, #tpu.memory_space<vmem>>
    %dma_wait3A_122 = arith.constant 0 : i32
    %dma_wait3A_123 = tpu.memref_slice %arg6[%dma_wait3A_115, %dma_wait3A_116, %dma_wait3A_122] : memref<100x2x50xi32, #tpu.memory_space<vmem>> -> memref<1x1x50xi32, #tpu.memory_space<vmem>>
    %dma_wait3A_124 = tpu.memref_squeeze %dma_wait3A_123 : memref<1x1x50xi32, #tpu.memory_space<vmem>> -> memref<50xi32, #tpu.memory_space<vmem>>
    %dma_wait3A_125 = arith.constant 0 : i32
    %dma_wait3A_126 = arith.constant 0 : i32
    %dma_wait3A_127 = tpu.memref_slice %arg2[%dma_wait3A_125, %dma_wait3A_126] : memref<10000x48xf32, #tpu.memory_space<hbm>> -> memref<10000x48xf32, #tpu.memory_space<hbm>>
    tpu.wait_indirect_dma semaphore(%arg11 : memref<!tpu.dma_semaphore, #tpu.memory_space<semaphore_mem>>) src(%dma_wait3A_127 : memref<10000x48xf32, #tpu.memory_space<hbm>>) dst(%dma_wait3A_121 : memref<50x48xf32, #tpu.memory_space<vmem>>)
    %dma_start3A_128 = arith.constant 2 : i32
    %dma_start3A_129 = arith.constant 98 : i32
    %dma_start3A_130 = arith.constant 1 : i32
    %dma_start3A_131 = arith.constant 0 : i32
    %dma_start3A_132 = arith.constant 0 : i32
    %dma_start3A_133 = tpu.memref_slice %arg7[%dma_start3A_128, %dma_start3A_131, %dma_start3A_132] : memref<4x50x48xf32, #tpu.memory_space<vmem>> -> memref<1x50x48xf32, #tpu.memory_space<vmem>>
    %dma_start3A_134 = tpu.memref_squeeze %dma_start3A_133 : memref<1x50x48xf32, #tpu.memory_space<vmem>> -> memref<50x48xf32, #tpu.memory_space<vmem>>
    %dma_start3A_135 = arith.constant 0 : i32
    %dma_start3A_136 = tpu.memref_slice %arg6[%dma_start3A_129, %dma_start3A_130, %dma_start3A_135] : memref<100x2x50xi32, #tpu.memory_space<vmem>> -> memref<1x1x50xi32, #tpu.memory_space<vmem>>
    %dma_start3A_137 = tpu.memref_squeeze %dma_start3A_136 : memref<1x1x50xi32, #tpu.memory_space<vmem>> -> memref<50xi32, #tpu.memory_space<vmem>>
    %dma_start3A_138 = arith.constant 0 : i32
    %dma_start3A_139 = arith.constant 0 : i32
    %dma_start3A_140 = tpu.memref_slice %arg8[%dma_start3A_138, %dma_start3A_139] : memref<10000x48xf32, #tpu.memory_space<vmem_shared>> -> memref<10000x48xf32, #tpu.memory_space<vmem_shared>>
    tpu.enqueue_indirect_dma source(%dma_start3A_134 : memref<50x48xf32, #tpu.memory_space<vmem>>) target(%dma_start3A_140 : memref<10000x48xf32, #tpu.memory_space<vmem_shared>>) offsets(%dma_start3A_137 : memref<50xi32, #tpu.memory_space<vmem>>) semaphore(%arg15 : memref<!tpu.dma_semaphore, #tpu.memory_space<semaphore_mem>>) {add = true}
    %dma_wait3A_141 = arith.constant 99 : i32
    %dma_wait3A_142 = arith.constant 0 : i32
    %dma_wait3A_143 = arith.constant 3 : i32
    %dma_wait3A_144 = arith.constant 0 : i32
    %dma_wait3A_145 = arith.constant 0 : i32
    %dma_wait3A_146 = tpu.memref_slice %arg7[%dma_wait3A_143, %dma_wait3A_144, %dma_wait3A_145] : memref<4x50x48xf32, #tpu.memory_space<vmem>> -> memref<1x50x48xf32, #tpu.memory_space<vmem>>
    %dma_wait3A_147 = tpu.memref_squeeze %dma_wait3A_146 : memref<1x50x48xf32, #tpu.memory_space<vmem>> -> memref<50x48xf32, #tpu.memory_space<vmem>>
    %dma_wait3A_148 = arith.constant 0 : i32
    %dma_wait3A_149 = tpu.memref_slice %arg6[%dma_wait3A_141, %dma_wait3A_142, %dma_wait3A_148] : memref<100x2x50xi32, #tpu.memory_space<vmem>> -> memref<1x1x50xi32, #tpu.memory_space<vmem>>
    %dma_wait3A_150 = tpu.memref_squeeze %dma_wait3A_149 : memref<1x1x50xi32, #tpu.memory_space<vmem>> -> memref<50xi32, #tpu.memory_space<vmem>>
    %dma_wait3A_151 = arith.constant 0 : i32
    %dma_wait3A_152 = arith.constant 0 : i32
    %dma_wait3A_153 = tpu.memref_slice %arg2[%dma_wait3A_151, %dma_wait3A_152] : memref<10000x48xf32, #tpu.memory_space<hbm>> -> memref<10000x48xf32, #tpu.memory_space<hbm>>
    tpu.wait_indirect_dma semaphore(%arg12 : memref<!tpu.dma_semaphore, #tpu.memory_space<semaphore_mem>>) src(%dma_wait3A_153 : memref<10000x48xf32, #tpu.memory_space<hbm>>) dst(%dma_wait3A_147 : memref<50x48xf32, #tpu.memory_space<vmem>>)
    %dma_start3A_154 = arith.constant 3 : i32
    %dma_start3A_155 = arith.constant 99 : i32
    %dma_start3A_156 = arith.constant 1 : i32
    %dma_start3A_157 = arith.constant 0 : i32
    %dma_start3A_158 = arith.constant 0 : i32
    %dma_start3A_159 = tpu.memref_slice %arg7[%dma_start3A_154, %dma_start3A_157, %dma_start3A_158] : memref<4x50x48xf32, #tpu.memory_space<vmem>> -> memref<1x50x48xf32, #tpu.memory_space<vmem>>
    %dma_start3A_160 = tpu.memref_squeeze %dma_start3A_159 : memref<1x50x48xf32, #tpu.memory_space<vmem>> -> memref<50x48xf32, #tpu.memory_space<vmem>>
    %dma_start3A_161 = arith.constant 0 : i32
    %dma_start3A_162 = tpu.memref_slice %arg6[%dma_start3A_155, %dma_start3A_156, %dma_start3A_161] : memref<100x2x50xi32, #tpu.memory_space<vmem>> -> memref<1x1x50xi32, #tpu.memory_space<vmem>>
    %dma_start3A_163 = tpu.memref_squeeze %dma_start3A_162 : memref<1x1x50xi32, #tpu.memory_space<vmem>> -> memref<50xi32, #tpu.memory_space<vmem>>
    %dma_start3A_164 = arith.constant 0 : i32
    %dma_start3A_165 = arith.constant 0 : i32
    %dma_start3A_166 = tpu.memref_slice %arg8[%dma_start3A_164, %dma_start3A_165] : memref<10000x48xf32, #tpu.memory_space<vmem_shared>> -> memref<10000x48xf32, #tpu.memory_space<vmem_shared>>
    tpu.enqueue_indirect_dma source(%dma_start3A_160 : memref<50x48xf32, #tpu.memory_space<vmem>>) target(%dma_start3A_166 : memref<10000x48xf32, #tpu.memory_space<vmem_shared>>) offsets(%dma_start3A_163 : memref<50xi32, #tpu.memory_space<vmem>>) semaphore(%arg16 : memref<!tpu.dma_semaphore, #tpu.memory_space<semaphore_mem>>) {add = true}
    %dma_wait3A_167 = arith.constant 0 : i32
    %dma_wait3A_168 = arith.constant 96 : i32
    %dma_wait3A_169 = arith.constant 1 : i32
    %dma_wait3A_170 = arith.constant 0 : i32
    %dma_wait3A_171 = arith.constant 0 : i32
    %dma_wait3A_172 = tpu.memref_slice %arg7[%dma_wait3A_167, %dma_wait3A_170, %dma_wait3A_171] : memref<4x50x48xf32, #tpu.memory_space<vmem>> -> memref<1x50x48xf32, #tpu.memory_space<vmem>>
    %dma_wait3A_173 = tpu.memref_squeeze %dma_wait3A_172 : memref<1x50x48xf32, #tpu.memory_space<vmem>> -> memref<50x48xf32, #tpu.memory_space<vmem>>
    %dma_wait3A_174 = arith.constant 0 : i32
    %dma_wait3A_175 = tpu.memref_slice %arg6[%dma_wait3A_168, %dma_wait3A_169, %dma_wait3A_174] : memref<100x2x50xi32, #tpu.memory_space<vmem>> -> memref<1x1x50xi32, #tpu.memory_space<vmem>>
    %dma_wait3A_176 = tpu.memref_squeeze %dma_wait3A_175 : memref<1x1x50xi32, #tpu.memory_space<vmem>> -> memref<50xi32, #tpu.memory_space<vmem>>
    %dma_wait3A_177 = arith.constant 0 : i32
    %dma_wait3A_178 = arith.constant 0 : i32
    %dma_wait3A_179 = tpu.memref_slice %arg8[%dma_wait3A_177, %dma_wait3A_178] : memref<10000x48xf32, #tpu.memory_space<vmem_shared>> -> memref<10000x48xf32, #tpu.memory_space<vmem_shared>>
    tpu.wait_indirect_dma semaphore(%arg13 : memref<!tpu.dma_semaphore, #tpu.memory_space<semaphore_mem>>) src(%dma_wait3A_173 : memref<50x48xf32, #tpu.memory_space<vmem>>) dst(%dma_wait3A_179 : memref<10000x48xf32, #tpu.memory_space<vmem_shared>>)
    %dma_wait3A_180 = arith.constant 1 : i32
    %dma_wait3A_181 = arith.constant 97 : i32
    %dma_wait3A_182 = arith.constant 1 : i32
    %dma_wait3A_183 = arith.constant 0 : i32
    %dma_wait3A_184 = arith.constant 0 : i32
    %dma_wait3A_185 = tpu.memref_slice %arg7[%dma_wait3A_180, %dma_wait3A_183, %dma_wait3A_184] : memref<4x50x48xf32, #tpu.memory_space<vmem>> -> memref<1x50x48xf32, #tpu.memory_space<vmem>>
    %dma_wait3A_186 = tpu.memref_squeeze %dma_wait3A_185 : memref<1x50x48xf32, #tpu.memory_space<vmem>> -> memref<50x48xf32, #tpu.memory_space<vmem>>
    %dma_wait3A_187 = arith.constant 0 : i32
    %dma_wait3A_188 = tpu.memref_slice %arg6[%dma_wait3A_181, %dma_wait3A_182, %dma_wait3A_187] : memref<100x2x50xi32, #tpu.memory_space<vmem>> -> memref<1x1x50xi32, #tpu.memory_space<vmem>>
    %dma_wait3A_189 = tpu.memref_squeeze %dma_wait3A_188 : memref<1x1x50xi32, #tpu.memory_space<vmem>> -> memref<50xi32, #tpu.memory_space<vmem>>
    %dma_wait3A_190 = arith.constant 0 : i32
    %dma_wait3A_191 = arith.constant 0 : i32
    %dma_wait3A_192 = tpu.memref_slice %arg8[%dma_wait3A_190, %dma_wait3A_191] : memref<10000x48xf32, #tpu.memory_space<vmem_shared>> -> memref<10000x48xf32, #tpu.memory_space<vmem_shared>>
    tpu.wait_indirect_dma semaphore(%arg14 : memref<!tpu.dma_semaphore, #tpu.memory_space<semaphore_mem>>) src(%dma_wait3A_186 : memref<50x48xf32, #tpu.memory_space<vmem>>) dst(%dma_wait3A_192 : memref<10000x48xf32, #tpu.memory_space<vmem_shared>>)
    %dma_wait3A_193 = arith.constant 2 : i32
    %dma_wait3A_194 = arith.constant 98 : i32
    %dma_wait3A_195 = arith.constant 1 : i32
    %dma_wait3A_196 = arith.constant 0 : i32
    %dma_wait3A_197 = arith.constant 0 : i32
    %dma_wait3A_198 = tpu.memref_slice %arg7[%dma_wait3A_193, %dma_wait3A_196, %dma_wait3A_197] : memref<4x50x48xf32, #tpu.memory_space<vmem>> -> memref<1x50x48xf32, #tpu.memory_space<vmem>>
    %dma_wait3A_199 = tpu.memref_squeeze %dma_wait3A_198 : memref<1x50x48xf32, #tpu.memory_space<vmem>> -> memref<50x48xf32, #tpu.memory_space<vmem>>
    %dma_wait3A_200 = arith.constant 0 : i32
    %dma_wait3A_201 = tpu.memref_slice %arg6[%dma_wait3A_194, %dma_wait3A_195, %dma_wait3A_200] : memref<100x2x50xi32, #tpu.memory_space<vmem>> -> memref<1x1x50xi32, #tpu.memory_space<vmem>>
    %dma_wait3A_202 = tpu.memref_squeeze %dma_wait3A_201 : memref<1x1x50xi32, #tpu.memory_space<vmem>> -> memref<50xi32, #tpu.memory_space<vmem>>
    %dma_wait3A_203 = arith.constant 0 : i32
    %dma_wait3A_204 = arith.constant 0 : i32
    %dma_wait3A_205 = tpu.memref_slice %arg8[%dma_wait3A_203, %dma_wait3A_204] : memref<10000x48xf32, #tpu.memory_space<vmem_shared>> -> memref<10000x48xf32, #tpu.memory_space<vmem_shared>>
    tpu.wait_indirect_dma semaphore(%arg15 : memref<!tpu.dma_semaphore, #tpu.memory_space<semaphore_mem>>) src(%dma_wait3A_199 : memref<50x48xf32, #tpu.memory_space<vmem>>) dst(%dma_wait3A_205 : memref<10000x48xf32, #tpu.memory_space<vmem_shared>>)
    %dma_wait3A_206 = arith.constant 3 : i32
    %dma_wait3A_207 = arith.constant 99 : i32
    %dma_wait3A_208 = arith.constant 1 : i32
    %dma_wait3A_209 = arith.constant 0 : i32
    %dma_wait3A_210 = arith.constant 0 : i32
    %dma_wait3A_211 = tpu.memref_slice %arg7[%dma_wait3A_206, %dma_wait3A_209, %dma_wait3A_210] : memref<4x50x48xf32, #tpu.memory_space<vmem>> -> memref<1x50x48xf32, #tpu.memory_space<vmem>>
    %dma_wait3A_212 = tpu.memref_squeeze %dma_wait3A_211 : memref<1x50x48xf32, #tpu.memory_space<vmem>> -> memref<50x48xf32, #tpu.memory_space<vmem>>
    %dma_wait3A_213 = arith.constant 0 : i32
    %dma_wait3A_214 = tpu.memref_slice %arg6[%dma_wait3A_207, %dma_wait3A_208, %dma_wait3A_213] : memref<100x2x50xi32, #tpu.memory_space<vmem>> -> memref<1x1x50xi32, #tpu.memory_space<vmem>>
    %dma_wait3A_215 = tpu.memref_squeeze %dma_wait3A_214 : memref<1x1x50xi32, #tpu.memory_space<vmem>> -> memref<50xi32, #tpu.memory_space<vmem>>
    %dma_wait3A_216 = arith.constant 0 : i32
    %dma_wait3A_217 = arith.constant 0 : i32
    %dma_wait3A_218 = tpu.memref_slice %arg8[%dma_wait3A_216, %dma_wait3A_217] : memref<10000x48xf32, #tpu.memory_space<vmem_shared>> -> memref<10000x48xf32, #tpu.memory_space<vmem_shared>>
    tpu.wait_indirect_dma semaphore(%arg16 : memref<!tpu.dma_semaphore, #tpu.memory_space<semaphore_mem>>) src(%dma_wait3A_212 : memref<50x48xf32, #tpu.memory_space<vmem>>) dst(%dma_wait3A_218 : memref<10000x48xf32, #tpu.memory_space<vmem_shared>>)
    "tpu.region"() ({
      %run_scoped3A = tpu.sem_alloc : memref<!tpu.dma_semaphore, #tpu.memory_space<semaphore_mem>>
      %dma_start3A_445 = arith.constant 100 : i32
      %dma_start3A_446 = arith.constant 0 : i32
      %dma_start3A_447 = arith.constant 0 : i32
      %dma_start3A_448 = tpu.memref_slice %arg3[%add3A, %dma_start3A_445, %dma_start3A_446, %dma_start3A_447] : memref<32x200x2x50xi32, #tpu.memory_space<hbm>> -> memref<1x100x2x50xi32, #tpu.memory_space<hbm>>
      %dma_start3A_449 = tpu.memref_squeeze %dma_start3A_448 : memref<1x100x2x50xi32, #tpu.memory_space<hbm>> -> memref<100x2x50xi32, #tpu.memory_space<hbm>>
      %dma_start3A_450 = arith.constant 100 : i32
      %dma_start3A_451 = arith.constant 0 : i32
      %dma_start3A_452 = arith.constant 0 : i32
      %dma_start3A_453 = tpu.memref_slice %arg3[%add3A, %dma_start3A_450, %dma_start3A_451, %dma_start3A_452] : memref<32x200x2x50xi32, #tpu.memory_space<hbm>> -> memref<1x100x2x50xi32, #tpu.memory_space<hbm>>
      %dma_start3A_454 = tpu.memref_squeeze %dma_start3A_453 : memref<1x100x2x50xi32, #tpu.memory_space<hbm>> -> memref<100x2x50xi32, #tpu.memory_space<hbm>>
      tpu.enqueue_dma source(%dma_start3A_454 : memref<100x2x50xi32, #tpu.memory_space<hbm>>) target(%arg6 : memref<100x2x50xi32, #tpu.memory_space<vmem>>) target_semaphore(%run_scoped3A : memref<!tpu.dma_semaphore, #tpu.memory_space<semaphore_mem>>)
      %dma_wait3A_455 = arith.constant 100 : i32
      %dma_wait3A_456 = arith.constant 0 : i32
      %dma_wait3A_457 = arith.constant 0 : i32
      %dma_wait3A_458 = tpu.memref_slice %arg3[%add3A, %dma_wait3A_455, %dma_wait3A_456, %dma_wait3A_457] : memref<32x200x2x50xi32, #tpu.memory_space<hbm>> -> memref<1x100x2x50xi32, #tpu.memory_space<hbm>>
      %dma_wait3A_459 = tpu.memref_squeeze %dma_wait3A_458 : memref<1x100x2x50xi32, #tpu.memory_space<hbm>> -> memref<100x2x50xi32, #tpu.memory_space<hbm>>
      %dma_wait3A_460 = arith.constant 100 : i32
      %dma_wait3A_461 = arith.constant 0 : i32
      %dma_wait3A_462 = arith.constant 0 : i32
      %dma_wait3A_463 = tpu.memref_slice %arg3[%add3A, %dma_wait3A_460, %dma_wait3A_461, %dma_wait3A_462] : memref<32x200x2x50xi32, #tpu.memory_space<hbm>> -> memref<1x100x2x50xi32, #tpu.memory_space<hbm>>
      %dma_wait3A_464 = tpu.memref_squeeze %dma_wait3A_463 : memref<1x100x2x50xi32, #tpu.memory_space<hbm>> -> memref<100x2x50xi32, #tpu.memory_space<hbm>>
      tpu.wait_dma2 semaphore(%run_scoped3A : memref<!tpu.dma_semaphore, #tpu.memory_space<semaphore_mem>>) src(%dma_wait3A_464 : memref<100x2x50xi32, #tpu.memory_space<hbm>>) dst(%arg6 : memref<100x2x50xi32, #tpu.memory_space<vmem>>)
      tpu.yield
    }) : () -> ()
    %dma_start3A_219 = arith.constant 0 : i32
    %dma_start3A_220 = arith.constant 0 : i32
    %dma_start3A_221 = arith.constant 0 : i32
    %dma_start3A_222 = arith.constant 0 : i32
    %dma_start3A_223 = arith.constant 0 : i32
    %dma_start3A_224 = tpu.memref_slice %arg7[%dma_start3A_221, %dma_start3A_222, %dma_start3A_223] : memref<4x50x48xf32, #tpu.memory_space<vmem>> -> memref<1x50x48xf32, #tpu.memory_space<vmem>>
    %dma_start3A_225 = tpu.memref_squeeze %dma_start3A_224 : memref<1x50x48xf32, #tpu.memory_space<vmem>> -> memref<50x48xf32, #tpu.memory_space<vmem>>
    %dma_start3A_226 = arith.constant 0 : i32
    %dma_start3A_227 = tpu.memref_slice %arg6[%dma_start3A_219, %dma_start3A_220, %dma_start3A_226] : memref<100x2x50xi32, #tpu.memory_space<vmem>> -> memref<1x1x50xi32, #tpu.memory_space<vmem>>
    %dma_start3A_228 = tpu.memref_squeeze %dma_start3A_227 : memref<1x1x50xi32, #tpu.memory_space<vmem>> -> memref<50xi32, #tpu.memory_space<vmem>>
    %dma_start3A_229 = arith.constant 0 : i32
    %dma_start3A_230 = arith.constant 0 : i32
    %dma_start3A_231 = tpu.memref_slice %arg2[%dma_start3A_229, %dma_start3A_230] : memref<10000x48xf32, #tpu.memory_space<hbm>> -> memref<10000x48xf32, #tpu.memory_space<hbm>>
    tpu.enqueue_indirect_dma source(%dma_start3A_231 : memref<10000x48xf32, #tpu.memory_space<hbm>>) target(%dma_start3A_225 : memref<50x48xf32, #tpu.memory_space<vmem>>) offsets(%dma_start3A_228 : memref<50xi32, #tpu.memory_space<vmem>>) semaphore(%arg9 : memref<!tpu.dma_semaphore, #tpu.memory_space<semaphore_mem>>)
    %dma_start3A_232 = arith.constant 1 : i32
    %dma_start3A_233 = arith.constant 0 : i32
    %dma_start3A_234 = arith.constant 1 : i32
    %dma_start3A_235 = arith.constant 0 : i32
    %dma_start3A_236 = arith.constant 0 : i32
    %dma_start3A_237 = tpu.memref_slice %arg7[%dma_start3A_234, %dma_start3A_235, %dma_start3A_236] : memref<4x50x48xf32, #tpu.memory_space<vmem>> -> memref<1x50x48xf32, #tpu.memory_space<vmem>>
    %dma_start3A_238 = tpu.memref_squeeze %dma_start3A_237 : memref<1x50x48xf32, #tpu.memory_space<vmem>> -> memref<50x48xf32, #tpu.memory_space<vmem>>
    %dma_start3A_239 = arith.constant 0 : i32
    %dma_start3A_240 = tpu.memref_slice %arg6[%dma_start3A_232, %dma_start3A_233, %dma_start3A_239] : memref<100x2x50xi32, #tpu.memory_space<vmem>> -> memref<1x1x50xi32, #tpu.memory_space<vmem>>
    %dma_start3A_241 = tpu.memref_squeeze %dma_start3A_240 : memref<1x1x50xi32, #tpu.memory_space<vmem>> -> memref<50xi32, #tpu.memory_space<vmem>>
    %dma_start3A_242 = arith.constant 0 : i32
    %dma_start3A_243 = arith.constant 0 : i32
    %dma_start3A_244 = tpu.memref_slice %arg2[%dma_start3A_242, %dma_start3A_243] : memref<10000x48xf32, #tpu.memory_space<hbm>> -> memref<10000x48xf32, #tpu.memory_space<hbm>>
    tpu.enqueue_indirect_dma source(%dma_start3A_244 : memref<10000x48xf32, #tpu.memory_space<hbm>>) target(%dma_start3A_238 : memref<50x48xf32, #tpu.memory_space<vmem>>) offsets(%dma_start3A_241 : memref<50xi32, #tpu.memory_space<vmem>>) semaphore(%arg10 : memref<!tpu.dma_semaphore, #tpu.memory_space<semaphore_mem>>)
    %dma_start3A_245 = arith.constant 2 : i32
    %dma_start3A_246 = arith.constant 0 : i32
    %dma_start3A_247 = arith.constant 2 : i32
    %dma_start3A_248 = arith.constant 0 : i32
    %dma_start3A_249 = arith.constant 0 : i32
    %dma_start3A_250 = tpu.memref_slice %arg7[%dma_start3A_247, %dma_start3A_248, %dma_start3A_249] : memref<4x50x48xf32, #tpu.memory_space<vmem>> -> memref<1x50x48xf32, #tpu.memory_space<vmem>>
    %dma_start3A_251 = tpu.memref_squeeze %dma_start3A_250 : memref<1x50x48xf32, #tpu.memory_space<vmem>> -> memref<50x48xf32, #tpu.memory_space<vmem>>
    %dma_start3A_252 = arith.constant 0 : i32
    %dma_start3A_253 = tpu.memref_slice %arg6[%dma_start3A_245, %dma_start3A_246, %dma_start3A_252] : memref<100x2x50xi32, #tpu.memory_space<vmem>> -> memref<1x1x50xi32, #tpu.memory_space<vmem>>
    %dma_start3A_254 = tpu.memref_squeeze %dma_start3A_253 : memref<1x1x50xi32, #tpu.memory_space<vmem>> -> memref<50xi32, #tpu.memory_space<vmem>>
    %dma_start3A_255 = arith.constant 0 : i32
    %dma_start3A_256 = arith.constant 0 : i32
    %dma_start3A_257 = tpu.memref_slice %arg2[%dma_start3A_255, %dma_start3A_256] : memref<10000x48xf32, #tpu.memory_space<hbm>> -> memref<10000x48xf32, #tpu.memory_space<hbm>>
    tpu.enqueue_indirect_dma source(%dma_start3A_257 : memref<10000x48xf32, #tpu.memory_space<hbm>>) target(%dma_start3A_251 : memref<50x48xf32, #tpu.memory_space<vmem>>) offsets(%dma_start3A_254 : memref<50xi32, #tpu.memory_space<vmem>>) semaphore(%arg11 : memref<!tpu.dma_semaphore, #tpu.memory_space<semaphore_mem>>)
    %dma_start3A_258 = arith.constant 3 : i32
    %dma_start3A_259 = arith.constant 0 : i32
    %dma_start3A_260 = arith.constant 3 : i32
    %dma_start3A_261 = arith.constant 0 : i32
    %dma_start3A_262 = arith.constant 0 : i32
    %dma_start3A_263 = tpu.memref_slice %arg7[%dma_start3A_260, %dma_start3A_261, %dma_start3A_262] : memref<4x50x48xf32, #tpu.memory_space<vmem>> -> memref<1x50x48xf32, #tpu.memory_space<vmem>>
    %dma_start3A_264 = tpu.memref_squeeze %dma_start3A_263 : memref<1x50x48xf32, #tpu.memory_space<vmem>> -> memref<50x48xf32, #tpu.memory_space<vmem>>
    %dma_start3A_265 = arith.constant 0 : i32
    %dma_start3A_266 = tpu.memref_slice %arg6[%dma_start3A_258, %dma_start3A_259, %dma_start3A_265] : memref<100x2x50xi32, #tpu.memory_space<vmem>> -> memref<1x1x50xi32, #tpu.memory_space<vmem>>
    %dma_start3A_267 = tpu.memref_squeeze %dma_start3A_266 : memref<1x1x50xi32, #tpu.memory_space<vmem>> -> memref<50xi32, #tpu.memory_space<vmem>>
    %dma_start3A_268 = arith.constant 0 : i32
    %dma_start3A_269 = arith.constant 0 : i32
    %dma_start3A_270 = tpu.memref_slice %arg2[%dma_start3A_268, %dma_start3A_269] : memref<10000x48xf32, #tpu.memory_space<hbm>> -> memref<10000x48xf32, #tpu.memory_space<hbm>>
    tpu.enqueue_indirect_dma source(%dma_start3A_270 : memref<10000x48xf32, #tpu.memory_space<hbm>>) target(%dma_start3A_264 : memref<50x48xf32, #tpu.memory_space<vmem>>) offsets(%dma_start3A_267 : memref<50xi32, #tpu.memory_space<vmem>>) semaphore(%arg12 : memref<!tpu.dma_semaphore, #tpu.memory_space<semaphore_mem>>)
    %scan3A_271 = arith.constant 0 : i32
    %scan3A_272 = arith.constant 0 : i32
    %scan3A_273 = arith.constant 24 : i32
    %scan3A_274 = arith.addi %scan3A_272, %scan3A_273 : i32
    %scan3A_275 = arith.constant 1 : i32
    %scan3A_276 = scf.for %scan3A_445 = %scan3A_272 to %scan3A_274 step %scan3A_275 iter_args(%scan3A_446 = %scan3A_271) -> (i32)  : i32 {
      %mul3A_447 = arith.constant 4 : i32
      %mul3A_448 = arith.muli %mul3A_447, %scan3A_445 : i32
      %add3A_449 = arith.constant 0 : i32
      %add3A_450 = arith.addi %mul3A_448, %add3A_449 : i32
      %dma_wait3A_451 = arith.constant 0 : i32
      %dma_wait3A_452 = arith.constant 0 : i32
      %dma_wait3A_453 = arith.constant 0 : i32
      %dma_wait3A_454 = arith.constant 0 : i32
      %dma_wait3A_455 = tpu.memref_slice %arg7[%dma_wait3A_452, %dma_wait3A_453, %dma_wait3A_454] : memref<4x50x48xf32, #tpu.memory_space<vmem>> -> memref<1x50x48xf32, #tpu.memory_space<vmem>>
      %dma_wait3A_456 = tpu.memref_squeeze %dma_wait3A_455 : memref<1x50x48xf32, #tpu.memory_space<vmem>> -> memref<50x48xf32, #tpu.memory_space<vmem>>
      %dma_wait3A_457 = arith.constant 0 : i32
      %dma_wait3A_458 = tpu.memref_slice %arg6[%add3A_450, %dma_wait3A_451, %dma_wait3A_457] : memref<100x2x50xi32, #tpu.memory_space<vmem>> -> memref<1x1x50xi32, #tpu.memory_space<vmem>>
      %dma_wait3A_459 = tpu.memref_squeeze %dma_wait3A_458 : memref<1x1x50xi32, #tpu.memory_space<vmem>> -> memref<50xi32, #tpu.memory_space<vmem>>
      %dma_wait3A_460 = arith.constant 0 : i32
      %dma_wait3A_461 = arith.constant 0 : i32
      %dma_wait3A_462 = tpu.memref_slice %arg2[%dma_wait3A_460, %dma_wait3A_461] : memref<10000x48xf32, #tpu.memory_space<hbm>> -> memref<10000x48xf32, #tpu.memory_space<hbm>>
      tpu.wait_indirect_dma semaphore(%arg9 : memref<!tpu.dma_semaphore, #tpu.memory_space<semaphore_mem>>) src(%dma_wait3A_462 : memref<10000x48xf32, #tpu.memory_space<hbm>>) dst(%dma_wait3A_456 : memref<50x48xf32, #tpu.memory_space<vmem>>)
      %add3A_463 = arith.constant 0 : i32
      %add3A_464 = arith.addi %mul3A_448, %add3A_463 : i32
      %dma_start3A_465 = arith.constant 0 : i32
      %dma_start3A_466 = arith.constant 1 : i32
      %dma_start3A_467 = arith.constant 0 : i32
      %dma_start3A_468 = arith.constant 0 : i32
      %dma_start3A_469 = tpu.memref_slice %arg7[%dma_start3A_465, %dma_start3A_467, %dma_start3A_468] : memref<4x50x48xf32, #tpu.memory_space<vmem>> -> memref<1x50x48xf32, #tpu.memory_space<vmem>>
      %dma_start3A_470 = tpu.memref_squeeze %dma_start3A_469 : memref<1x50x48xf32, #tpu.memory_space<vmem>> -> memref<50x48xf32, #tpu.memory_space<vmem>>
      %dma_start3A_471 = arith.constant 0 : i32
      %dma_start3A_472 = tpu.memref_slice %arg6[%add3A_464, %dma_start3A_466, %dma_start3A_471] : memref<100x2x50xi32, #tpu.memory_space<vmem>> -> memref<1x1x50xi32, #tpu.memory_space<vmem>>
      %dma_start3A_473 = tpu.memref_squeeze %dma_start3A_472 : memref<1x1x50xi32, #tpu.memory_space<vmem>> -> memref<50xi32, #tpu.memory_space<vmem>>
      %dma_start3A_474 = arith.constant 0 : i32
      %dma_start3A_475 = arith.constant 0 : i32
      %dma_start3A_476 = tpu.memref_slice %arg8[%dma_start3A_474, %dma_start3A_475] : memref<10000x48xf32, #tpu.memory_space<vmem_shared>> -> memref<10000x48xf32, #tpu.memory_space<vmem_shared>>
      tpu.enqueue_indirect_dma source(%dma_start3A_470 : memref<50x48xf32, #tpu.memory_space<vmem>>) target(%dma_start3A_476 : memref<10000x48xf32, #tpu.memory_space<vmem_shared>>) offsets(%dma_start3A_473 : memref<50xi32, #tpu.memory_space<vmem>>) semaphore(%arg13 : memref<!tpu.dma_semaphore, #tpu.memory_space<semaphore_mem>>) {add = true}
      %add3A_477 = arith.constant 1 : i32
      %add3A_478 = arith.addi %mul3A_448, %add3A_477 : i32
      %dma_wait3A_479 = arith.constant 0 : i32
      %dma_wait3A_480 = arith.constant 1 : i32
      %dma_wait3A_481 = arith.constant 0 : i32
      %dma_wait3A_482 = arith.constant 0 : i32
      %dma_wait3A_483 = tpu.memref_slice %arg7[%dma_wait3A_480, %dma_wait3A_481, %dma_wait3A_482] : memref<4x50x48xf32, #tpu.memory_space<vmem>> -> memref<1x50x48xf32, #tpu.memory_space<vmem>>
      %dma_wait3A_484 = tpu.memref_squeeze %dma_wait3A_483 : memref<1x50x48xf32, #tpu.memory_space<vmem>> -> memref<50x48xf32, #tpu.memory_space<vmem>>
      %dma_wait3A_485 = arith.constant 0 : i32
      %dma_wait3A_486 = tpu.memref_slice %arg6[%add3A_478, %dma_wait3A_479, %dma_wait3A_485] : memref<100x2x50xi32, #tpu.memory_space<vmem>> -> memref<1x1x50xi32, #tpu.memory_space<vmem>>
      %dma_wait3A_487 = tpu.memref_squeeze %dma_wait3A_486 : memref<1x1x50xi32, #tpu.memory_space<vmem>> -> memref<50xi32, #tpu.memory_space<vmem>>
      %dma_wait3A_488 = arith.constant 0 : i32
      %dma_wait3A_489 = arith.constant 0 : i32
      %dma_wait3A_490 = tpu.memref_slice %arg2[%dma_wait3A_488, %dma_wait3A_489] : memref<10000x48xf32, #tpu.memory_space<hbm>> -> memref<10000x48xf32, #tpu.memory_space<hbm>>
      tpu.wait_indirect_dma semaphore(%arg10 : memref<!tpu.dma_semaphore, #tpu.memory_space<semaphore_mem>>) src(%dma_wait3A_490 : memref<10000x48xf32, #tpu.memory_space<hbm>>) dst(%dma_wait3A_484 : memref<50x48xf32, #tpu.memory_space<vmem>>)
      %add3A_491 = arith.constant 1 : i32
      %add3A_492 = arith.addi %mul3A_448, %add3A_491 : i32
      %dma_start3A_493 = arith.constant 1 : i32
      %dma_start3A_494 = arith.constant 1 : i32
      %dma_start3A_495 = arith.constant 0 : i32
      %dma_start3A_496 = arith.constant 0 : i32
      %dma_start3A_497 = tpu.memref_slice %arg7[%dma_start3A_493, %dma_start3A_495, %dma_start3A_496] : memref<4x50x48xf32, #tpu.memory_space<vmem>> -> memref<1x50x48xf32, #tpu.memory_space<vmem>>
      %dma_start3A_498 = tpu.memref_squeeze %dma_start3A_497 : memref<1x50x48xf32, #tpu.memory_space<vmem>> -> memref<50x48xf32, #tpu.memory_space<vmem>>
      %dma_start3A_499 = arith.constant 0 : i32
      %dma_start3A_500 = tpu.memref_slice %arg6[%add3A_492, %dma_start3A_494, %dma_start3A_499] : memref<100x2x50xi32, #tpu.memory_space<vmem>> -> memref<1x1x50xi32, #tpu.memory_space<vmem>>
      %dma_start3A_501 = tpu.memref_squeeze %dma_start3A_500 : memref<1x1x50xi32, #tpu.memory_space<vmem>> -> memref<50xi32, #tpu.memory_space<vmem>>
      %dma_start3A_502 = arith.constant 0 : i32
      %dma_start3A_503 = arith.constant 0 : i32
      %dma_start3A_504 = tpu.memref_slice %arg8[%dma_start3A_502, %dma_start3A_503] : memref<10000x48xf32, #tpu.memory_space<vmem_shared>> -> memref<10000x48xf32, #tpu.memory_space<vmem_shared>>
      tpu.enqueue_indirect_dma source(%dma_start3A_498 : memref<50x48xf32, #tpu.memory_space<vmem>>) target(%dma_start3A_504 : memref<10000x48xf32, #tpu.memory_space<vmem_shared>>) offsets(%dma_start3A_501 : memref<50xi32, #tpu.memory_space<vmem>>) semaphore(%arg14 : memref<!tpu.dma_semaphore, #tpu.memory_space<semaphore_mem>>) {add = true}
      %add3A_505 = arith.constant 2 : i32
      %add3A_506 = arith.addi %mul3A_448, %add3A_505 : i32
      %dma_wait3A_507 = arith.constant 0 : i32
      %dma_wait3A_508 = arith.constant 2 : i32
      %dma_wait3A_509 = arith.constant 0 : i32
      %dma_wait3A_510 = arith.constant 0 : i32
      %dma_wait3A_511 = tpu.memref_slice %arg7[%dma_wait3A_508, %dma_wait3A_509, %dma_wait3A_510] : memref<4x50x48xf32, #tpu.memory_space<vmem>> -> memref<1x50x48xf32, #tpu.memory_space<vmem>>
      %dma_wait3A_512 = tpu.memref_squeeze %dma_wait3A_511 : memref<1x50x48xf32, #tpu.memory_space<vmem>> -> memref<50x48xf32, #tpu.memory_space<vmem>>
      %dma_wait3A_513 = arith.constant 0 : i32
      %dma_wait3A_514 = tpu.memref_slice %arg6[%add3A_506, %dma_wait3A_507, %dma_wait3A_513] : memref<100x2x50xi32, #tpu.memory_space<vmem>> -> memref<1x1x50xi32, #tpu.memory_space<vmem>>
      %dma_wait3A_515 = tpu.memref_squeeze %dma_wait3A_514 : memref<1x1x50xi32, #tpu.memory_space<vmem>> -> memref<50xi32, #tpu.memory_space<vmem>>
      %dma_wait3A_516 = arith.constant 0 : i32
      %dma_wait3A_517 = arith.constant 0 : i32
      %dma_wait3A_518 = tpu.memref_slice %arg2[%dma_wait3A_516, %dma_wait3A_517] : memref<10000x48xf32, #tpu.memory_space<hbm>> -> memref<10000x48xf32, #tpu.memory_space<hbm>>
      tpu.wait_indirect_dma semaphore(%arg11 : memref<!tpu.dma_semaphore, #tpu.memory_space<semaphore_mem>>) src(%dma_wait3A_518 : memref<10000x48xf32, #tpu.memory_space<hbm>>) dst(%dma_wait3A_512 : memref<50x48xf32, #tpu.memory_space<vmem>>)
      %add3A_519 = arith.constant 2 : i32
      %add3A_520 = arith.addi %mul3A_448, %add3A_519 : i32
      %dma_start3A_521 = arith.constant 2 : i32
      %dma_start3A_522 = arith.constant 1 : i32
      %dma_start3A_523 = arith.constant 0 : i32
      %dma_start3A_524 = arith.constant 0 : i32
      %dma_start3A_525 = tpu.memref_slice %arg7[%dma_start3A_521, %dma_start3A_523, %dma_start3A_524] : memref<4x50x48xf32, #tpu.memory_space<vmem>> -> memref<1x50x48xf32, #tpu.memory_space<vmem>>
      %dma_start3A_526 = tpu.memref_squeeze %dma_start3A_525 : memref<1x50x48xf32, #tpu.memory_space<vmem>> -> memref<50x48xf32, #tpu.memory_space<vmem>>
      %dma_start3A_527 = arith.constant 0 : i32
      %dma_start3A_528 = tpu.memref_slice %arg6[%add3A_520, %dma_start3A_522, %dma_start3A_527] : memref<100x2x50xi32, #tpu.memory_space<vmem>> -> memref<1x1x50xi32, #tpu.memory_space<vmem>>
      %dma_start3A_529 = tpu.memref_squeeze %dma_start3A_528 : memref<1x1x50xi32, #tpu.memory_space<vmem>> -> memref<50xi32, #tpu.memory_space<vmem>>
      %dma_start3A_530 = arith.constant 0 : i32
      %dma_start3A_531 = arith.constant 0 : i32
      %dma_start3A_532 = tpu.memref_slice %arg8[%dma_start3A_530, %dma_start3A_531] : memref<10000x48xf32, #tpu.memory_space<vmem_shared>> -> memref<10000x48xf32, #tpu.memory_space<vmem_shared>>
      tpu.enqueue_indirect_dma source(%dma_start3A_526 : memref<50x48xf32, #tpu.memory_space<vmem>>) target(%dma_start3A_532 : memref<10000x48xf32, #tpu.memory_space<vmem_shared>>) offsets(%dma_start3A_529 : memref<50xi32, #tpu.memory_space<vmem>>) semaphore(%arg15 : memref<!tpu.dma_semaphore, #tpu.memory_space<semaphore_mem>>) {add = true}
      %add3A_533 = arith.constant 3 : i32
      %add3A_534 = arith.addi %mul3A_448, %add3A_533 : i32
      %dma_wait3A_535 = arith.constant 0 : i32
      %dma_wait3A_536 = arith.constant 3 : i32
      %dma_wait3A_537 = arith.constant 0 : i32
      %dma_wait3A_538 = arith.constant 0 : i32
      %dma_wait3A_539 = tpu.memref_slice %arg7[%dma_wait3A_536, %dma_wait3A_537, %dma_wait3A_538] : memref<4x50x48xf32, #tpu.memory_space<vmem>> -> memref<1x50x48xf32, #tpu.memory_space<vmem>>
      %dma_wait3A_540 = tpu.memref_squeeze %dma_wait3A_539 : memref<1x50x48xf32, #tpu.memory_space<vmem>> -> memref<50x48xf32, #tpu.memory_space<vmem>>
      %dma_wait3A_541 = arith.constant 0 : i32
      %dma_wait3A_542 = tpu.memref_slice %arg6[%add3A_534, %dma_wait3A_535, %dma_wait3A_541] : memref<100x2x50xi32, #tpu.memory_space<vmem>> -> memref<1x1x50xi32, #tpu.memory_space<vmem>>
      %dma_wait3A_543 = tpu.memref_squeeze %dma_wait3A_542 : memref<1x1x50xi32, #tpu.memory_space<vmem>> -> memref<50xi32, #tpu.memory_space<vmem>>
      %dma_wait3A_544 = arith.constant 0 : i32
      %dma_wait3A_545 = arith.constant 0 : i32
      %dma_wait3A_546 = tpu.memref_slice %arg2[%dma_wait3A_544, %dma_wait3A_545] : memref<10000x48xf32, #tpu.memory_space<hbm>> -> memref<10000x48xf32, #tpu.memory_space<hbm>>
      tpu.wait_indirect_dma semaphore(%arg12 : memref<!tpu.dma_semaphore, #tpu.memory_space<semaphore_mem>>) src(%dma_wait3A_546 : memref<10000x48xf32, #tpu.memory_space<hbm>>) dst(%dma_wait3A_540 : memref<50x48xf32, #tpu.memory_space<vmem>>)
      %add3A_547 = arith.constant 3 : i32
      %add3A_548 = arith.addi %mul3A_448, %add3A_547 : i32
      %dma_start3A_549 = arith.constant 3 : i32
      %dma_start3A_550 = arith.constant 1 : i32
      %dma_start3A_551 = arith.constant 0 : i32
      %dma_start3A_552 = arith.constant 0 : i32
      %dma_start3A_553 = tpu.memref_slice %arg7[%dma_start3A_549, %dma_start3A_551, %dma_start3A_552] : memref<4x50x48xf32, #tpu.memory_space<vmem>> -> memref<1x50x48xf32, #tpu.memory_space<vmem>>
      %dma_start3A_554 = tpu.memref_squeeze %dma_start3A_553 : memref<1x50x48xf32, #tpu.memory_space<vmem>> -> memref<50x48xf32, #tpu.memory_space<vmem>>
      %dma_start3A_555 = arith.constant 0 : i32
      %dma_start3A_556 = tpu.memref_slice %arg6[%add3A_548, %dma_start3A_550, %dma_start3A_555] : memref<100x2x50xi32, #tpu.memory_space<vmem>> -> memref<1x1x50xi32, #tpu.memory_space<vmem>>
      %dma_start3A_557 = tpu.memref_squeeze %dma_start3A_556 : memref<1x1x50xi32, #tpu.memory_space<vmem>> -> memref<50xi32, #tpu.memory_space<vmem>>
      %dma_start3A_558 = arith.constant 0 : i32
      %dma_start3A_559 = arith.constant 0 : i32
      %dma_start3A_560 = tpu.memref_slice %arg8[%dma_start3A_558, %dma_start3A_559] : memref<10000x48xf32, #tpu.memory_space<vmem_shared>> -> memref<10000x48xf32, #tpu.memory_space<vmem_shared>>
      tpu.enqueue_indirect_dma source(%dma_start3A_554 : memref<50x48xf32, #tpu.memory_space<vmem>>) target(%dma_start3A_560 : memref<10000x48xf32, #tpu.memory_space<vmem_shared>>) offsets(%dma_start3A_557 : memref<50xi32, #tpu.memory_space<vmem>>) semaphore(%arg16 : memref<!tpu.dma_semaphore, #tpu.memory_space<semaphore_mem>>) {add = true}
      %add3A_561 = arith.constant 0 : i32
      %add3A_562 = arith.addi %mul3A_448, %add3A_561 : i32
      %dma_wait3A_563 = arith.constant 0 : i32
      %dma_wait3A_564 = arith.constant 1 : i32
      %dma_wait3A_565 = arith.constant 0 : i32
      %dma_wait3A_566 = arith.constant 0 : i32
      %dma_wait3A_567 = tpu.memref_slice %arg7[%dma_wait3A_563, %dma_wait3A_565, %dma_wait3A_566] : memref<4x50x48xf32, #tpu.memory_space<vmem>> -> memref<1x50x48xf32, #tpu.memory_space<vmem>>
      %dma_wait3A_568 = tpu.memref_squeeze %dma_wait3A_567 : memref<1x50x48xf32, #tpu.memory_space<vmem>> -> memref<50x48xf32, #tpu.memory_space<vmem>>
      %dma_wait3A_569 = arith.constant 0 : i32
      %dma_wait3A_570 = tpu.memref_slice %arg6[%add3A_562, %dma_wait3A_564, %dma_wait3A_569] : memref<100x2x50xi32, #tpu.memory_space<vmem>> -> memref<1x1x50xi32, #tpu.memory_space<vmem>>
      %dma_wait3A_571 = tpu.memref_squeeze %dma_wait3A_570 : memref<1x1x50xi32, #tpu.memory_space<vmem>> -> memref<50xi32, #tpu.memory_space<vmem>>
      %dma_wait3A_572 = arith.constant 0 : i32
      %dma_wait3A_573 = arith.constant 0 : i32
      %dma_wait3A_574 = tpu.memref_slice %arg8[%dma_wait3A_572, %dma_wait3A_573] : memref<10000x48xf32, #tpu.memory_space<vmem_shared>> -> memref<10000x48xf32, #tpu.memory_space<vmem_shared>>
      tpu.wait_indirect_dma semaphore(%arg13 : memref<!tpu.dma_semaphore, #tpu.memory_space<semaphore_mem>>) src(%dma_wait3A_568 : memref<50x48xf32, #tpu.memory_space<vmem>>) dst(%dma_wait3A_574 : memref<10000x48xf32, #tpu.memory_space<vmem_shared>>)
      %add3A_575 = arith.constant 4 : i32
      %add3A_576 = arith.addi %mul3A_448, %add3A_575 : i32
      %add3A_577 = arith.constant 0 : i32
      %add3A_578 = arith.addi %add3A_576, %add3A_577 : i32
      %dma_start3A_579 = arith.constant 0 : i32
      %dma_start3A_580 = arith.constant 0 : i32
      %dma_start3A_581 = arith.constant 0 : i32
      %dma_start3A_582 = arith.constant 0 : i32
      %dma_start3A_583 = tpu.memref_slice %arg7[%dma_start3A_580, %dma_start3A_581, %dma_start3A_582] : memref<4x50x48xf32, #tpu.memory_space<vmem>> -> memref<1x50x48xf32, #tpu.memory_space<vmem>>
      %dma_start3A_584 = tpu.memref_squeeze %dma_start3A_583 : memref<1x50x48xf32, #tpu.memory_space<vmem>> -> memref<50x48xf32, #tpu.memory_space<vmem>>
      %dma_start3A_585 = arith.constant 0 : i32
      %dma_start3A_586 = tpu.memref_slice %arg6[%add3A_578, %dma_start3A_579, %dma_start3A_585] : memref<100x2x50xi32, #tpu.memory_space<vmem>> -> memref<1x1x50xi32, #tpu.memory_space<vmem>>
      %dma_start3A_587 = tpu.memref_squeeze %dma_start3A_586 : memref<1x1x50xi32, #tpu.memory_space<vmem>> -> memref<50xi32, #tpu.memory_space<vmem>>
      %dma_start3A_588 = arith.constant 0 : i32
      %dma_start3A_589 = arith.constant 0 : i32
      %dma_start3A_590 = tpu.memref_slice %arg2[%dma_start3A_588, %dma_start3A_589] : memref<10000x48xf32, #tpu.memory_space<hbm>> -> memref<10000x48xf32, #tpu.memory_space<hbm>>
      tpu.enqueue_indirect_dma source(%dma_start3A_590 : memref<10000x48xf32, #tpu.memory_space<hbm>>) target(%dma_start3A_584 : memref<50x48xf32, #tpu.memory_space<vmem>>) offsets(%dma_start3A_587 : memref<50xi32, #tpu.memory_space<vmem>>) semaphore(%arg9 : memref<!tpu.dma_semaphore, #tpu.memory_space<semaphore_mem>>)
      %add3A_591 = arith.constant 1 : i32
      %add3A_592 = arith.addi %mul3A_448, %add3A_591 : i32
      %dma_wait3A_593 = arith.constant 1 : i32
      %dma_wait3A_594 = arith.constant 1 : i32
      %dma_wait3A_595 = arith.constant 0 : i32
      %dma_wait3A_596 = arith.constant 0 : i32
      %dma_wait3A_597 = tpu.memref_slice %arg7[%dma_wait3A_593, %dma_wait3A_595, %dma_wait3A_596] : memref<4x50x48xf32, #tpu.memory_space<vmem>> -> memref<1x50x48xf32, #tpu.memory_space<vmem>>
      %dma_wait3A_598 = tpu.memref_squeeze %dma_wait3A_597 : memref<1x50x48xf32, #tpu.memory_space<vmem>> -> memref<50x48xf32, #tpu.memory_space<vmem>>
      %dma_wait3A_599 = arith.constant 0 : i32
      %dma_wait3A_600 = tpu.memref_slice %arg6[%add3A_592, %dma_wait3A_594, %dma_wait3A_599] : memref<100x2x50xi32, #tpu.memory_space<vmem>> -> memref<1x1x50xi32, #tpu.memory_space<vmem>>
      %dma_wait3A_601 = tpu.memref_squeeze %dma_wait3A_600 : memref<1x1x50xi32, #tpu.memory_space<vmem>> -> memref<50xi32, #tpu.memory_space<vmem>>
      %dma_wait3A_602 = arith.constant 0 : i32
      %dma_wait3A_603 = arith.constant 0 : i32
      %dma_wait3A_604 = tpu.memref_slice %arg8[%dma_wait3A_602, %dma_wait3A_603] : memref<10000x48xf32, #tpu.memory_space<vmem_shared>> -> memref<10000x48xf32, #tpu.memory_space<vmem_shared>>
      tpu.wait_indirect_dma semaphore(%arg14 : memref<!tpu.dma_semaphore, #tpu.memory_space<semaphore_mem>>) src(%dma_wait3A_598 : memref<50x48xf32, #tpu.memory_space<vmem>>) dst(%dma_wait3A_604 : memref<10000x48xf32, #tpu.memory_space<vmem_shared>>)
      %add3A_605 = arith.constant 4 : i32
      %add3A_606 = arith.addi %mul3A_448, %add3A_605 : i32
      %add3A_607 = arith.constant 1 : i32
      %add3A_608 = arith.addi %add3A_606, %add3A_607 : i32
      %dma_start3A_609 = arith.constant 0 : i32
      %dma_start3A_610 = arith.constant 1 : i32
      %dma_start3A_611 = arith.constant 0 : i32
      %dma_start3A_612 = arith.constant 0 : i32
      %dma_start3A_613 = tpu.memref_slice %arg7[%dma_start3A_610, %dma_start3A_611, %dma_start3A_612] : memref<4x50x48xf32, #tpu.memory_space<vmem>> -> memref<1x50x48xf32, #tpu.memory_space<vmem>>
      %dma_start3A_614 = tpu.memref_squeeze %dma_start3A_613 : memref<1x50x48xf32, #tpu.memory_space<vmem>> -> memref<50x48xf32, #tpu.memory_space<vmem>>
      %dma_start3A_615 = arith.constant 0 : i32
      %dma_start3A_616 = tpu.memref_slice %arg6[%add3A_608, %dma_start3A_609, %dma_start3A_615] : memref<100x2x50xi32, #tpu.memory_space<vmem>> -> memref<1x1x50xi32, #tpu.memory_space<vmem>>
      %dma_start3A_617 = tpu.memref_squeeze %dma_start3A_616 : memref<1x1x50xi32, #tpu.memory_space<vmem>> -> memref<50xi32, #tpu.memory_space<vmem>>
      %dma_start3A_618 = arith.constant 0 : i32
      %dma_start3A_619 = arith.constant 0 : i32
      %dma_start3A_620 = tpu.memref_slice %arg2[%dma_start3A_618, %dma_start3A_619] : memref<10000x48xf32, #tpu.memory_space<hbm>> -> memref<10000x48xf32, #tpu.memory_space<hbm>>
      tpu.enqueue_indirect_dma source(%dma_start3A_620 : memref<10000x48xf32, #tpu.memory_space<hbm>>) target(%dma_start3A_614 : memref<50x48xf32, #tpu.memory_space<vmem>>) offsets(%dma_start3A_617 : memref<50xi32, #tpu.memory_space<vmem>>) semaphore(%arg10 : memref<!tpu.dma_semaphore, #tpu.memory_space<semaphore_mem>>)
      %add3A_621 = arith.constant 2 : i32
      %add3A_622 = arith.addi %mul3A_448, %add3A_621 : i32
      %dma_wait3A_623 = arith.constant 2 : i32
      %dma_wait3A_624 = arith.constant 1 : i32
      %dma_wait3A_625 = arith.constant 0 : i32
      %dma_wait3A_626 = arith.constant 0 : i32
      %dma_wait3A_627 = tpu.memref_slice %arg7[%dma_wait3A_623, %dma_wait3A_625, %dma_wait3A_626] : memref<4x50x48xf32, #tpu.memory_space<vmem>> -> memref<1x50x48xf32, #tpu.memory_space<vmem>>
      %dma_wait3A_628 = tpu.memref_squeeze %dma_wait3A_627 : memref<1x50x48xf32, #tpu.memory_space<vmem>> -> memref<50x48xf32, #tpu.memory_space<vmem>>
      %dma_wait3A_629 = arith.constant 0 : i32
      %dma_wait3A_630 = tpu.memref_slice %arg6[%add3A_622, %dma_wait3A_624, %dma_wait3A_629] : memref<100x2x50xi32, #tpu.memory_space<vmem>> -> memref<1x1x50xi32, #tpu.memory_space<vmem>>
      %dma_wait3A_631 = tpu.memref_squeeze %dma_wait3A_630 : memref<1x1x50xi32, #tpu.memory_space<vmem>> -> memref<50xi32, #tpu.memory_space<vmem>>
      %dma_wait3A_632 = arith.constant 0 : i32
      %dma_wait3A_633 = arith.constant 0 : i32
      %dma_wait3A_634 = tpu.memref_slice %arg8[%dma_wait3A_632, %dma_wait3A_633] : memref<10000x48xf32, #tpu.memory_space<vmem_shared>> -> memref<10000x48xf32, #tpu.memory_space<vmem_shared>>
      tpu.wait_indirect_dma semaphore(%arg15 : memref<!tpu.dma_semaphore, #tpu.memory_space<semaphore_mem>>) src(%dma_wait3A_628 : memref<50x48xf32, #tpu.memory_space<vmem>>) dst(%dma_wait3A_634 : memref<10000x48xf32, #tpu.memory_space<vmem_shared>>)
      %add3A_635 = arith.constant 4 : i32
      %add3A_636 = arith.addi %mul3A_448, %add3A_635 : i32
      %add3A_637 = arith.constant 2 : i32
      %add3A_638 = arith.addi %add3A_636, %add3A_637 : i32
      %dma_start3A_639 = arith.constant 0 : i32
      %dma_start3A_640 = arith.constant 2 : i32
      %dma_start3A_641 = arith.constant 0 : i32
      %dma_start3A_642 = arith.constant 0 : i32
      %dma_start3A_643 = tpu.memref_slice %arg7[%dma_start3A_640, %dma_start3A_641, %dma_start3A_642] : memref<4x50x48xf32, #tpu.memory_space<vmem>> -> memref<1x50x48xf32, #tpu.memory_space<vmem>>
      %dma_start3A_644 = tpu.memref_squeeze %dma_start3A_643 : memref<1x50x48xf32, #tpu.memory_space<vmem>> -> memref<50x48xf32, #tpu.memory_space<vmem>>
      %dma_start3A_645 = arith.constant 0 : i32
      %dma_start3A_646 = tpu.memref_slice %arg6[%add3A_638, %dma_start3A_639, %dma_start3A_645] : memref<100x2x50xi32, #tpu.memory_space<vmem>> -> memref<1x1x50xi32, #tpu.memory_space<vmem>>
      %dma_start3A_647 = tpu.memref_squeeze %dma_start3A_646 : memref<1x1x50xi32, #tpu.memory_space<vmem>> -> memref<50xi32, #tpu.memory_space<vmem>>
      %dma_start3A_648 = arith.constant 0 : i32
      %dma_start3A_649 = arith.constant 0 : i32
      %dma_start3A_650 = tpu.memref_slice %arg2[%dma_start3A_648, %dma_start3A_649] : memref<10000x48xf32, #tpu.memory_space<hbm>> -> memref<10000x48xf32, #tpu.memory_space<hbm>>
      tpu.enqueue_indirect_dma source(%dma_start3A_650 : memref<10000x48xf32, #tpu.memory_space<hbm>>) target(%dma_start3A_644 : memref<50x48xf32, #tpu.memory_space<vmem>>) offsets(%dma_start3A_647 : memref<50xi32, #tpu.memory_space<vmem>>) semaphore(%arg11 : memref<!tpu.dma_semaphore, #tpu.memory_space<semaphore_mem>>)
      %add3A_651 = arith.constant 3 : i32
      %add3A_652 = arith.addi %mul3A_448, %add3A_651 : i32
      %dma_wait3A_653 = arith.constant 3 : i32
      %dma_wait3A_654 = arith.constant 1 : i32
      %dma_wait3A_655 = arith.constant 0 : i32
      %dma_wait3A_656 = arith.constant 0 : i32
      %dma_wait3A_657 = tpu.memref_slice %arg7[%dma_wait3A_653, %dma_wait3A_655, %dma_wait3A_656] : memref<4x50x48xf32, #tpu.memory_space<vmem>> -> memref<1x50x48xf32, #tpu.memory_space<vmem>>
      %dma_wait3A_658 = tpu.memref_squeeze %dma_wait3A_657 : memref<1x50x48xf32, #tpu.memory_space<vmem>> -> memref<50x48xf32, #tpu.memory_space<vmem>>
      %dma_wait3A_659 = arith.constant 0 : i32
      %dma_wait3A_660 = tpu.memref_slice %arg6[%add3A_652, %dma_wait3A_654, %dma_wait3A_659] : memref<100x2x50xi32, #tpu.memory_space<vmem>> -> memref<1x1x50xi32, #tpu.memory_space<vmem>>
      %dma_wait3A_661 = tpu.memref_squeeze %dma_wait3A_660 : memref<1x1x50xi32, #tpu.memory_space<vmem>> -> memref<50xi32, #tpu.memory_space<vmem>>
      %dma_wait3A_662 = arith.constant 0 : i32
      %dma_wait3A_663 = arith.constant 0 : i32
      %dma_wait3A_664 = tpu.memref_slice %arg8[%dma_wait3A_662, %dma_wait3A_663] : memref<10000x48xf32, #tpu.memory_space<vmem_shared>> -> memref<10000x48xf32, #tpu.memory_space<vmem_shared>>
      tpu.wait_indirect_dma semaphore(%arg16 : memref<!tpu.dma_semaphore, #tpu.memory_space<semaphore_mem>>) src(%dma_wait3A_658 : memref<50x48xf32, #tpu.memory_space<vmem>>) dst(%dma_wait3A_664 : memref<10000x48xf32, #tpu.memory_space<vmem_shared>>)
      %add3A_665 = arith.constant 4 : i32
      %add3A_666 = arith.addi %mul3A_448, %add3A_665 : i32
      %add3A_667 = arith.constant 3 : i32
      %add3A_668 = arith.addi %add3A_666, %add3A_667 : i32
      %dma_start3A_669 = arith.constant 0 : i32
      %dma_start3A_670 = arith.constant 3 : i32
      %dma_start3A_671 = arith.constant 0 : i32
      %dma_start3A_672 = arith.constant 0 : i32
      %dma_start3A_673 = tpu.memref_slice %arg7[%dma_start3A_670, %dma_start3A_671, %dma_start3A_672] : memref<4x50x48xf32, #tpu.memory_space<vmem>> -> memref<1x50x48xf32, #tpu.memory_space<vmem>>
      %dma_start3A_674 = tpu.memref_squeeze %dma_start3A_673 : memref<1x50x48xf32, #tpu.memory_space<vmem>> -> memref<50x48xf32, #tpu.memory_space<vmem>>
      %dma_start3A_675 = arith.constant 0 : i32
      %dma_start3A_676 = tpu.memref_slice %arg6[%add3A_668, %dma_start3A_669, %dma_start3A_675] : memref<100x2x50xi32, #tpu.memory_space<vmem>> -> memref<1x1x50xi32, #tpu.memory_space<vmem>>
      %dma_start3A_677 = tpu.memref_squeeze %dma_start3A_676 : memref<1x1x50xi32, #tpu.memory_space<vmem>> -> memref<50xi32, #tpu.memory_space<vmem>>
      %dma_start3A_678 = arith.constant 0 : i32
      %dma_start3A_679 = arith.constant 0 : i32
      %dma_start3A_680 = tpu.memref_slice %arg2[%dma_start3A_678, %dma_start3A_679] : memref<10000x48xf32, #tpu.memory_space<hbm>> -> memref<10000x48xf32, #tpu.memory_space<hbm>>
      tpu.enqueue_indirect_dma source(%dma_start3A_680 : memref<10000x48xf32, #tpu.memory_space<hbm>>) target(%dma_start3A_674 : memref<50x48xf32, #tpu.memory_space<vmem>>) offsets(%dma_start3A_677 : memref<50xi32, #tpu.memory_space<vmem>>) semaphore(%arg12 : memref<!tpu.dma_semaphore, #tpu.memory_space<semaphore_mem>>)
      %scan3A_681 = arith.constant 0 : i32
      scf.yield %scan3A_681 : i32
    }
    %scan3A_277 = arith.constant 24 : i32
    %dma_wait3A_278 = arith.constant 96 : i32
    %dma_wait3A_279 = arith.constant 0 : i32
    %dma_wait3A_280 = arith.constant 0 : i32
    %dma_wait3A_281 = arith.constant 0 : i32
    %dma_wait3A_282 = arith.constant 0 : i32
    %dma_wait3A_283 = tpu.memref_slice %arg7[%dma_wait3A_280, %dma_wait3A_281, %dma_wait3A_282] : memref<4x50x48xf32, #tpu.memory_space<vmem>> -> memref<1x50x48xf32, #tpu.memory_space<vmem>>
    %dma_wait3A_284 = tpu.memref_squeeze %dma_wait3A_283 : memref<1x50x48xf32, #tpu.memory_space<vmem>> -> memref<50x48xf32, #tpu.memory_space<vmem>>
    %dma_wait3A_285 = arith.constant 0 : i32
    %dma_wait3A_286 = tpu.memref_slice %arg6[%dma_wait3A_278, %dma_wait3A_279, %dma_wait3A_285] : memref<100x2x50xi32, #tpu.memory_space<vmem>> -> memref<1x1x50xi32, #tpu.memory_space<vmem>>
    %dma_wait3A_287 = tpu.memref_squeeze %dma_wait3A_286 : memref<1x1x50xi32, #tpu.memory_space<vmem>> -> memref<50xi32, #tpu.memory_space<vmem>>
    %dma_wait3A_288 = arith.constant 0 : i32
    %dma_wait3A_289 = arith.constant 0 : i32
    %dma_wait3A_290 = tpu.memref_slice %arg2[%dma_wait3A_288, %dma_wait3A_289] : memref<10000x48xf32, #tpu.memory_space<hbm>> -> memref<10000x48xf32, #tpu.memory_space<hbm>>
    tpu.wait_indirect_dma semaphore(%arg9 : memref<!tpu.dma_semaphore, #tpu.memory_space<semaphore_mem>>) src(%dma_wait3A_290 : memref<10000x48xf32, #tpu.memory_space<hbm>>) dst(%dma_wait3A_284 : memref<50x48xf32, #tpu.memory_space<vmem>>)
    %dma_start3A_291 = arith.constant 0 : i32
    %dma_start3A_292 = arith.constant 96 : i32
    %dma_start3A_293 = arith.constant 1 : i32
    %dma_start3A_294 = arith.constant 0 : i32
    %dma_start3A_295 = arith.constant 0 : i32
    %dma_start3A_296 = tpu.memref_slice %arg7[%dma_start3A_291, %dma_start3A_294, %dma_start3A_295] : memref<4x50x48xf32, #tpu.memory_space<vmem>> -> memref<1x50x48xf32, #tpu.memory_space<vmem>>
    %dma_start3A_297 = tpu.memref_squeeze %dma_start3A_296 : memref<1x50x48xf32, #tpu.memory_space<vmem>> -> memref<50x48xf32, #tpu.memory_space<vmem>>
    %dma_start3A_298 = arith.constant 0 : i32
    %dma_start3A_299 = tpu.memref_slice %arg6[%dma_start3A_292, %dma_start3A_293, %dma_start3A_298] : memref<100x2x50xi32, #tpu.memory_space<vmem>> -> memref<1x1x50xi32, #tpu.memory_space<vmem>>
    %dma_start3A_300 = tpu.memref_squeeze %dma_start3A_299 : memref<1x1x50xi32, #tpu.memory_space<vmem>> -> memref<50xi32, #tpu.memory_space<vmem>>
    %dma_start3A_301 = arith.constant 0 : i32
    %dma_start3A_302 = arith.constant 0 : i32
    %dma_start3A_303 = tpu.memref_slice %arg8[%dma_start3A_301, %dma_start3A_302] : memref<10000x48xf32, #tpu.memory_space<vmem_shared>> -> memref<10000x48xf32, #tpu.memory_space<vmem_shared>>
    tpu.enqueue_indirect_dma source(%dma_start3A_297 : memref<50x48xf32, #tpu.memory_space<vmem>>) target(%dma_start3A_303 : memref<10000x48xf32, #tpu.memory_space<vmem_shared>>) offsets(%dma_start3A_300 : memref<50xi32, #tpu.memory_space<vmem>>) semaphore(%arg13 : memref<!tpu.dma_semaphore, #tpu.memory_space<semaphore_mem>>) {add = true}
    %dma_wait3A_304 = arith.constant 97 : i32
    %dma_wait3A_305 = arith.constant 0 : i32
    %dma_wait3A_306 = arith.constant 1 : i32
    %dma_wait3A_307 = arith.constant 0 : i32
    %dma_wait3A_308 = arith.constant 0 : i32
    %dma_wait3A_309 = tpu.memref_slice %arg7[%dma_wait3A_306, %dma_wait3A_307, %dma_wait3A_308] : memref<4x50x48xf32, #tpu.memory_space<vmem>> -> memref<1x50x48xf32, #tpu.memory_space<vmem>>
    %dma_wait3A_310 = tpu.memref_squeeze %dma_wait3A_309 : memref<1x50x48xf32, #tpu.memory_space<vmem>> -> memref<50x48xf32, #tpu.memory_space<vmem>>
    %dma_wait3A_311 = arith.constant 0 : i32
    %dma_wait3A_312 = tpu.memref_slice %arg6[%dma_wait3A_304, %dma_wait3A_305, %dma_wait3A_311] : memref<100x2x50xi32, #tpu.memory_space<vmem>> -> memref<1x1x50xi32, #tpu.memory_space<vmem>>
    %dma_wait3A_313 = tpu.memref_squeeze %dma_wait3A_312 : memref<1x1x50xi32, #tpu.memory_space<vmem>> -> memref<50xi32, #tpu.memory_space<vmem>>
    %dma_wait3A_314 = arith.constant 0 : i32
    %dma_wait3A_315 = arith.constant 0 : i32
    %dma_wait3A_316 = tpu.memref_slice %arg2[%dma_wait3A_314, %dma_wait3A_315] : memref<10000x48xf32, #tpu.memory_space<hbm>> -> memref<10000x48xf32, #tpu.memory_space<hbm>>
    tpu.wait_indirect_dma semaphore(%arg10 : memref<!tpu.dma_semaphore, #tpu.memory_space<semaphore_mem>>) src(%dma_wait3A_316 : memref<10000x48xf32, #tpu.memory_space<hbm>>) dst(%dma_wait3A_310 : memref<50x48xf32, #tpu.memory_space<vmem>>)
    %dma_start3A_317 = arith.constant 1 : i32
    %dma_start3A_318 = arith.constant 97 : i32
    %dma_start3A_319 = arith.constant 1 : i32
    %dma_start3A_320 = arith.constant 0 : i32
    %dma_start3A_321 = arith.constant 0 : i32
    %dma_start3A_322 = tpu.memref_slice %arg7[%dma_start3A_317, %dma_start3A_320, %dma_start3A_321] : memref<4x50x48xf32, #tpu.memory_space<vmem>> -> memref<1x50x48xf32, #tpu.memory_space<vmem>>
    %dma_start3A_323 = tpu.memref_squeeze %dma_start3A_322 : memref<1x50x48xf32, #tpu.memory_space<vmem>> -> memref<50x48xf32, #tpu.memory_space<vmem>>
    %dma_start3A_324 = arith.constant 0 : i32
    %dma_start3A_325 = tpu.memref_slice %arg6[%dma_start3A_318, %dma_start3A_319, %dma_start3A_324] : memref<100x2x50xi32, #tpu.memory_space<vmem>> -> memref<1x1x50xi32, #tpu.memory_space<vmem>>
    %dma_start3A_326 = tpu.memref_squeeze %dma_start3A_325 : memref<1x1x50xi32, #tpu.memory_space<vmem>> -> memref<50xi32, #tpu.memory_space<vmem>>
    %dma_start3A_327 = arith.constant 0 : i32
    %dma_start3A_328 = arith.constant 0 : i32
    %dma_start3A_329 = tpu.memref_slice %arg8[%dma_start3A_327, %dma_start3A_328] : memref<10000x48xf32, #tpu.memory_space<vmem_shared>> -> memref<10000x48xf32, #tpu.memory_space<vmem_shared>>
    tpu.enqueue_indirect_dma source(%dma_start3A_323 : memref<50x48xf32, #tpu.memory_space<vmem>>) target(%dma_start3A_329 : memref<10000x48xf32, #tpu.memory_space<vmem_shared>>) offsets(%dma_start3A_326 : memref<50xi32, #tpu.memory_space<vmem>>) semaphore(%arg14 : memref<!tpu.dma_semaphore, #tpu.memory_space<semaphore_mem>>) {add = true}
    %dma_wait3A_330 = arith.constant 98 : i32
    %dma_wait3A_331 = arith.constant 0 : i32
    %dma_wait3A_332 = arith.constant 2 : i32
    %dma_wait3A_333 = arith.constant 0 : i32
    %dma_wait3A_334 = arith.constant 0 : i32
    %dma_wait3A_335 = tpu.memref_slice %arg7[%dma_wait3A_332, %dma_wait3A_333, %dma_wait3A_334] : memref<4x50x48xf32, #tpu.memory_space<vmem>> -> memref<1x50x48xf32, #tpu.memory_space<vmem>>
    %dma_wait3A_336 = tpu.memref_squeeze %dma_wait3A_335 : memref<1x50x48xf32, #tpu.memory_space<vmem>> -> memref<50x48xf32, #tpu.memory_space<vmem>>
    %dma_wait3A_337 = arith.constant 0 : i32
    %dma_wait3A_338 = tpu.memref_slice %arg6[%dma_wait3A_330, %dma_wait3A_331, %dma_wait3A_337] : memref<100x2x50xi32, #tpu.memory_space<vmem>> -> memref<1x1x50xi32, #tpu.memory_space<vmem>>
    %dma_wait3A_339 = tpu.memref_squeeze %dma_wait3A_338 : memref<1x1x50xi32, #tpu.memory_space<vmem>> -> memref<50xi32, #tpu.memory_space<vmem>>
    %dma_wait3A_340 = arith.constant 0 : i32
    %dma_wait3A_341 = arith.constant 0 : i32
    %dma_wait3A_342 = tpu.memref_slice %arg2[%dma_wait3A_340, %dma_wait3A_341] : memref<10000x48xf32, #tpu.memory_space<hbm>> -> memref<10000x48xf32, #tpu.memory_space<hbm>>
    tpu.wait_indirect_dma semaphore(%arg11 : memref<!tpu.dma_semaphore, #tpu.memory_space<semaphore_mem>>) src(%dma_wait3A_342 : memref<10000x48xf32, #tpu.memory_space<hbm>>) dst(%dma_wait3A_336 : memref<50x48xf32, #tpu.memory_space<vmem>>)
    %dma_start3A_343 = arith.constant 2 : i32
    %dma_start3A_344 = arith.constant 98 : i32
    %dma_start3A_345 = arith.constant 1 : i32
    %dma_start3A_346 = arith.constant 0 : i32
    %dma_start3A_347 = arith.constant 0 : i32
    %dma_start3A_348 = tpu.memref_slice %arg7[%dma_start3A_343, %dma_start3A_346, %dma_start3A_347] : memref<4x50x48xf32, #tpu.memory_space<vmem>> -> memref<1x50x48xf32, #tpu.memory_space<vmem>>
    %dma_start3A_349 = tpu.memref_squeeze %dma_start3A_348 : memref<1x50x48xf32, #tpu.memory_space<vmem>> -> memref<50x48xf32, #tpu.memory_space<vmem>>
    %dma_start3A_350 = arith.constant 0 : i32
    %dma_start3A_351 = tpu.memref_slice %arg6[%dma_start3A_344, %dma_start3A_345, %dma_start3A_350] : memref<100x2x50xi32, #tpu.memory_space<vmem>> -> memref<1x1x50xi32, #tpu.memory_space<vmem>>
    %dma_start3A_352 = tpu.memref_squeeze %dma_start3A_351 : memref<1x1x50xi32, #tpu.memory_space<vmem>> -> memref<50xi32, #tpu.memory_space<vmem>>
    %dma_start3A_353 = arith.constant 0 : i32
    %dma_start3A_354 = arith.constant 0 : i32
    %dma_start3A_355 = tpu.memref_slice %arg8[%dma_start3A_353, %dma_start3A_354] : memref<10000x48xf32, #tpu.memory_space<vmem_shared>> -> memref<10000x48xf32, #tpu.memory_space<vmem_shared>>
    tpu.enqueue_indirect_dma source(%dma_start3A_349 : memref<50x48xf32, #tpu.memory_space<vmem>>) target(%dma_start3A_355 : memref<10000x48xf32, #tpu.memory_space<vmem_shared>>) offsets(%dma_start3A_352 : memref<50xi32, #tpu.memory_space<vmem>>) semaphore(%arg15 : memref<!tpu.dma_semaphore, #tpu.memory_space<semaphore_mem>>) {add = true}
    %dma_wait3A_356 = arith.constant 99 : i32
    %dma_wait3A_357 = arith.constant 0 : i32
    %dma_wait3A_358 = arith.constant 3 : i32
    %dma_wait3A_359 = arith.constant 0 : i32
    %dma_wait3A_360 = arith.constant 0 : i32
    %dma_wait3A_361 = tpu.memref_slice %arg7[%dma_wait3A_358, %dma_wait3A_359, %dma_wait3A_360] : memref<4x50x48xf32, #tpu.memory_space<vmem>> -> memref<1x50x48xf32, #tpu.memory_space<vmem>>
    %dma_wait3A_362 = tpu.memref_squeeze %dma_wait3A_361 : memref<1x50x48xf32, #tpu.memory_space<vmem>> -> memref<50x48xf32, #tpu.memory_space<vmem>>
    %dma_wait3A_363 = arith.constant 0 : i32
    %dma_wait3A_364 = tpu.memref_slice %arg6[%dma_wait3A_356, %dma_wait3A_357, %dma_wait3A_363] : memref<100x2x50xi32, #tpu.memory_space<vmem>> -> memref<1x1x50xi32, #tpu.memory_space<vmem>>
    %dma_wait3A_365 = tpu.memref_squeeze %dma_wait3A_364 : memref<1x1x50xi32, #tpu.memory_space<vmem>> -> memref<50xi32, #tpu.memory_space<vmem>>
    %dma_wait3A_366 = arith.constant 0 : i32
    %dma_wait3A_367 = arith.constant 0 : i32
    %dma_wait3A_368 = tpu.memref_slice %arg2[%dma_wait3A_366, %dma_wait3A_367] : memref<10000x48xf32, #tpu.memory_space<hbm>> -> memref<10000x48xf32, #tpu.memory_space<hbm>>
    tpu.wait_indirect_dma semaphore(%arg12 : memref<!tpu.dma_semaphore, #tpu.memory_space<semaphore_mem>>) src(%dma_wait3A_368 : memref<10000x48xf32, #tpu.memory_space<hbm>>) dst(%dma_wait3A_362 : memref<50x48xf32, #tpu.memory_space<vmem>>)
    %dma_start3A_369 = arith.constant 3 : i32
    %dma_start3A_370 = arith.constant 99 : i32
    %dma_start3A_371 = arith.constant 1 : i32
    %dma_start3A_372 = arith.constant 0 : i32
    %dma_start3A_373 = arith.constant 0 : i32
    %dma_start3A_374 = tpu.memref_slice %arg7[%dma_start3A_369, %dma_start3A_372, %dma_start3A_373] : memref<4x50x48xf32, #tpu.memory_space<vmem>> -> memref<1x50x48xf32, #tpu.memory_space<vmem>>
    %dma_start3A_375 = tpu.memref_squeeze %dma_start3A_374 : memref<1x50x48xf32, #tpu.memory_space<vmem>> -> memref<50x48xf32, #tpu.memory_space<vmem>>
    %dma_start3A_376 = arith.constant 0 : i32
    %dma_start3A_377 = tpu.memref_slice %arg6[%dma_start3A_370, %dma_start3A_371, %dma_start3A_376] : memref<100x2x50xi32, #tpu.memory_space<vmem>> -> memref<1x1x50xi32, #tpu.memory_space<vmem>>
    %dma_start3A_378 = tpu.memref_squeeze %dma_start3A_377 : memref<1x1x50xi32, #tpu.memory_space<vmem>> -> memref<50xi32, #tpu.memory_space<vmem>>
    %dma_start3A_379 = arith.constant 0 : i32
    %dma_start3A_380 = arith.constant 0 : i32
    %dma_start3A_381 = tpu.memref_slice %arg8[%dma_start3A_379, %dma_start3A_380] : memref<10000x48xf32, #tpu.memory_space<vmem_shared>> -> memref<10000x48xf32, #tpu.memory_space<vmem_shared>>
    tpu.enqueue_indirect_dma source(%dma_start3A_375 : memref<50x48xf32, #tpu.memory_space<vmem>>) target(%dma_start3A_381 : memref<10000x48xf32, #tpu.memory_space<vmem_shared>>) offsets(%dma_start3A_378 : memref<50xi32, #tpu.memory_space<vmem>>) semaphore(%arg16 : memref<!tpu.dma_semaphore, #tpu.memory_space<semaphore_mem>>) {add = true}
    %dma_wait3A_382 = arith.constant 0 : i32
    %dma_wait3A_383 = arith.constant 96 : i32
    %dma_wait3A_384 = arith.constant 1 : i32
    %dma_wait3A_385 = arith.constant 0 : i32
    %dma_wait3A_386 = arith.constant 0 : i32
    %dma_wait3A_387 = tpu.memref_slice %arg7[%dma_wait3A_382, %dma_wait3A_385, %dma_wait3A_386] : memref<4x50x48xf32, #tpu.memory_space<vmem>> -> memref<1x50x48xf32, #tpu.memory_space<vmem>>
    %dma_wait3A_388 = tpu.memref_squeeze %dma_wait3A_387 : memref<1x50x48xf32, #tpu.memory_space<vmem>> -> memref<50x48xf32, #tpu.memory_space<vmem>>
    %dma_wait3A_389 = arith.constant 0 : i32
    %dma_wait3A_390 = tpu.memref_slice %arg6[%dma_wait3A_383, %dma_wait3A_384, %dma_wait3A_389] : memref<100x2x50xi32, #tpu.memory_space<vmem>> -> memref<1x1x50xi32, #tpu.memory_space<vmem>>
    %dma_wait3A_391 = tpu.memref_squeeze %dma_wait3A_390 : memref<1x1x50xi32, #tpu.memory_space<vmem>> -> memref<50xi32, #tpu.memory_space<vmem>>
    %dma_wait3A_392 = arith.constant 0 : i32
    %dma_wait3A_393 = arith.constant 0 : i32
    %dma_wait3A_394 = tpu.memref_slice %arg8[%dma_wait3A_392, %dma_wait3A_393] : memref<10000x48xf32, #tpu.memory_space<vmem_shared>> -> memref<10000x48xf32, #tpu.memory_space<vmem_shared>>
    tpu.wait_indirect_dma semaphore(%arg13 : memref<!tpu.dma_semaphore, #tpu.memory_space<semaphore_mem>>) src(%dma_wait3A_388 : memref<50x48xf32, #tpu.memory_space<vmem>>) dst(%dma_wait3A_394 : memref<10000x48xf32, #tpu.memory_space<vmem_shared>>)
    %dma_wait3A_395 = arith.constant 1 : i32
    %dma_wait3A_396 = arith.constant 97 : i32
    %dma_wait3A_397 = arith.constant 1 : i32
    %dma_wait3A_398 = arith.constant 0 : i32
    %dma_wait3A_399 = arith.constant 0 : i32
    %dma_wait3A_400 = tpu.memref_slice %arg7[%dma_wait3A_395, %dma_wait3A_398, %dma_wait3A_399] : memref<4x50x48xf32, #tpu.memory_space<vmem>> -> memref<1x50x48xf32, #tpu.memory_space<vmem>>
    %dma_wait3A_401 = tpu.memref_squeeze %dma_wait3A_400 : memref<1x50x48xf32, #tpu.memory_space<vmem>> -> memref<50x48xf32, #tpu.memory_space<vmem>>
    %dma_wait3A_402 = arith.constant 0 : i32
    %dma_wait3A_403 = tpu.memref_slice %arg6[%dma_wait3A_396, %dma_wait3A_397, %dma_wait3A_402] : memref<100x2x50xi32, #tpu.memory_space<vmem>> -> memref<1x1x50xi32, #tpu.memory_space<vmem>>
    %dma_wait3A_404 = tpu.memref_squeeze %dma_wait3A_403 : memref<1x1x50xi32, #tpu.memory_space<vmem>> -> memref<50xi32, #tpu.memory_space<vmem>>
    %dma_wait3A_405 = arith.constant 0 : i32
    %dma_wait3A_406 = arith.constant 0 : i32
    %dma_wait3A_407 = tpu.memref_slice %arg8[%dma_wait3A_405, %dma_wait3A_406] : memref<10000x48xf32, #tpu.memory_space<vmem_shared>> -> memref<10000x48xf32, #tpu.memory_space<vmem_shared>>
    tpu.wait_indirect_dma semaphore(%arg14 : memref<!tpu.dma_semaphore, #tpu.memory_space<semaphore_mem>>) src(%dma_wait3A_401 : memref<50x48xf32, #tpu.memory_space<vmem>>) dst(%dma_wait3A_407 : memref<10000x48xf32, #tpu.memory_space<vmem_shared>>)
    %dma_wait3A_408 = arith.constant 2 : i32
    %dma_wait3A_409 = arith.constant 98 : i32
    %dma_wait3A_410 = arith.constant 1 : i32
    %dma_wait3A_411 = arith.constant 0 : i32
    %dma_wait3A_412 = arith.constant 0 : i32
    %dma_wait3A_413 = tpu.memref_slice %arg7[%dma_wait3A_408, %dma_wait3A_411, %dma_wait3A_412] : memref<4x50x48xf32, #tpu.memory_space<vmem>> -> memref<1x50x48xf32, #tpu.memory_space<vmem>>
    %dma_wait3A_414 = tpu.memref_squeeze %dma_wait3A_413 : memref<1x50x48xf32, #tpu.memory_space<vmem>> -> memref<50x48xf32, #tpu.memory_space<vmem>>
    %dma_wait3A_415 = arith.constant 0 : i32
    %dma_wait3A_416 = tpu.memref_slice %arg6[%dma_wait3A_409, %dma_wait3A_410, %dma_wait3A_415] : memref<100x2x50xi32, #tpu.memory_space<vmem>> -> memref<1x1x50xi32, #tpu.memory_space<vmem>>
    %dma_wait3A_417 = tpu.memref_squeeze %dma_wait3A_416 : memref<1x1x50xi32, #tpu.memory_space<vmem>> -> memref<50xi32, #tpu.memory_space<vmem>>
    %dma_wait3A_418 = arith.constant 0 : i32
    %dma_wait3A_419 = arith.constant 0 : i32
    %dma_wait3A_420 = tpu.memref_slice %arg8[%dma_wait3A_418, %dma_wait3A_419] : memref<10000x48xf32, #tpu.memory_space<vmem_shared>> -> memref<10000x48xf32, #tpu.memory_space<vmem_shared>>
    tpu.wait_indirect_dma semaphore(%arg15 : memref<!tpu.dma_semaphore, #tpu.memory_space<semaphore_mem>>) src(%dma_wait3A_414 : memref<50x48xf32, #tpu.memory_space<vmem>>) dst(%dma_wait3A_420 : memref<10000x48xf32, #tpu.memory_space<vmem_shared>>)
    %dma_wait3A_421 = arith.constant 3 : i32
    %dma_wait3A_422 = arith.constant 99 : i32
    %dma_wait3A_423 = arith.constant 1 : i32
    %dma_wait3A_424 = arith.constant 0 : i32
    %dma_wait3A_425 = arith.constant 0 : i32
    %dma_wait3A_426 = tpu.memref_slice %arg7[%dma_wait3A_421, %dma_wait3A_424, %dma_wait3A_425] : memref<4x50x48xf32, #tpu.memory_space<vmem>> -> memref<1x50x48xf32, #tpu.memory_space<vmem>>
    %dma_wait3A_427 = tpu.memref_squeeze %dma_wait3A_426 : memref<1x50x48xf32, #tpu.memory_space<vmem>> -> memref<50x48xf32, #tpu.memory_space<vmem>>
    %dma_wait3A_428 = arith.constant 0 : i32
    %dma_wait3A_429 = tpu.memref_slice %arg6[%dma_wait3A_422, %dma_wait3A_423, %dma_wait3A_428] : memref<100x2x50xi32, #tpu.memory_space<vmem>> -> memref<1x1x50xi32, #tpu.memory_space<vmem>>
    %dma_wait3A_430 = tpu.memref_squeeze %dma_wait3A_429 : memref<1x1x50xi32, #tpu.memory_space<vmem>> -> memref<50xi32, #tpu.memory_space<vmem>>
    %dma_wait3A_431 = arith.constant 0 : i32
    %dma_wait3A_432 = arith.constant 0 : i32
    %dma_wait3A_433 = tpu.memref_slice %arg8[%dma_wait3A_431, %dma_wait3A_432] : memref<10000x48xf32, #tpu.memory_space<vmem_shared>> -> memref<10000x48xf32, #tpu.memory_space<vmem_shared>>
    tpu.wait_indirect_dma semaphore(%arg16 : memref<!tpu.dma_semaphore, #tpu.memory_space<semaphore_mem>>) src(%dma_wait3A_427 : memref<50x48xf32, #tpu.memory_space<vmem>>) dst(%dma_wait3A_433 : memref<10000x48xf32, #tpu.memory_space<vmem_shared>>)
    %barrier3A_434 = arith.constant 0 : index
    tpu.barrier barrier_id(%barrier3A_434)
    %lt3A_435 = arith.constant 15 : i32
    %lt3A_436 = arith.cmpi slt, %arg1, %lt3A_435 : i32
    %convert_element_type3A_437 = arith.extui %lt3A_436 : i1 to i32
    %cond3A_438 = arith.constant 0 : i32
    %cond3A_439 = arith.cmpi ne, %convert_element_type3A_437, %cond3A_438 : i32
    scf.if %cond3A_439 {
      %mul3A_445 = arith.constant 632 : i32
      %mul3A_446 = arith.muli %arg1, %mul3A_445 : i32
      %mul3A_447 = arith.constant 632 : i32
      %mul3A_448 = arith.muli %arg1, %mul3A_447 : i32
      "tpu.region"() ({
        %run_scoped3A = tpu.sem_alloc : memref<!tpu.dma_semaphore, #tpu.memory_space<semaphore_mem>>
        %dma_start3A_449 = arith.constant 0 : i32
        %dma_start3A_450 = tpu.memref_slice %arg5[%arg0, %mul3A_448, %dma_start3A_449] : memref<2x10000x48xf32, #tpu.memory_space<hbm>> -> memref<1x632x48xf32, #tpu.memory_space<hbm>>
        %dma_start3A_451 = tpu.memref_squeeze %dma_start3A_450 : memref<1x632x48xf32, #tpu.memory_space<hbm>> -> memref<632x48xf32, #tpu.memory_space<hbm>>
        %dma_start3A_452 = arith.constant 0 : i32
        %dma_start3A_453 = tpu.memref_slice %arg8[%mul3A_446, %dma_start3A_452] : memref<10000x48xf32, #tpu.memory_space<vmem_shared>> -> memref<632x48xf32, #tpu.memory_space<vmem_shared>>
        tpu.enqueue_dma source(%dma_start3A_453 : memref<632x48xf32, #tpu.memory_space<vmem_shared>>) target(%dma_start3A_451 : memref<632x48xf32, #tpu.memory_space<hbm>>) target_semaphore(%run_scoped3A : memref<!tpu.dma_semaphore, #tpu.memory_space<semaphore_mem>>)
        %dma_wait3A_454 = arith.constant 0 : i32
        %dma_wait3A_455 = tpu.memref_slice %arg5[%arg0, %mul3A_448, %dma_wait3A_454] : memref<2x10000x48xf32, #tpu.memory_space<hbm>> -> memref<1x632x48xf32, #tpu.memory_space<hbm>>
        %dma_wait3A_456 = tpu.memref_squeeze %dma_wait3A_455 : memref<1x632x48xf32, #tpu.memory_space<hbm>> -> memref<632x48xf32, #tpu.memory_space<hbm>>
        %dma_wait3A_457 = arith.constant 0 : i32
        %dma_wait3A_458 = tpu.memref_slice %arg8[%mul3A_446, %dma_wait3A_457] : memref<10000x48xf32, #tpu.memory_space<vmem_shared>> -> memref<632x48xf32, #tpu.memory_space<vmem_shared>>
        tpu.wait_dma2 semaphore(%run_scoped3A : memref<!tpu.dma_semaphore, #tpu.memory_space<semaphore_mem>>) src(%dma_wait3A_458 : memref<632x48xf32, #tpu.memory_space<vmem_shared>>) dst(%dma_wait3A_456 : memref<632x48xf32, #tpu.memory_space<hbm>>)
        tpu.yield
      }) : () -> ()
    } else {
    }
    %eq3A_440 = arith.constant 15 : i32
    %eq3A_441 = arith.cmpi eq, %arg1, %eq3A_440 : i32
    %convert_element_type3A_442 = arith.extui %eq3A_441 : i1 to i32
    %cond3A_443 = arith.constant 0 : i32
    %cond3A_444 = arith.cmpi ne, %convert_element_type3A_442, %cond3A_443 : i32
    scf.if %cond3A_444 {
      "tpu.region"() ({
        %run_scoped3A = tpu.sem_alloc : memref<!tpu.dma_semaphore, #tpu.memory_space<semaphore_mem>>
        %dma_start3A_445 = arith.constant 9480 : i32
        %dma_start3A_446 = arith.constant 0 : i32
        %dma_start3A_447 = tpu.memref_slice %arg5[%arg0, %dma_start3A_445, %dma_start3A_446] : memref<2x10000x48xf32, #tpu.memory_space<hbm>> -> memref<1x520x48xf32, #tpu.memory_space<hbm>>
        %dma_start3A_448 = tpu.memref_squeeze %dma_start3A_447 : memref<1x520x48xf32, #tpu.memory_space<hbm>> -> memref<520x48xf32, #tpu.memory_space<hbm>>
        %dma_start3A_449 = arith.constant 9480 : i32
        %dma_start3A_450 = arith.constant 0 : i32
        %dma_start3A_451 = tpu.memref_slice %arg8[%dma_start3A_449, %dma_start3A_450] : memref<10000x48xf32, #tpu.memory_space<vmem_shared>> -> memref<520x48xf32, #tpu.memory_space<vmem_shared>>
        tpu.enqueue_dma source(%dma_start3A_451 : memref<520x48xf32, #tpu.memory_space<vmem_shared>>) target(%dma_start3A_448 : memref<520x48xf32, #tpu.memory_space<hbm>>) target_semaphore(%run_scoped3A : memref<!tpu.dma_semaphore, #tpu.memory_space<semaphore_mem>>)
        %dma_wait3A_452 = arith.constant 9480 : i32
        %dma_wait3A_453 = arith.constant 0 : i32
        %dma_wait3A_454 = tpu.memref_slice %arg5[%arg0, %dma_wait3A_452, %dma_wait3A_453] : memref<2x10000x48xf32, #tpu.memory_space<hbm>> -> memref<1x520x48xf32, #tpu.memory_space<hbm>>
        %dma_wait3A_455 = tpu.memref_squeeze %dma_wait3A_454 : memref<1x520x48xf32, #tpu.memory_space<hbm>> -> memref<520x48xf32, #tpu.memory_space<hbm>>
        %dma_wait3A_456 = arith.constant 9480 : i32
        %dma_wait3A_457 = arith.constant 0 : i32
        %dma_wait3A_458 = tpu.memref_slice %arg8[%dma_wait3A_456, %dma_wait3A_457] : memref<10000x48xf32, #tpu.memory_space<vmem_shared>> -> memref<520x48xf32, #tpu.memory_space<vmem_shared>>
        tpu.wait_dma2 semaphore(%run_scoped3A : memref<!tpu.dma_semaphore, #tpu.memory_space<semaphore_mem>>) src(%dma_wait3A_458 : memref<520x48xf32, #tpu.memory_space<vmem_shared>>) dst(%dma_wait3A_455 : memref<520x48xf32, #tpu.memory_space<hbm>>)
        tpu.yield
      }) : () -> ()
    } else {
    }
    return
  }
}

#map = affine_map<(d0, d1) -> (0, 0)>
#map1 = affine_map<(d0, d1) -> (0, 0, 0, 0)>
#map2 = affine_map<(d0, d1) -> (0, 0, 0)>
module attributes {stable_mosaic.version = 14 : i64} {
  func.func @seg_sum(%arg0: i32, %arg1: i32, %arg2: memref<10000x128xf32, #tpu.memory_space<hbm>>, %arg3: memref<32x200x2x50xi32, #tpu.memory_space<hbm>>, %arg4: memref<10000x128xf32, #tpu.memory_space<hbm>>, %arg5: memref<2x10000x128xf32, #tpu.memory_space<hbm>>, %arg6: memref<100x2x50xi32, #tpu.memory_space<vmem>>, %arg7: memref<4x50x128xf32, #tpu.memory_space<vmem>>, %arg8: memref<10000x128xf32, #tpu.memory_space<vmem_shared>>, %arg9: memref<!tpu.dma_semaphore, #tpu.memory_space<semaphore_mem>>, %arg10: memref<!tpu.dma_semaphore, #tpu.memory_space<semaphore_mem>>, %arg11: memref<!tpu.dma_semaphore, #tpu.memory_space<semaphore_mem>>, %arg12: memref<!tpu.dma_semaphore, #tpu.memory_space<semaphore_mem>>, %arg13: memref<!tpu.dma_semaphore, #tpu.memory_space<semaphore_mem>>, %arg14: memref<!tpu.dma_semaphore, #tpu.memory_space<semaphore_mem>>, %arg15: memref<!tpu.dma_semaphore, #tpu.memory_space<semaphore_mem>>, %arg16: memref<!tpu.dma_semaphore, #tpu.memory_space<semaphore_mem>>) attributes {dimension_semantics = [#tpu.dimension_semantics<core_parallel>, #tpu.dimension_semantics<subcore_parallel>], iteration_bounds = array<i64: 2, 16>, scalar_prefetch = 0 : i64, scratch_operands = 11 : i64, tpu.core_type = #tpu.core_type<sc_vector_subcore>, window_params = [{transform_indices = #map}, {transform_indices = #map1}, {transform_indices = #map}, {transform_indices = #map2}]} {
    %mul3A = arith.constant 2 : i32
    %mul3A_0 = arith.muli %arg1, %mul3A : i32
    %add3A = arith.addi %mul3A_0, %arg0 : i32
    %lt3A = arith.constant 15 : i32
    %lt3A_1 = arith.cmpi slt, %arg1, %lt3A : i32
    %convert_element_type3A = arith.extui %lt3A_1 : i1 to i32
    %cond3A = arith.constant 0 : i32
    %cond3A_2 = arith.cmpi ne, %convert_element_type3A, %cond3A : i32
    scf.if %cond3A_2 {
      %mul3A_445 = arith.constant 632 : i32
      %mul3A_446 = arith.muli %arg1, %mul3A_445 : i32
      %mul3A_447 = arith.constant 632 : i32
      %mul3A_448 = arith.muli %arg1, %mul3A_447 : i32
      "tpu.region"() ({
        %run_scoped3A = tpu.sem_alloc : memref<!tpu.dma_semaphore, #tpu.memory_space<semaphore_mem>>
        %dma_start3A_449 = arith.constant 0 : i32
        %dma_start3A_450 = tpu.memref_slice %arg8[%mul3A_448, %dma_start3A_449] : memref<10000x128xf32, #tpu.memory_space<vmem_shared>> -> memref<632x128xf32, #tpu.memory_space<vmem_shared>>
        %dma_start3A_451 = arith.constant 0 : i32
        %dma_start3A_452 = tpu.memref_slice %arg4[%mul3A_446, %dma_start3A_451] : memref<10000x128xf32, #tpu.memory_space<hbm>> -> memref<632x128xf32, #tpu.memory_space<hbm>>
        tpu.enqueue_dma source(%dma_start3A_452 : memref<632x128xf32, #tpu.memory_space<hbm>>) target(%dma_start3A_450 : memref<632x128xf32, #tpu.memory_space<vmem_shared>>) target_semaphore(%run_scoped3A : memref<!tpu.dma_semaphore, #tpu.memory_space<semaphore_mem>>)
        %dma_wait3A_453 = arith.constant 0 : i32
        %dma_wait3A_454 = tpu.memref_slice %arg8[%mul3A_448, %dma_wait3A_453] : memref<10000x128xf32, #tpu.memory_space<vmem_shared>> -> memref<632x128xf32, #tpu.memory_space<vmem_shared>>
        %dma_wait3A_455 = arith.constant 0 : i32
        %dma_wait3A_456 = tpu.memref_slice %arg4[%mul3A_446, %dma_wait3A_455] : memref<10000x128xf32, #tpu.memory_space<hbm>> -> memref<632x128xf32, #tpu.memory_space<hbm>>
        tpu.wait_dma2 semaphore(%run_scoped3A : memref<!tpu.dma_semaphore, #tpu.memory_space<semaphore_mem>>) src(%dma_wait3A_456 : memref<632x128xf32, #tpu.memory_space<hbm>>) dst(%dma_wait3A_454 : memref<632x128xf32, #tpu.memory_space<vmem_shared>>)
        tpu.yield
      }) : () -> ()
    } else {
    }
    %eq3A = arith.constant 15 : i32
    %eq3A_3 = arith.cmpi eq, %arg1, %eq3A : i32
    %convert_element_type3A_4 = arith.extui %eq3A_3 : i1 to i32
    %cond3A_5 = arith.constant 0 : i32
    %cond3A_6 = arith.cmpi ne, %convert_element_type3A_4, %cond3A_5 : i32
    scf.if %cond3A_6 {
      "tpu.region"() ({
        %run_scoped3A = tpu.sem_alloc : memref<!tpu.dma_semaphore, #tpu.memory_space<semaphore_mem>>
        %dma_start3A_445 = arith.constant 9480 : i32
        %dma_start3A_446 = arith.constant 0 : i32
        %dma_start3A_447 = tpu.memref_slice %arg8[%dma_start3A_445, %dma_start3A_446] : memref<10000x128xf32, #tpu.memory_space<vmem_shared>> -> memref<520x128xf32, #tpu.memory_space<vmem_shared>>
        %dma_start3A_448 = arith.constant 9480 : i32
        %dma_start3A_449 = arith.constant 0 : i32
        %dma_start3A_450 = tpu.memref_slice %arg4[%dma_start3A_448, %dma_start3A_449] : memref<10000x128xf32, #tpu.memory_space<hbm>> -> memref<520x128xf32, #tpu.memory_space<hbm>>
        tpu.enqueue_dma source(%dma_start3A_450 : memref<520x128xf32, #tpu.memory_space<hbm>>) target(%dma_start3A_447 : memref<520x128xf32, #tpu.memory_space<vmem_shared>>) target_semaphore(%run_scoped3A : memref<!tpu.dma_semaphore, #tpu.memory_space<semaphore_mem>>)
        %dma_wait3A_451 = arith.constant 9480 : i32
        %dma_wait3A_452 = arith.constant 0 : i32
        %dma_wait3A_453 = tpu.memref_slice %arg8[%dma_wait3A_451, %dma_wait3A_452] : memref<10000x128xf32, #tpu.memory_space<vmem_shared>> -> memref<520x128xf32, #tpu.memory_space<vmem_shared>>
        %dma_wait3A_454 = arith.constant 9480 : i32
        %dma_wait3A_455 = arith.constant 0 : i32
        %dma_wait3A_456 = tpu.memref_slice %arg4[%dma_wait3A_454, %dma_wait3A_455] : memref<10000x128xf32, #tpu.memory_space<hbm>> -> memref<520x128xf32, #tpu.memory_space<hbm>>
        tpu.wait_dma2 semaphore(%run_scoped3A : memref<!tpu.dma_semaphore, #tpu.memory_space<semaphore_mem>>) src(%dma_wait3A_456 : memref<520x128xf32, #tpu.memory_space<hbm>>) dst(%dma_wait3A_453 : memref<520x128xf32, #tpu.memory_space<vmem_shared>>)
        tpu.yield
      }) : () -> ()
    } else {
    }
    %barrier3A = arith.constant 0 : index
    tpu.barrier barrier_id(%barrier3A)
    "tpu.region"() ({
      %run_scoped3A = tpu.sem_alloc : memref<!tpu.dma_semaphore, #tpu.memory_space<semaphore_mem>>
      %dma_start3A_445 = arith.constant 0 : i32
      %dma_start3A_446 = arith.constant 0 : i32
      %dma_start3A_447 = arith.constant 0 : i32
      %dma_start3A_448 = tpu.memref_slice %arg3[%add3A, %dma_start3A_445, %dma_start3A_446, %dma_start3A_447] : memref<32x200x2x50xi32, #tpu.memory_space<hbm>> -> memref<1x100x2x50xi32, #tpu.memory_space<hbm>>
      %dma_start3A_449 = tpu.memref_squeeze %dma_start3A_448 : memref<1x100x2x50xi32, #tpu.memory_space<hbm>> -> memref<100x2x50xi32, #tpu.memory_space<hbm>>
      %dma_start3A_450 = arith.constant 0 : i32
      %dma_start3A_451 = arith.constant 0 : i32
      %dma_start3A_452 = arith.constant 0 : i32
      %dma_start3A_453 = tpu.memref_slice %arg3[%add3A, %dma_start3A_450, %dma_start3A_451, %dma_start3A_452] : memref<32x200x2x50xi32, #tpu.memory_space<hbm>> -> memref<1x100x2x50xi32, #tpu.memory_space<hbm>>
      %dma_start3A_454 = tpu.memref_squeeze %dma_start3A_453 : memref<1x100x2x50xi32, #tpu.memory_space<hbm>> -> memref<100x2x50xi32, #tpu.memory_space<hbm>>
      tpu.enqueue_dma source(%dma_start3A_454 : memref<100x2x50xi32, #tpu.memory_space<hbm>>) target(%arg6 : memref<100x2x50xi32, #tpu.memory_space<vmem>>) target_semaphore(%run_scoped3A : memref<!tpu.dma_semaphore, #tpu.memory_space<semaphore_mem>>)
      %dma_wait3A_455 = arith.constant 0 : i32
      %dma_wait3A_456 = arith.constant 0 : i32
      %dma_wait3A_457 = arith.constant 0 : i32
      %dma_wait3A_458 = tpu.memref_slice %arg3[%add3A, %dma_wait3A_455, %dma_wait3A_456, %dma_wait3A_457] : memref<32x200x2x50xi32, #tpu.memory_space<hbm>> -> memref<1x100x2x50xi32, #tpu.memory_space<hbm>>
      %dma_wait3A_459 = tpu.memref_squeeze %dma_wait3A_458 : memref<1x100x2x50xi32, #tpu.memory_space<hbm>> -> memref<100x2x50xi32, #tpu.memory_space<hbm>>
      %dma_wait3A_460 = arith.constant 0 : i32
      %dma_wait3A_461 = arith.constant 0 : i32
      %dma_wait3A_462 = arith.constant 0 : i32
      %dma_wait3A_463 = tpu.memref_slice %arg3[%add3A, %dma_wait3A_460, %dma_wait3A_461, %dma_wait3A_462] : memref<32x200x2x50xi32, #tpu.memory_space<hbm>> -> memref<1x100x2x50xi32, #tpu.memory_space<hbm>>
      %dma_wait3A_464 = tpu.memref_squeeze %dma_wait3A_463 : memref<1x100x2x50xi32, #tpu.memory_space<hbm>> -> memref<100x2x50xi32, #tpu.memory_space<hbm>>
      tpu.wait_dma2 semaphore(%run_scoped3A : memref<!tpu.dma_semaphore, #tpu.memory_space<semaphore_mem>>) src(%dma_wait3A_464 : memref<100x2x50xi32, #tpu.memory_space<hbm>>) dst(%arg6 : memref<100x2x50xi32, #tpu.memory_space<vmem>>)
      tpu.yield
    }) : () -> ()
    %dma_start3A = arith.constant 0 : i32
    %dma_start3A_7 = arith.constant 0 : i32
    %dma_start3A_8 = arith.constant 0 : i32
    %dma_start3A_9 = arith.constant 0 : i32
    %dma_start3A_10 = arith.constant 0 : i32
    %dma_start3A_11 = tpu.memref_slice %arg7[%dma_start3A_8, %dma_start3A_9, %dma_start3A_10] : memref<4x50x128xf32, #tpu.memory_space<vmem>> -> memref<1x50x128xf32, #tpu.memory_space<vmem>>
    %dma_start3A_12 = tpu.memref_squeeze %dma_start3A_11 : memref<1x50x128xf32, #tpu.memory_space<vmem>> -> memref<50x128xf32, #tpu.memory_space<vmem>>
    %dma_start3A_13 = arith.constant 0 : i32
    %dma_start3A_14 = tpu.memref_slice %arg6[%dma_start3A, %dma_start3A_7, %dma_start3A_13] : memref<100x2x50xi32, #tpu.memory_space<vmem>> -> memref<1x1x50xi32, #tpu.memory_space<vmem>>
    %dma_start3A_15 = tpu.memref_squeeze %dma_start3A_14 : memref<1x1x50xi32, #tpu.memory_space<vmem>> -> memref<50xi32, #tpu.memory_space<vmem>>
    %dma_start3A_16 = arith.constant 0 : i32
    %dma_start3A_17 = arith.constant 0 : i32
    %dma_start3A_18 = tpu.memref_slice %arg2[%dma_start3A_16, %dma_start3A_17] : memref<10000x128xf32, #tpu.memory_space<hbm>> -> memref<10000x128xf32, #tpu.memory_space<hbm>>
    tpu.enqueue_indirect_dma source(%dma_start3A_18 : memref<10000x128xf32, #tpu.memory_space<hbm>>) target(%dma_start3A_12 : memref<50x128xf32, #tpu.memory_space<vmem>>) offsets(%dma_start3A_15 : memref<50xi32, #tpu.memory_space<vmem>>) semaphore(%arg9 : memref<!tpu.dma_semaphore, #tpu.memory_space<semaphore_mem>>)
    %dma_start3A_19 = arith.constant 1 : i32
    %dma_start3A_20 = arith.constant 0 : i32
    %dma_start3A_21 = arith.constant 1 : i32
    %dma_start3A_22 = arith.constant 0 : i32
    %dma_start3A_23 = arith.constant 0 : i32
    %dma_start3A_24 = tpu.memref_slice %arg7[%dma_start3A_21, %dma_start3A_22, %dma_start3A_23] : memref<4x50x128xf32, #tpu.memory_space<vmem>> -> memref<1x50x128xf32, #tpu.memory_space<vmem>>
    %dma_start3A_25 = tpu.memref_squeeze %dma_start3A_24 : memref<1x50x128xf32, #tpu.memory_space<vmem>> -> memref<50x128xf32, #tpu.memory_space<vmem>>
    %dma_start3A_26 = arith.constant 0 : i32
    %dma_start3A_27 = tpu.memref_slice %arg6[%dma_start3A_19, %dma_start3A_20, %dma_start3A_26] : memref<100x2x50xi32, #tpu.memory_space<vmem>> -> memref<1x1x50xi32, #tpu.memory_space<vmem>>
    %dma_start3A_28 = tpu.memref_squeeze %dma_start3A_27 : memref<1x1x50xi32, #tpu.memory_space<vmem>> -> memref<50xi32, #tpu.memory_space<vmem>>
    %dma_start3A_29 = arith.constant 0 : i32
    %dma_start3A_30 = arith.constant 0 : i32
    %dma_start3A_31 = tpu.memref_slice %arg2[%dma_start3A_29, %dma_start3A_30] : memref<10000x128xf32, #tpu.memory_space<hbm>> -> memref<10000x128xf32, #tpu.memory_space<hbm>>
    tpu.enqueue_indirect_dma source(%dma_start3A_31 : memref<10000x128xf32, #tpu.memory_space<hbm>>) target(%dma_start3A_25 : memref<50x128xf32, #tpu.memory_space<vmem>>) offsets(%dma_start3A_28 : memref<50xi32, #tpu.memory_space<vmem>>) semaphore(%arg10 : memref<!tpu.dma_semaphore, #tpu.memory_space<semaphore_mem>>)
    %dma_start3A_32 = arith.constant 2 : i32
    %dma_start3A_33 = arith.constant 0 : i32
    %dma_start3A_34 = arith.constant 2 : i32
    %dma_start3A_35 = arith.constant 0 : i32
    %dma_start3A_36 = arith.constant 0 : i32
    %dma_start3A_37 = tpu.memref_slice %arg7[%dma_start3A_34, %dma_start3A_35, %dma_start3A_36] : memref<4x50x128xf32, #tpu.memory_space<vmem>> -> memref<1x50x128xf32, #tpu.memory_space<vmem>>
    %dma_start3A_38 = tpu.memref_squeeze %dma_start3A_37 : memref<1x50x128xf32, #tpu.memory_space<vmem>> -> memref<50x128xf32, #tpu.memory_space<vmem>>
    %dma_start3A_39 = arith.constant 0 : i32
    %dma_start3A_40 = tpu.memref_slice %arg6[%dma_start3A_32, %dma_start3A_33, %dma_start3A_39] : memref<100x2x50xi32, #tpu.memory_space<vmem>> -> memref<1x1x50xi32, #tpu.memory_space<vmem>>
    %dma_start3A_41 = tpu.memref_squeeze %dma_start3A_40 : memref<1x1x50xi32, #tpu.memory_space<vmem>> -> memref<50xi32, #tpu.memory_space<vmem>>
    %dma_start3A_42 = arith.constant 0 : i32
    %dma_start3A_43 = arith.constant 0 : i32
    %dma_start3A_44 = tpu.memref_slice %arg2[%dma_start3A_42, %dma_start3A_43] : memref<10000x128xf32, #tpu.memory_space<hbm>> -> memref<10000x128xf32, #tpu.memory_space<hbm>>
    tpu.enqueue_indirect_dma source(%dma_start3A_44 : memref<10000x128xf32, #tpu.memory_space<hbm>>) target(%dma_start3A_38 : memref<50x128xf32, #tpu.memory_space<vmem>>) offsets(%dma_start3A_41 : memref<50xi32, #tpu.memory_space<vmem>>) semaphore(%arg11 : memref<!tpu.dma_semaphore, #tpu.memory_space<semaphore_mem>>)
    %dma_start3A_45 = arith.constant 3 : i32
    %dma_start3A_46 = arith.constant 0 : i32
    %dma_start3A_47 = arith.constant 3 : i32
    %dma_start3A_48 = arith.constant 0 : i32
    %dma_start3A_49 = arith.constant 0 : i32
    %dma_start3A_50 = tpu.memref_slice %arg7[%dma_start3A_47, %dma_start3A_48, %dma_start3A_49] : memref<4x50x128xf32, #tpu.memory_space<vmem>> -> memref<1x50x128xf32, #tpu.memory_space<vmem>>
    %dma_start3A_51 = tpu.memref_squeeze %dma_start3A_50 : memref<1x50x128xf32, #tpu.memory_space<vmem>> -> memref<50x128xf32, #tpu.memory_space<vmem>>
    %dma_start3A_52 = arith.constant 0 : i32
    %dma_start3A_53 = tpu.memref_slice %arg6[%dma_start3A_45, %dma_start3A_46, %dma_start3A_52] : memref<100x2x50xi32, #tpu.memory_space<vmem>> -> memref<1x1x50xi32, #tpu.memory_space<vmem>>
    %dma_start3A_54 = tpu.memref_squeeze %dma_start3A_53 : memref<1x1x50xi32, #tpu.memory_space<vmem>> -> memref<50xi32, #tpu.memory_space<vmem>>
    %dma_start3A_55 = arith.constant 0 : i32
    %dma_start3A_56 = arith.constant 0 : i32
    %dma_start3A_57 = tpu.memref_slice %arg2[%dma_start3A_55, %dma_start3A_56] : memref<10000x128xf32, #tpu.memory_space<hbm>> -> memref<10000x128xf32, #tpu.memory_space<hbm>>
    tpu.enqueue_indirect_dma source(%dma_start3A_57 : memref<10000x128xf32, #tpu.memory_space<hbm>>) target(%dma_start3A_51 : memref<50x128xf32, #tpu.memory_space<vmem>>) offsets(%dma_start3A_54 : memref<50xi32, #tpu.memory_space<vmem>>) semaphore(%arg12 : memref<!tpu.dma_semaphore, #tpu.memory_space<semaphore_mem>>)
    %scan3A = arith.constant 0 : i32
    %scan3A_58 = arith.constant 0 : i32
    %scan3A_59 = arith.constant 24 : i32
    %scan3A_60 = arith.addi %scan3A_58, %scan3A_59 : i32
    %scan3A_61 = arith.constant 1 : i32
    %scan3A_62 = scf.for %scan3A_445 = %scan3A_58 to %scan3A_60 step %scan3A_61 iter_args(%scan3A_446 = %scan3A) -> (i32)  : i32 {
      %mul3A_447 = arith.constant 4 : i32
      %mul3A_448 = arith.muli %mul3A_447, %scan3A_445 : i32
      %add3A_449 = arith.constant 0 : i32
      %add3A_450 = arith.addi %mul3A_448, %add3A_449 : i32
      %dma_wait3A_451 = arith.constant 0 : i32
      %dma_wait3A_452 = arith.constant 0 : i32
      %dma_wait3A_453 = arith.constant 0 : i32
      %dma_wait3A_454 = arith.constant 0 : i32
      %dma_wait3A_455 = tpu.memref_slice %arg7[%dma_wait3A_452, %dma_wait3A_453, %dma_wait3A_454] : memref<4x50x128xf32, #tpu.memory_space<vmem>> -> memref<1x50x128xf32, #tpu.memory_space<vmem>>
      %dma_wait3A_456 = tpu.memref_squeeze %dma_wait3A_455 : memref<1x50x128xf32, #tpu.memory_space<vmem>> -> memref<50x128xf32, #tpu.memory_space<vmem>>
      %dma_wait3A_457 = arith.constant 0 : i32
      %dma_wait3A_458 = tpu.memref_slice %arg6[%add3A_450, %dma_wait3A_451, %dma_wait3A_457] : memref<100x2x50xi32, #tpu.memory_space<vmem>> -> memref<1x1x50xi32, #tpu.memory_space<vmem>>
      %dma_wait3A_459 = tpu.memref_squeeze %dma_wait3A_458 : memref<1x1x50xi32, #tpu.memory_space<vmem>> -> memref<50xi32, #tpu.memory_space<vmem>>
      %dma_wait3A_460 = arith.constant 0 : i32
      %dma_wait3A_461 = arith.constant 0 : i32
      %dma_wait3A_462 = tpu.memref_slice %arg2[%dma_wait3A_460, %dma_wait3A_461] : memref<10000x128xf32, #tpu.memory_space<hbm>> -> memref<10000x128xf32, #tpu.memory_space<hbm>>
      tpu.wait_indirect_dma semaphore(%arg9 : memref<!tpu.dma_semaphore, #tpu.memory_space<semaphore_mem>>) src(%dma_wait3A_462 : memref<10000x128xf32, #tpu.memory_space<hbm>>) dst(%dma_wait3A_456 : memref<50x128xf32, #tpu.memory_space<vmem>>)
      %add3A_463 = arith.constant 0 : i32
      %add3A_464 = arith.addi %mul3A_448, %add3A_463 : i32
      %dma_start3A_465 = arith.constant 0 : i32
      %dma_start3A_466 = arith.constant 1 : i32
      %dma_start3A_467 = arith.constant 0 : i32
      %dma_start3A_468 = arith.constant 0 : i32
      %dma_start3A_469 = tpu.memref_slice %arg7[%dma_start3A_465, %dma_start3A_467, %dma_start3A_468] : memref<4x50x128xf32, #tpu.memory_space<vmem>> -> memref<1x50x128xf32, #tpu.memory_space<vmem>>
      %dma_start3A_470 = tpu.memref_squeeze %dma_start3A_469 : memref<1x50x128xf32, #tpu.memory_space<vmem>> -> memref<50x128xf32, #tpu.memory_space<vmem>>
      %dma_start3A_471 = arith.constant 0 : i32
      %dma_start3A_472 = tpu.memref_slice %arg6[%add3A_464, %dma_start3A_466, %dma_start3A_471] : memref<100x2x50xi32, #tpu.memory_space<vmem>> -> memref<1x1x50xi32, #tpu.memory_space<vmem>>
      %dma_start3A_473 = tpu.memref_squeeze %dma_start3A_472 : memref<1x1x50xi32, #tpu.memory_space<vmem>> -> memref<50xi32, #tpu.memory_space<vmem>>
      %dma_start3A_474 = arith.constant 0 : i32
      %dma_start3A_475 = arith.constant 0 : i32
      %dma_start3A_476 = tpu.memref_slice %arg8[%dma_start3A_474, %dma_start3A_475] : memref<10000x128xf32, #tpu.memory_space<vmem_shared>> -> memref<10000x128xf32, #tpu.memory_space<vmem_shared>>
      tpu.enqueue_indirect_dma source(%dma_start3A_470 : memref<50x128xf32, #tpu.memory_space<vmem>>) target(%dma_start3A_476 : memref<10000x128xf32, #tpu.memory_space<vmem_shared>>) offsets(%dma_start3A_473 : memref<50xi32, #tpu.memory_space<vmem>>) semaphore(%arg13 : memref<!tpu.dma_semaphore, #tpu.memory_space<semaphore_mem>>) {add = true}
      %add3A_477 = arith.constant 1 : i32
      %add3A_478 = arith.addi %mul3A_448, %add3A_477 : i32
      %dma_wait3A_479 = arith.constant 0 : i32
      %dma_wait3A_480 = arith.constant 1 : i32
      %dma_wait3A_481 = arith.constant 0 : i32
      %dma_wait3A_482 = arith.constant 0 : i32
      %dma_wait3A_483 = tpu.memref_slice %arg7[%dma_wait3A_480, %dma_wait3A_481, %dma_wait3A_482] : memref<4x50x128xf32, #tpu.memory_space<vmem>> -> memref<1x50x128xf32, #tpu.memory_space<vmem>>
      %dma_wait3A_484 = tpu.memref_squeeze %dma_wait3A_483 : memref<1x50x128xf32, #tpu.memory_space<vmem>> -> memref<50x128xf32, #tpu.memory_space<vmem>>
      %dma_wait3A_485 = arith.constant 0 : i32
      %dma_wait3A_486 = tpu.memref_slice %arg6[%add3A_478, %dma_wait3A_479, %dma_wait3A_485] : memref<100x2x50xi32, #tpu.memory_space<vmem>> -> memref<1x1x50xi32, #tpu.memory_space<vmem>>
      %dma_wait3A_487 = tpu.memref_squeeze %dma_wait3A_486 : memref<1x1x50xi32, #tpu.memory_space<vmem>> -> memref<50xi32, #tpu.memory_space<vmem>>
      %dma_wait3A_488 = arith.constant 0 : i32
      %dma_wait3A_489 = arith.constant 0 : i32
      %dma_wait3A_490 = tpu.memref_slice %arg2[%dma_wait3A_488, %dma_wait3A_489] : memref<10000x128xf32, #tpu.memory_space<hbm>> -> memref<10000x128xf32, #tpu.memory_space<hbm>>
      tpu.wait_indirect_dma semaphore(%arg10 : memref<!tpu.dma_semaphore, #tpu.memory_space<semaphore_mem>>) src(%dma_wait3A_490 : memref<10000x128xf32, #tpu.memory_space<hbm>>) dst(%dma_wait3A_484 : memref<50x128xf32, #tpu.memory_space<vmem>>)
      %add3A_491 = arith.constant 1 : i32
      %add3A_492 = arith.addi %mul3A_448, %add3A_491 : i32
      %dma_start3A_493 = arith.constant 1 : i32
      %dma_start3A_494 = arith.constant 1 : i32
      %dma_start3A_495 = arith.constant 0 : i32
      %dma_start3A_496 = arith.constant 0 : i32
      %dma_start3A_497 = tpu.memref_slice %arg7[%dma_start3A_493, %dma_start3A_495, %dma_start3A_496] : memref<4x50x128xf32, #tpu.memory_space<vmem>> -> memref<1x50x128xf32, #tpu.memory_space<vmem>>
      %dma_start3A_498 = tpu.memref_squeeze %dma_start3A_497 : memref<1x50x128xf32, #tpu.memory_space<vmem>> -> memref<50x128xf32, #tpu.memory_space<vmem>>
      %dma_start3A_499 = arith.constant 0 : i32
      %dma_start3A_500 = tpu.memref_slice %arg6[%add3A_492, %dma_start3A_494, %dma_start3A_499] : memref<100x2x50xi32, #tpu.memory_space<vmem>> -> memref<1x1x50xi32, #tpu.memory_space<vmem>>
      %dma_start3A_501 = tpu.memref_squeeze %dma_start3A_500 : memref<1x1x50xi32, #tpu.memory_space<vmem>> -> memref<50xi32, #tpu.memory_space<vmem>>
      %dma_start3A_502 = arith.constant 0 : i32
      %dma_start3A_503 = arith.constant 0 : i32
      %dma_start3A_504 = tpu.memref_slice %arg8[%dma_start3A_502, %dma_start3A_503] : memref<10000x128xf32, #tpu.memory_space<vmem_shared>> -> memref<10000x128xf32, #tpu.memory_space<vmem_shared>>
      tpu.enqueue_indirect_dma source(%dma_start3A_498 : memref<50x128xf32, #tpu.memory_space<vmem>>) target(%dma_start3A_504 : memref<10000x128xf32, #tpu.memory_space<vmem_shared>>) offsets(%dma_start3A_501 : memref<50xi32, #tpu.memory_space<vmem>>) semaphore(%arg14 : memref<!tpu.dma_semaphore, #tpu.memory_space<semaphore_mem>>) {add = true}
      %add3A_505 = arith.constant 2 : i32
      %add3A_506 = arith.addi %mul3A_448, %add3A_505 : i32
      %dma_wait3A_507 = arith.constant 0 : i32
      %dma_wait3A_508 = arith.constant 2 : i32
      %dma_wait3A_509 = arith.constant 0 : i32
      %dma_wait3A_510 = arith.constant 0 : i32
      %dma_wait3A_511 = tpu.memref_slice %arg7[%dma_wait3A_508, %dma_wait3A_509, %dma_wait3A_510] : memref<4x50x128xf32, #tpu.memory_space<vmem>> -> memref<1x50x128xf32, #tpu.memory_space<vmem>>
      %dma_wait3A_512 = tpu.memref_squeeze %dma_wait3A_511 : memref<1x50x128xf32, #tpu.memory_space<vmem>> -> memref<50x128xf32, #tpu.memory_space<vmem>>
      %dma_wait3A_513 = arith.constant 0 : i32
      %dma_wait3A_514 = tpu.memref_slice %arg6[%add3A_506, %dma_wait3A_507, %dma_wait3A_513] : memref<100x2x50xi32, #tpu.memory_space<vmem>> -> memref<1x1x50xi32, #tpu.memory_space<vmem>>
      %dma_wait3A_515 = tpu.memref_squeeze %dma_wait3A_514 : memref<1x1x50xi32, #tpu.memory_space<vmem>> -> memref<50xi32, #tpu.memory_space<vmem>>
      %dma_wait3A_516 = arith.constant 0 : i32
      %dma_wait3A_517 = arith.constant 0 : i32
      %dma_wait3A_518 = tpu.memref_slice %arg2[%dma_wait3A_516, %dma_wait3A_517] : memref<10000x128xf32, #tpu.memory_space<hbm>> -> memref<10000x128xf32, #tpu.memory_space<hbm>>
      tpu.wait_indirect_dma semaphore(%arg11 : memref<!tpu.dma_semaphore, #tpu.memory_space<semaphore_mem>>) src(%dma_wait3A_518 : memref<10000x128xf32, #tpu.memory_space<hbm>>) dst(%dma_wait3A_512 : memref<50x128xf32, #tpu.memory_space<vmem>>)
      %add3A_519 = arith.constant 2 : i32
      %add3A_520 = arith.addi %mul3A_448, %add3A_519 : i32
      %dma_start3A_521 = arith.constant 2 : i32
      %dma_start3A_522 = arith.constant 1 : i32
      %dma_start3A_523 = arith.constant 0 : i32
      %dma_start3A_524 = arith.constant 0 : i32
      %dma_start3A_525 = tpu.memref_slice %arg7[%dma_start3A_521, %dma_start3A_523, %dma_start3A_524] : memref<4x50x128xf32, #tpu.memory_space<vmem>> -> memref<1x50x128xf32, #tpu.memory_space<vmem>>
      %dma_start3A_526 = tpu.memref_squeeze %dma_start3A_525 : memref<1x50x128xf32, #tpu.memory_space<vmem>> -> memref<50x128xf32, #tpu.memory_space<vmem>>
      %dma_start3A_527 = arith.constant 0 : i32
      %dma_start3A_528 = tpu.memref_slice %arg6[%add3A_520, %dma_start3A_522, %dma_start3A_527] : memref<100x2x50xi32, #tpu.memory_space<vmem>> -> memref<1x1x50xi32, #tpu.memory_space<vmem>>
      %dma_start3A_529 = tpu.memref_squeeze %dma_start3A_528 : memref<1x1x50xi32, #tpu.memory_space<vmem>> -> memref<50xi32, #tpu.memory_space<vmem>>
      %dma_start3A_530 = arith.constant 0 : i32
      %dma_start3A_531 = arith.constant 0 : i32
      %dma_start3A_532 = tpu.memref_slice %arg8[%dma_start3A_530, %dma_start3A_531] : memref<10000x128xf32, #tpu.memory_space<vmem_shared>> -> memref<10000x128xf32, #tpu.memory_space<vmem_shared>>
      tpu.enqueue_indirect_dma source(%dma_start3A_526 : memref<50x128xf32, #tpu.memory_space<vmem>>) target(%dma_start3A_532 : memref<10000x128xf32, #tpu.memory_space<vmem_shared>>) offsets(%dma_start3A_529 : memref<50xi32, #tpu.memory_space<vmem>>) semaphore(%arg15 : memref<!tpu.dma_semaphore, #tpu.memory_space<semaphore_mem>>) {add = true}
      %add3A_533 = arith.constant 3 : i32
      %add3A_534 = arith.addi %mul3A_448, %add3A_533 : i32
      %dma_wait3A_535 = arith.constant 0 : i32
      %dma_wait3A_536 = arith.constant 3 : i32
      %dma_wait3A_537 = arith.constant 0 : i32
      %dma_wait3A_538 = arith.constant 0 : i32
      %dma_wait3A_539 = tpu.memref_slice %arg7[%dma_wait3A_536, %dma_wait3A_537, %dma_wait3A_538] : memref<4x50x128xf32, #tpu.memory_space<vmem>> -> memref<1x50x128xf32, #tpu.memory_space<vmem>>
      %dma_wait3A_540 = tpu.memref_squeeze %dma_wait3A_539 : memref<1x50x128xf32, #tpu.memory_space<vmem>> -> memref<50x128xf32, #tpu.memory_space<vmem>>
      %dma_wait3A_541 = arith.constant 0 : i32
      %dma_wait3A_542 = tpu.memref_slice %arg6[%add3A_534, %dma_wait3A_535, %dma_wait3A_541] : memref<100x2x50xi32, #tpu.memory_space<vmem>> -> memref<1x1x50xi32, #tpu.memory_space<vmem>>
      %dma_wait3A_543 = tpu.memref_squeeze %dma_wait3A_542 : memref<1x1x50xi32, #tpu.memory_space<vmem>> -> memref<50xi32, #tpu.memory_space<vmem>>
      %dma_wait3A_544 = arith.constant 0 : i32
      %dma_wait3A_545 = arith.constant 0 : i32
      %dma_wait3A_546 = tpu.memref_slice %arg2[%dma_wait3A_544, %dma_wait3A_545] : memref<10000x128xf32, #tpu.memory_space<hbm>> -> memref<10000x128xf32, #tpu.memory_space<hbm>>
      tpu.wait_indirect_dma semaphore(%arg12 : memref<!tpu.dma_semaphore, #tpu.memory_space<semaphore_mem>>) src(%dma_wait3A_546 : memref<10000x128xf32, #tpu.memory_space<hbm>>) dst(%dma_wait3A_540 : memref<50x128xf32, #tpu.memory_space<vmem>>)
      %add3A_547 = arith.constant 3 : i32
      %add3A_548 = arith.addi %mul3A_448, %add3A_547 : i32
      %dma_start3A_549 = arith.constant 3 : i32
      %dma_start3A_550 = arith.constant 1 : i32
      %dma_start3A_551 = arith.constant 0 : i32
      %dma_start3A_552 = arith.constant 0 : i32
      %dma_start3A_553 = tpu.memref_slice %arg7[%dma_start3A_549, %dma_start3A_551, %dma_start3A_552] : memref<4x50x128xf32, #tpu.memory_space<vmem>> -> memref<1x50x128xf32, #tpu.memory_space<vmem>>
      %dma_start3A_554 = tpu.memref_squeeze %dma_start3A_553 : memref<1x50x128xf32, #tpu.memory_space<vmem>> -> memref<50x128xf32, #tpu.memory_space<vmem>>
      %dma_start3A_555 = arith.constant 0 : i32
      %dma_start3A_556 = tpu.memref_slice %arg6[%add3A_548, %dma_start3A_550, %dma_start3A_555] : memref<100x2x50xi32, #tpu.memory_space<vmem>> -> memref<1x1x50xi32, #tpu.memory_space<vmem>>
      %dma_start3A_557 = tpu.memref_squeeze %dma_start3A_556 : memref<1x1x50xi32, #tpu.memory_space<vmem>> -> memref<50xi32, #tpu.memory_space<vmem>>
      %dma_start3A_558 = arith.constant 0 : i32
      %dma_start3A_559 = arith.constant 0 : i32
      %dma_start3A_560 = tpu.memref_slice %arg8[%dma_start3A_558, %dma_start3A_559] : memref<10000x128xf32, #tpu.memory_space<vmem_shared>> -> memref<10000x128xf32, #tpu.memory_space<vmem_shared>>
      tpu.enqueue_indirect_dma source(%dma_start3A_554 : memref<50x128xf32, #tpu.memory_space<vmem>>) target(%dma_start3A_560 : memref<10000x128xf32, #tpu.memory_space<vmem_shared>>) offsets(%dma_start3A_557 : memref<50xi32, #tpu.memory_space<vmem>>) semaphore(%arg16 : memref<!tpu.dma_semaphore, #tpu.memory_space<semaphore_mem>>) {add = true}
      %add3A_561 = arith.constant 0 : i32
      %add3A_562 = arith.addi %mul3A_448, %add3A_561 : i32
      %dma_wait3A_563 = arith.constant 0 : i32
      %dma_wait3A_564 = arith.constant 1 : i32
      %dma_wait3A_565 = arith.constant 0 : i32
      %dma_wait3A_566 = arith.constant 0 : i32
      %dma_wait3A_567 = tpu.memref_slice %arg7[%dma_wait3A_563, %dma_wait3A_565, %dma_wait3A_566] : memref<4x50x128xf32, #tpu.memory_space<vmem>> -> memref<1x50x128xf32, #tpu.memory_space<vmem>>
      %dma_wait3A_568 = tpu.memref_squeeze %dma_wait3A_567 : memref<1x50x128xf32, #tpu.memory_space<vmem>> -> memref<50x128xf32, #tpu.memory_space<vmem>>
      %dma_wait3A_569 = arith.constant 0 : i32
      %dma_wait3A_570 = tpu.memref_slice %arg6[%add3A_562, %dma_wait3A_564, %dma_wait3A_569] : memref<100x2x50xi32, #tpu.memory_space<vmem>> -> memref<1x1x50xi32, #tpu.memory_space<vmem>>
      %dma_wait3A_571 = tpu.memref_squeeze %dma_wait3A_570 : memref<1x1x50xi32, #tpu.memory_space<vmem>> -> memref<50xi32, #tpu.memory_space<vmem>>
      %dma_wait3A_572 = arith.constant 0 : i32
      %dma_wait3A_573 = arith.constant 0 : i32
      %dma_wait3A_574 = tpu.memref_slice %arg8[%dma_wait3A_572, %dma_wait3A_573] : memref<10000x128xf32, #tpu.memory_space<vmem_shared>> -> memref<10000x128xf32, #tpu.memory_space<vmem_shared>>
      tpu.wait_indirect_dma semaphore(%arg13 : memref<!tpu.dma_semaphore, #tpu.memory_space<semaphore_mem>>) src(%dma_wait3A_568 : memref<50x128xf32, #tpu.memory_space<vmem>>) dst(%dma_wait3A_574 : memref<10000x128xf32, #tpu.memory_space<vmem_shared>>)
      %add3A_575 = arith.constant 4 : i32
      %add3A_576 = arith.addi %mul3A_448, %add3A_575 : i32
      %add3A_577 = arith.constant 0 : i32
      %add3A_578 = arith.addi %add3A_576, %add3A_577 : i32
      %dma_start3A_579 = arith.constant 0 : i32
      %dma_start3A_580 = arith.constant 0 : i32
      %dma_start3A_581 = arith.constant 0 : i32
      %dma_start3A_582 = arith.constant 0 : i32
      %dma_start3A_583 = tpu.memref_slice %arg7[%dma_start3A_580, %dma_start3A_581, %dma_start3A_582] : memref<4x50x128xf32, #tpu.memory_space<vmem>> -> memref<1x50x128xf32, #tpu.memory_space<vmem>>
      %dma_start3A_584 = tpu.memref_squeeze %dma_start3A_583 : memref<1x50x128xf32, #tpu.memory_space<vmem>> -> memref<50x128xf32, #tpu.memory_space<vmem>>
      %dma_start3A_585 = arith.constant 0 : i32
      %dma_start3A_586 = tpu.memref_slice %arg6[%add3A_578, %dma_start3A_579, %dma_start3A_585] : memref<100x2x50xi32, #tpu.memory_space<vmem>> -> memref<1x1x50xi32, #tpu.memory_space<vmem>>
      %dma_start3A_587 = tpu.memref_squeeze %dma_start3A_586 : memref<1x1x50xi32, #tpu.memory_space<vmem>> -> memref<50xi32, #tpu.memory_space<vmem>>
      %dma_start3A_588 = arith.constant 0 : i32
      %dma_start3A_589 = arith.constant 0 : i32
      %dma_start3A_590 = tpu.memref_slice %arg2[%dma_start3A_588, %dma_start3A_589] : memref<10000x128xf32, #tpu.memory_space<hbm>> -> memref<10000x128xf32, #tpu.memory_space<hbm>>
      tpu.enqueue_indirect_dma source(%dma_start3A_590 : memref<10000x128xf32, #tpu.memory_space<hbm>>) target(%dma_start3A_584 : memref<50x128xf32, #tpu.memory_space<vmem>>) offsets(%dma_start3A_587 : memref<50xi32, #tpu.memory_space<vmem>>) semaphore(%arg9 : memref<!tpu.dma_semaphore, #tpu.memory_space<semaphore_mem>>)
      %add3A_591 = arith.constant 1 : i32
      %add3A_592 = arith.addi %mul3A_448, %add3A_591 : i32
      %dma_wait3A_593 = arith.constant 1 : i32
      %dma_wait3A_594 = arith.constant 1 : i32
      %dma_wait3A_595 = arith.constant 0 : i32
      %dma_wait3A_596 = arith.constant 0 : i32
      %dma_wait3A_597 = tpu.memref_slice %arg7[%dma_wait3A_593, %dma_wait3A_595, %dma_wait3A_596] : memref<4x50x128xf32, #tpu.memory_space<vmem>> -> memref<1x50x128xf32, #tpu.memory_space<vmem>>
      %dma_wait3A_598 = tpu.memref_squeeze %dma_wait3A_597 : memref<1x50x128xf32, #tpu.memory_space<vmem>> -> memref<50x128xf32, #tpu.memory_space<vmem>>
      %dma_wait3A_599 = arith.constant 0 : i32
      %dma_wait3A_600 = tpu.memref_slice %arg6[%add3A_592, %dma_wait3A_594, %dma_wait3A_599] : memref<100x2x50xi32, #tpu.memory_space<vmem>> -> memref<1x1x50xi32, #tpu.memory_space<vmem>>
      %dma_wait3A_601 = tpu.memref_squeeze %dma_wait3A_600 : memref<1x1x50xi32, #tpu.memory_space<vmem>> -> memref<50xi32, #tpu.memory_space<vmem>>
      %dma_wait3A_602 = arith.constant 0 : i32
      %dma_wait3A_603 = arith.constant 0 : i32
      %dma_wait3A_604 = tpu.memref_slice %arg8[%dma_wait3A_602, %dma_wait3A_603] : memref<10000x128xf32, #tpu.memory_space<vmem_shared>> -> memref<10000x128xf32, #tpu.memory_space<vmem_shared>>
      tpu.wait_indirect_dma semaphore(%arg14 : memref<!tpu.dma_semaphore, #tpu.memory_space<semaphore_mem>>) src(%dma_wait3A_598 : memref<50x128xf32, #tpu.memory_space<vmem>>) dst(%dma_wait3A_604 : memref<10000x128xf32, #tpu.memory_space<vmem_shared>>)
      %add3A_605 = arith.constant 4 : i32
      %add3A_606 = arith.addi %mul3A_448, %add3A_605 : i32
      %add3A_607 = arith.constant 1 : i32
      %add3A_608 = arith.addi %add3A_606, %add3A_607 : i32
      %dma_start3A_609 = arith.constant 0 : i32
      %dma_start3A_610 = arith.constant 1 : i32
      %dma_start3A_611 = arith.constant 0 : i32
      %dma_start3A_612 = arith.constant 0 : i32
      %dma_start3A_613 = tpu.memref_slice %arg7[%dma_start3A_610, %dma_start3A_611, %dma_start3A_612] : memref<4x50x128xf32, #tpu.memory_space<vmem>> -> memref<1x50x128xf32, #tpu.memory_space<vmem>>
      %dma_start3A_614 = tpu.memref_squeeze %dma_start3A_613 : memref<1x50x128xf32, #tpu.memory_space<vmem>> -> memref<50x128xf32, #tpu.memory_space<vmem>>
      %dma_start3A_615 = arith.constant 0 : i32
      %dma_start3A_616 = tpu.memref_slice %arg6[%add3A_608, %dma_start3A_609, %dma_start3A_615] : memref<100x2x50xi32, #tpu.memory_space<vmem>> -> memref<1x1x50xi32, #tpu.memory_space<vmem>>
      %dma_start3A_617 = tpu.memref_squeeze %dma_start3A_616 : memref<1x1x50xi32, #tpu.memory_space<vmem>> -> memref<50xi32, #tpu.memory_space<vmem>>
      %dma_start3A_618 = arith.constant 0 : i32
      %dma_start3A_619 = arith.constant 0 : i32
      %dma_start3A_620 = tpu.memref_slice %arg2[%dma_start3A_618, %dma_start3A_619] : memref<10000x128xf32, #tpu.memory_space<hbm>> -> memref<10000x128xf32, #tpu.memory_space<hbm>>
      tpu.enqueue_indirect_dma source(%dma_start3A_620 : memref<10000x128xf32, #tpu.memory_space<hbm>>) target(%dma_start3A_614 : memref<50x128xf32, #tpu.memory_space<vmem>>) offsets(%dma_start3A_617 : memref<50xi32, #tpu.memory_space<vmem>>) semaphore(%arg10 : memref<!tpu.dma_semaphore, #tpu.memory_space<semaphore_mem>>)
      %add3A_621 = arith.constant 2 : i32
      %add3A_622 = arith.addi %mul3A_448, %add3A_621 : i32
      %dma_wait3A_623 = arith.constant 2 : i32
      %dma_wait3A_624 = arith.constant 1 : i32
      %dma_wait3A_625 = arith.constant 0 : i32
      %dma_wait3A_626 = arith.constant 0 : i32
      %dma_wait3A_627 = tpu.memref_slice %arg7[%dma_wait3A_623, %dma_wait3A_625, %dma_wait3A_626] : memref<4x50x128xf32, #tpu.memory_space<vmem>> -> memref<1x50x128xf32, #tpu.memory_space<vmem>>
      %dma_wait3A_628 = tpu.memref_squeeze %dma_wait3A_627 : memref<1x50x128xf32, #tpu.memory_space<vmem>> -> memref<50x128xf32, #tpu.memory_space<vmem>>
      %dma_wait3A_629 = arith.constant 0 : i32
      %dma_wait3A_630 = tpu.memref_slice %arg6[%add3A_622, %dma_wait3A_624, %dma_wait3A_629] : memref<100x2x50xi32, #tpu.memory_space<vmem>> -> memref<1x1x50xi32, #tpu.memory_space<vmem>>
      %dma_wait3A_631 = tpu.memref_squeeze %dma_wait3A_630 : memref<1x1x50xi32, #tpu.memory_space<vmem>> -> memref<50xi32, #tpu.memory_space<vmem>>
      %dma_wait3A_632 = arith.constant 0 : i32
      %dma_wait3A_633 = arith.constant 0 : i32
      %dma_wait3A_634 = tpu.memref_slice %arg8[%dma_wait3A_632, %dma_wait3A_633] : memref<10000x128xf32, #tpu.memory_space<vmem_shared>> -> memref<10000x128xf32, #tpu.memory_space<vmem_shared>>
      tpu.wait_indirect_dma semaphore(%arg15 : memref<!tpu.dma_semaphore, #tpu.memory_space<semaphore_mem>>) src(%dma_wait3A_628 : memref<50x128xf32, #tpu.memory_space<vmem>>) dst(%dma_wait3A_634 : memref<10000x128xf32, #tpu.memory_space<vmem_shared>>)
      %add3A_635 = arith.constant 4 : i32
      %add3A_636 = arith.addi %mul3A_448, %add3A_635 : i32
      %add3A_637 = arith.constant 2 : i32
      %add3A_638 = arith.addi %add3A_636, %add3A_637 : i32
      %dma_start3A_639 = arith.constant 0 : i32
      %dma_start3A_640 = arith.constant 2 : i32
      %dma_start3A_641 = arith.constant 0 : i32
      %dma_start3A_642 = arith.constant 0 : i32
      %dma_start3A_643 = tpu.memref_slice %arg7[%dma_start3A_640, %dma_start3A_641, %dma_start3A_642] : memref<4x50x128xf32, #tpu.memory_space<vmem>> -> memref<1x50x128xf32, #tpu.memory_space<vmem>>
      %dma_start3A_644 = tpu.memref_squeeze %dma_start3A_643 : memref<1x50x128xf32, #tpu.memory_space<vmem>> -> memref<50x128xf32, #tpu.memory_space<vmem>>
      %dma_start3A_645 = arith.constant 0 : i32
      %dma_start3A_646 = tpu.memref_slice %arg6[%add3A_638, %dma_start3A_639, %dma_start3A_645] : memref<100x2x50xi32, #tpu.memory_space<vmem>> -> memref<1x1x50xi32, #tpu.memory_space<vmem>>
      %dma_start3A_647 = tpu.memref_squeeze %dma_start3A_646 : memref<1x1x50xi32, #tpu.memory_space<vmem>> -> memref<50xi32, #tpu.memory_space<vmem>>
      %dma_start3A_648 = arith.constant 0 : i32
      %dma_start3A_649 = arith.constant 0 : i32
      %dma_start3A_650 = tpu.memref_slice %arg2[%dma_start3A_648, %dma_start3A_649] : memref<10000x128xf32, #tpu.memory_space<hbm>> -> memref<10000x128xf32, #tpu.memory_space<hbm>>
      tpu.enqueue_indirect_dma source(%dma_start3A_650 : memref<10000x128xf32, #tpu.memory_space<hbm>>) target(%dma_start3A_644 : memref<50x128xf32, #tpu.memory_space<vmem>>) offsets(%dma_start3A_647 : memref<50xi32, #tpu.memory_space<vmem>>) semaphore(%arg11 : memref<!tpu.dma_semaphore, #tpu.memory_space<semaphore_mem>>)
      %add3A_651 = arith.constant 3 : i32
      %add3A_652 = arith.addi %mul3A_448, %add3A_651 : i32
      %dma_wait3A_653 = arith.constant 3 : i32
      %dma_wait3A_654 = arith.constant 1 : i32
      %dma_wait3A_655 = arith.constant 0 : i32
      %dma_wait3A_656 = arith.constant 0 : i32
      %dma_wait3A_657 = tpu.memref_slice %arg7[%dma_wait3A_653, %dma_wait3A_655, %dma_wait3A_656] : memref<4x50x128xf32, #tpu.memory_space<vmem>> -> memref<1x50x128xf32, #tpu.memory_space<vmem>>
      %dma_wait3A_658 = tpu.memref_squeeze %dma_wait3A_657 : memref<1x50x128xf32, #tpu.memory_space<vmem>> -> memref<50x128xf32, #tpu.memory_space<vmem>>
      %dma_wait3A_659 = arith.constant 0 : i32
      %dma_wait3A_660 = tpu.memref_slice %arg6[%add3A_652, %dma_wait3A_654, %dma_wait3A_659] : memref<100x2x50xi32, #tpu.memory_space<vmem>> -> memref<1x1x50xi32, #tpu.memory_space<vmem>>
      %dma_wait3A_661 = tpu.memref_squeeze %dma_wait3A_660 : memref<1x1x50xi32, #tpu.memory_space<vmem>> -> memref<50xi32, #tpu.memory_space<vmem>>
      %dma_wait3A_662 = arith.constant 0 : i32
      %dma_wait3A_663 = arith.constant 0 : i32
      %dma_wait3A_664 = tpu.memref_slice %arg8[%dma_wait3A_662, %dma_wait3A_663] : memref<10000x128xf32, #tpu.memory_space<vmem_shared>> -> memref<10000x128xf32, #tpu.memory_space<vmem_shared>>
      tpu.wait_indirect_dma semaphore(%arg16 : memref<!tpu.dma_semaphore, #tpu.memory_space<semaphore_mem>>) src(%dma_wait3A_658 : memref<50x128xf32, #tpu.memory_space<vmem>>) dst(%dma_wait3A_664 : memref<10000x128xf32, #tpu.memory_space<vmem_shared>>)
      %add3A_665 = arith.constant 4 : i32
      %add3A_666 = arith.addi %mul3A_448, %add3A_665 : i32
      %add3A_667 = arith.constant 3 : i32
      %add3A_668 = arith.addi %add3A_666, %add3A_667 : i32
      %dma_start3A_669 = arith.constant 0 : i32
      %dma_start3A_670 = arith.constant 3 : i32
      %dma_start3A_671 = arith.constant 0 : i32
      %dma_start3A_672 = arith.constant 0 : i32
      %dma_start3A_673 = tpu.memref_slice %arg7[%dma_start3A_670, %dma_start3A_671, %dma_start3A_672] : memref<4x50x128xf32, #tpu.memory_space<vmem>> -> memref<1x50x128xf32, #tpu.memory_space<vmem>>
      %dma_start3A_674 = tpu.memref_squeeze %dma_start3A_673 : memref<1x50x128xf32, #tpu.memory_space<vmem>> -> memref<50x128xf32, #tpu.memory_space<vmem>>
      %dma_start3A_675 = arith.constant 0 : i32
      %dma_start3A_676 = tpu.memref_slice %arg6[%add3A_668, %dma_start3A_669, %dma_start3A_675] : memref<100x2x50xi32, #tpu.memory_space<vmem>> -> memref<1x1x50xi32, #tpu.memory_space<vmem>>
      %dma_start3A_677 = tpu.memref_squeeze %dma_start3A_676 : memref<1x1x50xi32, #tpu.memory_space<vmem>> -> memref<50xi32, #tpu.memory_space<vmem>>
      %dma_start3A_678 = arith.constant 0 : i32
      %dma_start3A_679 = arith.constant 0 : i32
      %dma_start3A_680 = tpu.memref_slice %arg2[%dma_start3A_678, %dma_start3A_679] : memref<10000x128xf32, #tpu.memory_space<hbm>> -> memref<10000x128xf32, #tpu.memory_space<hbm>>
      tpu.enqueue_indirect_dma source(%dma_start3A_680 : memref<10000x128xf32, #tpu.memory_space<hbm>>) target(%dma_start3A_674 : memref<50x128xf32, #tpu.memory_space<vmem>>) offsets(%dma_start3A_677 : memref<50xi32, #tpu.memory_space<vmem>>) semaphore(%arg12 : memref<!tpu.dma_semaphore, #tpu.memory_space<semaphore_mem>>)
      %scan3A_681 = arith.constant 0 : i32
      scf.yield %scan3A_681 : i32
    }
    %scan3A_63 = arith.constant 24 : i32
    %dma_wait3A = arith.constant 96 : i32
    %dma_wait3A_64 = arith.constant 0 : i32
    %dma_wait3A_65 = arith.constant 0 : i32
    %dma_wait3A_66 = arith.constant 0 : i32
    %dma_wait3A_67 = arith.constant 0 : i32
    %dma_wait3A_68 = tpu.memref_slice %arg7[%dma_wait3A_65, %dma_wait3A_66, %dma_wait3A_67] : memref<4x50x128xf32, #tpu.memory_space<vmem>> -> memref<1x50x128xf32, #tpu.memory_space<vmem>>
    %dma_wait3A_69 = tpu.memref_squeeze %dma_wait3A_68 : memref<1x50x128xf32, #tpu.memory_space<vmem>> -> memref<50x128xf32, #tpu.memory_space<vmem>>
    %dma_wait3A_70 = arith.constant 0 : i32
    %dma_wait3A_71 = tpu.memref_slice %arg6[%dma_wait3A, %dma_wait3A_64, %dma_wait3A_70] : memref<100x2x50xi32, #tpu.memory_space<vmem>> -> memref<1x1x50xi32, #tpu.memory_space<vmem>>
    %dma_wait3A_72 = tpu.memref_squeeze %dma_wait3A_71 : memref<1x1x50xi32, #tpu.memory_space<vmem>> -> memref<50xi32, #tpu.memory_space<vmem>>
    %dma_wait3A_73 = arith.constant 0 : i32
    %dma_wait3A_74 = arith.constant 0 : i32
    %dma_wait3A_75 = tpu.memref_slice %arg2[%dma_wait3A_73, %dma_wait3A_74] : memref<10000x128xf32, #tpu.memory_space<hbm>> -> memref<10000x128xf32, #tpu.memory_space<hbm>>
    tpu.wait_indirect_dma semaphore(%arg9 : memref<!tpu.dma_semaphore, #tpu.memory_space<semaphore_mem>>) src(%dma_wait3A_75 : memref<10000x128xf32, #tpu.memory_space<hbm>>) dst(%dma_wait3A_69 : memref<50x128xf32, #tpu.memory_space<vmem>>)
    %dma_start3A_76 = arith.constant 0 : i32
    %dma_start3A_77 = arith.constant 96 : i32
    %dma_start3A_78 = arith.constant 1 : i32
    %dma_start3A_79 = arith.constant 0 : i32
    %dma_start3A_80 = arith.constant 0 : i32
    %dma_start3A_81 = tpu.memref_slice %arg7[%dma_start3A_76, %dma_start3A_79, %dma_start3A_80] : memref<4x50x128xf32, #tpu.memory_space<vmem>> -> memref<1x50x128xf32, #tpu.memory_space<vmem>>
    %dma_start3A_82 = tpu.memref_squeeze %dma_start3A_81 : memref<1x50x128xf32, #tpu.memory_space<vmem>> -> memref<50x128xf32, #tpu.memory_space<vmem>>
    %dma_start3A_83 = arith.constant 0 : i32
    %dma_start3A_84 = tpu.memref_slice %arg6[%dma_start3A_77, %dma_start3A_78, %dma_start3A_83] : memref<100x2x50xi32, #tpu.memory_space<vmem>> -> memref<1x1x50xi32, #tpu.memory_space<vmem>>
    %dma_start3A_85 = tpu.memref_squeeze %dma_start3A_84 : memref<1x1x50xi32, #tpu.memory_space<vmem>> -> memref<50xi32, #tpu.memory_space<vmem>>
    %dma_start3A_86 = arith.constant 0 : i32
    %dma_start3A_87 = arith.constant 0 : i32
    %dma_start3A_88 = tpu.memref_slice %arg8[%dma_start3A_86, %dma_start3A_87] : memref<10000x128xf32, #tpu.memory_space<vmem_shared>> -> memref<10000x128xf32, #tpu.memory_space<vmem_shared>>
    tpu.enqueue_indirect_dma source(%dma_start3A_82 : memref<50x128xf32, #tpu.memory_space<vmem>>) target(%dma_start3A_88 : memref<10000x128xf32, #tpu.memory_space<vmem_shared>>) offsets(%dma_start3A_85 : memref<50xi32, #tpu.memory_space<vmem>>) semaphore(%arg13 : memref<!tpu.dma_semaphore, #tpu.memory_space<semaphore_mem>>) {add = true}
    %dma_wait3A_89 = arith.constant 97 : i32
    %dma_wait3A_90 = arith.constant 0 : i32
    %dma_wait3A_91 = arith.constant 1 : i32
    %dma_wait3A_92 = arith.constant 0 : i32
    %dma_wait3A_93 = arith.constant 0 : i32
    %dma_wait3A_94 = tpu.memref_slice %arg7[%dma_wait3A_91, %dma_wait3A_92, %dma_wait3A_93] : memref<4x50x128xf32, #tpu.memory_space<vmem>> -> memref<1x50x128xf32, #tpu.memory_space<vmem>>
    %dma_wait3A_95 = tpu.memref_squeeze %dma_wait3A_94 : memref<1x50x128xf32, #tpu.memory_space<vmem>> -> memref<50x128xf32, #tpu.memory_space<vmem>>
    %dma_wait3A_96 = arith.constant 0 : i32
    %dma_wait3A_97 = tpu.memref_slice %arg6[%dma_wait3A_89, %dma_wait3A_90, %dma_wait3A_96] : memref<100x2x50xi32, #tpu.memory_space<vmem>> -> memref<1x1x50xi32, #tpu.memory_space<vmem>>
    %dma_wait3A_98 = tpu.memref_squeeze %dma_wait3A_97 : memref<1x1x50xi32, #tpu.memory_space<vmem>> -> memref<50xi32, #tpu.memory_space<vmem>>
    %dma_wait3A_99 = arith.constant 0 : i32
    %dma_wait3A_100 = arith.constant 0 : i32
    %dma_wait3A_101 = tpu.memref_slice %arg2[%dma_wait3A_99, %dma_wait3A_100] : memref<10000x128xf32, #tpu.memory_space<hbm>> -> memref<10000x128xf32, #tpu.memory_space<hbm>>
    tpu.wait_indirect_dma semaphore(%arg10 : memref<!tpu.dma_semaphore, #tpu.memory_space<semaphore_mem>>) src(%dma_wait3A_101 : memref<10000x128xf32, #tpu.memory_space<hbm>>) dst(%dma_wait3A_95 : memref<50x128xf32, #tpu.memory_space<vmem>>)
    %dma_start3A_102 = arith.constant 1 : i32
    %dma_start3A_103 = arith.constant 97 : i32
    %dma_start3A_104 = arith.constant 1 : i32
    %dma_start3A_105 = arith.constant 0 : i32
    %dma_start3A_106 = arith.constant 0 : i32
    %dma_start3A_107 = tpu.memref_slice %arg7[%dma_start3A_102, %dma_start3A_105, %dma_start3A_106] : memref<4x50x128xf32, #tpu.memory_space<vmem>> -> memref<1x50x128xf32, #tpu.memory_space<vmem>>
    %dma_start3A_108 = tpu.memref_squeeze %dma_start3A_107 : memref<1x50x128xf32, #tpu.memory_space<vmem>> -> memref<50x128xf32, #tpu.memory_space<vmem>>
    %dma_start3A_109 = arith.constant 0 : i32
    %dma_start3A_110 = tpu.memref_slice %arg6[%dma_start3A_103, %dma_start3A_104, %dma_start3A_109] : memref<100x2x50xi32, #tpu.memory_space<vmem>> -> memref<1x1x50xi32, #tpu.memory_space<vmem>>
    %dma_start3A_111 = tpu.memref_squeeze %dma_start3A_110 : memref<1x1x50xi32, #tpu.memory_space<vmem>> -> memref<50xi32, #tpu.memory_space<vmem>>
    %dma_start3A_112 = arith.constant 0 : i32
    %dma_start3A_113 = arith.constant 0 : i32
    %dma_start3A_114 = tpu.memref_slice %arg8[%dma_start3A_112, %dma_start3A_113] : memref<10000x128xf32, #tpu.memory_space<vmem_shared>> -> memref<10000x128xf32, #tpu.memory_space<vmem_shared>>
    tpu.enqueue_indirect_dma source(%dma_start3A_108 : memref<50x128xf32, #tpu.memory_space<vmem>>) target(%dma_start3A_114 : memref<10000x128xf32, #tpu.memory_space<vmem_shared>>) offsets(%dma_start3A_111 : memref<50xi32, #tpu.memory_space<vmem>>) semaphore(%arg14 : memref<!tpu.dma_semaphore, #tpu.memory_space<semaphore_mem>>) {add = true}
    %dma_wait3A_115 = arith.constant 98 : i32
    %dma_wait3A_116 = arith.constant 0 : i32
    %dma_wait3A_117 = arith.constant 2 : i32
    %dma_wait3A_118 = arith.constant 0 : i32
    %dma_wait3A_119 = arith.constant 0 : i32
    %dma_wait3A_120 = tpu.memref_slice %arg7[%dma_wait3A_117, %dma_wait3A_118, %dma_wait3A_119] : memref<4x50x128xf32, #tpu.memory_space<vmem>> -> memref<1x50x128xf32, #tpu.memory_space<vmem>>
    %dma_wait3A_121 = tpu.memref_squeeze %dma_wait3A_120 : memref<1x50x128xf32, #tpu.memory_space<vmem>> -> memref<50x128xf32, #tpu.memory_space<vmem>>
    %dma_wait3A_122 = arith.constant 0 : i32
    %dma_wait3A_123 = tpu.memref_slice %arg6[%dma_wait3A_115, %dma_wait3A_116, %dma_wait3A_122] : memref<100x2x50xi32, #tpu.memory_space<vmem>> -> memref<1x1x50xi32, #tpu.memory_space<vmem>>
    %dma_wait3A_124 = tpu.memref_squeeze %dma_wait3A_123 : memref<1x1x50xi32, #tpu.memory_space<vmem>> -> memref<50xi32, #tpu.memory_space<vmem>>
    %dma_wait3A_125 = arith.constant 0 : i32
    %dma_wait3A_126 = arith.constant 0 : i32
    %dma_wait3A_127 = tpu.memref_slice %arg2[%dma_wait3A_125, %dma_wait3A_126] : memref<10000x128xf32, #tpu.memory_space<hbm>> -> memref<10000x128xf32, #tpu.memory_space<hbm>>
    tpu.wait_indirect_dma semaphore(%arg11 : memref<!tpu.dma_semaphore, #tpu.memory_space<semaphore_mem>>) src(%dma_wait3A_127 : memref<10000x128xf32, #tpu.memory_space<hbm>>) dst(%dma_wait3A_121 : memref<50x128xf32, #tpu.memory_space<vmem>>)
    %dma_start3A_128 = arith.constant 2 : i32
    %dma_start3A_129 = arith.constant 98 : i32
    %dma_start3A_130 = arith.constant 1 : i32
    %dma_start3A_131 = arith.constant 0 : i32
    %dma_start3A_132 = arith.constant 0 : i32
    %dma_start3A_133 = tpu.memref_slice %arg7[%dma_start3A_128, %dma_start3A_131, %dma_start3A_132] : memref<4x50x128xf32, #tpu.memory_space<vmem>> -> memref<1x50x128xf32, #tpu.memory_space<vmem>>
    %dma_start3A_134 = tpu.memref_squeeze %dma_start3A_133 : memref<1x50x128xf32, #tpu.memory_space<vmem>> -> memref<50x128xf32, #tpu.memory_space<vmem>>
    %dma_start3A_135 = arith.constant 0 : i32
    %dma_start3A_136 = tpu.memref_slice %arg6[%dma_start3A_129, %dma_start3A_130, %dma_start3A_135] : memref<100x2x50xi32, #tpu.memory_space<vmem>> -> memref<1x1x50xi32, #tpu.memory_space<vmem>>
    %dma_start3A_137 = tpu.memref_squeeze %dma_start3A_136 : memref<1x1x50xi32, #tpu.memory_space<vmem>> -> memref<50xi32, #tpu.memory_space<vmem>>
    %dma_start3A_138 = arith.constant 0 : i32
    %dma_start3A_139 = arith.constant 0 : i32
    %dma_start3A_140 = tpu.memref_slice %arg8[%dma_start3A_138, %dma_start3A_139] : memref<10000x128xf32, #tpu.memory_space<vmem_shared>> -> memref<10000x128xf32, #tpu.memory_space<vmem_shared>>
    tpu.enqueue_indirect_dma source(%dma_start3A_134 : memref<50x128xf32, #tpu.memory_space<vmem>>) target(%dma_start3A_140 : memref<10000x128xf32, #tpu.memory_space<vmem_shared>>) offsets(%dma_start3A_137 : memref<50xi32, #tpu.memory_space<vmem>>) semaphore(%arg15 : memref<!tpu.dma_semaphore, #tpu.memory_space<semaphore_mem>>) {add = true}
    %dma_wait3A_141 = arith.constant 99 : i32
    %dma_wait3A_142 = arith.constant 0 : i32
    %dma_wait3A_143 = arith.constant 3 : i32
    %dma_wait3A_144 = arith.constant 0 : i32
    %dma_wait3A_145 = arith.constant 0 : i32
    %dma_wait3A_146 = tpu.memref_slice %arg7[%dma_wait3A_143, %dma_wait3A_144, %dma_wait3A_145] : memref<4x50x128xf32, #tpu.memory_space<vmem>> -> memref<1x50x128xf32, #tpu.memory_space<vmem>>
    %dma_wait3A_147 = tpu.memref_squeeze %dma_wait3A_146 : memref<1x50x128xf32, #tpu.memory_space<vmem>> -> memref<50x128xf32, #tpu.memory_space<vmem>>
    %dma_wait3A_148 = arith.constant 0 : i32
    %dma_wait3A_149 = tpu.memref_slice %arg6[%dma_wait3A_141, %dma_wait3A_142, %dma_wait3A_148] : memref<100x2x50xi32, #tpu.memory_space<vmem>> -> memref<1x1x50xi32, #tpu.memory_space<vmem>>
    %dma_wait3A_150 = tpu.memref_squeeze %dma_wait3A_149 : memref<1x1x50xi32, #tpu.memory_space<vmem>> -> memref<50xi32, #tpu.memory_space<vmem>>
    %dma_wait3A_151 = arith.constant 0 : i32
    %dma_wait3A_152 = arith.constant 0 : i32
    %dma_wait3A_153 = tpu.memref_slice %arg2[%dma_wait3A_151, %dma_wait3A_152] : memref<10000x128xf32, #tpu.memory_space<hbm>> -> memref<10000x128xf32, #tpu.memory_space<hbm>>
    tpu.wait_indirect_dma semaphore(%arg12 : memref<!tpu.dma_semaphore, #tpu.memory_space<semaphore_mem>>) src(%dma_wait3A_153 : memref<10000x128xf32, #tpu.memory_space<hbm>>) dst(%dma_wait3A_147 : memref<50x128xf32, #tpu.memory_space<vmem>>)
    %dma_start3A_154 = arith.constant 3 : i32
    %dma_start3A_155 = arith.constant 99 : i32
    %dma_start3A_156 = arith.constant 1 : i32
    %dma_start3A_157 = arith.constant 0 : i32
    %dma_start3A_158 = arith.constant 0 : i32
    %dma_start3A_159 = tpu.memref_slice %arg7[%dma_start3A_154, %dma_start3A_157, %dma_start3A_158] : memref<4x50x128xf32, #tpu.memory_space<vmem>> -> memref<1x50x128xf32, #tpu.memory_space<vmem>>
    %dma_start3A_160 = tpu.memref_squeeze %dma_start3A_159 : memref<1x50x128xf32, #tpu.memory_space<vmem>> -> memref<50x128xf32, #tpu.memory_space<vmem>>
    %dma_start3A_161 = arith.constant 0 : i32
    %dma_start3A_162 = tpu.memref_slice %arg6[%dma_start3A_155, %dma_start3A_156, %dma_start3A_161] : memref<100x2x50xi32, #tpu.memory_space<vmem>> -> memref<1x1x50xi32, #tpu.memory_space<vmem>>
    %dma_start3A_163 = tpu.memref_squeeze %dma_start3A_162 : memref<1x1x50xi32, #tpu.memory_space<vmem>> -> memref<50xi32, #tpu.memory_space<vmem>>
    %dma_start3A_164 = arith.constant 0 : i32
    %dma_start3A_165 = arith.constant 0 : i32
    %dma_start3A_166 = tpu.memref_slice %arg8[%dma_start3A_164, %dma_start3A_165] : memref<10000x128xf32, #tpu.memory_space<vmem_shared>> -> memref<10000x128xf32, #tpu.memory_space<vmem_shared>>
    tpu.enqueue_indirect_dma source(%dma_start3A_160 : memref<50x128xf32, #tpu.memory_space<vmem>>) target(%dma_start3A_166 : memref<10000x128xf32, #tpu.memory_space<vmem_shared>>) offsets(%dma_start3A_163 : memref<50xi32, #tpu.memory_space<vmem>>) semaphore(%arg16 : memref<!tpu.dma_semaphore, #tpu.memory_space<semaphore_mem>>) {add = true}
    %dma_wait3A_167 = arith.constant 0 : i32
    %dma_wait3A_168 = arith.constant 96 : i32
    %dma_wait3A_169 = arith.constant 1 : i32
    %dma_wait3A_170 = arith.constant 0 : i32
    %dma_wait3A_171 = arith.constant 0 : i32
    %dma_wait3A_172 = tpu.memref_slice %arg7[%dma_wait3A_167, %dma_wait3A_170, %dma_wait3A_171] : memref<4x50x128xf32, #tpu.memory_space<vmem>> -> memref<1x50x128xf32, #tpu.memory_space<vmem>>
    %dma_wait3A_173 = tpu.memref_squeeze %dma_wait3A_172 : memref<1x50x128xf32, #tpu.memory_space<vmem>> -> memref<50x128xf32, #tpu.memory_space<vmem>>
    %dma_wait3A_174 = arith.constant 0 : i32
    %dma_wait3A_175 = tpu.memref_slice %arg6[%dma_wait3A_168, %dma_wait3A_169, %dma_wait3A_174] : memref<100x2x50xi32, #tpu.memory_space<vmem>> -> memref<1x1x50xi32, #tpu.memory_space<vmem>>
    %dma_wait3A_176 = tpu.memref_squeeze %dma_wait3A_175 : memref<1x1x50xi32, #tpu.memory_space<vmem>> -> memref<50xi32, #tpu.memory_space<vmem>>
    %dma_wait3A_177 = arith.constant 0 : i32
    %dma_wait3A_178 = arith.constant 0 : i32
    %dma_wait3A_179 = tpu.memref_slice %arg8[%dma_wait3A_177, %dma_wait3A_178] : memref<10000x128xf32, #tpu.memory_space<vmem_shared>> -> memref<10000x128xf32, #tpu.memory_space<vmem_shared>>
    tpu.wait_indirect_dma semaphore(%arg13 : memref<!tpu.dma_semaphore, #tpu.memory_space<semaphore_mem>>) src(%dma_wait3A_173 : memref<50x128xf32, #tpu.memory_space<vmem>>) dst(%dma_wait3A_179 : memref<10000x128xf32, #tpu.memory_space<vmem_shared>>)
    %dma_wait3A_180 = arith.constant 1 : i32
    %dma_wait3A_181 = arith.constant 97 : i32
    %dma_wait3A_182 = arith.constant 1 : i32
    %dma_wait3A_183 = arith.constant 0 : i32
    %dma_wait3A_184 = arith.constant 0 : i32
    %dma_wait3A_185 = tpu.memref_slice %arg7[%dma_wait3A_180, %dma_wait3A_183, %dma_wait3A_184] : memref<4x50x128xf32, #tpu.memory_space<vmem>> -> memref<1x50x128xf32, #tpu.memory_space<vmem>>
    %dma_wait3A_186 = tpu.memref_squeeze %dma_wait3A_185 : memref<1x50x128xf32, #tpu.memory_space<vmem>> -> memref<50x128xf32, #tpu.memory_space<vmem>>
    %dma_wait3A_187 = arith.constant 0 : i32
    %dma_wait3A_188 = tpu.memref_slice %arg6[%dma_wait3A_181, %dma_wait3A_182, %dma_wait3A_187] : memref<100x2x50xi32, #tpu.memory_space<vmem>> -> memref<1x1x50xi32, #tpu.memory_space<vmem>>
    %dma_wait3A_189 = tpu.memref_squeeze %dma_wait3A_188 : memref<1x1x50xi32, #tpu.memory_space<vmem>> -> memref<50xi32, #tpu.memory_space<vmem>>
    %dma_wait3A_190 = arith.constant 0 : i32
    %dma_wait3A_191 = arith.constant 0 : i32
    %dma_wait3A_192 = tpu.memref_slice %arg8[%dma_wait3A_190, %dma_wait3A_191] : memref<10000x128xf32, #tpu.memory_space<vmem_shared>> -> memref<10000x128xf32, #tpu.memory_space<vmem_shared>>
    tpu.wait_indirect_dma semaphore(%arg14 : memref<!tpu.dma_semaphore, #tpu.memory_space<semaphore_mem>>) src(%dma_wait3A_186 : memref<50x128xf32, #tpu.memory_space<vmem>>) dst(%dma_wait3A_192 : memref<10000x128xf32, #tpu.memory_space<vmem_shared>>)
    %dma_wait3A_193 = arith.constant 2 : i32
    %dma_wait3A_194 = arith.constant 98 : i32
    %dma_wait3A_195 = arith.constant 1 : i32
    %dma_wait3A_196 = arith.constant 0 : i32
    %dma_wait3A_197 = arith.constant 0 : i32
    %dma_wait3A_198 = tpu.memref_slice %arg7[%dma_wait3A_193, %dma_wait3A_196, %dma_wait3A_197] : memref<4x50x128xf32, #tpu.memory_space<vmem>> -> memref<1x50x128xf32, #tpu.memory_space<vmem>>
    %dma_wait3A_199 = tpu.memref_squeeze %dma_wait3A_198 : memref<1x50x128xf32, #tpu.memory_space<vmem>> -> memref<50x128xf32, #tpu.memory_space<vmem>>
    %dma_wait3A_200 = arith.constant 0 : i32
    %dma_wait3A_201 = tpu.memref_slice %arg6[%dma_wait3A_194, %dma_wait3A_195, %dma_wait3A_200] : memref<100x2x50xi32, #tpu.memory_space<vmem>> -> memref<1x1x50xi32, #tpu.memory_space<vmem>>
    %dma_wait3A_202 = tpu.memref_squeeze %dma_wait3A_201 : memref<1x1x50xi32, #tpu.memory_space<vmem>> -> memref<50xi32, #tpu.memory_space<vmem>>
    %dma_wait3A_203 = arith.constant 0 : i32
    %dma_wait3A_204 = arith.constant 0 : i32
    %dma_wait3A_205 = tpu.memref_slice %arg8[%dma_wait3A_203, %dma_wait3A_204] : memref<10000x128xf32, #tpu.memory_space<vmem_shared>> -> memref<10000x128xf32, #tpu.memory_space<vmem_shared>>
    tpu.wait_indirect_dma semaphore(%arg15 : memref<!tpu.dma_semaphore, #tpu.memory_space<semaphore_mem>>) src(%dma_wait3A_199 : memref<50x128xf32, #tpu.memory_space<vmem>>) dst(%dma_wait3A_205 : memref<10000x128xf32, #tpu.memory_space<vmem_shared>>)
    %dma_wait3A_206 = arith.constant 3 : i32
    %dma_wait3A_207 = arith.constant 99 : i32
    %dma_wait3A_208 = arith.constant 1 : i32
    %dma_wait3A_209 = arith.constant 0 : i32
    %dma_wait3A_210 = arith.constant 0 : i32
    %dma_wait3A_211 = tpu.memref_slice %arg7[%dma_wait3A_206, %dma_wait3A_209, %dma_wait3A_210] : memref<4x50x128xf32, #tpu.memory_space<vmem>> -> memref<1x50x128xf32, #tpu.memory_space<vmem>>
    %dma_wait3A_212 = tpu.memref_squeeze %dma_wait3A_211 : memref<1x50x128xf32, #tpu.memory_space<vmem>> -> memref<50x128xf32, #tpu.memory_space<vmem>>
    %dma_wait3A_213 = arith.constant 0 : i32
    %dma_wait3A_214 = tpu.memref_slice %arg6[%dma_wait3A_207, %dma_wait3A_208, %dma_wait3A_213] : memref<100x2x50xi32, #tpu.memory_space<vmem>> -> memref<1x1x50xi32, #tpu.memory_space<vmem>>
    %dma_wait3A_215 = tpu.memref_squeeze %dma_wait3A_214 : memref<1x1x50xi32, #tpu.memory_space<vmem>> -> memref<50xi32, #tpu.memory_space<vmem>>
    %dma_wait3A_216 = arith.constant 0 : i32
    %dma_wait3A_217 = arith.constant 0 : i32
    %dma_wait3A_218 = tpu.memref_slice %arg8[%dma_wait3A_216, %dma_wait3A_217] : memref<10000x128xf32, #tpu.memory_space<vmem_shared>> -> memref<10000x128xf32, #tpu.memory_space<vmem_shared>>
    tpu.wait_indirect_dma semaphore(%arg16 : memref<!tpu.dma_semaphore, #tpu.memory_space<semaphore_mem>>) src(%dma_wait3A_212 : memref<50x128xf32, #tpu.memory_space<vmem>>) dst(%dma_wait3A_218 : memref<10000x128xf32, #tpu.memory_space<vmem_shared>>)
    "tpu.region"() ({
      %run_scoped3A = tpu.sem_alloc : memref<!tpu.dma_semaphore, #tpu.memory_space<semaphore_mem>>
      %dma_start3A_445 = arith.constant 100 : i32
      %dma_start3A_446 = arith.constant 0 : i32
      %dma_start3A_447 = arith.constant 0 : i32
      %dma_start3A_448 = tpu.memref_slice %arg3[%add3A, %dma_start3A_445, %dma_start3A_446, %dma_start3A_447] : memref<32x200x2x50xi32, #tpu.memory_space<hbm>> -> memref<1x100x2x50xi32, #tpu.memory_space<hbm>>
      %dma_start3A_449 = tpu.memref_squeeze %dma_start3A_448 : memref<1x100x2x50xi32, #tpu.memory_space<hbm>> -> memref<100x2x50xi32, #tpu.memory_space<hbm>>
      %dma_start3A_450 = arith.constant 100 : i32
      %dma_start3A_451 = arith.constant 0 : i32
      %dma_start3A_452 = arith.constant 0 : i32
      %dma_start3A_453 = tpu.memref_slice %arg3[%add3A, %dma_start3A_450, %dma_start3A_451, %dma_start3A_452] : memref<32x200x2x50xi32, #tpu.memory_space<hbm>> -> memref<1x100x2x50xi32, #tpu.memory_space<hbm>>
      %dma_start3A_454 = tpu.memref_squeeze %dma_start3A_453 : memref<1x100x2x50xi32, #tpu.memory_space<hbm>> -> memref<100x2x50xi32, #tpu.memory_space<hbm>>
      tpu.enqueue_dma source(%dma_start3A_454 : memref<100x2x50xi32, #tpu.memory_space<hbm>>) target(%arg6 : memref<100x2x50xi32, #tpu.memory_space<vmem>>) target_semaphore(%run_scoped3A : memref<!tpu.dma_semaphore, #tpu.memory_space<semaphore_mem>>)
      %dma_wait3A_455 = arith.constant 100 : i32
      %dma_wait3A_456 = arith.constant 0 : i32
      %dma_wait3A_457 = arith.constant 0 : i32
      %dma_wait3A_458 = tpu.memref_slice %arg3[%add3A, %dma_wait3A_455, %dma_wait3A_456, %dma_wait3A_457] : memref<32x200x2x50xi32, #tpu.memory_space<hbm>> -> memref<1x100x2x50xi32, #tpu.memory_space<hbm>>
      %dma_wait3A_459 = tpu.memref_squeeze %dma_wait3A_458 : memref<1x100x2x50xi32, #tpu.memory_space<hbm>> -> memref<100x2x50xi32, #tpu.memory_space<hbm>>
      %dma_wait3A_460 = arith.constant 100 : i32
      %dma_wait3A_461 = arith.constant 0 : i32
      %dma_wait3A_462 = arith.constant 0 : i32
      %dma_wait3A_463 = tpu.memref_slice %arg3[%add3A, %dma_wait3A_460, %dma_wait3A_461, %dma_wait3A_462] : memref<32x200x2x50xi32, #tpu.memory_space<hbm>> -> memref<1x100x2x50xi32, #tpu.memory_space<hbm>>
      %dma_wait3A_464 = tpu.memref_squeeze %dma_wait3A_463 : memref<1x100x2x50xi32, #tpu.memory_space<hbm>> -> memref<100x2x50xi32, #tpu.memory_space<hbm>>
      tpu.wait_dma2 semaphore(%run_scoped3A : memref<!tpu.dma_semaphore, #tpu.memory_space<semaphore_mem>>) src(%dma_wait3A_464 : memref<100x2x50xi32, #tpu.memory_space<hbm>>) dst(%arg6 : memref<100x2x50xi32, #tpu.memory_space<vmem>>)
      tpu.yield
    }) : () -> ()
    %dma_start3A_219 = arith.constant 0 : i32
    %dma_start3A_220 = arith.constant 0 : i32
    %dma_start3A_221 = arith.constant 0 : i32
    %dma_start3A_222 = arith.constant 0 : i32
    %dma_start3A_223 = arith.constant 0 : i32
    %dma_start3A_224 = tpu.memref_slice %arg7[%dma_start3A_221, %dma_start3A_222, %dma_start3A_223] : memref<4x50x128xf32, #tpu.memory_space<vmem>> -> memref<1x50x128xf32, #tpu.memory_space<vmem>>
    %dma_start3A_225 = tpu.memref_squeeze %dma_start3A_224 : memref<1x50x128xf32, #tpu.memory_space<vmem>> -> memref<50x128xf32, #tpu.memory_space<vmem>>
    %dma_start3A_226 = arith.constant 0 : i32
    %dma_start3A_227 = tpu.memref_slice %arg6[%dma_start3A_219, %dma_start3A_220, %dma_start3A_226] : memref<100x2x50xi32, #tpu.memory_space<vmem>> -> memref<1x1x50xi32, #tpu.memory_space<vmem>>
    %dma_start3A_228 = tpu.memref_squeeze %dma_start3A_227 : memref<1x1x50xi32, #tpu.memory_space<vmem>> -> memref<50xi32, #tpu.memory_space<vmem>>
    %dma_start3A_229 = arith.constant 0 : i32
    %dma_start3A_230 = arith.constant 0 : i32
    %dma_start3A_231 = tpu.memref_slice %arg2[%dma_start3A_229, %dma_start3A_230] : memref<10000x128xf32, #tpu.memory_space<hbm>> -> memref<10000x128xf32, #tpu.memory_space<hbm>>
    tpu.enqueue_indirect_dma source(%dma_start3A_231 : memref<10000x128xf32, #tpu.memory_space<hbm>>) target(%dma_start3A_225 : memref<50x128xf32, #tpu.memory_space<vmem>>) offsets(%dma_start3A_228 : memref<50xi32, #tpu.memory_space<vmem>>) semaphore(%arg9 : memref<!tpu.dma_semaphore, #tpu.memory_space<semaphore_mem>>)
    %dma_start3A_232 = arith.constant 1 : i32
    %dma_start3A_233 = arith.constant 0 : i32
    %dma_start3A_234 = arith.constant 1 : i32
    %dma_start3A_235 = arith.constant 0 : i32
    %dma_start3A_236 = arith.constant 0 : i32
    %dma_start3A_237 = tpu.memref_slice %arg7[%dma_start3A_234, %dma_start3A_235, %dma_start3A_236] : memref<4x50x128xf32, #tpu.memory_space<vmem>> -> memref<1x50x128xf32, #tpu.memory_space<vmem>>
    %dma_start3A_238 = tpu.memref_squeeze %dma_start3A_237 : memref<1x50x128xf32, #tpu.memory_space<vmem>> -> memref<50x128xf32, #tpu.memory_space<vmem>>
    %dma_start3A_239 = arith.constant 0 : i32
    %dma_start3A_240 = tpu.memref_slice %arg6[%dma_start3A_232, %dma_start3A_233, %dma_start3A_239] : memref<100x2x50xi32, #tpu.memory_space<vmem>> -> memref<1x1x50xi32, #tpu.memory_space<vmem>>
    %dma_start3A_241 = tpu.memref_squeeze %dma_start3A_240 : memref<1x1x50xi32, #tpu.memory_space<vmem>> -> memref<50xi32, #tpu.memory_space<vmem>>
    %dma_start3A_242 = arith.constant 0 : i32
    %dma_start3A_243 = arith.constant 0 : i32
    %dma_start3A_244 = tpu.memref_slice %arg2[%dma_start3A_242, %dma_start3A_243] : memref<10000x128xf32, #tpu.memory_space<hbm>> -> memref<10000x128xf32, #tpu.memory_space<hbm>>
    tpu.enqueue_indirect_dma source(%dma_start3A_244 : memref<10000x128xf32, #tpu.memory_space<hbm>>) target(%dma_start3A_238 : memref<50x128xf32, #tpu.memory_space<vmem>>) offsets(%dma_start3A_241 : memref<50xi32, #tpu.memory_space<vmem>>) semaphore(%arg10 : memref<!tpu.dma_semaphore, #tpu.memory_space<semaphore_mem>>)
    %dma_start3A_245 = arith.constant 2 : i32
    %dma_start3A_246 = arith.constant 0 : i32
    %dma_start3A_247 = arith.constant 2 : i32
    %dma_start3A_248 = arith.constant 0 : i32
    %dma_start3A_249 = arith.constant 0 : i32
    %dma_start3A_250 = tpu.memref_slice %arg7[%dma_start3A_247, %dma_start3A_248, %dma_start3A_249] : memref<4x50x128xf32, #tpu.memory_space<vmem>> -> memref<1x50x128xf32, #tpu.memory_space<vmem>>
    %dma_start3A_251 = tpu.memref_squeeze %dma_start3A_250 : memref<1x50x128xf32, #tpu.memory_space<vmem>> -> memref<50x128xf32, #tpu.memory_space<vmem>>
    %dma_start3A_252 = arith.constant 0 : i32
    %dma_start3A_253 = tpu.memref_slice %arg6[%dma_start3A_245, %dma_start3A_246, %dma_start3A_252] : memref<100x2x50xi32, #tpu.memory_space<vmem>> -> memref<1x1x50xi32, #tpu.memory_space<vmem>>
    %dma_start3A_254 = tpu.memref_squeeze %dma_start3A_253 : memref<1x1x50xi32, #tpu.memory_space<vmem>> -> memref<50xi32, #tpu.memory_space<vmem>>
    %dma_start3A_255 = arith.constant 0 : i32
    %dma_start3A_256 = arith.constant 0 : i32
    %dma_start3A_257 = tpu.memref_slice %arg2[%dma_start3A_255, %dma_start3A_256] : memref<10000x128xf32, #tpu.memory_space<hbm>> -> memref<10000x128xf32, #tpu.memory_space<hbm>>
    tpu.enqueue_indirect_dma source(%dma_start3A_257 : memref<10000x128xf32, #tpu.memory_space<hbm>>) target(%dma_start3A_251 : memref<50x128xf32, #tpu.memory_space<vmem>>) offsets(%dma_start3A_254 : memref<50xi32, #tpu.memory_space<vmem>>) semaphore(%arg11 : memref<!tpu.dma_semaphore, #tpu.memory_space<semaphore_mem>>)
    %dma_start3A_258 = arith.constant 3 : i32
    %dma_start3A_259 = arith.constant 0 : i32
    %dma_start3A_260 = arith.constant 3 : i32
    %dma_start3A_261 = arith.constant 0 : i32
    %dma_start3A_262 = arith.constant 0 : i32
    %dma_start3A_263 = tpu.memref_slice %arg7[%dma_start3A_260, %dma_start3A_261, %dma_start3A_262] : memref<4x50x128xf32, #tpu.memory_space<vmem>> -> memref<1x50x128xf32, #tpu.memory_space<vmem>>
    %dma_start3A_264 = tpu.memref_squeeze %dma_start3A_263 : memref<1x50x128xf32, #tpu.memory_space<vmem>> -> memref<50x128xf32, #tpu.memory_space<vmem>>
    %dma_start3A_265 = arith.constant 0 : i32
    %dma_start3A_266 = tpu.memref_slice %arg6[%dma_start3A_258, %dma_start3A_259, %dma_start3A_265] : memref<100x2x50xi32, #tpu.memory_space<vmem>> -> memref<1x1x50xi32, #tpu.memory_space<vmem>>
    %dma_start3A_267 = tpu.memref_squeeze %dma_start3A_266 : memref<1x1x50xi32, #tpu.memory_space<vmem>> -> memref<50xi32, #tpu.memory_space<vmem>>
    %dma_start3A_268 = arith.constant 0 : i32
    %dma_start3A_269 = arith.constant 0 : i32
    %dma_start3A_270 = tpu.memref_slice %arg2[%dma_start3A_268, %dma_start3A_269] : memref<10000x128xf32, #tpu.memory_space<hbm>> -> memref<10000x128xf32, #tpu.memory_space<hbm>>
    tpu.enqueue_indirect_dma source(%dma_start3A_270 : memref<10000x128xf32, #tpu.memory_space<hbm>>) target(%dma_start3A_264 : memref<50x128xf32, #tpu.memory_space<vmem>>) offsets(%dma_start3A_267 : memref<50xi32, #tpu.memory_space<vmem>>) semaphore(%arg12 : memref<!tpu.dma_semaphore, #tpu.memory_space<semaphore_mem>>)
    %scan3A_271 = arith.constant 0 : i32
    %scan3A_272 = arith.constant 0 : i32
    %scan3A_273 = arith.constant 24 : i32
    %scan3A_274 = arith.addi %scan3A_272, %scan3A_273 : i32
    %scan3A_275 = arith.constant 1 : i32
    %scan3A_276 = scf.for %scan3A_445 = %scan3A_272 to %scan3A_274 step %scan3A_275 iter_args(%scan3A_446 = %scan3A_271) -> (i32)  : i32 {
      %mul3A_447 = arith.constant 4 : i32
      %mul3A_448 = arith.muli %mul3A_447, %scan3A_445 : i32
      %add3A_449 = arith.constant 0 : i32
      %add3A_450 = arith.addi %mul3A_448, %add3A_449 : i32
      %dma_wait3A_451 = arith.constant 0 : i32
      %dma_wait3A_452 = arith.constant 0 : i32
      %dma_wait3A_453 = arith.constant 0 : i32
      %dma_wait3A_454 = arith.constant 0 : i32
      %dma_wait3A_455 = tpu.memref_slice %arg7[%dma_wait3A_452, %dma_wait3A_453, %dma_wait3A_454] : memref<4x50x128xf32, #tpu.memory_space<vmem>> -> memref<1x50x128xf32, #tpu.memory_space<vmem>>
      %dma_wait3A_456 = tpu.memref_squeeze %dma_wait3A_455 : memref<1x50x128xf32, #tpu.memory_space<vmem>> -> memref<50x128xf32, #tpu.memory_space<vmem>>
      %dma_wait3A_457 = arith.constant 0 : i32
      %dma_wait3A_458 = tpu.memref_slice %arg6[%add3A_450, %dma_wait3A_451, %dma_wait3A_457] : memref<100x2x50xi32, #tpu.memory_space<vmem>> -> memref<1x1x50xi32, #tpu.memory_space<vmem>>
      %dma_wait3A_459 = tpu.memref_squeeze %dma_wait3A_458 : memref<1x1x50xi32, #tpu.memory_space<vmem>> -> memref<50xi32, #tpu.memory_space<vmem>>
      %dma_wait3A_460 = arith.constant 0 : i32
      %dma_wait3A_461 = arith.constant 0 : i32
      %dma_wait3A_462 = tpu.memref_slice %arg2[%dma_wait3A_460, %dma_wait3A_461] : memref<10000x128xf32, #tpu.memory_space<hbm>> -> memref<10000x128xf32, #tpu.memory_space<hbm>>
      tpu.wait_indirect_dma semaphore(%arg9 : memref<!tpu.dma_semaphore, #tpu.memory_space<semaphore_mem>>) src(%dma_wait3A_462 : memref<10000x128xf32, #tpu.memory_space<hbm>>) dst(%dma_wait3A_456 : memref<50x128xf32, #tpu.memory_space<vmem>>)
      %add3A_463 = arith.constant 0 : i32
      %add3A_464 = arith.addi %mul3A_448, %add3A_463 : i32
      %dma_start3A_465 = arith.constant 0 : i32
      %dma_start3A_466 = arith.constant 1 : i32
      %dma_start3A_467 = arith.constant 0 : i32
      %dma_start3A_468 = arith.constant 0 : i32
      %dma_start3A_469 = tpu.memref_slice %arg7[%dma_start3A_465, %dma_start3A_467, %dma_start3A_468] : memref<4x50x128xf32, #tpu.memory_space<vmem>> -> memref<1x50x128xf32, #tpu.memory_space<vmem>>
      %dma_start3A_470 = tpu.memref_squeeze %dma_start3A_469 : memref<1x50x128xf32, #tpu.memory_space<vmem>> -> memref<50x128xf32, #tpu.memory_space<vmem>>
      %dma_start3A_471 = arith.constant 0 : i32
      %dma_start3A_472 = tpu.memref_slice %arg6[%add3A_464, %dma_start3A_466, %dma_start3A_471] : memref<100x2x50xi32, #tpu.memory_space<vmem>> -> memref<1x1x50xi32, #tpu.memory_space<vmem>>
      %dma_start3A_473 = tpu.memref_squeeze %dma_start3A_472 : memref<1x1x50xi32, #tpu.memory_space<vmem>> -> memref<50xi32, #tpu.memory_space<vmem>>
      %dma_start3A_474 = arith.constant 0 : i32
      %dma_start3A_475 = arith.constant 0 : i32
      %dma_start3A_476 = tpu.memref_slice %arg8[%dma_start3A_474, %dma_start3A_475] : memref<10000x128xf32, #tpu.memory_space<vmem_shared>> -> memref<10000x128xf32, #tpu.memory_space<vmem_shared>>
      tpu.enqueue_indirect_dma source(%dma_start3A_470 : memref<50x128xf32, #tpu.memory_space<vmem>>) target(%dma_start3A_476 : memref<10000x128xf32, #tpu.memory_space<vmem_shared>>) offsets(%dma_start3A_473 : memref<50xi32, #tpu.memory_space<vmem>>) semaphore(%arg13 : memref<!tpu.dma_semaphore, #tpu.memory_space<semaphore_mem>>) {add = true}
      %add3A_477 = arith.constant 1 : i32
      %add3A_478 = arith.addi %mul3A_448, %add3A_477 : i32
      %dma_wait3A_479 = arith.constant 0 : i32
      %dma_wait3A_480 = arith.constant 1 : i32
      %dma_wait3A_481 = arith.constant 0 : i32
      %dma_wait3A_482 = arith.constant 0 : i32
      %dma_wait3A_483 = tpu.memref_slice %arg7[%dma_wait3A_480, %dma_wait3A_481, %dma_wait3A_482] : memref<4x50x128xf32, #tpu.memory_space<vmem>> -> memref<1x50x128xf32, #tpu.memory_space<vmem>>
      %dma_wait3A_484 = tpu.memref_squeeze %dma_wait3A_483 : memref<1x50x128xf32, #tpu.memory_space<vmem>> -> memref<50x128xf32, #tpu.memory_space<vmem>>
      %dma_wait3A_485 = arith.constant 0 : i32
      %dma_wait3A_486 = tpu.memref_slice %arg6[%add3A_478, %dma_wait3A_479, %dma_wait3A_485] : memref<100x2x50xi32, #tpu.memory_space<vmem>> -> memref<1x1x50xi32, #tpu.memory_space<vmem>>
      %dma_wait3A_487 = tpu.memref_squeeze %dma_wait3A_486 : memref<1x1x50xi32, #tpu.memory_space<vmem>> -> memref<50xi32, #tpu.memory_space<vmem>>
      %dma_wait3A_488 = arith.constant 0 : i32
      %dma_wait3A_489 = arith.constant 0 : i32
      %dma_wait3A_490 = tpu.memref_slice %arg2[%dma_wait3A_488, %dma_wait3A_489] : memref<10000x128xf32, #tpu.memory_space<hbm>> -> memref<10000x128xf32, #tpu.memory_space<hbm>>
      tpu.wait_indirect_dma semaphore(%arg10 : memref<!tpu.dma_semaphore, #tpu.memory_space<semaphore_mem>>) src(%dma_wait3A_490 : memref<10000x128xf32, #tpu.memory_space<hbm>>) dst(%dma_wait3A_484 : memref<50x128xf32, #tpu.memory_space<vmem>>)
      %add3A_491 = arith.constant 1 : i32
      %add3A_492 = arith.addi %mul3A_448, %add3A_491 : i32
      %dma_start3A_493 = arith.constant 1 : i32
      %dma_start3A_494 = arith.constant 1 : i32
      %dma_start3A_495 = arith.constant 0 : i32
      %dma_start3A_496 = arith.constant 0 : i32
      %dma_start3A_497 = tpu.memref_slice %arg7[%dma_start3A_493, %dma_start3A_495, %dma_start3A_496] : memref<4x50x128xf32, #tpu.memory_space<vmem>> -> memref<1x50x128xf32, #tpu.memory_space<vmem>>
      %dma_start3A_498 = tpu.memref_squeeze %dma_start3A_497 : memref<1x50x128xf32, #tpu.memory_space<vmem>> -> memref<50x128xf32, #tpu.memory_space<vmem>>
      %dma_start3A_499 = arith.constant 0 : i32
      %dma_start3A_500 = tpu.memref_slice %arg6[%add3A_492, %dma_start3A_494, %dma_start3A_499] : memref<100x2x50xi32, #tpu.memory_space<vmem>> -> memref<1x1x50xi32, #tpu.memory_space<vmem>>
      %dma_start3A_501 = tpu.memref_squeeze %dma_start3A_500 : memref<1x1x50xi32, #tpu.memory_space<vmem>> -> memref<50xi32, #tpu.memory_space<vmem>>
      %dma_start3A_502 = arith.constant 0 : i32
      %dma_start3A_503 = arith.constant 0 : i32
      %dma_start3A_504 = tpu.memref_slice %arg8[%dma_start3A_502, %dma_start3A_503] : memref<10000x128xf32, #tpu.memory_space<vmem_shared>> -> memref<10000x128xf32, #tpu.memory_space<vmem_shared>>
      tpu.enqueue_indirect_dma source(%dma_start3A_498 : memref<50x128xf32, #tpu.memory_space<vmem>>) target(%dma_start3A_504 : memref<10000x128xf32, #tpu.memory_space<vmem_shared>>) offsets(%dma_start3A_501 : memref<50xi32, #tpu.memory_space<vmem>>) semaphore(%arg14 : memref<!tpu.dma_semaphore, #tpu.memory_space<semaphore_mem>>) {add = true}
      %add3A_505 = arith.constant 2 : i32
      %add3A_506 = arith.addi %mul3A_448, %add3A_505 : i32
      %dma_wait3A_507 = arith.constant 0 : i32
      %dma_wait3A_508 = arith.constant 2 : i32
      %dma_wait3A_509 = arith.constant 0 : i32
      %dma_wait3A_510 = arith.constant 0 : i32
      %dma_wait3A_511 = tpu.memref_slice %arg7[%dma_wait3A_508, %dma_wait3A_509, %dma_wait3A_510] : memref<4x50x128xf32, #tpu.memory_space<vmem>> -> memref<1x50x128xf32, #tpu.memory_space<vmem>>
      %dma_wait3A_512 = tpu.memref_squeeze %dma_wait3A_511 : memref<1x50x128xf32, #tpu.memory_space<vmem>> -> memref<50x128xf32, #tpu.memory_space<vmem>>
      %dma_wait3A_513 = arith.constant 0 : i32
      %dma_wait3A_514 = tpu.memref_slice %arg6[%add3A_506, %dma_wait3A_507, %dma_wait3A_513] : memref<100x2x50xi32, #tpu.memory_space<vmem>> -> memref<1x1x50xi32, #tpu.memory_space<vmem>>
      %dma_wait3A_515 = tpu.memref_squeeze %dma_wait3A_514 : memref<1x1x50xi32, #tpu.memory_space<vmem>> -> memref<50xi32, #tpu.memory_space<vmem>>
      %dma_wait3A_516 = arith.constant 0 : i32
      %dma_wait3A_517 = arith.constant 0 : i32
      %dma_wait3A_518 = tpu.memref_slice %arg2[%dma_wait3A_516, %dma_wait3A_517] : memref<10000x128xf32, #tpu.memory_space<hbm>> -> memref<10000x128xf32, #tpu.memory_space<hbm>>
      tpu.wait_indirect_dma semaphore(%arg11 : memref<!tpu.dma_semaphore, #tpu.memory_space<semaphore_mem>>) src(%dma_wait3A_518 : memref<10000x128xf32, #tpu.memory_space<hbm>>) dst(%dma_wait3A_512 : memref<50x128xf32, #tpu.memory_space<vmem>>)
      %add3A_519 = arith.constant 2 : i32
      %add3A_520 = arith.addi %mul3A_448, %add3A_519 : i32
      %dma_start3A_521 = arith.constant 2 : i32
      %dma_start3A_522 = arith.constant 1 : i32
      %dma_start3A_523 = arith.constant 0 : i32
      %dma_start3A_524 = arith.constant 0 : i32
      %dma_start3A_525 = tpu.memref_slice %arg7[%dma_start3A_521, %dma_start3A_523, %dma_start3A_524] : memref<4x50x128xf32, #tpu.memory_space<vmem>> -> memref<1x50x128xf32, #tpu.memory_space<vmem>>
      %dma_start3A_526 = tpu.memref_squeeze %dma_start3A_525 : memref<1x50x128xf32, #tpu.memory_space<vmem>> -> memref<50x128xf32, #tpu.memory_space<vmem>>
      %dma_start3A_527 = arith.constant 0 : i32
      %dma_start3A_528 = tpu.memref_slice %arg6[%add3A_520, %dma_start3A_522, %dma_start3A_527] : memref<100x2x50xi32, #tpu.memory_space<vmem>> -> memref<1x1x50xi32, #tpu.memory_space<vmem>>
      %dma_start3A_529 = tpu.memref_squeeze %dma_start3A_528 : memref<1x1x50xi32, #tpu.memory_space<vmem>> -> memref<50xi32, #tpu.memory_space<vmem>>
      %dma_start3A_530 = arith.constant 0 : i32
      %dma_start3A_531 = arith.constant 0 : i32
      %dma_start3A_532 = tpu.memref_slice %arg8[%dma_start3A_530, %dma_start3A_531] : memref<10000x128xf32, #tpu.memory_space<vmem_shared>> -> memref<10000x128xf32, #tpu.memory_space<vmem_shared>>
      tpu.enqueue_indirect_dma source(%dma_start3A_526 : memref<50x128xf32, #tpu.memory_space<vmem>>) target(%dma_start3A_532 : memref<10000x128xf32, #tpu.memory_space<vmem_shared>>) offsets(%dma_start3A_529 : memref<50xi32, #tpu.memory_space<vmem>>) semaphore(%arg15 : memref<!tpu.dma_semaphore, #tpu.memory_space<semaphore_mem>>) {add = true}
      %add3A_533 = arith.constant 3 : i32
      %add3A_534 = arith.addi %mul3A_448, %add3A_533 : i32
      %dma_wait3A_535 = arith.constant 0 : i32
      %dma_wait3A_536 = arith.constant 3 : i32
      %dma_wait3A_537 = arith.constant 0 : i32
      %dma_wait3A_538 = arith.constant 0 : i32
      %dma_wait3A_539 = tpu.memref_slice %arg7[%dma_wait3A_536, %dma_wait3A_537, %dma_wait3A_538] : memref<4x50x128xf32, #tpu.memory_space<vmem>> -> memref<1x50x128xf32, #tpu.memory_space<vmem>>
      %dma_wait3A_540 = tpu.memref_squeeze %dma_wait3A_539 : memref<1x50x128xf32, #tpu.memory_space<vmem>> -> memref<50x128xf32, #tpu.memory_space<vmem>>
      %dma_wait3A_541 = arith.constant 0 : i32
      %dma_wait3A_542 = tpu.memref_slice %arg6[%add3A_534, %dma_wait3A_535, %dma_wait3A_541] : memref<100x2x50xi32, #tpu.memory_space<vmem>> -> memref<1x1x50xi32, #tpu.memory_space<vmem>>
      %dma_wait3A_543 = tpu.memref_squeeze %dma_wait3A_542 : memref<1x1x50xi32, #tpu.memory_space<vmem>> -> memref<50xi32, #tpu.memory_space<vmem>>
      %dma_wait3A_544 = arith.constant 0 : i32
      %dma_wait3A_545 = arith.constant 0 : i32
      %dma_wait3A_546 = tpu.memref_slice %arg2[%dma_wait3A_544, %dma_wait3A_545] : memref<10000x128xf32, #tpu.memory_space<hbm>> -> memref<10000x128xf32, #tpu.memory_space<hbm>>
      tpu.wait_indirect_dma semaphore(%arg12 : memref<!tpu.dma_semaphore, #tpu.memory_space<semaphore_mem>>) src(%dma_wait3A_546 : memref<10000x128xf32, #tpu.memory_space<hbm>>) dst(%dma_wait3A_540 : memref<50x128xf32, #tpu.memory_space<vmem>>)
      %add3A_547 = arith.constant 3 : i32
      %add3A_548 = arith.addi %mul3A_448, %add3A_547 : i32
      %dma_start3A_549 = arith.constant 3 : i32
      %dma_start3A_550 = arith.constant 1 : i32
      %dma_start3A_551 = arith.constant 0 : i32
      %dma_start3A_552 = arith.constant 0 : i32
      %dma_start3A_553 = tpu.memref_slice %arg7[%dma_start3A_549, %dma_start3A_551, %dma_start3A_552] : memref<4x50x128xf32, #tpu.memory_space<vmem>> -> memref<1x50x128xf32, #tpu.memory_space<vmem>>
      %dma_start3A_554 = tpu.memref_squeeze %dma_start3A_553 : memref<1x50x128xf32, #tpu.memory_space<vmem>> -> memref<50x128xf32, #tpu.memory_space<vmem>>
      %dma_start3A_555 = arith.constant 0 : i32
      %dma_start3A_556 = tpu.memref_slice %arg6[%add3A_548, %dma_start3A_550, %dma_start3A_555] : memref<100x2x50xi32, #tpu.memory_space<vmem>> -> memref<1x1x50xi32, #tpu.memory_space<vmem>>
      %dma_start3A_557 = tpu.memref_squeeze %dma_start3A_556 : memref<1x1x50xi32, #tpu.memory_space<vmem>> -> memref<50xi32, #tpu.memory_space<vmem>>
      %dma_start3A_558 = arith.constant 0 : i32
      %dma_start3A_559 = arith.constant 0 : i32
      %dma_start3A_560 = tpu.memref_slice %arg8[%dma_start3A_558, %dma_start3A_559] : memref<10000x128xf32, #tpu.memory_space<vmem_shared>> -> memref<10000x128xf32, #tpu.memory_space<vmem_shared>>
      tpu.enqueue_indirect_dma source(%dma_start3A_554 : memref<50x128xf32, #tpu.memory_space<vmem>>) target(%dma_start3A_560 : memref<10000x128xf32, #tpu.memory_space<vmem_shared>>) offsets(%dma_start3A_557 : memref<50xi32, #tpu.memory_space<vmem>>) semaphore(%arg16 : memref<!tpu.dma_semaphore, #tpu.memory_space<semaphore_mem>>) {add = true}
      %add3A_561 = arith.constant 0 : i32
      %add3A_562 = arith.addi %mul3A_448, %add3A_561 : i32
      %dma_wait3A_563 = arith.constant 0 : i32
      %dma_wait3A_564 = arith.constant 1 : i32
      %dma_wait3A_565 = arith.constant 0 : i32
      %dma_wait3A_566 = arith.constant 0 : i32
      %dma_wait3A_567 = tpu.memref_slice %arg7[%dma_wait3A_563, %dma_wait3A_565, %dma_wait3A_566] : memref<4x50x128xf32, #tpu.memory_space<vmem>> -> memref<1x50x128xf32, #tpu.memory_space<vmem>>
      %dma_wait3A_568 = tpu.memref_squeeze %dma_wait3A_567 : memref<1x50x128xf32, #tpu.memory_space<vmem>> -> memref<50x128xf32, #tpu.memory_space<vmem>>
      %dma_wait3A_569 = arith.constant 0 : i32
      %dma_wait3A_570 = tpu.memref_slice %arg6[%add3A_562, %dma_wait3A_564, %dma_wait3A_569] : memref<100x2x50xi32, #tpu.memory_space<vmem>> -> memref<1x1x50xi32, #tpu.memory_space<vmem>>
      %dma_wait3A_571 = tpu.memref_squeeze %dma_wait3A_570 : memref<1x1x50xi32, #tpu.memory_space<vmem>> -> memref<50xi32, #tpu.memory_space<vmem>>
      %dma_wait3A_572 = arith.constant 0 : i32
      %dma_wait3A_573 = arith.constant 0 : i32
      %dma_wait3A_574 = tpu.memref_slice %arg8[%dma_wait3A_572, %dma_wait3A_573] : memref<10000x128xf32, #tpu.memory_space<vmem_shared>> -> memref<10000x128xf32, #tpu.memory_space<vmem_shared>>
      tpu.wait_indirect_dma semaphore(%arg13 : memref<!tpu.dma_semaphore, #tpu.memory_space<semaphore_mem>>) src(%dma_wait3A_568 : memref<50x128xf32, #tpu.memory_space<vmem>>) dst(%dma_wait3A_574 : memref<10000x128xf32, #tpu.memory_space<vmem_shared>>)
      %add3A_575 = arith.constant 4 : i32
      %add3A_576 = arith.addi %mul3A_448, %add3A_575 : i32
      %add3A_577 = arith.constant 0 : i32
      %add3A_578 = arith.addi %add3A_576, %add3A_577 : i32
      %dma_start3A_579 = arith.constant 0 : i32
      %dma_start3A_580 = arith.constant 0 : i32
      %dma_start3A_581 = arith.constant 0 : i32
      %dma_start3A_582 = arith.constant 0 : i32
      %dma_start3A_583 = tpu.memref_slice %arg7[%dma_start3A_580, %dma_start3A_581, %dma_start3A_582] : memref<4x50x128xf32, #tpu.memory_space<vmem>> -> memref<1x50x128xf32, #tpu.memory_space<vmem>>
      %dma_start3A_584 = tpu.memref_squeeze %dma_start3A_583 : memref<1x50x128xf32, #tpu.memory_space<vmem>> -> memref<50x128xf32, #tpu.memory_space<vmem>>
      %dma_start3A_585 = arith.constant 0 : i32
      %dma_start3A_586 = tpu.memref_slice %arg6[%add3A_578, %dma_start3A_579, %dma_start3A_585] : memref<100x2x50xi32, #tpu.memory_space<vmem>> -> memref<1x1x50xi32, #tpu.memory_space<vmem>>
      %dma_start3A_587 = tpu.memref_squeeze %dma_start3A_586 : memref<1x1x50xi32, #tpu.memory_space<vmem>> -> memref<50xi32, #tpu.memory_space<vmem>>
      %dma_start3A_588 = arith.constant 0 : i32
      %dma_start3A_589 = arith.constant 0 : i32
      %dma_start3A_590 = tpu.memref_slice %arg2[%dma_start3A_588, %dma_start3A_589] : memref<10000x128xf32, #tpu.memory_space<hbm>> -> memref<10000x128xf32, #tpu.memory_space<hbm>>
      tpu.enqueue_indirect_dma source(%dma_start3A_590 : memref<10000x128xf32, #tpu.memory_space<hbm>>) target(%dma_start3A_584 : memref<50x128xf32, #tpu.memory_space<vmem>>) offsets(%dma_start3A_587 : memref<50xi32, #tpu.memory_space<vmem>>) semaphore(%arg9 : memref<!tpu.dma_semaphore, #tpu.memory_space<semaphore_mem>>)
      %add3A_591 = arith.constant 1 : i32
      %add3A_592 = arith.addi %mul3A_448, %add3A_591 : i32
      %dma_wait3A_593 = arith.constant 1 : i32
      %dma_wait3A_594 = arith.constant 1 : i32
      %dma_wait3A_595 = arith.constant 0 : i32
      %dma_wait3A_596 = arith.constant 0 : i32
      %dma_wait3A_597 = tpu.memref_slice %arg7[%dma_wait3A_593, %dma_wait3A_595, %dma_wait3A_596] : memref<4x50x128xf32, #tpu.memory_space<vmem>> -> memref<1x50x128xf32, #tpu.memory_space<vmem>>
      %dma_wait3A_598 = tpu.memref_squeeze %dma_wait3A_597 : memref<1x50x128xf32, #tpu.memory_space<vmem>> -> memref<50x128xf32, #tpu.memory_space<vmem>>
      %dma_wait3A_599 = arith.constant 0 : i32
      %dma_wait3A_600 = tpu.memref_slice %arg6[%add3A_592, %dma_wait3A_594, %dma_wait3A_599] : memref<100x2x50xi32, #tpu.memory_space<vmem>> -> memref<1x1x50xi32, #tpu.memory_space<vmem>>
      %dma_wait3A_601 = tpu.memref_squeeze %dma_wait3A_600 : memref<1x1x50xi32, #tpu.memory_space<vmem>> -> memref<50xi32, #tpu.memory_space<vmem>>
      %dma_wait3A_602 = arith.constant 0 : i32
      %dma_wait3A_603 = arith.constant 0 : i32
      %dma_wait3A_604 = tpu.memref_slice %arg8[%dma_wait3A_602, %dma_wait3A_603] : memref<10000x128xf32, #tpu.memory_space<vmem_shared>> -> memref<10000x128xf32, #tpu.memory_space<vmem_shared>>
      tpu.wait_indirect_dma semaphore(%arg14 : memref<!tpu.dma_semaphore, #tpu.memory_space<semaphore_mem>>) src(%dma_wait3A_598 : memref<50x128xf32, #tpu.memory_space<vmem>>) dst(%dma_wait3A_604 : memref<10000x128xf32, #tpu.memory_space<vmem_shared>>)
      %add3A_605 = arith.constant 4 : i32
      %add3A_606 = arith.addi %mul3A_448, %add3A_605 : i32
      %add3A_607 = arith.constant 1 : i32
      %add3A_608 = arith.addi %add3A_606, %add3A_607 : i32
      %dma_start3A_609 = arith.constant 0 : i32
      %dma_start3A_610 = arith.constant 1 : i32
      %dma_start3A_611 = arith.constant 0 : i32
      %dma_start3A_612 = arith.constant 0 : i32
      %dma_start3A_613 = tpu.memref_slice %arg7[%dma_start3A_610, %dma_start3A_611, %dma_start3A_612] : memref<4x50x128xf32, #tpu.memory_space<vmem>> -> memref<1x50x128xf32, #tpu.memory_space<vmem>>
      %dma_start3A_614 = tpu.memref_squeeze %dma_start3A_613 : memref<1x50x128xf32, #tpu.memory_space<vmem>> -> memref<50x128xf32, #tpu.memory_space<vmem>>
      %dma_start3A_615 = arith.constant 0 : i32
      %dma_start3A_616 = tpu.memref_slice %arg6[%add3A_608, %dma_start3A_609, %dma_start3A_615] : memref<100x2x50xi32, #tpu.memory_space<vmem>> -> memref<1x1x50xi32, #tpu.memory_space<vmem>>
      %dma_start3A_617 = tpu.memref_squeeze %dma_start3A_616 : memref<1x1x50xi32, #tpu.memory_space<vmem>> -> memref<50xi32, #tpu.memory_space<vmem>>
      %dma_start3A_618 = arith.constant 0 : i32
      %dma_start3A_619 = arith.constant 0 : i32
      %dma_start3A_620 = tpu.memref_slice %arg2[%dma_start3A_618, %dma_start3A_619] : memref<10000x128xf32, #tpu.memory_space<hbm>> -> memref<10000x128xf32, #tpu.memory_space<hbm>>
      tpu.enqueue_indirect_dma source(%dma_start3A_620 : memref<10000x128xf32, #tpu.memory_space<hbm>>) target(%dma_start3A_614 : memref<50x128xf32, #tpu.memory_space<vmem>>) offsets(%dma_start3A_617 : memref<50xi32, #tpu.memory_space<vmem>>) semaphore(%arg10 : memref<!tpu.dma_semaphore, #tpu.memory_space<semaphore_mem>>)
      %add3A_621 = arith.constant 2 : i32
      %add3A_622 = arith.addi %mul3A_448, %add3A_621 : i32
      %dma_wait3A_623 = arith.constant 2 : i32
      %dma_wait3A_624 = arith.constant 1 : i32
      %dma_wait3A_625 = arith.constant 0 : i32
      %dma_wait3A_626 = arith.constant 0 : i32
      %dma_wait3A_627 = tpu.memref_slice %arg7[%dma_wait3A_623, %dma_wait3A_625, %dma_wait3A_626] : memref<4x50x128xf32, #tpu.memory_space<vmem>> -> memref<1x50x128xf32, #tpu.memory_space<vmem>>
      %dma_wait3A_628 = tpu.memref_squeeze %dma_wait3A_627 : memref<1x50x128xf32, #tpu.memory_space<vmem>> -> memref<50x128xf32, #tpu.memory_space<vmem>>
      %dma_wait3A_629 = arith.constant 0 : i32
      %dma_wait3A_630 = tpu.memref_slice %arg6[%add3A_622, %dma_wait3A_624, %dma_wait3A_629] : memref<100x2x50xi32, #tpu.memory_space<vmem>> -> memref<1x1x50xi32, #tpu.memory_space<vmem>>
      %dma_wait3A_631 = tpu.memref_squeeze %dma_wait3A_630 : memref<1x1x50xi32, #tpu.memory_space<vmem>> -> memref<50xi32, #tpu.memory_space<vmem>>
      %dma_wait3A_632 = arith.constant 0 : i32
      %dma_wait3A_633 = arith.constant 0 : i32
      %dma_wait3A_634 = tpu.memref_slice %arg8[%dma_wait3A_632, %dma_wait3A_633] : memref<10000x128xf32, #tpu.memory_space<vmem_shared>> -> memref<10000x128xf32, #tpu.memory_space<vmem_shared>>
      tpu.wait_indirect_dma semaphore(%arg15 : memref<!tpu.dma_semaphore, #tpu.memory_space<semaphore_mem>>) src(%dma_wait3A_628 : memref<50x128xf32, #tpu.memory_space<vmem>>) dst(%dma_wait3A_634 : memref<10000x128xf32, #tpu.memory_space<vmem_shared>>)
      %add3A_635 = arith.constant 4 : i32
      %add3A_636 = arith.addi %mul3A_448, %add3A_635 : i32
      %add3A_637 = arith.constant 2 : i32
      %add3A_638 = arith.addi %add3A_636, %add3A_637 : i32
      %dma_start3A_639 = arith.constant 0 : i32
      %dma_start3A_640 = arith.constant 2 : i32
      %dma_start3A_641 = arith.constant 0 : i32
      %dma_start3A_642 = arith.constant 0 : i32
      %dma_start3A_643 = tpu.memref_slice %arg7[%dma_start3A_640, %dma_start3A_641, %dma_start3A_642] : memref<4x50x128xf32, #tpu.memory_space<vmem>> -> memref<1x50x128xf32, #tpu.memory_space<vmem>>
      %dma_start3A_644 = tpu.memref_squeeze %dma_start3A_643 : memref<1x50x128xf32, #tpu.memory_space<vmem>> -> memref<50x128xf32, #tpu.memory_space<vmem>>
      %dma_start3A_645 = arith.constant 0 : i32
      %dma_start3A_646 = tpu.memref_slice %arg6[%add3A_638, %dma_start3A_639, %dma_start3A_645] : memref<100x2x50xi32, #tpu.memory_space<vmem>> -> memref<1x1x50xi32, #tpu.memory_space<vmem>>
      %dma_start3A_647 = tpu.memref_squeeze %dma_start3A_646 : memref<1x1x50xi32, #tpu.memory_space<vmem>> -> memref<50xi32, #tpu.memory_space<vmem>>
      %dma_start3A_648 = arith.constant 0 : i32
      %dma_start3A_649 = arith.constant 0 : i32
      %dma_start3A_650 = tpu.memref_slice %arg2[%dma_start3A_648, %dma_start3A_649] : memref<10000x128xf32, #tpu.memory_space<hbm>> -> memref<10000x128xf32, #tpu.memory_space<hbm>>
      tpu.enqueue_indirect_dma source(%dma_start3A_650 : memref<10000x128xf32, #tpu.memory_space<hbm>>) target(%dma_start3A_644 : memref<50x128xf32, #tpu.memory_space<vmem>>) offsets(%dma_start3A_647 : memref<50xi32, #tpu.memory_space<vmem>>) semaphore(%arg11 : memref<!tpu.dma_semaphore, #tpu.memory_space<semaphore_mem>>)
      %add3A_651 = arith.constant 3 : i32
      %add3A_652 = arith.addi %mul3A_448, %add3A_651 : i32
      %dma_wait3A_653 = arith.constant 3 : i32
      %dma_wait3A_654 = arith.constant 1 : i32
      %dma_wait3A_655 = arith.constant 0 : i32
      %dma_wait3A_656 = arith.constant 0 : i32
      %dma_wait3A_657 = tpu.memref_slice %arg7[%dma_wait3A_653, %dma_wait3A_655, %dma_wait3A_656] : memref<4x50x128xf32, #tpu.memory_space<vmem>> -> memref<1x50x128xf32, #tpu.memory_space<vmem>>
      %dma_wait3A_658 = tpu.memref_squeeze %dma_wait3A_657 : memref<1x50x128xf32, #tpu.memory_space<vmem>> -> memref<50x128xf32, #tpu.memory_space<vmem>>
      %dma_wait3A_659 = arith.constant 0 : i32
      %dma_wait3A_660 = tpu.memref_slice %arg6[%add3A_652, %dma_wait3A_654, %dma_wait3A_659] : memref<100x2x50xi32, #tpu.memory_space<vmem>> -> memref<1x1x50xi32, #tpu.memory_space<vmem>>
      %dma_wait3A_661 = tpu.memref_squeeze %dma_wait3A_660 : memref<1x1x50xi32, #tpu.memory_space<vmem>> -> memref<50xi32, #tpu.memory_space<vmem>>
      %dma_wait3A_662 = arith.constant 0 : i32
      %dma_wait3A_663 = arith.constant 0 : i32
      %dma_wait3A_664 = tpu.memref_slice %arg8[%dma_wait3A_662, %dma_wait3A_663] : memref<10000x128xf32, #tpu.memory_space<vmem_shared>> -> memref<10000x128xf32, #tpu.memory_space<vmem_shared>>
      tpu.wait_indirect_dma semaphore(%arg16 : memref<!tpu.dma_semaphore, #tpu.memory_space<semaphore_mem>>) src(%dma_wait3A_658 : memref<50x128xf32, #tpu.memory_space<vmem>>) dst(%dma_wait3A_664 : memref<10000x128xf32, #tpu.memory_space<vmem_shared>>)
      %add3A_665 = arith.constant 4 : i32
      %add3A_666 = arith.addi %mul3A_448, %add3A_665 : i32
      %add3A_667 = arith.constant 3 : i32
      %add3A_668 = arith.addi %add3A_666, %add3A_667 : i32
      %dma_start3A_669 = arith.constant 0 : i32
      %dma_start3A_670 = arith.constant 3 : i32
      %dma_start3A_671 = arith.constant 0 : i32
      %dma_start3A_672 = arith.constant 0 : i32
      %dma_start3A_673 = tpu.memref_slice %arg7[%dma_start3A_670, %dma_start3A_671, %dma_start3A_672] : memref<4x50x128xf32, #tpu.memory_space<vmem>> -> memref<1x50x128xf32, #tpu.memory_space<vmem>>
      %dma_start3A_674 = tpu.memref_squeeze %dma_start3A_673 : memref<1x50x128xf32, #tpu.memory_space<vmem>> -> memref<50x128xf32, #tpu.memory_space<vmem>>
      %dma_start3A_675 = arith.constant 0 : i32
      %dma_start3A_676 = tpu.memref_slice %arg6[%add3A_668, %dma_start3A_669, %dma_start3A_675] : memref<100x2x50xi32, #tpu.memory_space<vmem>> -> memref<1x1x50xi32, #tpu.memory_space<vmem>>
      %dma_start3A_677 = tpu.memref_squeeze %dma_start3A_676 : memref<1x1x50xi32, #tpu.memory_space<vmem>> -> memref<50xi32, #tpu.memory_space<vmem>>
      %dma_start3A_678 = arith.constant 0 : i32
      %dma_start3A_679 = arith.constant 0 : i32
      %dma_start3A_680 = tpu.memref_slice %arg2[%dma_start3A_678, %dma_start3A_679] : memref<10000x128xf32, #tpu.memory_space<hbm>> -> memref<10000x128xf32, #tpu.memory_space<hbm>>
      tpu.enqueue_indirect_dma source(%dma_start3A_680 : memref<10000x128xf32, #tpu.memory_space<hbm>>) target(%dma_start3A_674 : memref<50x128xf32, #tpu.memory_space<vmem>>) offsets(%dma_start3A_677 : memref<50xi32, #tpu.memory_space<vmem>>) semaphore(%arg12 : memref<!tpu.dma_semaphore, #tpu.memory_space<semaphore_mem>>)
      %scan3A_681 = arith.constant 0 : i32
      scf.yield %scan3A_681 : i32
    }
    %scan3A_277 = arith.constant 24 : i32
    %dma_wait3A_278 = arith.constant 96 : i32
    %dma_wait3A_279 = arith.constant 0 : i32
    %dma_wait3A_280 = arith.constant 0 : i32
    %dma_wait3A_281 = arith.constant 0 : i32
    %dma_wait3A_282 = arith.constant 0 : i32
    %dma_wait3A_283 = tpu.memref_slice %arg7[%dma_wait3A_280, %dma_wait3A_281, %dma_wait3A_282] : memref<4x50x128xf32, #tpu.memory_space<vmem>> -> memref<1x50x128xf32, #tpu.memory_space<vmem>>
    %dma_wait3A_284 = tpu.memref_squeeze %dma_wait3A_283 : memref<1x50x128xf32, #tpu.memory_space<vmem>> -> memref<50x128xf32, #tpu.memory_space<vmem>>
    %dma_wait3A_285 = arith.constant 0 : i32
    %dma_wait3A_286 = tpu.memref_slice %arg6[%dma_wait3A_278, %dma_wait3A_279, %dma_wait3A_285] : memref<100x2x50xi32, #tpu.memory_space<vmem>> -> memref<1x1x50xi32, #tpu.memory_space<vmem>>
    %dma_wait3A_287 = tpu.memref_squeeze %dma_wait3A_286 : memref<1x1x50xi32, #tpu.memory_space<vmem>> -> memref<50xi32, #tpu.memory_space<vmem>>
    %dma_wait3A_288 = arith.constant 0 : i32
    %dma_wait3A_289 = arith.constant 0 : i32
    %dma_wait3A_290 = tpu.memref_slice %arg2[%dma_wait3A_288, %dma_wait3A_289] : memref<10000x128xf32, #tpu.memory_space<hbm>> -> memref<10000x128xf32, #tpu.memory_space<hbm>>
    tpu.wait_indirect_dma semaphore(%arg9 : memref<!tpu.dma_semaphore, #tpu.memory_space<semaphore_mem>>) src(%dma_wait3A_290 : memref<10000x128xf32, #tpu.memory_space<hbm>>) dst(%dma_wait3A_284 : memref<50x128xf32, #tpu.memory_space<vmem>>)
    %dma_start3A_291 = arith.constant 0 : i32
    %dma_start3A_292 = arith.constant 96 : i32
    %dma_start3A_293 = arith.constant 1 : i32
    %dma_start3A_294 = arith.constant 0 : i32
    %dma_start3A_295 = arith.constant 0 : i32
    %dma_start3A_296 = tpu.memref_slice %arg7[%dma_start3A_291, %dma_start3A_294, %dma_start3A_295] : memref<4x50x128xf32, #tpu.memory_space<vmem>> -> memref<1x50x128xf32, #tpu.memory_space<vmem>>
    %dma_start3A_297 = tpu.memref_squeeze %dma_start3A_296 : memref<1x50x128xf32, #tpu.memory_space<vmem>> -> memref<50x128xf32, #tpu.memory_space<vmem>>
    %dma_start3A_298 = arith.constant 0 : i32
    %dma_start3A_299 = tpu.memref_slice %arg6[%dma_start3A_292, %dma_start3A_293, %dma_start3A_298] : memref<100x2x50xi32, #tpu.memory_space<vmem>> -> memref<1x1x50xi32, #tpu.memory_space<vmem>>
    %dma_start3A_300 = tpu.memref_squeeze %dma_start3A_299 : memref<1x1x50xi32, #tpu.memory_space<vmem>> -> memref<50xi32, #tpu.memory_space<vmem>>
    %dma_start3A_301 = arith.constant 0 : i32
    %dma_start3A_302 = arith.constant 0 : i32
    %dma_start3A_303 = tpu.memref_slice %arg8[%dma_start3A_301, %dma_start3A_302] : memref<10000x128xf32, #tpu.memory_space<vmem_shared>> -> memref<10000x128xf32, #tpu.memory_space<vmem_shared>>
    tpu.enqueue_indirect_dma source(%dma_start3A_297 : memref<50x128xf32, #tpu.memory_space<vmem>>) target(%dma_start3A_303 : memref<10000x128xf32, #tpu.memory_space<vmem_shared>>) offsets(%dma_start3A_300 : memref<50xi32, #tpu.memory_space<vmem>>) semaphore(%arg13 : memref<!tpu.dma_semaphore, #tpu.memory_space<semaphore_mem>>) {add = true}
    %dma_wait3A_304 = arith.constant 97 : i32
    %dma_wait3A_305 = arith.constant 0 : i32
    %dma_wait3A_306 = arith.constant 1 : i32
    %dma_wait3A_307 = arith.constant 0 : i32
    %dma_wait3A_308 = arith.constant 0 : i32
    %dma_wait3A_309 = tpu.memref_slice %arg7[%dma_wait3A_306, %dma_wait3A_307, %dma_wait3A_308] : memref<4x50x128xf32, #tpu.memory_space<vmem>> -> memref<1x50x128xf32, #tpu.memory_space<vmem>>
    %dma_wait3A_310 = tpu.memref_squeeze %dma_wait3A_309 : memref<1x50x128xf32, #tpu.memory_space<vmem>> -> memref<50x128xf32, #tpu.memory_space<vmem>>
    %dma_wait3A_311 = arith.constant 0 : i32
    %dma_wait3A_312 = tpu.memref_slice %arg6[%dma_wait3A_304, %dma_wait3A_305, %dma_wait3A_311] : memref<100x2x50xi32, #tpu.memory_space<vmem>> -> memref<1x1x50xi32, #tpu.memory_space<vmem>>
    %dma_wait3A_313 = tpu.memref_squeeze %dma_wait3A_312 : memref<1x1x50xi32, #tpu.memory_space<vmem>> -> memref<50xi32, #tpu.memory_space<vmem>>
    %dma_wait3A_314 = arith.constant 0 : i32
    %dma_wait3A_315 = arith.constant 0 : i32
    %dma_wait3A_316 = tpu.memref_slice %arg2[%dma_wait3A_314, %dma_wait3A_315] : memref<10000x128xf32, #tpu.memory_space<hbm>> -> memref<10000x128xf32, #tpu.memory_space<hbm>>
    tpu.wait_indirect_dma semaphore(%arg10 : memref<!tpu.dma_semaphore, #tpu.memory_space<semaphore_mem>>) src(%dma_wait3A_316 : memref<10000x128xf32, #tpu.memory_space<hbm>>) dst(%dma_wait3A_310 : memref<50x128xf32, #tpu.memory_space<vmem>>)
    %dma_start3A_317 = arith.constant 1 : i32
    %dma_start3A_318 = arith.constant 97 : i32
    %dma_start3A_319 = arith.constant 1 : i32
    %dma_start3A_320 = arith.constant 0 : i32
    %dma_start3A_321 = arith.constant 0 : i32
    %dma_start3A_322 = tpu.memref_slice %arg7[%dma_start3A_317, %dma_start3A_320, %dma_start3A_321] : memref<4x50x128xf32, #tpu.memory_space<vmem>> -> memref<1x50x128xf32, #tpu.memory_space<vmem>>
    %dma_start3A_323 = tpu.memref_squeeze %dma_start3A_322 : memref<1x50x128xf32, #tpu.memory_space<vmem>> -> memref<50x128xf32, #tpu.memory_space<vmem>>
    %dma_start3A_324 = arith.constant 0 : i32
    %dma_start3A_325 = tpu.memref_slice %arg6[%dma_start3A_318, %dma_start3A_319, %dma_start3A_324] : memref<100x2x50xi32, #tpu.memory_space<vmem>> -> memref<1x1x50xi32, #tpu.memory_space<vmem>>
    %dma_start3A_326 = tpu.memref_squeeze %dma_start3A_325 : memref<1x1x50xi32, #tpu.memory_space<vmem>> -> memref<50xi32, #tpu.memory_space<vmem>>
    %dma_start3A_327 = arith.constant 0 : i32
    %dma_start3A_328 = arith.constant 0 : i32
    %dma_start3A_329 = tpu.memref_slice %arg8[%dma_start3A_327, %dma_start3A_328] : memref<10000x128xf32, #tpu.memory_space<vmem_shared>> -> memref<10000x128xf32, #tpu.memory_space<vmem_shared>>
    tpu.enqueue_indirect_dma source(%dma_start3A_323 : memref<50x128xf32, #tpu.memory_space<vmem>>) target(%dma_start3A_329 : memref<10000x128xf32, #tpu.memory_space<vmem_shared>>) offsets(%dma_start3A_326 : memref<50xi32, #tpu.memory_space<vmem>>) semaphore(%arg14 : memref<!tpu.dma_semaphore, #tpu.memory_space<semaphore_mem>>) {add = true}
    %dma_wait3A_330 = arith.constant 98 : i32
    %dma_wait3A_331 = arith.constant 0 : i32
    %dma_wait3A_332 = arith.constant 2 : i32
    %dma_wait3A_333 = arith.constant 0 : i32
    %dma_wait3A_334 = arith.constant 0 : i32
    %dma_wait3A_335 = tpu.memref_slice %arg7[%dma_wait3A_332, %dma_wait3A_333, %dma_wait3A_334] : memref<4x50x128xf32, #tpu.memory_space<vmem>> -> memref<1x50x128xf32, #tpu.memory_space<vmem>>
    %dma_wait3A_336 = tpu.memref_squeeze %dma_wait3A_335 : memref<1x50x128xf32, #tpu.memory_space<vmem>> -> memref<50x128xf32, #tpu.memory_space<vmem>>
    %dma_wait3A_337 = arith.constant 0 : i32
    %dma_wait3A_338 = tpu.memref_slice %arg6[%dma_wait3A_330, %dma_wait3A_331, %dma_wait3A_337] : memref<100x2x50xi32, #tpu.memory_space<vmem>> -> memref<1x1x50xi32, #tpu.memory_space<vmem>>
    %dma_wait3A_339 = tpu.memref_squeeze %dma_wait3A_338 : memref<1x1x50xi32, #tpu.memory_space<vmem>> -> memref<50xi32, #tpu.memory_space<vmem>>
    %dma_wait3A_340 = arith.constant 0 : i32
    %dma_wait3A_341 = arith.constant 0 : i32
    %dma_wait3A_342 = tpu.memref_slice %arg2[%dma_wait3A_340, %dma_wait3A_341] : memref<10000x128xf32, #tpu.memory_space<hbm>> -> memref<10000x128xf32, #tpu.memory_space<hbm>>
    tpu.wait_indirect_dma semaphore(%arg11 : memref<!tpu.dma_semaphore, #tpu.memory_space<semaphore_mem>>) src(%dma_wait3A_342 : memref<10000x128xf32, #tpu.memory_space<hbm>>) dst(%dma_wait3A_336 : memref<50x128xf32, #tpu.memory_space<vmem>>)
    %dma_start3A_343 = arith.constant 2 : i32
    %dma_start3A_344 = arith.constant 98 : i32
    %dma_start3A_345 = arith.constant 1 : i32
    %dma_start3A_346 = arith.constant 0 : i32
    %dma_start3A_347 = arith.constant 0 : i32
    %dma_start3A_348 = tpu.memref_slice %arg7[%dma_start3A_343, %dma_start3A_346, %dma_start3A_347] : memref<4x50x128xf32, #tpu.memory_space<vmem>> -> memref<1x50x128xf32, #tpu.memory_space<vmem>>
    %dma_start3A_349 = tpu.memref_squeeze %dma_start3A_348 : memref<1x50x128xf32, #tpu.memory_space<vmem>> -> memref<50x128xf32, #tpu.memory_space<vmem>>
    %dma_start3A_350 = arith.constant 0 : i32
    %dma_start3A_351 = tpu.memref_slice %arg6[%dma_start3A_344, %dma_start3A_345, %dma_start3A_350] : memref<100x2x50xi32, #tpu.memory_space<vmem>> -> memref<1x1x50xi32, #tpu.memory_space<vmem>>
    %dma_start3A_352 = tpu.memref_squeeze %dma_start3A_351 : memref<1x1x50xi32, #tpu.memory_space<vmem>> -> memref<50xi32, #tpu.memory_space<vmem>>
    %dma_start3A_353 = arith.constant 0 : i32
    %dma_start3A_354 = arith.constant 0 : i32
    %dma_start3A_355 = tpu.memref_slice %arg8[%dma_start3A_353, %dma_start3A_354] : memref<10000x128xf32, #tpu.memory_space<vmem_shared>> -> memref<10000x128xf32, #tpu.memory_space<vmem_shared>>
    tpu.enqueue_indirect_dma source(%dma_start3A_349 : memref<50x128xf32, #tpu.memory_space<vmem>>) target(%dma_start3A_355 : memref<10000x128xf32, #tpu.memory_space<vmem_shared>>) offsets(%dma_start3A_352 : memref<50xi32, #tpu.memory_space<vmem>>) semaphore(%arg15 : memref<!tpu.dma_semaphore, #tpu.memory_space<semaphore_mem>>) {add = true}
    %dma_wait3A_356 = arith.constant 99 : i32
    %dma_wait3A_357 = arith.constant 0 : i32
    %dma_wait3A_358 = arith.constant 3 : i32
    %dma_wait3A_359 = arith.constant 0 : i32
    %dma_wait3A_360 = arith.constant 0 : i32
    %dma_wait3A_361 = tpu.memref_slice %arg7[%dma_wait3A_358, %dma_wait3A_359, %dma_wait3A_360] : memref<4x50x128xf32, #tpu.memory_space<vmem>> -> memref<1x50x128xf32, #tpu.memory_space<vmem>>
    %dma_wait3A_362 = tpu.memref_squeeze %dma_wait3A_361 : memref<1x50x128xf32, #tpu.memory_space<vmem>> -> memref<50x128xf32, #tpu.memory_space<vmem>>
    %dma_wait3A_363 = arith.constant 0 : i32
    %dma_wait3A_364 = tpu.memref_slice %arg6[%dma_wait3A_356, %dma_wait3A_357, %dma_wait3A_363] : memref<100x2x50xi32, #tpu.memory_space<vmem>> -> memref<1x1x50xi32, #tpu.memory_space<vmem>>
    %dma_wait3A_365 = tpu.memref_squeeze %dma_wait3A_364 : memref<1x1x50xi32, #tpu.memory_space<vmem>> -> memref<50xi32, #tpu.memory_space<vmem>>
    %dma_wait3A_366 = arith.constant 0 : i32
    %dma_wait3A_367 = arith.constant 0 : i32
    %dma_wait3A_368 = tpu.memref_slice %arg2[%dma_wait3A_366, %dma_wait3A_367] : memref<10000x128xf32, #tpu.memory_space<hbm>> -> memref<10000x128xf32, #tpu.memory_space<hbm>>
    tpu.wait_indirect_dma semaphore(%arg12 : memref<!tpu.dma_semaphore, #tpu.memory_space<semaphore_mem>>) src(%dma_wait3A_368 : memref<10000x128xf32, #tpu.memory_space<hbm>>) dst(%dma_wait3A_362 : memref<50x128xf32, #tpu.memory_space<vmem>>)
    %dma_start3A_369 = arith.constant 3 : i32
    %dma_start3A_370 = arith.constant 99 : i32
    %dma_start3A_371 = arith.constant 1 : i32
    %dma_start3A_372 = arith.constant 0 : i32
    %dma_start3A_373 = arith.constant 0 : i32
    %dma_start3A_374 = tpu.memref_slice %arg7[%dma_start3A_369, %dma_start3A_372, %dma_start3A_373] : memref<4x50x128xf32, #tpu.memory_space<vmem>> -> memref<1x50x128xf32, #tpu.memory_space<vmem>>
    %dma_start3A_375 = tpu.memref_squeeze %dma_start3A_374 : memref<1x50x128xf32, #tpu.memory_space<vmem>> -> memref<50x128xf32, #tpu.memory_space<vmem>>
    %dma_start3A_376 = arith.constant 0 : i32
    %dma_start3A_377 = tpu.memref_slice %arg6[%dma_start3A_370, %dma_start3A_371, %dma_start3A_376] : memref<100x2x50xi32, #tpu.memory_space<vmem>> -> memref<1x1x50xi32, #tpu.memory_space<vmem>>
    %dma_start3A_378 = tpu.memref_squeeze %dma_start3A_377 : memref<1x1x50xi32, #tpu.memory_space<vmem>> -> memref<50xi32, #tpu.memory_space<vmem>>
    %dma_start3A_379 = arith.constant 0 : i32
    %dma_start3A_380 = arith.constant 0 : i32
    %dma_start3A_381 = tpu.memref_slice %arg8[%dma_start3A_379, %dma_start3A_380] : memref<10000x128xf32, #tpu.memory_space<vmem_shared>> -> memref<10000x128xf32, #tpu.memory_space<vmem_shared>>
    tpu.enqueue_indirect_dma source(%dma_start3A_375 : memref<50x128xf32, #tpu.memory_space<vmem>>) target(%dma_start3A_381 : memref<10000x128xf32, #tpu.memory_space<vmem_shared>>) offsets(%dma_start3A_378 : memref<50xi32, #tpu.memory_space<vmem>>) semaphore(%arg16 : memref<!tpu.dma_semaphore, #tpu.memory_space<semaphore_mem>>) {add = true}
    %dma_wait3A_382 = arith.constant 0 : i32
    %dma_wait3A_383 = arith.constant 96 : i32
    %dma_wait3A_384 = arith.constant 1 : i32
    %dma_wait3A_385 = arith.constant 0 : i32
    %dma_wait3A_386 = arith.constant 0 : i32
    %dma_wait3A_387 = tpu.memref_slice %arg7[%dma_wait3A_382, %dma_wait3A_385, %dma_wait3A_386] : memref<4x50x128xf32, #tpu.memory_space<vmem>> -> memref<1x50x128xf32, #tpu.memory_space<vmem>>
    %dma_wait3A_388 = tpu.memref_squeeze %dma_wait3A_387 : memref<1x50x128xf32, #tpu.memory_space<vmem>> -> memref<50x128xf32, #tpu.memory_space<vmem>>
    %dma_wait3A_389 = arith.constant 0 : i32
    %dma_wait3A_390 = tpu.memref_slice %arg6[%dma_wait3A_383, %dma_wait3A_384, %dma_wait3A_389] : memref<100x2x50xi32, #tpu.memory_space<vmem>> -> memref<1x1x50xi32, #tpu.memory_space<vmem>>
    %dma_wait3A_391 = tpu.memref_squeeze %dma_wait3A_390 : memref<1x1x50xi32, #tpu.memory_space<vmem>> -> memref<50xi32, #tpu.memory_space<vmem>>
    %dma_wait3A_392 = arith.constant 0 : i32
    %dma_wait3A_393 = arith.constant 0 : i32
    %dma_wait3A_394 = tpu.memref_slice %arg8[%dma_wait3A_392, %dma_wait3A_393] : memref<10000x128xf32, #tpu.memory_space<vmem_shared>> -> memref<10000x128xf32, #tpu.memory_space<vmem_shared>>
    tpu.wait_indirect_dma semaphore(%arg13 : memref<!tpu.dma_semaphore, #tpu.memory_space<semaphore_mem>>) src(%dma_wait3A_388 : memref<50x128xf32, #tpu.memory_space<vmem>>) dst(%dma_wait3A_394 : memref<10000x128xf32, #tpu.memory_space<vmem_shared>>)
    %dma_wait3A_395 = arith.constant 1 : i32
    %dma_wait3A_396 = arith.constant 97 : i32
    %dma_wait3A_397 = arith.constant 1 : i32
    %dma_wait3A_398 = arith.constant 0 : i32
    %dma_wait3A_399 = arith.constant 0 : i32
    %dma_wait3A_400 = tpu.memref_slice %arg7[%dma_wait3A_395, %dma_wait3A_398, %dma_wait3A_399] : memref<4x50x128xf32, #tpu.memory_space<vmem>> -> memref<1x50x128xf32, #tpu.memory_space<vmem>>
    %dma_wait3A_401 = tpu.memref_squeeze %dma_wait3A_400 : memref<1x50x128xf32, #tpu.memory_space<vmem>> -> memref<50x128xf32, #tpu.memory_space<vmem>>
    %dma_wait3A_402 = arith.constant 0 : i32
    %dma_wait3A_403 = tpu.memref_slice %arg6[%dma_wait3A_396, %dma_wait3A_397, %dma_wait3A_402] : memref<100x2x50xi32, #tpu.memory_space<vmem>> -> memref<1x1x50xi32, #tpu.memory_space<vmem>>
    %dma_wait3A_404 = tpu.memref_squeeze %dma_wait3A_403 : memref<1x1x50xi32, #tpu.memory_space<vmem>> -> memref<50xi32, #tpu.memory_space<vmem>>
    %dma_wait3A_405 = arith.constant 0 : i32
    %dma_wait3A_406 = arith.constant 0 : i32
    %dma_wait3A_407 = tpu.memref_slice %arg8[%dma_wait3A_405, %dma_wait3A_406] : memref<10000x128xf32, #tpu.memory_space<vmem_shared>> -> memref<10000x128xf32, #tpu.memory_space<vmem_shared>>
    tpu.wait_indirect_dma semaphore(%arg14 : memref<!tpu.dma_semaphore, #tpu.memory_space<semaphore_mem>>) src(%dma_wait3A_401 : memref<50x128xf32, #tpu.memory_space<vmem>>) dst(%dma_wait3A_407 : memref<10000x128xf32, #tpu.memory_space<vmem_shared>>)
    %dma_wait3A_408 = arith.constant 2 : i32
    %dma_wait3A_409 = arith.constant 98 : i32
    %dma_wait3A_410 = arith.constant 1 : i32
    %dma_wait3A_411 = arith.constant 0 : i32
    %dma_wait3A_412 = arith.constant 0 : i32
    %dma_wait3A_413 = tpu.memref_slice %arg7[%dma_wait3A_408, %dma_wait3A_411, %dma_wait3A_412] : memref<4x50x128xf32, #tpu.memory_space<vmem>> -> memref<1x50x128xf32, #tpu.memory_space<vmem>>
    %dma_wait3A_414 = tpu.memref_squeeze %dma_wait3A_413 : memref<1x50x128xf32, #tpu.memory_space<vmem>> -> memref<50x128xf32, #tpu.memory_space<vmem>>
    %dma_wait3A_415 = arith.constant 0 : i32
    %dma_wait3A_416 = tpu.memref_slice %arg6[%dma_wait3A_409, %dma_wait3A_410, %dma_wait3A_415] : memref<100x2x50xi32, #tpu.memory_space<vmem>> -> memref<1x1x50xi32, #tpu.memory_space<vmem>>
    %dma_wait3A_417 = tpu.memref_squeeze %dma_wait3A_416 : memref<1x1x50xi32, #tpu.memory_space<vmem>> -> memref<50xi32, #tpu.memory_space<vmem>>
    %dma_wait3A_418 = arith.constant 0 : i32
    %dma_wait3A_419 = arith.constant 0 : i32
    %dma_wait3A_420 = tpu.memref_slice %arg8[%dma_wait3A_418, %dma_wait3A_419] : memref<10000x128xf32, #tpu.memory_space<vmem_shared>> -> memref<10000x128xf32, #tpu.memory_space<vmem_shared>>
    tpu.wait_indirect_dma semaphore(%arg15 : memref<!tpu.dma_semaphore, #tpu.memory_space<semaphore_mem>>) src(%dma_wait3A_414 : memref<50x128xf32, #tpu.memory_space<vmem>>) dst(%dma_wait3A_420 : memref<10000x128xf32, #tpu.memory_space<vmem_shared>>)
    %dma_wait3A_421 = arith.constant 3 : i32
    %dma_wait3A_422 = arith.constant 99 : i32
    %dma_wait3A_423 = arith.constant 1 : i32
    %dma_wait3A_424 = arith.constant 0 : i32
    %dma_wait3A_425 = arith.constant 0 : i32
    %dma_wait3A_426 = tpu.memref_slice %arg7[%dma_wait3A_421, %dma_wait3A_424, %dma_wait3A_425] : memref<4x50x128xf32, #tpu.memory_space<vmem>> -> memref<1x50x128xf32, #tpu.memory_space<vmem>>
    %dma_wait3A_427 = tpu.memref_squeeze %dma_wait3A_426 : memref<1x50x128xf32, #tpu.memory_space<vmem>> -> memref<50x128xf32, #tpu.memory_space<vmem>>
    %dma_wait3A_428 = arith.constant 0 : i32
    %dma_wait3A_429 = tpu.memref_slice %arg6[%dma_wait3A_422, %dma_wait3A_423, %dma_wait3A_428] : memref<100x2x50xi32, #tpu.memory_space<vmem>> -> memref<1x1x50xi32, #tpu.memory_space<vmem>>
    %dma_wait3A_430 = tpu.memref_squeeze %dma_wait3A_429 : memref<1x1x50xi32, #tpu.memory_space<vmem>> -> memref<50xi32, #tpu.memory_space<vmem>>
    %dma_wait3A_431 = arith.constant 0 : i32
    %dma_wait3A_432 = arith.constant 0 : i32
    %dma_wait3A_433 = tpu.memref_slice %arg8[%dma_wait3A_431, %dma_wait3A_432] : memref<10000x128xf32, #tpu.memory_space<vmem_shared>> -> memref<10000x128xf32, #tpu.memory_space<vmem_shared>>
    tpu.wait_indirect_dma semaphore(%arg16 : memref<!tpu.dma_semaphore, #tpu.memory_space<semaphore_mem>>) src(%dma_wait3A_427 : memref<50x128xf32, #tpu.memory_space<vmem>>) dst(%dma_wait3A_433 : memref<10000x128xf32, #tpu.memory_space<vmem_shared>>)
    %barrier3A_434 = arith.constant 0 : index
    tpu.barrier barrier_id(%barrier3A_434)
    %lt3A_435 = arith.constant 15 : i32
    %lt3A_436 = arith.cmpi slt, %arg1, %lt3A_435 : i32
    %convert_element_type3A_437 = arith.extui %lt3A_436 : i1 to i32
    %cond3A_438 = arith.constant 0 : i32
    %cond3A_439 = arith.cmpi ne, %convert_element_type3A_437, %cond3A_438 : i32
    scf.if %cond3A_439 {
      %mul3A_445 = arith.constant 632 : i32
      %mul3A_446 = arith.muli %arg1, %mul3A_445 : i32
      %mul3A_447 = arith.constant 632 : i32
      %mul3A_448 = arith.muli %arg1, %mul3A_447 : i32
      "tpu.region"() ({
        %run_scoped3A = tpu.sem_alloc : memref<!tpu.dma_semaphore, #tpu.memory_space<semaphore_mem>>
        %dma_start3A_449 = arith.constant 0 : i32
        %dma_start3A_450 = tpu.memref_slice %arg5[%arg0, %mul3A_448, %dma_start3A_449] : memref<2x10000x128xf32, #tpu.memory_space<hbm>> -> memref<1x632x128xf32, #tpu.memory_space<hbm>>
        %dma_start3A_451 = tpu.memref_squeeze %dma_start3A_450 : memref<1x632x128xf32, #tpu.memory_space<hbm>> -> memref<632x128xf32, #tpu.memory_space<hbm>>
        %dma_start3A_452 = arith.constant 0 : i32
        %dma_start3A_453 = tpu.memref_slice %arg8[%mul3A_446, %dma_start3A_452] : memref<10000x128xf32, #tpu.memory_space<vmem_shared>> -> memref<632x128xf32, #tpu.memory_space<vmem_shared>>
        tpu.enqueue_dma source(%dma_start3A_453 : memref<632x128xf32, #tpu.memory_space<vmem_shared>>) target(%dma_start3A_451 : memref<632x128xf32, #tpu.memory_space<hbm>>) target_semaphore(%run_scoped3A : memref<!tpu.dma_semaphore, #tpu.memory_space<semaphore_mem>>)
        %dma_wait3A_454 = arith.constant 0 : i32
        %dma_wait3A_455 = tpu.memref_slice %arg5[%arg0, %mul3A_448, %dma_wait3A_454] : memref<2x10000x128xf32, #tpu.memory_space<hbm>> -> memref<1x632x128xf32, #tpu.memory_space<hbm>>
        %dma_wait3A_456 = tpu.memref_squeeze %dma_wait3A_455 : memref<1x632x128xf32, #tpu.memory_space<hbm>> -> memref<632x128xf32, #tpu.memory_space<hbm>>
        %dma_wait3A_457 = arith.constant 0 : i32
        %dma_wait3A_458 = tpu.memref_slice %arg8[%mul3A_446, %dma_wait3A_457] : memref<10000x128xf32, #tpu.memory_space<vmem_shared>> -> memref<632x128xf32, #tpu.memory_space<vmem_shared>>
        tpu.wait_dma2 semaphore(%run_scoped3A : memref<!tpu.dma_semaphore, #tpu.memory_space<semaphore_mem>>) src(%dma_wait3A_458 : memref<632x128xf32, #tpu.memory_space<vmem_shared>>) dst(%dma_wait3A_456 : memref<632x128xf32, #tpu.memory_space<hbm>>)
        tpu.yield
      }) : () -> ()
    } else {
    }
    %eq3A_440 = arith.constant 15 : i32
    %eq3A_441 = arith.cmpi eq, %arg1, %eq3A_440 : i32
    %convert_element_type3A_442 = arith.extui %eq3A_441 : i1 to i32
    %cond3A_443 = arith.constant 0 : i32
    %cond3A_444 = arith.cmpi ne, %convert_element_type3A_442, %cond3A_443 : i32
    scf.if %cond3A_444 {
      "tpu.region"() ({
        %run_scoped3A = tpu.sem_alloc : memref<!tpu.dma_semaphore, #tpu.memory_space<semaphore_mem>>
        %dma_start3A_445 = arith.constant 9480 : i32
        %dma_start3A_446 = arith.constant 0 : i32
        %dma_start3A_447 = tpu.memref_slice %arg5[%arg0, %dma_start3A_445, %dma_start3A_446] : memref<2x10000x128xf32, #tpu.memory_space<hbm>> -> memref<1x520x128xf32, #tpu.memory_space<hbm>>
        %dma_start3A_448 = tpu.memref_squeeze %dma_start3A_447 : memref<1x520x128xf32, #tpu.memory_space<hbm>> -> memref<520x128xf32, #tpu.memory_space<hbm>>
        %dma_start3A_449 = arith.constant 9480 : i32
        %dma_start3A_450 = arith.constant 0 : i32
        %dma_start3A_451 = tpu.memref_slice %arg8[%dma_start3A_449, %dma_start3A_450] : memref<10000x128xf32, #tpu.memory_space<vmem_shared>> -> memref<520x128xf32, #tpu.memory_space<vmem_shared>>
        tpu.enqueue_dma source(%dma_start3A_451 : memref<520x128xf32, #tpu.memory_space<vmem_shared>>) target(%dma_start3A_448 : memref<520x128xf32, #tpu.memory_space<hbm>>) target_semaphore(%run_scoped3A : memref<!tpu.dma_semaphore, #tpu.memory_space<semaphore_mem>>)
        %dma_wait3A_452 = arith.constant 9480 : i32
        %dma_wait3A_453 = arith.constant 0 : i32
        %dma_wait3A_454 = tpu.memref_slice %arg5[%arg0, %dma_wait3A_452, %dma_wait3A_453] : memref<2x10000x128xf32, #tpu.memory_space<hbm>> -> memref<1x520x128xf32, #tpu.memory_space<hbm>>
        %dma_wait3A_455 = tpu.memref_squeeze %dma_wait3A_454 : memref<1x520x128xf32, #tpu.memory_space<hbm>> -> memref<520x128xf32, #tpu.memory_space<hbm>>
        %dma_wait3A_456 = arith.constant 9480 : i32
        %dma_wait3A_457 = arith.constant 0 : i32
        %dma_wait3A_458 = tpu.memref_slice %arg8[%dma_wait3A_456, %dma_wait3A_457] : memref<10000x128xf32, #tpu.memory_space<vmem_shared>> -> memref<520x128xf32, #tpu.memory_space<vmem_shared>>
        tpu.wait_dma2 semaphore(%run_scoped3A : memref<!tpu.dma_semaphore, #tpu.memory_space<semaphore_mem>>) src(%dma_wait3A_458 : memref<520x128xf32, #tpu.memory_space<vmem_shared>>) dst(%dma_wait3A_455 : memref<520x128xf32, #tpu.memory_space<hbm>>)
        tpu.yield
      }) : () -> ()
    } else {
    }
    return
  }
}

module attributes {stable_mosaic.version = 14 : i64} {
  func.func @_bn0_body(%arg0: memref<10000x128xf32, #tpu.memory_space<vmem>>, %arg1: memref<1x128xf32, #tpu.memory_space<vmem>>, %arg2: memref<1x128xf32, #tpu.memory_space<vmem>>, %arg3: memref<10000x128xf32, #tpu.memory_space<vmem>>) attributes {dimension_semantics = [], scalar_prefetch = 0 : i64, scratch_operands = 0 : i64, tpu.core_type = #tpu.core_type<tc>} {
    %get3A = arith.constant 0 : index
    %get3A_0 = arith.constant 0 : index
    %get3A_1 = vector.load %arg0[%get3A, %get3A_0] : memref<10000x128xf32, #tpu.memory_space<vmem>>, vector<10000x128xf32>
    %reduce_sum3A = arith.constant dense<0.000000e+00> : vector<128xf32>
    %reduce_sum3A_2 = vector.multi_reduction <add>, %get3A_1, %reduce_sum3A [0] : vector<10000x128xf32> to vector<128xf32>
    %broadcast_in_dim3A = vector.shape_cast %reduce_sum3A_2 : vector<128xf32> to vector<1x128xf32>
    %div3A = arith.constant 1.000000e+04 : f32
    %div3A_3 = vector.broadcast %div3A : f32 to vector<1x128xf32>
    %div3A_4 = arith.divf %broadcast_in_dim3A, %div3A_3 : vector<1x128xf32>
    %sub3A = vector.broadcast %div3A_4 : vector<1x128xf32> to vector<10000x128xf32>
    %sub3A_5 = arith.subf %get3A_1, %sub3A : vector<10000x128xf32>
    %sub3A_6 = vector.broadcast %div3A_4 : vector<1x128xf32> to vector<10000x128xf32>
    %sub3A_7 = arith.subf %get3A_1, %sub3A_6 : vector<10000x128xf32>
    %mul3A = arith.mulf %sub3A_5, %sub3A_7 : vector<10000x128xf32>
    %reduce_sum3A_8 = arith.constant dense<0.000000e+00> : vector<128xf32>
    %reduce_sum3A_9 = vector.multi_reduction <add>, %mul3A, %reduce_sum3A_8 [0] : vector<10000x128xf32> to vector<128xf32>
    %broadcast_in_dim3A_10 = vector.shape_cast %reduce_sum3A_9 : vector<128xf32> to vector<1x128xf32>
    %div3A_11 = arith.constant 1.000000e+04 : f32
    %div3A_12 = vector.broadcast %div3A_11 : f32 to vector<1x128xf32>
    %div3A_13 = arith.divf %broadcast_in_dim3A_10, %div3A_12 : vector<1x128xf32>
    %sub3A_14 = vector.broadcast %div3A_4 : vector<1x128xf32> to vector<10000x128xf32>
    %sub3A_15 = arith.subf %get3A_1, %sub3A_14 : vector<10000x128xf32>
    %add3A = arith.constant 9.99999974E-6 : f32
    %add3A_16 = vector.broadcast %add3A : f32 to vector<1x128xf32>
    %add3A_17 = arith.addf %div3A_13, %add3A_16 : vector<1x128xf32>
    %rsqrt3A = math.rsqrt %add3A_17 : vector<1x128xf32>
    %mul3A_18 = vector.broadcast %rsqrt3A : vector<1x128xf32> to vector<10000x128xf32>
    %mul3A_19 = arith.mulf %sub3A_15, %mul3A_18 : vector<10000x128xf32>
    %get3A_20 = arith.constant 0 : index
    %get3A_21 = arith.constant 0 : index
    %get3A_22 = vector.load %arg1[%get3A_20, %get3A_21] : memref<1x128xf32, #tpu.memory_space<vmem>>, vector<1x128xf32>
    %mul3A_23 = vector.broadcast %get3A_22 : vector<1x128xf32> to vector<10000x128xf32>
    %mul3A_24 = arith.mulf %mul3A_19, %mul3A_23 : vector<10000x128xf32>
    %get3A_25 = arith.constant 0 : index
    %get3A_26 = arith.constant 0 : index
    %get3A_27 = vector.load %arg2[%get3A_25, %get3A_26] : memref<1x128xf32, #tpu.memory_space<vmem>>, vector<1x128xf32>
    %add3A_28 = vector.broadcast %get3A_27 : vector<1x128xf32> to vector<10000x128xf32>
    %add3A_29 = arith.addf %mul3A_24, %add3A_28 : vector<10000x128xf32>
    %swap3A = arith.constant 0 : index
    %swap3A_30 = arith.constant 0 : index
    %swap3A_31 = vector.load %arg3[%swap3A, %swap3A_30] : memref<10000x128xf32, #tpu.memory_space<vmem>>, vector<10000x128xf32>
    tpu.vector_store %arg3[%swap3A, %swap3A_30], %add3A_29 {strides = array<i32>} : memref<10000x128xf32, #tpu.memory_space<vmem>>, vector<10000x128xf32>,
    return
  }
}

module attributes {stable_mosaic.version = 14 : i64} {
  func.func @_mid_body(%arg0: memref<10000x128xf32, #tpu.memory_space<vmem>>, %arg1: memref<2x10000x128xf32, #tpu.memory_space<vmem>>, %arg2: memref<128x128xf32, #tpu.memory_space<vmem>>, %arg3: memref<1x128xf32, #tpu.memory_space<vmem>>, %arg4: memref<1x128xf32, #tpu.memory_space<vmem>>, %arg5: memref<1x128xf32, #tpu.memory_space<vmem>>, %arg6: memref<128x48xf32, #tpu.memory_space<vmem>>, %arg7: memref<10000x48xf32, #tpu.memory_space<vmem>>) attributes {dimension_semantics = [], scalar_prefetch = 0 : i64, scratch_operands = 0 : i64, tpu.core_type = #tpu.core_type<tc>} {
    %get3A = arith.constant 0 : index
    %get3A_0 = arith.constant 0 : index
    %get3A_1 = vector.load %arg0[%get3A, %get3A_0] : memref<10000x128xf32, #tpu.memory_space<vmem>>, vector<10000x128xf32>
    %get3A_2 = arith.constant 0 : index
    %get3A_3 = arith.constant 0 : index
    %get3A_4 = arith.constant 0 : index
    %get3A_5 = vector.load %arg1[%get3A_2, %get3A_3, %get3A_4] : memref<2x10000x128xf32, #tpu.memory_space<vmem>>, vector<1x10000x128xf32>
    %get3A_6 = vector.shape_cast %get3A_5 : vector<1x10000x128xf32> to vector<10000x128xf32>
    %add3A = arith.addf %get3A_1, %get3A_6 : vector<10000x128xf32>
    %get3A_7 = arith.constant 1 : index
    %get3A_8 = arith.constant 0 : index
    %get3A_9 = arith.constant 0 : index
    %get3A_10 = vector.load %arg1[%get3A_7, %get3A_8, %get3A_9] : memref<2x10000x128xf32, #tpu.memory_space<vmem>>, vector<1x10000x128xf32>
    %get3A_11 = vector.shape_cast %get3A_10 : vector<1x10000x128xf32> to vector<10000x128xf32>
    %add3A_12 = arith.addf %add3A, %get3A_11 : vector<10000x128xf32>
    %get3A_13 = arith.constant 0 : index
    %get3A_14 = arith.constant 0 : index
    %get3A_15 = vector.load %arg2[%get3A_13, %get3A_14] : memref<128x128xf32, #tpu.memory_space<vmem>>, vector<128x128xf32>
    %dot_general3A = arith.constant dense<0.000000e+00> : vector<10000x128xf32>
    %dot_general3A_16 = tpu.matmul %add3A_12, %get3A_15, %dot_general3A {dimension_numbers = #tpu.dot_dimension_numbers<[1], [0], [0], [1], [0, 0, 1, 1], [], []>, transpose_lhs_hint = false} : vector<10000x128xf32>, vector<128x128xf32>, vector<10000x128xf32> -> vector<10000x128xf32>
    %get3A_17 = arith.constant 0 : index
    %get3A_18 = arith.constant 0 : index
    %get3A_19 = vector.load %arg3[%get3A_17, %get3A_18] : memref<1x128xf32, #tpu.memory_space<vmem>>, vector<1x128xf32>
    %add3A_20 = vector.broadcast %get3A_19 : vector<1x128xf32> to vector<10000x128xf32>
    %add3A_21 = arith.addf %dot_general3A_16, %add3A_20 : vector<10000x128xf32>
    %reduce_sum3A = arith.constant dense<0.000000e+00> : vector<128xf32>
    %reduce_sum3A_22 = vector.multi_reduction <add>, %add3A_21, %reduce_sum3A [0] : vector<10000x128xf32> to vector<128xf32>
    %broadcast_in_dim3A = vector.shape_cast %reduce_sum3A_22 : vector<128xf32> to vector<1x128xf32>
    %div3A = arith.constant 1.000000e+04 : f32
    %div3A_23 = vector.broadcast %div3A : f32 to vector<1x128xf32>
    %div3A_24 = arith.divf %broadcast_in_dim3A, %div3A_23 : vector<1x128xf32>
    %sub3A = vector.broadcast %div3A_24 : vector<1x128xf32> to vector<10000x128xf32>
    %sub3A_25 = arith.subf %add3A_21, %sub3A : vector<10000x128xf32>
    %sub3A_26 = vector.broadcast %div3A_24 : vector<1x128xf32> to vector<10000x128xf32>
    %sub3A_27 = arith.subf %add3A_21, %sub3A_26 : vector<10000x128xf32>
    %mul3A = arith.mulf %sub3A_25, %sub3A_27 : vector<10000x128xf32>
    %reduce_sum3A_28 = arith.constant dense<0.000000e+00> : vector<128xf32>
    %reduce_sum3A_29 = vector.multi_reduction <add>, %mul3A, %reduce_sum3A_28 [0] : vector<10000x128xf32> to vector<128xf32>
    %broadcast_in_dim3A_30 = vector.shape_cast %reduce_sum3A_29 : vector<128xf32> to vector<1x128xf32>
    %div3A_31 = arith.constant 1.000000e+04 : f32
    %div3A_32 = vector.broadcast %div3A_31 : f32 to vector<1x128xf32>
    %div3A_33 = arith.divf %broadcast_in_dim3A_30, %div3A_32 : vector<1x128xf32>
    %sub3A_34 = vector.broadcast %div3A_24 : vector<1x128xf32> to vector<10000x128xf32>
    %sub3A_35 = arith.subf %add3A_21, %sub3A_34 : vector<10000x128xf32>
    %add3A_36 = arith.constant 9.99999974E-6 : f32
    %add3A_37 = vector.broadcast %add3A_36 : f32 to vector<1x128xf32>
    %add3A_38 = arith.addf %div3A_33, %add3A_37 : vector<1x128xf32>
    %rsqrt3A = math.rsqrt %add3A_38 : vector<1x128xf32>
    %mul3A_39 = vector.broadcast %rsqrt3A : vector<1x128xf32> to vector<10000x128xf32>
    %mul3A_40 = arith.mulf %sub3A_35, %mul3A_39 : vector<10000x128xf32>
    %get3A_41 = arith.constant 0 : index
    %get3A_42 = arith.constant 0 : index
    %get3A_43 = vector.load %arg4[%get3A_41, %get3A_42] : memref<1x128xf32, #tpu.memory_space<vmem>>, vector<1x128xf32>
    %mul3A_44 = vector.broadcast %get3A_43 : vector<1x128xf32> to vector<10000x128xf32>
    %mul3A_45 = arith.mulf %mul3A_40, %mul3A_44 : vector<10000x128xf32>
    %get3A_46 = arith.constant 0 : index
    %get3A_47 = arith.constant 0 : index
    %get3A_48 = vector.load %arg5[%get3A_46, %get3A_47] : memref<1x128xf32, #tpu.memory_space<vmem>>, vector<1x128xf32>
    %add3A_49 = vector.broadcast %get3A_48 : vector<1x128xf32> to vector<10000x128xf32>
    %add3A_50 = arith.addf %mul3A_45, %add3A_49 : vector<10000x128xf32>
    %max3A = arith.constant 0.000000e+00 : f32
    %max3A_51 = vector.broadcast %max3A : f32 to vector<10000x128xf32>
    %max3A_52 = arith.maximumf %add3A_50, %max3A_51 : vector<10000x128xf32>
    %get3A_53 = arith.constant 0 : index
    %get3A_54 = arith.constant 0 : index
    %get3A_55 = vector.load %arg6[%get3A_53, %get3A_54] : memref<128x48xf32, #tpu.memory_space<vmem>>, vector<128x48xf32>
    %dot_general3A_56 = arith.constant dense<0.000000e+00> : vector<10000x48xf32>
    %dot_general3A_57 = tpu.matmul %max3A_52, %get3A_55, %dot_general3A_56 {dimension_numbers = #tpu.dot_dimension_numbers<[1], [0], [0], [1], [0, 0, 1, 1], [], []>, transpose_lhs_hint = false} : vector<10000x128xf32>, vector<128x48xf32>, vector<10000x48xf32> -> vector<10000x48xf32>
    %swap3A = arith.constant 0 : index
    %swap3A_58 = arith.constant 0 : index
    %swap3A_59 = vector.load %arg7[%swap3A, %swap3A_58] : memref<10000x48xf32, #tpu.memory_space<vmem>>, vector<10000x48xf32>
    tpu.vector_store %arg7[%swap3A, %swap3A_58], %dot_general3A_57 {strides = array<i32>} : memref<10000x48xf32, #tpu.memory_space<vmem>>, vector<10000x48xf32>,
    return
  }
}

module attributes {stable_mosaic.version = 14 : i64} {
  func.func @_fin_body(%arg0: memref<10000x48xf32, #tpu.memory_space<vmem>>, %arg1: memref<2x10000x48xf32, #tpu.memory_space<vmem>>, %arg2: memref<1x48xf32, #tpu.memory_space<vmem>>, %arg3: memref<10000x48xf32, #tpu.memory_space<vmem>>) attributes {dimension_semantics = [], scalar_prefetch = 0 : i64, scratch_operands = 0 : i64, tpu.core_type = #tpu.core_type<tc>} {
    %get3A = arith.constant 0 : index
    %get3A_0 = arith.constant 0 : index
    %get3A_1 = vector.load %arg0[%get3A, %get3A_0] : memref<10000x48xf32, #tpu.memory_space<vmem>>, vector<10000x48xf32>
    %get3A_2 = arith.constant 0 : index
    %get3A_3 = arith.constant 0 : index
    %get3A_4 = arith.constant 0 : index
    %get3A_5 = vector.load %arg1[%get3A_2, %get3A_3, %get3A_4] : memref<2x10000x48xf32, #tpu.memory_space<vmem>>, vector<1x10000x48xf32>
    %get3A_6 = vector.shape_cast %get3A_5 : vector<1x10000x48xf32> to vector<10000x48xf32>
    %add3A = arith.addf %get3A_1, %get3A_6 : vector<10000x48xf32>
    %get3A_7 = arith.constant 1 : index
    %get3A_8 = arith.constant 0 : index
    %get3A_9 = arith.constant 0 : index
    %get3A_10 = vector.load %arg1[%get3A_7, %get3A_8, %get3A_9] : memref<2x10000x48xf32, #tpu.memory_space<vmem>>, vector<1x10000x48xf32>
    %get3A_11 = vector.shape_cast %get3A_10 : vector<1x10000x48xf32> to vector<10000x48xf32>
    %add3A_12 = arith.addf %add3A, %get3A_11 : vector<10000x48xf32>
    %get3A_13 = arith.constant 0 : index
    %get3A_14 = arith.constant 0 : index
    %get3A_15 = vector.load %arg2[%get3A_13, %get3A_14] : memref<1x48xf32, #tpu.memory_space<vmem>>, vector<1x48xf32>
    %add3A_16 = vector.broadcast %get3A_15 : vector<1x48xf32> to vector<10000x48xf32>
    %add3A_17 = arith.addf %add3A_12, %add3A_16 : vector<10000x48xf32>
    %swap3A = arith.constant 0 : index
    %swap3A_18 = arith.constant 0 : index
    %swap3A_19 = vector.load %arg3[%swap3A, %swap3A_18] : memref<10000x48xf32, #tpu.memory_space<vmem>>, vector<10000x48xf32>
    tpu.vector_store %arg3[%swap3A, %swap3A_18], %add3A_17 {strides = array<i32>} : memref<10000x48xf32, #tpu.memory_space<vmem>>, vector<10000x48xf32>,
    return
  }
}

</mosaic_0001>

<sc_bundles>
// kernel: kernel.10.cloned.1.call-start
scs
__scs_entry_jumppad:
0x0: {  	(pc) =	sbr.rel $0x88, $3  }
0x1: {  	(tag) =	ssettag $0x0;
	lr =	simm.s32 $0x1  }
0x2: {  	[smem:$0x3F97] =	sst lr;
	_ =	strace $0xD0000000  }
0x3: {  	_ = 	snop  }
0x4: {  	_ = 	snop  }
0x5: {  	_ = 	snop  }
0x6: {  	_ = 	snop  }
0x7: {  	_ = 	snop  }
__scs_overlays_trampoline_lowered:
0x8: {  	[smem:$0x3FA6] =	sst s0  }
0x9: {  	[smem:$0x3FA7] =	sst s1  }
0xa: {  	[smem:$0x3FA8] =	sst s2  }
0xb: {  	[smem:$0x3FA9] =	sst s3  }
0xc: {  	[smem:$0x3FAA] =	sst s4  }
0xd: {  	[smem:$0x3FAB] =	sst s5  }
0xe: {  	[smem:$0x3FAC] =	sst s6  }
0xf: {  	[smem:$0x3FAD] =	sst s7  }
0x10: {  	[smem:$0x3FAE] =	sst s8  }
0x11: {  	[smem:$0x3FAF] =	sst s9;
	s0 =	simm.s32 @!p0 $0x0  }
0x12: {  	s1 =	sld [smem:$0x3F95];
	s0 =	simm.s32 @p0 $0x1  }
0x13: {  	[smem:$0x3FB0] =	sst s0;
	s0 =	simm.s32 @!p1 $0x0  }
0x14: {  	s2 =	sld [smem:$0x3F94];
	s0 =	simm.s32 @p1 $0x1  }
0x15: {  	[smem:$0x3FB1] =	sst s0;
	s0 =	simm.s32 @!p2 $0x0  }
0x16: {  	s3 =	sld [smem:$0x3FDB];
	s0 =	simm.s32 @p2 $0x1  }
0x17: {  	s4 =	simm.s32 $0x1BF5;
	[smem:$0x3FB3] =	sst s0  }
0x18: {  	s0 =	sld [smem:$0x3F96];
	_ =	swait.ge [sflag:s4], $0x0  }
0x19: {  	s7 =	sld [smem:$0x3F97]  }
0x1a: {  	s8 =	sadd.s32 $0xFFFFE003, lr  }
0x1b: {  	s9 =	sadd.s32 $0xFFFFFEF7, lr;
	s5 =	simm.s32 $0xFFFFFFFF;
	p2 =	slt.u32 s8, $0xFFFFF086  }
0x1c: {  	p1 =	slt.u32 s9, $0xF7A;
	s5 =	simm.s32 @!p2 $0x0  }
0x1d: {  	s5 =	simm.s32 @p1 $0x1;
	p0 =	seq.s32 s7, s2  }
0x1e: {  	s7 =	smul.u32 @!p0 $0xF7A, s2;
	p2 =	seq.s32 @!p0 s5, $0x0  }
0x1f: {  	s9 =	smul.u32 $0xF7A, s1;
	s8 =	simm.s32 @!p0 $0x1BF5;
	p2 =	por !p2, p0  }
0x20: {  	[sflag:s8] =	ssyncset.s32 @!p0 $0xFFFFF086;
	s6 =	sadd.s32 @!p0 s3, s7;
	s7 =	simm.s32 @!p0 $0x108  }
0x21: {  	s3 =	sadd.s32 s3, s9;
	s6 =	sadd.s32 @!p0 $0x88, s6;
	s7 =	simm.s32 @p2 $0x1082  }
0x22: {  	[simem:s7], [sflag:s8] =	dma.local @!p0 [hbm:s6], $0xF7A  }
0x23: {  	s9 =	sor.u32 $0xD0000000, s2;
	s6 =	simm.s32 $0x108;
	_ =	swait.ge @!p0 [sflag:s8], $0x0  }
0x24: {  	s3 =	sadd.s32 $0x88, s3;
	s6 =	simm.s32 @!p1 $0x1082;
	[sflag:s4] =	ssyncset.s32 $0xFFFFF086  }
0x25: {  	[simem:s6], [sflag:s4] =	dma.local [hbm:s3], $0xF7A  }
0x26: {  	[smem:$0x3F97] =	sst s1;
	(tag) =	ssettag s2;
	_ =	strace s9  }
0x27: {  	s1 =	sld [smem:$0x3FA7]  }
0x28: {  	s2 =	sld [smem:$0x3FA8]  }
0x29: {  	s4 =	sld [smem:$0x3FAA]  }
0x2a: {  	p0 =	seq.s32 s5, $0x0;
	s5 =	sld [smem:$0x3FAB]  }
0x2b: {  	s6 =	sld [smem:$0x3FAC]  }
0x2c: {  	s7 =	sld [smem:$0x3FAD]  }
0x2d: {  	s3 =	simm.s32 $0x108;
	s8 =	sld [smem:$0x3FAE]  }
0x2e: {  	s3 =	simm.s32 @!p0 $0x1082;
	s9 =	sld [smem:$0x3FAF]  }
0x2f: {  	lr =	sadd.s32 s0, s3;
	s0 =	sld [smem:$0x3FA6]  }
0x30: {  	s3 =	sld [smem:$0x3FA9]  }
0x31: {  	[smem:$0x3FB2] =	sst s10  }
0x32: {  	s10 =	sld [smem:$0x3FB0];
	_ =	sdelay $0x3  }
0x33: {  	p0 =	seq.s32 s10, $0x1;
	s10 =	sld [smem:$0x3FB2];
	_ =	sdelay $0x3  }
0x34: {  	[smem:$0x3FB2] =	sst s10  }
0x35: {  	s10 =	sld [smem:$0x3FB1];
	_ =	sdelay $0x3  }
0x36: {  	p1 =	seq.s32 s10, $0x1;
	s10 =	sld [smem:$0x3FB2];
	_ =	sdelay $0x3  }
0x37: {  	[smem:$0x3FB2] =	sst s10  }
0x38: {  	s10 =	sld [smem:$0x3FB3]  }
0x39: {  	_ = 	snop;
	(pc) =	sbr.ind lr, $3  }
0x3a: {  	_ = 	snop  }
0x3b: {  	_ = 	snop  }
0x3c: {  	p2 =	seq.s32 s10, $0x1;
	s10 =	sld [smem:$0x3FB2]  }
0x3d: {  	_ =	shalt  }
0x3e: {  	_ =	shalt  }
0x3f: {  	_ =	shalt  }
0x40: {  	_ =	shalt  }
0x41: {  	_ =	shalt  }
0x42: {  	_ =	shalt  }
0x43: {  	_ =	shalt  }
0x44: {  	_ =	shalt  }
0x45: {  	_ =	shalt  }
0x46: {  	_ =	shalt  }
0x47: {  	_ =	shalt  }
0x48: {  	_ =	shalt  }
0x49: {  	_ =	shalt  }
0x4a: {  	_ =	shalt  }
0x4b: {  	_ =	shalt  }
0x4c: {  	_ =	shalt  }
0x4d: {  	_ =	shalt  }
0x4e: {  	_ =	shalt  }
0x4f: {  	_ =	shalt  }
0x50: {  	_ =	shalt  }
0x51: {  	_ =	shalt  }
0x52: {  	_ =	shalt  }
0x53: {  	_ =	shalt  }
0x54: {  	_ =	shalt  }
0x55: {  	_ =	shalt  }
0x56: {  	_ =	shalt  }
0x57: {  	_ =	shalt  }
0x58: {  	_ =	shalt  }
0x59: {  	_ =	shalt  }
0x5a: {  	_ =	shalt  }
0x5b: {  	_ =	shalt  }
0x5c: {  	_ =	shalt  }
0x5d: {  	_ =	shalt  }
0x5e: {  	_ =	shalt  }
0x5f: {  	_ =	shalt  }
0x60: {  	_ =	shalt  }
0x61: {  	_ =	shalt  }
0x62: {  	_ =	shalt  }
0x63: {  	_ =	shalt  }
0x64: {  	_ =	shalt  }
0x65: {  	_ =	shalt  }
0x66: {  	_ =	shalt  }
0x67: {  	_ =	shalt  }
0x68: {  	_ =	shalt  }
0x69: {  	_ =	shalt  }
0x6a: {  	_ =	shalt  }
0x6b: {  	_ =	shalt  }
0x6c: {  	_ =	shalt  }
0x6d: {  	_ =	shalt  }
0x6e: {  	_ =	shalt  }
0x6f: {  	_ =	shalt  }
0x70: {  	_ =	shalt  }
0x71: {  	_ =	shalt  }
0x72: {  	_ =	shalt  }
0x73: {  	_ =	shalt  }
0x74: {  	_ =	shalt  }
0x75: {  	_ =	shalt  }
0x76: {  	_ =	shalt  }
0x77: {  	_ =	shalt  }
0x78: {  	_ =	shalt  }
0x79: {  	_ =	shalt  }
0x7a: {  	_ =	shalt  }
0x7b: {  	_ =	shalt  }
0x7c: {  	_ =	shalt  }
0x7d: {  	_ =	shalt  }
0x7e: {  	_ =	shalt  }
0x7f: {  	_ =	shalt  }
0x80: {  	_ =	shalt  }
0x81: {  	_ =	shalt  }
0x82: {  	_ =	shalt  }
0x83: {  	_ =	shalt  }
0x84: {  	_ =	shalt  }
0x85: {  	_ =	shalt  }
0x86: {  	_ =	shalt  }
0x87: {  	_ =	shalt  }
.Lfunc_end0:
.L_simem_size_0:
called_computation.1_lowered:
.L_overlay_start_0:
0x88: {  	s2 =	sld [smem:$0x3FD9]  }
0x89: {  	s3 =	sld [smem:$0x3FFE];
	_ =	sdelay $0x1  }
0x8a: {  	s1 =	srdreg.scid  }
0x8b: {  	s0 =	sand.u32 $0x1, s1  }
0x8c: {  	s16 =	sshll.u32 s0, $0xA;
	s2 =	sadd.s32 s3, s2  }
0x8d: {  	s2 =	sadd.s32 s2, s16  }
0x8e: {  	[smem:$0x3FBE] =	sst s2  }
0x8f: {  	_ = 	snop  }
0x90: {  	(tm) =	ssettm $0x1  }
0x91: {  	s17 =	sld [smem:$0x3FFB];
	_ =	sdelay $0x3  }
0x92: {  	_ =	strace s17  }
0x93: {  	s2 =	sld [smem:$0x3FFC];
	_ =	sdelay $0x3  }
0x94: {  	_ =	strace s2  }
0x95: {  	s2 =	sld [smem:$0x3FFD];
	_ =	sdelay $0x3  }
0x96: {  	_ =	strace s2  }
0x97: {  	_ =	strace $0x8FFFFFFF  }
0x98: {  	s18 =	sld [smem:$0x3FDB];
	_ =	sdelay $0x1  }
0x99: {  	s19 =	simm.s32 $_scs_section_size  }
0x9a: {  	s4 =	simm.s32 $_size__tile_overlayer_lowered;
	s5 =	simm.s32 $_tile_overlayer_lowered  }
0x9b: {  	s22 =	simm.s32 $0x1BFF;
	s21 =	sshll.u32 s5, $0x1;
	s2 =	sadd.s32 s19, s18  }
0x9c: {  	s6 =	simm.s32 $0x0;
	s20 =	sshll.u32 s4, $0x1;
	s4 =	sadd.s32 s21, s2  }
0x9d: {  	[timem:s6], [sflag:s22] =	dma.local [hbm:s4], s20  }
0x9e: {  	_ =	swait.ge [sflag:s22], s20  }
0x9f: {  	s3 =	ssub.s32 $0x0, s20;
	[sflag:s22] =	ssyncset.done $0x0  }
0xa0: {  	[sflag:s22] =	ssyncadd.s32 s3;
	_ =	sdelay $0x1  }
0xa1: {  	s23 =	simm.s32 $0x1B8B  }
0xa2: {  	_ =	swait.ge [sflag:s23], $0x1  }
0xa3: {  	[sflag:s23] =	ssyncset.done $0x0  }
0xa4: {  	s25 =	simm.s32 $0x1B8E;
	s24 =	sld [smem:$0x3FFE];
	[sflag:s23] =	ssyncadd.s32 $0xFFFFFFFF  }
0xa5: {  	s26 =	simm.s32 $execute0_lowered;
	[smem:$0x3FD2] =	sst s25  }
0xa6: {  	s4 =	sshll.u32 s26, $0x1;
	_ =	strace $0x80000049;
	[dreg:$0x1] =	wrdreg $0xFFFFFFFF  }
0xa7: {  	s28 =	simm.s32 $_size_execute0_lowered;
	s2 =	sadd.s32 s2, s4;
	[dreg:$0x0] =	wrdreg $0x0  }
0xa8: {  	s4 =	sshll.u32 s28, $0x1;
	[dreg:$0x2] =	wrdreg s2  }
0xa9: {  	[dreg:$0x3] =	wrdreg s4  }
0xaa: {  	[dreg:$0x4] =	wrdreg $0xC0  }
0xab: {  	_ =	task [dreg:s6], $0x5FFFF  }
0xac: {  	[dreg:$0x1] =	wrdreg $0xFFFFFFFF  }
0xad: {  	[dreg:$0x0] =	wrdreg $0x60  }
0xae: {  	[dreg:$0x2] =	wrdreg s24  }
0xaf: {  	[dreg:$0x3] =	wrdreg $0x51400  }
0xb0: {  	[dreg:$0x4] =	wrdreg $0x9  }
0xb1: {  	_ =	task.clear_ibuf [dreg:s6], $0x5FFFF;
	_ =	strace $0x90000049  }
0xb2: {  	s29 =	simm.s32 $0x9;
	_ =	strace $0x8000004B  }
0xb3: {  	_ =	swait.ge [sflag:s29], $0x1  }
0xb4: {  	[sflag:s29] =	ssyncadd.s32 $0xFFFFFFFF  }
0xb5: {  	_ =	strace $0x9000004B  }
0xb6: {  	_ =	sfence  }
0xb7: {  	s30 =	sld [smem:$0x0];
	_ =	sdelay $0x2  }
0xb8: {  	s31 =	sshll.u32 s1, $0xD;
	s1 =	sshrl.u32 s1, $0x2  }
0xb9: {  	s3 =	sand.u32 $0x4000, s31;
	s1 =	sadd.s32 s1, s30  }
0xba: {  	s0 =	sor.u32 s3, s0;
	s1 =	sshll.u32 s1, $0x11  }
0xbb: {  	s0 =	sor.u32 s1, s0  }
0xbc: {  	s0 =	sadd.s32 $0x8F2B, s0  }
0xbd: {  	[sflag:s0] =	ssyncadd.remote.s32 $0x1  }
0xbe: {  	_ =	sfence.sel $0xFFFF  }
0xbf: {  	[dreg:$0x0] =	wrdreg $0xFFFFFFFF;
	(pc) =	sbr.abs _section_cstart, $3  }
0xc0: {  	[dreg:$0x1] =	wrdreg $0xFFFFFFFF  }
0xc1: {  	_ =	task.clear_ibuf [dreg:s6], $0x2FFFF;
	_ =	strace $0x9FFFFFFF  }
0xc2: {  	(tm) =	ssettm $0x7FFFFFFF  }
0xc3: {  	_ =	shalt  }
tec
execute0_lowered:
.L_overlay_start_1:
0x0: {  	(tag) =	ssettag $0x1  }
0x1: {  	s0 =	srdreg.scid;
	s1 =	rddreg [dreg:$0x0]  }
0x2: {  	s10 =	stileid.u32;
	s2 =	rddreg [dreg:$0x1];
	s4 =	simm.s32 $0x0  }
0x3: {  	s15 =	simm.s32 $0x9;
	s16 =	simm.s32 $0x32;
	s17 =	simm.s32 $0x2BC0  }
0x4: {  	s18 =	simm.s32 $0x70;
	s19 =	simm.s32 $0x3520;
	s20 =	simm.s32 $0xE0  }
0x5: {  	s21 =	simm.s32 $0x3E80;
	s22 =	simm.s32 $0x150;
	s23 =	simm.s32 $0x47E0  }
0x6: {  	s24 =	simm.s32 $0x1;
	s28 =	simm.s32 $0x4;
	s29 =	simm.s32 $0x5  }
0x7: {  	s30 =	simm.s32 $0x6;
	s31 =	simm.s32 $0x7;
	s0 =	sand.u32 $0x1, s0  }
0x8: {  	s3 =	sshll.u32 s10, $0x1;
	[smem:$0x7FF] =	sst s4;
	s5 =	smul.u32 $0x7680, s10  }
0x9: {  	s4 =	sadd.s32 $0x17C00, s1;
	s8 =	sadd.s32 $0x35400, s1;
	p0 =	seq.s32 s10, $0xF  }
0xa: {  	s3 =	sor.u32 s0, s3;
	_ =	strace $0x8000004A;
	s7 =	ssub.s32 $0x2, s0  }
0xb: {  	s0 =	smul.u32 $0x75300, s0;
	s6 =	sshrl.u32 s5, $0x3;
	s9 =	sshrl.u32 s7, $0x1  }
0xc: {  	s3 =	smul.u32 $0x5780, s3;
	s6 =	sadd.s32 s6, s1;
	s7 =	ssub.s32 s7, s9  }
0xd: {  	s9 =	sadd.s32 s5, s2;
	s26 =	sadd.s32 s5, s0;
	s0 =	sshrl.u32 s0, $0x3  }
0xe: {  	s5 =	simm.s32 $0x2B18;
	s3 =	sshrl.u32 s3, $0x3;
	s6 =	sadd.s32 $0x26800, s6  }
0xf: {  	s0 =	sadd.s32 s8, s0;
	s11 =	smax.u32 s7, $0x1;
	s14 =	sshrl.u32 @!p0 s9, $0x3  }
0x10: {  	s7 =	simm.s32 $0x0;
	s3 =	sadd.s32 s3, s1;
	[dreg:$0x3] =	wrdreg s6  }
0x11: {  	s6 =	sadd.s32 $0x6F180, s2;
	s1 =	sadd.s32 $0x34630, s1;
	s0 =	sadd.s32 $0xDE30, s0  }
0x12: {  	[dreg:$0x4] =	wrdreg s1;
	s25 =	sadd.s32 $0x1E00, s3;
	s3 =	sadd.s32 $0x2378, s3  }
0x13: {  	s1 =	sshrl.u32 s26, $0x3;
	[dreg:$0x8] =	wrdreg s0;
	s12 =	sshrl.u32 @p0 s6, $0x3  }
0x14: {  	s0 =	sshll.u32 @!p0 s10, $0x6;
	s26 =	simm.s32 $0x3;
	[dreg:$0x5] =	wrdreg s25  }
0x15: {  	s6 =	simm.s32 $0x2B88;
	[dreg:$0x6] =	wrdreg s3;
	s1 =	sadd.s32 s8, s1  }
0x16: {  	s13 =	sor.u32 @!p0 $0x1C09, s0;
	s25 =	simm.s32 $0x2;
	s0 =	simm.s32 $0x2A38  }
0x17: {  	s3 =	simm.s32 $0x2AA8;
	[dreg:$0x7] =	wrdreg s1;
	s1 =	simm.s32 $0x8  }
.LBB2_1:
0x18: {  	s8 =	simm.s32 @p0 $0x1FC9;
	s9 =	rddreg [dreg:$0x4]  }
0x19: {  	[spmem:s12], [sflag:s8] =	dma.local @p0 [hbm:s9], $0xC30  }
0x1a: {  	s8 =	simm.s32 @p0 $0x9  }
0x1b: {  	_ =	swait.ge @p0 [sflag:s8], $0xC30  }
0x1c: {  	[sflag:s8] =	ssyncset.done @p0 $0x0  }
0x1d: {  	[sflag:s8] =	ssyncadd.s32 @p0 $0xFFFFF3D0;
	s8 =	rddreg [dreg:$0x3]  }
0x1e: {  	[spmem:s14], [sflag:s13] =	dma.local @!p0 [hbm:s8], $0xED0  }
0x1f: {  	s8 =	simm.s32 @!p0 $0x9  }
0x20: {  	_ =	swait.ge @!p0 [sflag:s8], $0xED0  }
0x21: {  	[sflag:s8] =	ssyncset.done @!p0 $0x0  }
0x22: {  	[sflag:s8] =	ssyncadd.s32 @!p0 $0xFFFFF130  }
0x23: {  	[bflag:$0x0] =	sbarrier.arrive $0xFFFF  }
0x24: {  	s8 =	simm.s32 $0x0;
	s10 =	rddreg [dreg:$0x5]  }
0x25: {  	[tilespmem:s8], [sflag:$0x9] =	stream.linear.gather [hbm4b:s10+s8], $0x2BC0, $0x38;
	[tilespmem:$0xC670] =	vst v63  }
0x26: {  	_ =	swait.ge [sflag:s15], $0x2BC0  }
0x27: {  	[sflag:s15] =	ssyncset.done $0x0  }
0x28: {  	[sflag:s15] =	ssyncadd.s32 $0xFFFFD440  }
0x29: {  	[tilespmem:s17], [sflag:$0x1] =	stream.indirect.gather [hbm4b:s4+s16], $0x30, s8, s16, $0xb8;
	[tilespmem:$0xC670] =	vst v63  }
0x2a: {  	_ = 	snop  }
0x2b: {  	[tilespmem:s19], [sflag:$0x2] =	stream.indirect.gather [hbm4b:s4+s16], $0x30, s18, s16, $0xb8;
	[tilespmem:$0xC670] =	vst v63  }
0x2c: {  	_ = 	snop  }
0x2d: {  	[tilespmem:s21], [sflag:$0x3] =	stream.indirect.gather [hbm4b:s4+s16], $0x30, s20, s16, $0xb8;
	[tilespmem:$0xC670] =	vst v63  }
0x2e: {  	_ = 	snop  }
0x2f: {  	[tilespmem:s23], [sflag:$0x4] =	stream.indirect.gather [hbm4b:s4+s16], $0x30, s22, s16, $0xb8;
	[tilespmem:$0xC670] =	vst v63  }
0x30: {  	_ =	swait.ge [sflag:s24], $0x960  }
0x31: {  	[sflag:s24] =	ssyncset.done $0x0  }
0x32: {  	s10 =	simm.s32 $0x38;
	[sflag:s24] =	ssyncadd.s32 $0xFFFFF6A0  }
0x33: {  	[spmem:s2] =	stream.indirect.scatter.add.f32 [tilespmem:s17], [sflag:$0x5], $0x30, s10, s16, $0xb8;
	[tilespmem:$0xC670] =	vst v63  }
0x34: {  	_ =	swait.ge [sflag:s25], $0x960  }
0x35: {  	[sflag:s25] =	ssyncset.done $0x0  }
0x36: {  	s9 =	simm.s32 $0xA8;
	[sflag:s25] =	ssyncadd.s32 $0xFFFFF6A0  }
0x37: {  	[spmem:s2] =	stream.indirect.scatter.add.f32 [tilespmem:s19], [sflag:$0x6], $0x30, s9, s16, $0xb8;
	[tilespmem:$0xC670] =	vst v63  }
0x38: {  	_ =	swait.ge [sflag:s26], $0x960  }
0x39: {  	[sflag:s26] =	ssyncset.done $0x0  }
0x3a: {  	s10 =	simm.s32 $0x118;
	[sflag:s26] =	ssyncadd.s32 $0xFFFFF6A0  }
0x3b: {  	[spmem:s2] =	stream.indirect.scatter.add.f32 [tilespmem:s21], [sflag:$0x7], $0x30, s10, s16, $0xb8;
	[tilespmem:$0xC670] =	vst v63  }
0x3c: {  	_ =	swait.ge [sflag:s28], $0x960  }
0x3d: {  	[sflag:s28] =	ssyncset.done $0x0  }
0x3e: {  	s9 =	simm.s32 $0x188;
	[sflag:s28] =	ssyncadd.s32 $0xFFFFF6A0  }
0x3f: {  	[spmem:s2] =	stream.indirect.scatter.add.f32 [tilespmem:s23], [sflag:$0x8], $0x30, s9, s16, $0xb8;
	[tilespmem:$0xC670] =	vst v63  }
0x40: {  	_ =	swait.ge [sflag:s29], $0x960  }
0x41: {  	[sflag:s29] =	ssyncset.done $0x0  }
0x42: {  	s10 =	simm.s32 $0x1C0;
	[sflag:s29] =	ssyncadd.s32 $0xFFFFF6A0  }
0x43: {  	[tilespmem:s17], [sflag:$0x1] =	stream.indirect.gather [hbm4b:s4+s16], $0x30, s10, s16, $0xb8;
	[tilespmem:$0xC670] =	vst v63  }
0x44: {  	_ =	swait.ge [sflag:s30], $0x960  }
0x45: {  	[sflag:s30] =	ssyncset.done $0x0  }
0x46: {  	s9 =	simm.s32 $0x230;
	[sflag:s30] =	ssyncadd.s32 $0xFFFFF6A0  }
0x47: {  	[tilespmem:s19], [sflag:$0x2] =	stream.indirect.gather [hbm4b:s4+s16], $0x30, s9, s16, $0xb8;
	[tilespmem:$0xC670] =	vst v63  }
0x48: {  	_ =	swait.ge [sflag:s31], $0x960  }
0x49: {  	[sflag:s31] =	ssyncset.done $0x0  }
0x4a: {  	s10 =	simm.s32 $0x2A0;
	[sflag:s31] =	ssyncadd.s32 $0xFFFFF6A0  }
0x4b: {  	[tilespmem:s21], [sflag:$0x3] =	stream.indirect.gather [hbm4b:s4+s16], $0x30, s10, s16, $0xb8;
	[tilespmem:$0xC670] =	vst v63  }
0x4c: {  	_ =	swait.ge [sflag:s1], $0x960  }
0x4d: {  	[sflag:s1] =	ssyncset.done $0x0  }
0x4e: {  	s8 =	simm.s32 $0x700;
	s9 =	simm.s32 $0x310;
	[sflag:s1] =	ssyncadd.s32 $0xFFFFF6A0  }
.LBB2_2:
0x4f: {  	[tilespmem:s23], [sflag:$0x4] =	stream.indirect.gather [hbm4b:s4+s16], $0x30, s9, s16, $0xb8;
	[tilespmem:$0xC670] =	vst v63  }
0x50: {  	s9 =	smov.u32 s8  }
0x51: {  	p1 =	sne.s32 s8, $0xA100;
	s8 =	sadd.s32 $0x700, s8;
	_ =	swait.ge [sflag:s24], $0x960  }
0x52: {  	s9 =	sshra.s32 s9, $0x2;
	[sflag:s24] =	ssyncset.done $0x0  }
0x53: {  	s10 =	sadd.s32 $0x38, s9;
	[sflag:s24] =	ssyncadd.s32 $0xFFFFF6A0  }
0x54: {  	[spmem:s2] =	stream.indirect.scatter.add.f32 [tilespmem:s17], [sflag:$0x5], $0x30, s10, s16, $0xb8;
	[tilespmem:$0xC670] =	vst v63  }
0x55: {  	_ =	swait.ge [sflag:s25], $0x960  }
0x56: {  	[sflag:s25] =	ssyncset.done $0x0  }
0x57: {  	s10 =	sadd.s32 $0xA8, s9;
	[sflag:s25] =	ssyncadd.s32 $0xFFFFF6A0  }
0x58: {  	[spmem:s2] =	stream.indirect.scatter.add.f32 [tilespmem:s19], [sflag:$0x6], $0x30, s10, s16, $0xb8;
	[tilespmem:$0xC670] =	vst v63  }
0x59: {  	_ =	swait.ge [sflag:s26], $0x960  }
0x5a: {  	[sflag:s26] =	ssyncset.done $0x0  }
0x5b: {  	s10 =	sadd.s32 $0x118, s9;
	[sflag:s26] =	ssyncadd.s32 $0xFFFFF6A0  }
0x5c: {  	[spmem:s2] =	stream.indirect.scatter.add.f32 [tilespmem:s21], [sflag:$0x7], $0x30, s10, s16, $0xb8;
	[tilespmem:$0xC670] =	vst v63  }
0x5d: {  	_ =	swait.ge [sflag:s28], $0x960  }
0x5e: {  	[sflag:s28] =	ssyncset.done $0x0  }
0x5f: {  	s10 =	sadd.s32 $0x188, s9;
	[sflag:s28] =	ssyncadd.s32 $0xFFFFF6A0  }
0x60: {  	[spmem:s2] =	stream.indirect.scatter.add.f32 [tilespmem:s23], [sflag:$0x8], $0x30, s10, s16, $0xb8;
	[tilespmem:$0xC670] =	vst v63  }
0x61: {  	_ =	swait.ge [sflag:s29], $0x960  }
0x62: {  	[sflag:s29] =	ssyncset.done $0x0  }
0x63: {  	s10 =	sadd.s32 $0x1C0, s9;
	[sflag:s29] =	ssyncadd.s32 $0xFFFFF6A0  }
0x64: {  	[tilespmem:s17], [sflag:$0x1] =	stream.indirect.gather [hbm4b:s4+s16], $0x30, s10, s16, $0xb8;
	[tilespmem:$0xC670] =	vst v63  }
0x65: {  	_ =	swait.ge [sflag:s30], $0x960  }
0x66: {  	[sflag:s30] =	ssyncset.done $0x0  }
0x67: {  	s10 =	sadd.s32 $0x230, s9;
	[sflag:s30] =	ssyncadd.s32 $0xFFFFF6A0  }
0x68: {  	[tilespmem:s19], [sflag:$0x2] =	stream.indirect.gather [hbm4b:s4+s16], $0x30, s10, s16, $0xb8;
	[tilespmem:$0xC670] =	vst v63  }
0x69: {  	_ =	swait.ge [sflag:s31], $0x960  }
0x6a: {  	[sflag:s31] =	ssyncset.done $0x0  }
.Ltmp0:
0x6b: {  	s10 =	sadd.s32 $0x2A0, s9;
	[sflag:s31] =	ssyncadd.s32 $0xFFFFF6A0;
	(pc) =	sbr.rel @p1 .LBB2_2-.Ltmp0, $4  }
0x6c: {  	[tilespmem:s21], [sflag:$0x3] =	stream.indirect.gather [hbm4b:s4+s16], $0x30, s10, s16, $0xb8;
	[tilespmem:$0xC670] =	vst v63  }
0x6d: {  	_ =	swait.ge [sflag:s1], $0x960  }
0x6e: {  	[sflag:s1] =	ssyncset.done $0x0  }
0x6f: {  	s9 =	sadd.s32 $0x310, s9;
	[sflag:s1] =	ssyncadd.s32 $0xFFFFF6A0  }
0x70: {  	[tilespmem:s23], [sflag:$0x4] =	stream.indirect.gather [hbm4b:s4+s16], $0x30, s9, s16, $0xb8;
	[tilespmem:$0xC670] =	vst v63  }
0x71: {  	_ =	swait.ge [sflag:s24], $0x960  }
0x72: {  	[sflag:s24] =	ssyncset.done $0x0  }
0x73: {  	[sflag:s24] =	ssyncadd.s32 $0xFFFFF6A0  }
0x74: {  	[spmem:s2] =	stream.indirect.scatter.add.f32 [tilespmem:s17], [sflag:$0x5], $0x30, s0, s16, $0xb8;
	[tilespmem:$0xC670] =	vst v63  }
0x75: {  	_ =	swait.ge [sflag:s25], $0x960  }
0x76: {  	[sflag:s25] =	ssyncset.done $0x0  }
0x77: {  	[sflag:s25] =	ssyncadd.s32 $0xFFFFF6A0  }
0x78: {  	[spmem:s2] =	stream.indirect.scatter.add.f32 [tilespmem:s19], [sflag:$0x6], $0x30, s3, s16, $0xb8;
	[tilespmem:$0xC670] =	vst v63  }
0x79: {  	_ =	swait.ge [sflag:s26], $0x960  }
0x7a: {  	[sflag:s26] =	ssyncset.done $0x0  }
0x7b: {  	[sflag:s26] =	ssyncadd.s32 $0xFFFFF6A0  }
0x7c: {  	[spmem:s2] =	stream.indirect.scatter.add.f32 [tilespmem:s21], [sflag:$0x7], $0x30, s5, s16, $0xb8;
	[tilespmem:$0xC670] =	vst v63  }
0x7d: {  	_ =	swait.ge [sflag:s28], $0x960  }
0x7e: {  	[sflag:s28] =	ssyncset.done $0x0  }
0x7f: {  	[sflag:s28] =	ssyncadd.s32 $0xFFFFF6A0  }
0x80: {  	[spmem:s2] =	stream.indirect.scatter.add.f32 [tilespmem:s23], [sflag:$0x8], $0x30, s6, s16, $0xb8;
	[tilespmem:$0xC670] =	vst v63  }
0x81: {  	_ =	swait.ge [sflag:s29], $0x960  }
0x82: {  	[sflag:s29] =	ssyncset.done $0x0  }
0x83: {  	[sflag:s29] =	ssyncadd.s32 $0xFFFFF6A0  }
0x84: {  	_ =	swait.ge [sflag:s30], $0x960  }
0x85: {  	[sflag:s30] =	ssyncset.done $0x0  }
0x86: {  	[sflag:s30] =	ssyncadd.s32 $0xFFFFF6A0  }
0x87: {  	_ =	swait.ge [sflag:s31], $0x960  }
0x88: {  	[sflag:s31] =	ssyncset.done $0x0  }
0x89: {  	[sflag:s31] =	ssyncadd.s32 $0xFFFFF6A0  }
0x8a: {  	_ =	swait.ge [sflag:s1], $0x960  }
0x8b: {  	[sflag:s1] =	ssyncset.done $0x0  }
0x8c: {  	s8 =	simm.s32 $0x0;
	s10 =	rddreg [dreg:$0x6];
	[sflag:s1] =	ssyncadd.s32 $0xFFFFF6A0  }
0x8d: {  	[tilespmem:s8], [sflag:$0x9] =	stream.linear.gather [hbm4b:s10+s8], $0x2BC0, $0x38;
	[tilespmem:$0xC670] =	vst v63  }
0x8e: {  	_ =	swait.ge [sflag:s15], $0x2BC0  }
0x8f: {  	[sflag:s15] =	ssyncset.done $0x0  }
0x90: {  	[sflag:s15] =	ssyncadd.s32 $0xFFFFD440  }
0x91: {  	[tilespmem:s17], [sflag:$0x1] =	stream.indirect.gather [hbm4b:s4+s16], $0x30, s8, s16, $0xb8;
	[tilespmem:$0xC670] =	vst v63  }
0x92: {  	_ = 	snop  }
0x93: {  	[tilespmem:s19], [sflag:$0x2] =	stream.indirect.gather [hbm4b:s4+s16], $0x30, s18, s16, $0xb8;
	[tilespmem:$0xC670] =	vst v63  }
0x94: {  	_ = 	snop  }
0x95: {  	[tilespmem:s21], [sflag:$0x3] =	stream.indirect.gather [hbm4b:s4+s16], $0x30, s20, s16, $0xb8;
	[tilespmem:$0xC670] =	vst v63  }
0x96: {  	_ = 	snop  }
0x97: {  	[tilespmem:s23], [sflag:$0x4] =	stream.indirect.gather [hbm4b:s4+s16], $0x30, s22, s16, $0xb8;
	[tilespmem:$0xC670] =	vst v63  }
0x98: {  	_ =	swait.ge [sflag:s24], $0x960  }
0x99: {  	[sflag:s24] =	ssyncset.done $0x0  }
0x9a: {  	s10 =	simm.s32 $0x38;
	[sflag:s24] =	ssyncadd.s32 $0xFFFFF6A0  }
0x9b: {  	[spmem:s2] =	stream.indirect.scatter.add.f32 [tilespmem:s17], [sflag:$0x5], $0x30, s10, s16, $0xb8;
	[tilespmem:$0xC670] =	vst v63  }
0x9c: {  	_ =	swait.ge [sflag:s25], $0x960  }
0x9d: {  	[sflag:s25] =	ssyncset.done $0x0  }
0x9e: {  	s9 =	simm.s32 $0xA8;
	[sflag:s25] =	ssyncadd.s32 $0xFFFFF6A0  }
0x9f: {  	[spmem:s2] =	stream.indirect.scatter.add.f32 [tilespmem:s19], [sflag:$0x6], $0x30, s9, s16, $0xb8;
	[tilespmem:$0xC670] =	vst v63  }
0xa0: {  	_ =	swait.ge [sflag:s26], $0x960  }
0xa1: {  	[sflag:s26] =	ssyncset.done $0x0  }
0xa2: {  	s10 =	simm.s32 $0x118;
	[sflag:s26] =	ssyncadd.s32 $0xFFFFF6A0  }
0xa3: {  	[spmem:s2] =	stream.indirect.scatter.add.f32 [tilespmem:s21], [sflag:$0x7], $0x30, s10, s16, $0xb8;
	[tilespmem:$0xC670] =	vst v63  }
0xa4: {  	_ =	swait.ge [sflag:s28], $0x960  }
0xa5: {  	[sflag:s28] =	ssyncset.done $0x0  }
0xa6: {  	s9 =	simm.s32 $0x188;
	[sflag:s28] =	ssyncadd.s32 $0xFFFFF6A0  }
0xa7: {  	[spmem:s2] =	stream.indirect.scatter.add.f32 [tilespmem:s23], [sflag:$0x8], $0x30, s9, s16, $0xb8;
	[tilespmem:$0xC670] =	vst v63  }
0xa8: {  	_ =	swait.ge [sflag:s29], $0x960  }
0xa9: {  	[sflag:s29] =	ssyncset.done $0x0  }
0xaa: {  	s10 =	simm.s32 $0x1C0;
	[sflag:s29] =	ssyncadd.s32 $0xFFFFF6A0  }
0xab: {  	[tilespmem:s17], [sflag:$0x1] =	stream.indirect.gather [hbm4b:s4+s16], $0x30, s10, s16, $0xb8;
	[tilespmem:$0xC670] =	vst v63  }
0xac: {  	_ =	swait.ge [sflag:s30], $0x960  }
0xad: {  	[sflag:s30] =	ssyncset.done $0x0  }
0xae: {  	s9 =	simm.s32 $0x230;
	[sflag:s30] =	ssyncadd.s32 $0xFFFFF6A0  }
0xaf: {  	[tilespmem:s19], [sflag:$0x2] =	stream.indirect.gather [hbm4b:s4+s16], $0x30, s9, s16, $0xb8;
	[tilespmem:$0xC670] =	vst v63  }
0xb0: {  	_ =	swait.ge [sflag:s31], $0x960  }
0xb1: {  	[sflag:s31] =	ssyncset.done $0x0  }
0xb2: {  	s10 =	simm.s32 $0x2A0;
	[sflag:s31] =	ssyncadd.s32 $0xFFFFF6A0  }
0xb3: {  	[tilespmem:s21], [sflag:$0x3] =	stream.indirect.gather [hbm4b:s4+s16], $0x30, s10, s16, $0xb8;
	[tilespmem:$0xC670] =	vst v63  }
0xb4: {  	_ =	swait.ge [sflag:s1], $0x960  }
0xb5: {  	[sflag:s1] =	ssyncset.done $0x0  }
0xb6: {  	s8 =	simm.s32 $0x700;
	s9 =	simm.s32 $0x310;
	[sflag:s1] =	ssyncadd.s32 $0xFFFFF6A0  }
.LBB2_4:
0xb7: {  	[tilespmem:s23], [sflag:$0x4] =	stream.indirect.gather [hbm4b:s4+s16], $0x30, s9, s16, $0xb8;
	[tilespmem:$0xC670] =	vst v63  }
0xb8: {  	s9 =	smov.u32 s8  }
0xb9: {  	p1 =	sne.s32 s8, $0xA100;
	s8 =	sadd.s32 $0x700, s8;
	_ =	swait.ge [sflag:s24], $0x960  }
0xba: {  	s9 =	sshra.s32 s9, $0x2;
	[sflag:s24] =	ssyncset.done $0x0  }
0xbb: {  	s10 =	sadd.s32 $0x38, s9;
	[sflag:s24] =	ssyncadd.s32 $0xFFFFF6A0  }
0xbc: {  	[spmem:s2] =	stream.indirect.scatter.add.f32 [tilespmem:s17], [sflag:$0x5], $0x30, s10, s16, $0xb8;
	[tilespmem:$0xC670] =	vst v63  }
0xbd: {  	_ =	swait.ge [sflag:s25], $0x960  }
0xbe: {  	[sflag:s25] =	ssyncset.done $0x0  }
0xbf: {  	s10 =	sadd.s32 $0xA8, s9;
	[sflag:s25] =	ssyncadd.s32 $0xFFFFF6A0  }
0xc0: {  	[spmem:s2] =	stream.indirect.scatter.add.f32 [tilespmem:s19], [sflag:$0x6], $0x30, s10, s16, $0xb8;
	[tilespmem:$0xC670] =	vst v63  }
0xc1: {  	_ =	swait.ge [sflag:s26], $0x960  }
0xc2: {  	[sflag:s26] =	ssyncset.done $0x0  }
0xc3: {  	s10 =	sadd.s32 $0x118, s9;
	[sflag:s26] =	ssyncadd.s32 $0xFFFFF6A0  }
0xc4: {  	[spmem:s2] =	stream.indirect.scatter.add.f32 [tilespmem:s21], [sflag:$0x7], $0x30, s10, s16, $0xb8;
	[tilespmem:$0xC670] =	vst v63  }
0xc5: {  	_ =	swait.ge [sflag:s28], $0x960  }
0xc6: {  	[sflag:s28] =	ssyncset.done $0x0  }
0xc7: {  	s10 =	sadd.s32 $0x188, s9;
	[sflag:s28] =	ssyncadd.s32 $0xFFFFF6A0  }
0xc8: {  	[spmem:s2] =	stream.indirect.scatter.add.f32 [tilespmem:s23], [sflag:$0x8], $0x30, s10, s16, $0xb8;
	[tilespmem:$0xC670] =	vst v63  }
0xc9: {  	_ =	swait.ge [sflag:s29], $0x960  }
0xca: {  	[sflag:s29] =	ssyncset.done $0x0  }
0xcb: {  	s10 =	sadd.s32 $0x1C0, s9;
	[sflag:s29] =	ssyncadd.s32 $0xFFFFF6A0  }
0xcc: {  	[tilespmem:s17], [sflag:$0x1] =	stream.indirect.gather [hbm4b:s4+s16], $0x30, s10, s16, $0xb8;
	[tilespmem:$0xC670] =	vst v63  }
0xcd: {  	_ =	swait.ge [sflag:s30], $0x960  }
0xce: {  	[sflag:s30] =	ssyncset.done $0x0  }
0xcf: {  	s10 =	sadd.s32 $0x230, s9;
	[sflag:s30] =	ssyncadd.s32 $0xFFFFF6A0  }
0xd0: {  	[tilespmem:s19], [sflag:$0x2] =	stream.indirect.gather [hbm4b:s4+s16], $0x30, s10, s16, $0xb8;
	[tilespmem:$0xC670] =	vst v63  }
0xd1: {  	_ =	swait.ge [sflag:s31], $0x960  }
0xd2: {  	[sflag:s31] =	ssyncset.done $0x0  }
.Ltmp1:
0xd3: {  	s10 =	sadd.s32 $0x2A0, s9;
	[sflag:s31] =	ssyncadd.s32 $0xFFFFF6A0;
	(pc) =	sbr.rel @p1 .LBB2_4-.Ltmp1, $4  }
0xd4: {  	[tilespmem:s21], [sflag:$0x3] =	stream.indirect.gather [hbm4b:s4+s16], $0x30, s10, s16, $0xb8;
	[tilespmem:$0xC670] =	vst v63  }
0xd5: {  	_ =	swait.ge [sflag:s1], $0x960  }
0xd6: {  	[sflag:s1] =	ssyncset.done $0x0  }
0xd7: {  	s9 =	sadd.s32 $0x310, s9;
	[sflag:s1] =	ssyncadd.s32 $0xFFFFF6A0  }
0xd8: {  	[tilespmem:s23], [sflag:$0x4] =	stream.indirect.gather [hbm4b:s4+s16], $0x30, s9, s16, $0xb8;
	[tilespmem:$0xC670] =	vst v63  }
0xd9: {  	_ =	swait.ge [sflag:s24], $0x960  }
0xda: {  	[sflag:s24] =	ssyncset.done $0x0  }
0xdb: {  	[sflag:s24] =	ssyncadd.s32 $0xFFFFF6A0  }
0xdc: {  	[spmem:s2] =	stream.indirect.scatter.add.f32 [tilespmem:s17], [sflag:$0x5], $0x30, s0, s16, $0xb8;
	[tilespmem:$0xC670] =	vst v63  }
0xdd: {  	_ =	swait.ge [sflag:s25], $0x960  }
0xde: {  	[sflag:s25] =	ssyncset.done $0x0  }
0xdf: {  	[sflag:s25] =	ssyncadd.s32 $0xFFFFF6A0  }
0xe0: {  	[spmem:s2] =	stream.indirect.scatter.add.f32 [tilespmem:s19], [sflag:$0x6], $0x30, s3, s16, $0xb8;
	[tilespmem:$0xC670] =	vst v63  }
0xe1: {  	_ =	swait.ge [sflag:s26], $0x960  }
0xe2: {  	[sflag:s26] =	ssyncset.done $0x0  }
0xe3: {  	[sflag:s26] =	ssyncadd.s32 $0xFFFFF6A0  }
0xe4: {  	[spmem:s2] =	stream.indirect.scatter.add.f32 [tilespmem:s21], [sflag:$0x7], $0x30, s5, s16, $0xb8;
	[tilespmem:$0xC670] =	vst v63  }
0xe5: {  	_ =	swait.ge [sflag:s28], $0x960  }
0xe6: {  	[sflag:s28] =	ssyncset.done $0x0  }
0xe7: {  	[sflag:s28] =	ssyncadd.s32 $0xFFFFF6A0  }
0xe8: {  	[spmem:s2] =	stream.indirect.scatter.add.f32 [tilespmem:s23], [sflag:$0x8], $0x30, s6, s16, $0xb8;
	[tilespmem:$0xC670] =	vst v63  }
0xe9: {  	_ =	swait.ge [sflag:s29], $0x960  }
0xea: {  	[sflag:s29] =	ssyncset.done $0x0  }
0xeb: {  	[sflag:s29] =	ssyncadd.s32 $0xFFFFF6A0  }
0xec: {  	_ =	swait.ge [sflag:s30], $0x960  }
0xed: {  	[sflag:s30] =	ssyncset.done $0x0  }
0xee: {  	[sflag:s30] =	ssyncadd.s32 $0xFFFFF6A0  }
0xef: {  	_ =	swait.ge [sflag:s31], $0x960  }
0xf0: {  	[sflag:s31] =	ssyncset.done $0x0  }
0xf1: {  	[sflag:s31] =	ssyncadd.s32 $0xFFFFF6A0  }
0xf2: {  	_ =	swait.ge [sflag:s1], $0x960  }
0xf3: {  	[sflag:s1] =	ssyncset.done $0x0  }
0xf4: {  	[sflag:s1] =	ssyncadd.s32 $0xFFFFF6A0  }
0xf5: {  	[bflag:$0x0] =	sbarrier.arrive $0xFFFF  }
0xf6: {  	s8 =	simm.s32 @p0 $0x1FC9;
	s9 =	rddreg [dreg:$0x8]  }
0xf7: {  	[hbm:s9], [sflag:s8] =	dma.local @p0 [spmem:s12], $0xC30  }
0xf8: {  	s8 =	simm.s32 @p0 $0x9  }
0xf9: {  	_ =	swait.ge @p0 [sflag:s8], $0xC30  }
0xfa: {  	s7 =	sadd.s32 $0x1, s7;
	[sflag:s8] =	ssyncset.done @p0 $0x0  }
0xfb: {  	p1 =	sne.s32 s7, s11;
	[sflag:s8] =	ssyncadd.s32 @p0 $0xFFFFF3D0;
	s8 =	rddreg [dreg:$0x7]  }
0xfc: {  	[hbm:s8], [sflag:s13] =	dma.local @!p0 [spmem:s14], $0xED0  }
.Ltmp2:
0xfd: {  	_ = 	snop;
	(pc) =	sbr.rel @p1 .LBB2_1-.Ltmp2, $4  }
0xfe: {  	s8 =	simm.s32 @!p0 $0x9  }
0xff: {  	_ =	swait.ge @!p0 [sflag:s8], $0xED0  }
0x100: {  	[sflag:s8] =	ssyncset.done @!p0 $0x0  }
0x101: {  	[sflag:s8] =	ssyncadd.s32 @!p0 $0xFFFFF130  }
0x102: {  	_ =	sfence.sel $0x180000  }
0x103: {  	[bflag:$0x0] =	sbarrier.arrive $0xFFFF  }
0x104: {  	_ =	strace $0x9000004A  }
0x105: {  	s0 =	stileid.u32;
	[bflag:$0x2] =	sbarrier.arrive $0xFFFF  }
0x106: {  	p0 =	sne.s32 s0, $0x0;
	s0 =	rddreg [dreg:$0x2]  }
0x107: {  	s0 =	sadd.s32 @!p0 $0x100000, s0  }
0x108: {  	[sflag:s0] =	ssyncadd.tile.s32 @!p0 $0x1;
	_ =	shalt  }
.Lfunc_end2:
_tile_overlayer_lowered:
.L_overlay_start_2:
0x109: {  	(tag) =	ssettag $0x2  }
0x10a: {  	s0 =	rddreg [dreg:$0x0];
	s2 =	stileid.u32  }
0x10b: {  	s1 =	rddreg [dreg:$0x1];
	p0 =	sne.s32 s2, $0x0  }
0x10c: {  	s3 =	rddreg [dreg:$0x2];
	[bflag:$0x3] =	sbarrier.arrive $0xFFFF;
	s2 =	simm.s32 @!p0 $0x1C09  }
0x10d: {  	[timem:s3], [sflag:s2] =	dma.local @!p0 [hbm:s0], s1  }
0x10e: {  	s0 =	simm.s32 @!p0 $0x9  }
0x10f: {  	_ =	swait.ge @!p0 [sflag:s0], s1  }
0x110: {  	s1 =	ssub.s32 @!p0 $0x0, s1;
	[sflag:s0] =	ssyncset.done @!p0 $0x0  }
0x111: {  	[sflag:s0] =	ssyncadd.s32 @!p0 s1  }
0x112: {  	[bflag:$0x3] =	sbarrier.arrive $0xFFFF  }
0x113: {  	_ =	shalt  }

// kernel: kernel.7.cloned.1.call-start
scs
__scs_entry_jumppad:
0x0: {  	(pc) =	sbr.rel $0x88, $3  }
0x1: {  	(tag) =	ssettag $0x0;
	lr =	simm.s32 $0x1  }
0x2: {  	[smem:$0x3F97] =	sst lr;
	_ =	strace $0xD0000000  }
0x3: {  	_ = 	snop  }
0x4: {  	_ = 	snop  }
0x5: {  	_ = 	snop  }
0x6: {  	_ = 	snop  }
0x7: {  	_ = 	snop  }
__scs_overlays_trampoline_lowered:
0x8: {  	[smem:$0x3FA6] =	sst s0  }
0x9: {  	[smem:$0x3FA7] =	sst s1  }
0xa: {  	[smem:$0x3FA8] =	sst s2  }
0xb: {  	[smem:$0x3FA9] =	sst s3  }
0xc: {  	[smem:$0x3FAA] =	sst s4  }
0xd: {  	[smem:$0x3FAB] =	sst s5  }
0xe: {  	[smem:$0x3FAC] =	sst s6  }
0xf: {  	[smem:$0x3FAD] =	sst s7  }
0x10: {  	[smem:$0x3FAE] =	sst s8  }
0x11: {  	[smem:$0x3FAF] =	sst s9;
	s0 =	simm.s32 @!p0 $0x0  }
0x12: {  	s1 =	sld [smem:$0x3F95];
	s0 =	simm.s32 @p0 $0x1  }
0x13: {  	[smem:$0x3FB0] =	sst s0;
	s0 =	simm.s32 @!p1 $0x0  }
0x14: {  	s2 =	sld [smem:$0x3F94];
	s0 =	simm.s32 @p1 $0x1  }
0x15: {  	[smem:$0x3FB1] =	sst s0;
	s0 =	simm.s32 @!p2 $0x0  }
0x16: {  	s3 =	sld [smem:$0x3FDB];
	s0 =	simm.s32 @p2 $0x1  }
0x17: {  	s4 =	simm.s32 $0x1BF5;
	[smem:$0x3FB3] =	sst s0  }
0x18: {  	s0 =	sld [smem:$0x3F96];
	_ =	swait.ge [sflag:s4], $0x0  }
0x19: {  	s7 =	sld [smem:$0x3F97]  }
0x1a: {  	s8 =	sadd.s32 $0xFFFFE003, lr  }
0x1b: {  	s9 =	sadd.s32 $0xFFFFFEF7, lr;
	s5 =	simm.s32 $0xFFFFFFFF;
	p2 =	slt.u32 s8, $0xFFFFF086  }
0x1c: {  	p1 =	slt.u32 s9, $0xF7A;
	s5 =	simm.s32 @!p2 $0x0  }
0x1d: {  	s5 =	simm.s32 @p1 $0x1;
	p0 =	seq.s32 s7, s2  }
0x1e: {  	s7 =	smul.u32 @!p0 $0xF7A, s2;
	p2 =	seq.s32 @!p0 s5, $0x0  }
0x1f: {  	s9 =	smul.u32 $0xF7A, s1;
	s8 =	simm.s32 @!p0 $0x1BF5;
	p2 =	por !p2, p0  }
0x20: {  	[sflag:s8] =	ssyncset.s32 @!p0 $0xFFFFF086;
	s6 =	sadd.s32 @!p0 s3, s7;
	s7 =	simm.s32 @!p0 $0x108  }
0x21: {  	s3 =	sadd.s32 s3, s9;
	s6 =	sadd.s32 @!p0 $0x88, s6;
	s7 =	simm.s32 @p2 $0x1082  }
0x22: {  	[simem:s7], [sflag:s8] =	dma.local @!p0 [hbm:s6], $0xF7A  }
0x23: {  	s9 =	sor.u32 $0xD0000000, s2;
	s6 =	simm.s32 $0x108;
	_ =	swait.ge @!p0 [sflag:s8], $0x0  }
0x24: {  	s3 =	sadd.s32 $0x88, s3;
	s6 =	simm.s32 @!p1 $0x1082;
	[sflag:s4] =	ssyncset.s32 $0xFFFFF086  }
0x25: {  	[simem:s6], [sflag:s4] =	dma.local [hbm:s3], $0xF7A  }
0x26: {  	[smem:$0x3F97] =	sst s1;
	(tag) =	ssettag s2;
	_ =	strace s9  }
0x27: {  	s1 =	sld [smem:$0x3FA7]  }
0x28: {  	s2 =	sld [smem:$0x3FA8]  }
0x29: {  	s4 =	sld [smem:$0x3FAA]  }
0x2a: {  	p0 =	seq.s32 s5, $0x0;
	s5 =	sld [smem:$0x3FAB]  }
0x2b: {  	s6 =	sld [smem:$0x3FAC]  }
0x2c: {  	s7 =	sld [smem:$0x3FAD]  }
0x2d: {  	s3 =	simm.s32 $0x108;
	s8 =	sld [smem:$0x3FAE]  }
0x2e: {  	s3 =	simm.s32 @!p0 $0x1082;
	s9 =	sld [smem:$0x3FAF]  }
0x2f: {  	lr =	sadd.s32 s0, s3;
	s0 =	sld [smem:$0x3FA6]  }
0x30: {  	s3 =	sld [smem:$0x3FA9]  }
0x31: {  	[smem:$0x3FB2] =	sst s10  }
0x32: {  	s10 =	sld [smem:$0x3FB0];
	_ =	sdelay $0x3  }
0x33: {  	p0 =	seq.s32 s10, $0x1;
	s10 =	sld [smem:$0x3FB2];
	_ =	sdelay $0x3  }
0x34: {  	[smem:$0x3FB2] =	sst s10  }
0x35: {  	s10 =	sld [smem:$0x3FB1];
	_ =	sdelay $0x3  }
0x36: {  	p1 =	seq.s32 s10, $0x1;
	s10 =	sld [smem:$0x3FB2];
	_ =	sdelay $0x3  }
0x37: {  	[smem:$0x3FB2] =	sst s10  }
0x38: {  	s10 =	sld [smem:$0x3FB3]  }
0x39: {  	_ = 	snop;
	(pc) =	sbr.ind lr, $3  }
0x3a: {  	_ = 	snop  }
0x3b: {  	_ = 	snop  }
0x3c: {  	p2 =	seq.s32 s10, $0x1;
	s10 =	sld [smem:$0x3FB2]  }
0x3d: {  	_ =	shalt  }
0x3e: {  	_ =	shalt  }
0x3f: {  	_ =	shalt  }
0x40: {  	_ =	shalt  }
0x41: {  	_ =	shalt  }
0x42: {  	_ =	shalt  }
0x43: {  	_ =	shalt  }
0x44: {  	_ =	shalt  }
0x45: {  	_ =	shalt  }
0x46: {  	_ =	shalt  }
0x47: {  	_ =	shalt  }
0x48: {  	_ =	shalt  }
0x49: {  	_ =	shalt  }
0x4a: {  	_ =	shalt  }
0x4b: {  	_ =	shalt  }
0x4c: {  	_ =	shalt  }
0x4d: {  	_ =	shalt  }
0x4e: {  	_ =	shalt  }
0x4f: {  	_ =	shalt  }
0x50: {  	_ =	shalt  }
0x51: {  	_ =	shalt  }
0x52: {  	_ =	shalt  }
0x53: {  	_ =	shalt  }
0x54: {  	_ =	shalt  }
0x55: {  	_ =	shalt  }
0x56: {  	_ =	shalt  }
0x57: {  	_ =	shalt  }
0x58: {  	_ =	shalt  }
0x59: {  	_ =	shalt  }
0x5a: {  	_ =	shalt  }
0x5b: {  	_ =	shalt  }
0x5c: {  	_ =	shalt  }
0x5d: {  	_ =	shalt  }
0x5e: {  	_ =	shalt  }
0x5f: {  	_ =	shalt  }
0x60: {  	_ =	shalt  }
0x61: {  	_ =	shalt  }
0x62: {  	_ =	shalt  }
0x63: {  	_ =	shalt  }
0x64: {  	_ =	shalt  }
0x65: {  	_ =	shalt  }
0x66: {  	_ =	shalt  }
0x67: {  	_ =	shalt  }
0x68: {  	_ =	shalt  }
0x69: {  	_ =	shalt  }
0x6a: {  	_ =	shalt  }
0x6b: {  	_ =	shalt  }
0x6c: {  	_ =	shalt  }
0x6d: {  	_ =	shalt  }
0x6e: {  	_ =	shalt  }
0x6f: {  	_ =	shalt  }
0x70: {  	_ =	shalt  }
0x71: {  	_ =	shalt  }
0x72: {  	_ =	shalt  }
0x73: {  	_ =	shalt  }
0x74: {  	_ =	shalt  }
0x75: {  	_ =	shalt  }
0x76: {  	_ =	shalt  }
0x77: {  	_ =	shalt  }
0x78: {  	_ =	shalt  }
0x79: {  	_ =	shalt  }
0x7a: {  	_ =	shalt  }
0x7b: {  	_ =	shalt  }
0x7c: {  	_ =	shalt  }
0x7d: {  	_ =	shalt  }
0x7e: {  	_ =	shalt  }
0x7f: {  	_ =	shalt  }
0x80: {  	_ =	shalt  }
0x81: {  	_ =	shalt  }
0x82: {  	_ =	shalt  }
0x83: {  	_ =	shalt  }
0x84: {  	_ =	shalt  }
0x85: {  	_ =	shalt  }
0x86: {  	_ =	shalt  }
0x87: {  	_ =	shalt  }
.Lfunc_end0:
.L_simem_size_0:
called_computation_lowered:
.L_overlay_start_0:
0x88: {  	s2 =	sld [smem:$0x3FD9]  }
0x89: {  	s3 =	sld [smem:$0x3FFE];
	_ =	sdelay $0x1  }
0x8a: {  	s1 =	srdreg.scid  }
0x8b: {  	s0 =	sand.u32 $0x1, s1  }
0x8c: {  	s16 =	sshll.u32 s0, $0xA;
	s2 =	sadd.s32 s3, s2  }
0x8d: {  	s2 =	sadd.s32 s2, s16  }
0x8e: {  	[smem:$0x3FBE] =	sst s2  }
0x8f: {  	_ = 	snop  }
0x90: {  	(tm) =	ssettm $0x1  }
0x91: {  	s17 =	sld [smem:$0x3FFB];
	_ =	sdelay $0x3  }
0x92: {  	_ =	strace s17  }
0x93: {  	s2 =	sld [smem:$0x3FFC];
	_ =	sdelay $0x3  }
0x94: {  	_ =	strace s2  }
0x95: {  	s2 =	sld [smem:$0x3FFD];
	_ =	sdelay $0x3  }
0x96: {  	_ =	strace s2  }
0x97: {  	_ =	strace $0x8FFFFFFF  }
0x98: {  	s18 =	sld [smem:$0x3FDB];
	_ =	sdelay $0x1  }
0x99: {  	s19 =	simm.s32 $_scs_section_size  }
0x9a: {  	s4 =	simm.s32 $_size__tile_overlayer_lowered;
	s5 =	simm.s32 $_tile_overlayer_lowered  }
0x9b: {  	s22 =	simm.s32 $0x1BFF;
	s21 =	sshll.u32 s5, $0x1;
	s2 =	sadd.s32 s19, s18  }
0x9c: {  	s6 =	simm.s32 $0x0;
	s20 =	sshll.u32 s4, $0x1;
	s4 =	sadd.s32 s21, s2  }
0x9d: {  	[timem:s6], [sflag:s22] =	dma.local [hbm:s4], s20  }
0x9e: {  	_ =	swait.ge [sflag:s22], s20  }
0x9f: {  	s3 =	ssub.s32 $0x0, s20;
	[sflag:s22] =	ssyncset.done $0x0  }
0xa0: {  	[sflag:s22] =	ssyncadd.s32 s3;
	_ =	sdelay $0x1  }
0xa1: {  	s23 =	simm.s32 $0x1B8B  }
0xa2: {  	_ =	swait.ge [sflag:s23], $0x1  }
0xa3: {  	[sflag:s23] =	ssyncset.done $0x0  }
0xa4: {  	s25 =	simm.s32 $0x1B8E;
	s24 =	sld [smem:$0x3FFE];
	[sflag:s23] =	ssyncadd.s32 $0xFFFFFFFF  }
0xa5: {  	s26 =	simm.s32 $execute0_lowered;
	[smem:$0x3FD2] =	sst s25  }
0xa6: {  	s4 =	sshll.u32 s26, $0x1;
	_ =	strace $0x80000046;
	[dreg:$0x1] =	wrdreg $0xFFFFFFFF  }
0xa7: {  	s28 =	simm.s32 $_size_execute0_lowered;
	s2 =	sadd.s32 s2, s4;
	[dreg:$0x0] =	wrdreg $0x0  }
0xa8: {  	s4 =	sshll.u32 s28, $0x1;
	[dreg:$0x2] =	wrdreg s2  }
0xa9: {  	[dreg:$0x3] =	wrdreg s4  }
0xaa: {  	[dreg:$0x4] =	wrdreg $0xC0  }
0xab: {  	_ =	task [dreg:s6], $0x5FFFF  }
0xac: {  	[dreg:$0x1] =	wrdreg $0xFFFFFFFF  }
0xad: {  	[dreg:$0x0] =	wrdreg $0x60  }
0xae: {  	[dreg:$0x2] =	wrdreg s24  }
0xaf: {  	[dreg:$0x3] =	wrdreg $0x8FC00  }
0xb0: {  	[dreg:$0x4] =	wrdreg $0x9  }
0xb1: {  	_ =	task.clear_ibuf [dreg:s6], $0x5FFFF;
	_ =	strace $0x90000046  }
0xb2: {  	s29 =	simm.s32 $0x9;
	_ =	strace $0x80000048  }
0xb3: {  	_ =	swait.ge [sflag:s29], $0x1  }
0xb4: {  	[sflag:s29] =	ssyncadd.s32 $0xFFFFFFFF  }
0xb5: {  	_ =	strace $0x90000048  }
0xb6: {  	_ =	sfence  }
0xb7: {  	s30 =	sld [smem:$0x0];
	_ =	sdelay $0x2  }
0xb8: {  	s31 =	sshll.u32 s1, $0xD;
	s1 =	sshrl.u32 s1, $0x2  }
0xb9: {  	s3 =	sand.u32 $0x4000, s31;
	s1 =	sadd.s32 s1, s30  }
0xba: {  	s0 =	sor.u32 s3, s0;
	s1 =	sshll.u32 s1, $0x11  }
0xbb: {  	s0 =	sor.u32 s1, s0  }
0xbc: {  	s0 =	sadd.s32 $0x8F2B, s0  }
0xbd: {  	[sflag:s0] =	ssyncadd.remote.s32 $0x1  }
0xbe: {  	_ =	sfence.sel $0xFFFF  }
0xbf: {  	[dreg:$0x0] =	wrdreg $0xFFFFFFFF;
	(pc) =	sbr.abs _section_cstart, $3  }
0xc0: {  	[dreg:$0x1] =	wrdreg $0xFFFFFFFF  }
0xc1: {  	_ =	task.clear_ibuf [dreg:s6], $0x2FFFF;
	_ =	strace $0x9FFFFFFF  }
0xc2: {  	(tm) =	ssettm $0x7FFFFFFF  }
0xc3: {  	_ =	shalt  }
tec
execute0_lowered:
.L_overlay_start_1:
0x0: {  	(tag) =	ssettag $0x1  }
0x1: {  	s0 =	srdreg.scid;
	s1 =	rddreg [dreg:$0x0]  }
0x2: {  	s10 =	stileid.u32;
	s2 =	rddreg [dreg:$0x1];
	s4 =	simm.s32 $0x0  }
0x3: {  	s15 =	simm.s32 $0x9;
	s16 =	simm.s32 $0x32;
	s17 =	simm.s32 $0x2BC0  }
0x4: {  	s18 =	simm.s32 $0x70;
	s19 =	simm.s32 $0x44C0;
	s20 =	simm.s32 $0xE0  }
0x5: {  	s21 =	simm.s32 $0x5DC0;
	s22 =	simm.s32 $0x150;
	s23 =	simm.s32 $0x76C0  }
0x6: {  	s24 =	simm.s32 $0x1;
	s28 =	simm.s32 $0x4;
	s29 =	simm.s32 $0x5  }
0x7: {  	s30 =	simm.s32 $0x6;
	s31 =	simm.s32 $0x7;
	s0 =	sand.u32 $0x1, s0  }
0x8: {  	s3 =	sshll.u32 s10, $0x1;
	[smem:$0x7FF] =	sst s4;
	s5 =	smul.u32 $0x13C00, s10  }
0x9: {  	s4 =	sadd.s32 $0x17C00, s1;
	s8 =	sadd.s32 $0x66000, s1;
	p0 =	seq.s32 s10, $0xF  }
0xa: {  	s3 =	sor.u32 s0, s3;
	_ =	strace $0x80000047;
	s7 =	ssub.s32 $0x2, s0  }
0xb: {  	s0 =	smul.u32 $0x138800, s0;
	s6 =	sshrl.u32 s5, $0x3;
	s9 =	sshrl.u32 s7, $0x1  }
0xc: {  	s3 =	smul.u32 $0x5780, s3;
	s6 =	sadd.s32 s6, s1;
	s7 =	ssub.s32 s7, s9  }
0xd: {  	s9 =	sadd.s32 s5, s2;
	s26 =	sadd.s32 s5, s0;
	s0 =	sshrl.u32 s0, $0x3  }
0xe: {  	s5 =	simm.s32 $0x2B18;
	s3 =	sshrl.u32 s3, $0x3;
	s6 =	sadd.s32 $0x3EE00, s6  }
0xf: {  	s0 =	sadd.s32 s8, s0;
	s11 =	smax.u32 s7, $0x1;
	s14 =	sshrl.u32 @!p0 s9, $0x3  }
0x10: {  	s7 =	simm.s32 $0x0;
	s3 =	sadd.s32 s3, s1;
	[dreg:$0x3] =	wrdreg s6  }
0x11: {  	s6 =	sadd.s32 $0x128400, s2;
	s1 =	sadd.s32 $0x63E80, s1;
	s0 =	sadd.s32 $0x25080, s0  }
0x12: {  	[dreg:$0x4] =	wrdreg s1;
	s25 =	sadd.s32 $0x1E00, s3;
	s3 =	sadd.s32 $0x2378, s3  }
0x13: {  	s1 =	sshrl.u32 s26, $0x3;
	[dreg:$0x8] =	wrdreg s0;
	s12 =	sshrl.u32 @p0 s6, $0x3  }
0x14: {  	s0 =	sshll.u32 @!p0 s10, $0x6;
	s26 =	simm.s32 $0x3;
	[dreg:$0x5] =	wrdreg s25  }
0x15: {  	s6 =	simm.s32 $0x2B88;
	[dreg:$0x6] =	wrdreg s3;
	s1 =	sadd.s32 s8, s1  }
0x16: {  	s13 =	sor.u32 @!p0 $0x1C09, s0;
	s25 =	simm.s32 $0x2;
	s0 =	simm.s32 $0x2A38  }
0x17: {  	s3 =	simm.s32 $0x2AA8;
	[dreg:$0x7] =	wrdreg s1;
	s1 =	simm.s32 $0x8  }
.LBB2_1:
0x18: {  	s8 =	simm.s32 @p0 $0x1FC9;
	s9 =	rddreg [dreg:$0x4]  }
0x19: {  	[spmem:s12], [sflag:s8] =	dma.local @p0 [hbm:s9], $0x2080  }
0x1a: {  	s8 =	simm.s32 @p0 $0x9  }
0x1b: {  	_ =	swait.ge @p0 [sflag:s8], $0x2080  }
0x1c: {  	[sflag:s8] =	ssyncset.done @p0 $0x0  }
0x1d: {  	[sflag:s8] =	ssyncadd.s32 @p0 $0xFFFFDF80;
	s8 =	rddreg [dreg:$0x3]  }
0x1e: {  	[spmem:s14], [sflag:s13] =	dma.local @!p0 [hbm:s8], $0x2780  }
0x1f: {  	s8 =	simm.s32 @!p0 $0x9  }
0x20: {  	_ =	swait.ge @!p0 [sflag:s8], $0x2780  }
0x21: {  	[sflag:s8] =	ssyncset.done @!p0 $0x0  }
0x22: {  	[sflag:s8] =	ssyncadd.s32 @!p0 $0xFFFFD880  }
0x23: {  	[bflag:$0x0] =	sbarrier.arrive $0xFFFF  }
0x24: {  	s8 =	simm.s32 $0x0;
	s10 =	rddreg [dreg:$0x5]  }
0x25: {  	[tilespmem:s8], [sflag:$0x9] =	stream.linear.gather [hbm4b:s10+s8], $0x2BC0, $0x38;
	[tilespmem:$0x1C840] =	vst v63  }
0x26: {  	_ =	swait.ge [sflag:s15], $0x2BC0  }
0x27: {  	[sflag:s15] =	ssyncset.done $0x0  }
0x28: {  	[sflag:s15] =	ssyncadd.s32 $0xFFFFD440  }
0x29: {  	[tilespmem:s17], [sflag:$0x1] =	stream.indirect.gather [hbm4b:s4+s16], $0x80, s8, s16, $0xb8;
	[tilespmem:$0x1C840] =	vst v63  }
0x2a: {  	_ = 	snop  }
0x2b: {  	[tilespmem:s19], [sflag:$0x2] =	stream.indirect.gather [hbm4b:s4+s16], $0x80, s18, s16, $0xb8;
	[tilespmem:$0x1C840] =	vst v63  }
0x2c: {  	_ = 	snop  }
0x2d: {  	[tilespmem:s21], [sflag:$0x3] =	stream.indirect.gather [hbm4b:s4+s16], $0x80, s20, s16, $0xb8;
	[tilespmem:$0x1C840] =	vst v63  }
0x2e: {  	_ = 	snop  }
0x2f: {  	[tilespmem:s23], [sflag:$0x4] =	stream.indirect.gather [hbm4b:s4+s16], $0x80, s22, s16, $0xb8;
	[tilespmem:$0x1C840] =	vst v63  }
0x30: {  	_ =	swait.ge [sflag:s24], $0x1900  }
0x31: {  	[sflag:s24] =	ssyncset.done $0x0  }
0x32: {  	s10 =	simm.s32 $0x38;
	[sflag:s24] =	ssyncadd.s32 $0xFFFFE700  }
0x33: {  	[spmem:s2] =	stream.indirect.scatter.add.f32 [tilespmem:s17], [sflag:$0x5], $0x80, s10, s16, $0xb8;
	[tilespmem:$0x1C840] =	vst v63  }
0x34: {  	_ =	swait.ge [sflag:s25], $0x1900  }
0x35: {  	[sflag:s25] =	ssyncset.done $0x0  }
0x36: {  	s9 =	simm.s32 $0xA8;
	[sflag:s25] =	ssyncadd.s32 $0xFFFFE700  }
0x37: {  	[spmem:s2] =	stream.indirect.scatter.add.f32 [tilespmem:s19], [sflag:$0x6], $0x80, s9, s16, $0xb8;
	[tilespmem:$0x1C840] =	vst v63  }
0x38: {  	_ =	swait.ge [sflag:s26], $0x1900  }
0x39: {  	[sflag:s26] =	ssyncset.done $0x0  }
0x3a: {  	s10 =	simm.s32 $0x118;
	[sflag:s26] =	ssyncadd.s32 $0xFFFFE700  }
0x3b: {  	[spmem:s2] =	stream.indirect.scatter.add.f32 [tilespmem:s21], [sflag:$0x7], $0x80, s10, s16, $0xb8;
	[tilespmem:$0x1C840] =	vst v63  }
0x3c: {  	_ =	swait.ge [sflag:s28], $0x1900  }
0x3d: {  	[sflag:s28] =	ssyncset.done $0x0  }
0x3e: {  	s9 =	simm.s32 $0x188;
	[sflag:s28] =	ssyncadd.s32 $0xFFFFE700  }
0x3f: {  	[spmem:s2] =	stream.indirect.scatter.add.f32 [tilespmem:s23], [sflag:$0x8], $0x80, s9, s16, $0xb8;
	[tilespmem:$0x1C840] =	vst v63  }
0x40: {  	_ =	swait.ge [sflag:s29], $0x1900  }
0x41: {  	[sflag:s29] =	ssyncset.done $0x0  }
0x42: {  	s10 =	simm.s32 $0x1C0;
	[sflag:s29] =	ssyncadd.s32 $0xFFFFE700  }
0x43: {  	[tilespmem:s17], [sflag:$0x1] =	stream.indirect.gather [hbm4b:s4+s16], $0x80, s10, s16, $0xb8;
	[tilespmem:$0x1C840] =	vst v63  }
0x44: {  	_ =	swait.ge [sflag:s30], $0x1900  }
0x45: {  	[sflag:s30] =	ssyncset.done $0x0  }
0x46: {  	s9 =	simm.s32 $0x230;
	[sflag:s30] =	ssyncadd.s32 $0xFFFFE700  }
0x47: {  	[tilespmem:s19], [sflag:$0x2] =	stream.indirect.gather [hbm4b:s4+s16], $0x80, s9, s16, $0xb8;
	[tilespmem:$0x1C840] =	vst v63  }
0x48: {  	_ =	swait.ge [sflag:s31], $0x1900  }
0x49: {  	[sflag:s31] =	ssyncset.done $0x0  }
0x4a: {  	s10 =	simm.s32 $0x2A0;
	[sflag:s31] =	ssyncadd.s32 $0xFFFFE700  }
0x4b: {  	[tilespmem:s21], [sflag:$0x3] =	stream.indirect.gather [hbm4b:s4+s16], $0x80, s10, s16, $0xb8;
	[tilespmem:$0x1C840] =	vst v63  }
0x4c: {  	_ =	swait.ge [sflag:s1], $0x1900  }
0x4d: {  	[sflag:s1] =	ssyncset.done $0x0  }
0x4e: {  	s8 =	simm.s32 $0x700;
	s9 =	simm.s32 $0x310;
	[sflag:s1] =	ssyncadd.s32 $0xFFFFE700  }
.LBB2_2:
0x4f: {  	[tilespmem:s23], [sflag:$0x4] =	stream.indirect.gather [hbm4b:s4+s16], $0x80, s9, s16, $0xb8;
	[tilespmem:$0x1C840] =	vst v63  }
0x50: {  	s9 =	smov.u32 s8  }
0x51: {  	p1 =	sne.s32 s8, $0xA100;
	s8 =	sadd.s32 $0x700, s8;
	_ =	swait.ge [sflag:s24], $0x1900  }
0x52: {  	s9 =	sshra.s32 s9, $0x2;
	[sflag:s24] =	ssyncset.done $0x0  }
0x53: {  	s10 =	sadd.s32 $0x38, s9;
	[sflag:s24] =	ssyncadd.s32 $0xFFFFE700  }
0x54: {  	[spmem:s2] =	stream.indirect.scatter.add.f32 [tilespmem:s17], [sflag:$0x5], $0x80, s10, s16, $0xb8;
	[tilespmem:$0x1C840] =	vst v63  }
0x55: {  	_ =	swait.ge [sflag:s25], $0x1900  }
0x56: {  	[sflag:s25] =	ssyncset.done $0x0  }
0x57: {  	s10 =	sadd.s32 $0xA8, s9;
	[sflag:s25] =	ssyncadd.s32 $0xFFFFE700  }
0x58: {  	[spmem:s2] =	stream.indirect.scatter.add.f32 [tilespmem:s19], [sflag:$0x6], $0x80, s10, s16, $0xb8;
	[tilespmem:$0x1C840] =	vst v63  }
0x59: {  	_ =	swait.ge [sflag:s26], $0x1900  }
0x5a: {  	[sflag:s26] =	ssyncset.done $0x0  }
0x5b: {  	s10 =	sadd.s32 $0x118, s9;
	[sflag:s26] =	ssyncadd.s32 $0xFFFFE700  }
0x5c: {  	[spmem:s2] =	stream.indirect.scatter.add.f32 [tilespmem:s21], [sflag:$0x7], $0x80, s10, s16, $0xb8;
	[tilespmem:$0x1C840] =	vst v63  }
0x5d: {  	_ =	swait.ge [sflag:s28], $0x1900  }
0x5e: {  	[sflag:s28] =	ssyncset.done $0x0  }
0x5f: {  	s10 =	sadd.s32 $0x188, s9;
	[sflag:s28] =	ssyncadd.s32 $0xFFFFE700  }
0x60: {  	[spmem:s2] =	stream.indirect.scatter.add.f32 [tilespmem:s23], [sflag:$0x8], $0x80, s10, s16, $0xb8;
	[tilespmem:$0x1C840] =	vst v63  }
0x61: {  	_ =	swait.ge [sflag:s29], $0x1900  }
0x62: {  	[sflag:s29] =	ssyncset.done $0x0  }
0x63: {  	s10 =	sadd.s32 $0x1C0, s9;
	[sflag:s29] =	ssyncadd.s32 $0xFFFFE700  }
0x64: {  	[tilespmem:s17], [sflag:$0x1] =	stream.indirect.gather [hbm4b:s4+s16], $0x80, s10, s16, $0xb8;
	[tilespmem:$0x1C840] =	vst v63  }
0x65: {  	_ =	swait.ge [sflag:s30], $0x1900  }
0x66: {  	[sflag:s30] =	ssyncset.done $0x0  }
0x67: {  	s10 =	sadd.s32 $0x230, s9;
	[sflag:s30] =	ssyncadd.s32 $0xFFFFE700  }
0x68: {  	[tilespmem:s19], [sflag:$0x2] =	stream.indirect.gather [hbm4b:s4+s16], $0x80, s10, s16, $0xb8;
	[tilespmem:$0x1C840] =	vst v63  }
0x69: {  	_ =	swait.ge [sflag:s31], $0x1900  }
0x6a: {  	[sflag:s31] =	ssyncset.done $0x0  }
.Ltmp0:
0x6b: {  	s10 =	sadd.s32 $0x2A0, s9;
	[sflag:s31] =	ssyncadd.s32 $0xFFFFE700;
	(pc) =	sbr.rel @p1 .LBB2_2-.Ltmp0, $4  }
0x6c: {  	[tilespmem:s21], [sflag:$0x3] =	stream.indirect.gather [hbm4b:s4+s16], $0x80, s10, s16, $0xb8;
	[tilespmem:$0x1C840] =	vst v63  }
0x6d: {  	_ =	swait.ge [sflag:s1], $0x1900  }
0x6e: {  	[sflag:s1] =	ssyncset.done $0x0  }
0x6f: {  	s9 =	sadd.s32 $0x310, s9;
	[sflag:s1] =	ssyncadd.s32 $0xFFFFE700  }
0x70: {  	[tilespmem:s23], [sflag:$0x4] =	stream.indirect.gather [hbm4b:s4+s16], $0x80, s9, s16, $0xb8;
	[tilespmem:$0x1C840] =	vst v63  }
0x71: {  	_ =	swait.ge [sflag:s24], $0x1900  }
0x72: {  	[sflag:s24] =	ssyncset.done $0x0  }
0x73: {  	[sflag:s24] =	ssyncadd.s32 $0xFFFFE700  }
0x74: {  	[spmem:s2] =	stream.indirect.scatter.add.f32 [tilespmem:s17], [sflag:$0x5], $0x80, s0, s16, $0xb8;
	[tilespmem:$0x1C840] =	vst v63  }
0x75: {  	_ =	swait.ge [sflag:s25], $0x1900  }
0x76: {  	[sflag:s25] =	ssyncset.done $0x0  }
0x77: {  	[sflag:s25] =	ssyncadd.s32 $0xFFFFE700  }
0x78: {  	[spmem:s2] =	stream.indirect.scatter.add.f32 [tilespmem:s19], [sflag:$0x6], $0x80, s3, s16, $0xb8;
	[tilespmem:$0x1C840] =	vst v63  }
0x79: {  	_ =	swait.ge [sflag:s26], $0x1900  }
0x7a: {  	[sflag:s26] =	ssyncset.done $0x0  }
0x7b: {  	[sflag:s26] =	ssyncadd.s32 $0xFFFFE700  }
0x7c: {  	[spmem:s2] =	stream.indirect.scatter.add.f32 [tilespmem:s21], [sflag:$0x7], $0x80, s5, s16, $0xb8;
	[tilespmem:$0x1C840] =	vst v63  }
0x7d: {  	_ =	swait.ge [sflag:s28], $0x1900  }
0x7e: {  	[sflag:s28] =	ssyncset.done $0x0  }
0x7f: {  	[sflag:s28] =	ssyncadd.s32 $0xFFFFE700  }
0x80: {  	[spmem:s2] =	stream.indirect.scatter.add.f32 [tilespmem:s23], [sflag:$0x8], $0x80, s6, s16, $0xb8;
	[tilespmem:$0x1C840] =	vst v63  }
0x81: {  	_ =	swait.ge [sflag:s29], $0x1900  }
0x82: {  	[sflag:s29] =	ssyncset.done $0x0  }
0x83: {  	[sflag:s29] =	ssyncadd.s32 $0xFFFFE700  }
0x84: {  	_ =	swait.ge [sflag:s30], $0x1900  }
0x85: {  	[sflag:s30] =	ssyncset.done $0x0  }
0x86: {  	[sflag:s30] =	ssyncadd.s32 $0xFFFFE700  }
0x87: {  	_ =	swait.ge [sflag:s31], $0x1900  }
0x88: {  	[sflag:s31] =	ssyncset.done $0x0  }
0x89: {  	[sflag:s31] =	ssyncadd.s32 $0xFFFFE700  }
0x8a: {  	_ =	swait.ge [sflag:s1], $0x1900  }
0x8b: {  	[sflag:s1] =	ssyncset.done $0x0  }
0x8c: {  	s8 =	simm.s32 $0x0;
	s10 =	rddreg [dreg:$0x6];
	[sflag:s1] =	ssyncadd.s32 $0xFFFFE700  }
0x8d: {  	[tilespmem:s8], [sflag:$0x9] =	stream.linear.gather [hbm4b:s10+s8], $0x2BC0, $0x38;
	[tilespmem:$0x1C840] =	vst v63  }
0x8e: {  	_ =	swait.ge [sflag:s15], $0x2BC0  }
0x8f: {  	[sflag:s15] =	ssyncset.done $0x0  }
0x90: {  	[sflag:s15] =	ssyncadd.s32 $0xFFFFD440  }
0x91: {  	[tilespmem:s17], [sflag:$0x1] =	stream.indirect.gather [hbm4b:s4+s16], $0x80, s8, s16, $0xb8;
	[tilespmem:$0x1C840] =	vst v63  }
0x92: {  	_ = 	snop  }
0x93: {  	[tilespmem:s19], [sflag:$0x2] =	stream.indirect.gather [hbm4b:s4+s16], $0x80, s18, s16, $0xb8;
	[tilespmem:$0x1C840] =	vst v63  }
0x94: {  	_ = 	snop  }
0x95: {  	[tilespmem:s21], [sflag:$0x3] =	stream.indirect.gather [hbm4b:s4+s16], $0x80, s20, s16, $0xb8;
	[tilespmem:$0x1C840] =	vst v63  }
0x96: {  	_ = 	snop  }
0x97: {  	[tilespmem:s23], [sflag:$0x4] =	stream.indirect.gather [hbm4b:s4+s16], $0x80, s22, s16, $0xb8;
	[tilespmem:$0x1C840] =	vst v63  }
0x98: {  	_ =	swait.ge [sflag:s24], $0x1900  }
0x99: {  	[sflag:s24] =	ssyncset.done $0x0  }
0x9a: {  	s10 =	simm.s32 $0x38;
	[sflag:s24] =	ssyncadd.s32 $0xFFFFE700  }
0x9b: {  	[spmem:s2] =	stream.indirect.scatter.add.f32 [tilespmem:s17], [sflag:$0x5], $0x80, s10, s16, $0xb8;
	[tilespmem:$0x1C840] =	vst v63  }
0x9c: {  	_ =	swait.ge [sflag:s25], $0x1900  }
0x9d: {  	[sflag:s25] =	ssyncset.done $0x0  }
0x9e: {  	s9 =	simm.s32 $0xA8;
	[sflag:s25] =	ssyncadd.s32 $0xFFFFE700  }
0x9f: {  	[spmem:s2] =	stream.indirect.scatter.add.f32 [tilespmem:s19], [sflag:$0x6], $0x80, s9, s16, $0xb8;
	[tilespmem:$0x1C840] =	vst v63  }
0xa0: {  	_ =	swait.ge [sflag:s26], $0x1900  }
0xa1: {  	[sflag:s26] =	ssyncset.done $0x0  }
0xa2: {  	s10 =	simm.s32 $0x118;
	[sflag:s26] =	ssyncadd.s32 $0xFFFFE700  }
0xa3: {  	[spmem:s2] =	stream.indirect.scatter.add.f32 [tilespmem:s21], [sflag:$0x7], $0x80, s10, s16, $0xb8;
	[tilespmem:$0x1C840] =	vst v63  }
0xa4: {  	_ =	swait.ge [sflag:s28], $0x1900  }
0xa5: {  	[sflag:s28] =	ssyncset.done $0x0  }
0xa6: {  	s9 =	simm.s32 $0x188;
	[sflag:s28] =	ssyncadd.s32 $0xFFFFE700  }
0xa7: {  	[spmem:s2] =	stream.indirect.scatter.add.f32 [tilespmem:s23], [sflag:$0x8], $0x80, s9, s16, $0xb8;
	[tilespmem:$0x1C840] =	vst v63  }
0xa8: {  	_ =	swait.ge [sflag:s29], $0x1900  }
0xa9: {  	[sflag:s29] =	ssyncset.done $0x0  }
0xaa: {  	s10 =	simm.s32 $0x1C0;
	[sflag:s29] =	ssyncadd.s32 $0xFFFFE700  }
0xab: {  	[tilespmem:s17], [sflag:$0x1] =	stream.indirect.gather [hbm4b:s4+s16], $0x80, s10, s16, $0xb8;
	[tilespmem:$0x1C840] =	vst v63  }
0xac: {  	_ =	swait.ge [sflag:s30], $0x1900  }
0xad: {  	[sflag:s30] =	ssyncset.done $0x0  }
0xae: {  	s9 =	simm.s32 $0x230;
	[sflag:s30] =	ssyncadd.s32 $0xFFFFE700  }
0xaf: {  	[tilespmem:s19], [sflag:$0x2] =	stream.indirect.gather [hbm4b:s4+s16], $0x80, s9, s16, $0xb8;
	[tilespmem:$0x1C840] =	vst v63  }
0xb0: {  	_ =	swait.ge [sflag:s31], $0x1900  }
0xb1: {  	[sflag:s31] =	ssyncset.done $0x0  }
0xb2: {  	s10 =	simm.s32 $0x2A0;
	[sflag:s31] =	ssyncadd.s32 $0xFFFFE700  }
0xb3: {  	[tilespmem:s21], [sflag:$0x3] =	stream.indirect.gather [hbm4b:s4+s16], $0x80, s10, s16, $0xb8;
	[tilespmem:$0x1C840] =	vst v63  }
0xb4: {  	_ =	swait.ge [sflag:s1], $0x1900  }
0xb5: {  	[sflag:s1] =	ssyncset.done $0x0  }
0xb6: {  	s8 =	simm.s32 $0x700;
	s9 =	simm.s32 $0x310;
	[sflag:s1] =	ssyncadd.s32 $0xFFFFE700  }
.LBB2_4:
0xb7: {  	[tilespmem:s23], [sflag:$0x4] =	stream.indirect.gather [hbm4b:s4+s16], $0x80, s9, s16, $0xb8;
	[tilespmem:$0x1C840] =	vst v63  }
0xb8: {  	s9 =	smov.u32 s8  }
0xb9: {  	p1 =	sne.s32 s8, $0xA100;
	s8 =	sadd.s32 $0x700, s8;
	_ =	swait.ge [sflag:s24], $0x1900  }
0xba: {  	s9 =	sshra.s32 s9, $0x2;
	[sflag:s24] =	ssyncset.done $0x0  }
0xbb: {  	s10 =	sadd.s32 $0x38, s9;
	[sflag:s24] =	ssyncadd.s32 $0xFFFFE700  }
0xbc: {  	[spmem:s2] =	stream.indirect.scatter.add.f32 [tilespmem:s17], [sflag:$0x5], $0x80, s10, s16, $0xb8;
	[tilespmem:$0x1C840] =	vst v63  }
0xbd: {  	_ =	swait.ge [sflag:s25], $0x1900  }
0xbe: {  	[sflag:s25] =	ssyncset.done $0x0  }
0xbf: {  	s10 =	sadd.s32 $0xA8, s9;
	[sflag:s25] =	ssyncadd.s32 $0xFFFFE700  }
0xc0: {  	[spmem:s2] =	stream.indirect.scatter.add.f32 [tilespmem:s19], [sflag:$0x6], $0x80, s10, s16, $0xb8;
	[tilespmem:$0x1C840] =	vst v63  }
0xc1: {  	_ =	swait.ge [sflag:s26], $0x1900  }
0xc2: {  	[sflag:s26] =	ssyncset.done $0x0  }
0xc3: {  	s10 =	sadd.s32 $0x118, s9;
	[sflag:s26] =	ssyncadd.s32 $0xFFFFE700  }
0xc4: {  	[spmem:s2] =	stream.indirect.scatter.add.f32 [tilespmem:s21], [sflag:$0x7], $0x80, s10, s16, $0xb8;
	[tilespmem:$0x1C840] =	vst v63  }
0xc5: {  	_ =	swait.ge [sflag:s28], $0x1900  }
0xc6: {  	[sflag:s28] =	ssyncset.done $0x0  }
0xc7: {  	s10 =	sadd.s32 $0x188, s9;
	[sflag:s28] =	ssyncadd.s32 $0xFFFFE700  }
0xc8: {  	[spmem:s2] =	stream.indirect.scatter.add.f32 [tilespmem:s23], [sflag:$0x8], $0x80, s10, s16, $0xb8;
	[tilespmem:$0x1C840] =	vst v63  }
0xc9: {  	_ =	swait.ge [sflag:s29], $0x1900  }
0xca: {  	[sflag:s29] =	ssyncset.done $0x0  }
0xcb: {  	s10 =	sadd.s32 $0x1C0, s9;
	[sflag:s29] =	ssyncadd.s32 $0xFFFFE700  }
0xcc: {  	[tilespmem:s17], [sflag:$0x1] =	stream.indirect.gather [hbm4b:s4+s16], $0x80, s10, s16, $0xb8;
	[tilespmem:$0x1C840] =	vst v63  }
0xcd: {  	_ =	swait.ge [sflag:s30], $0x1900  }
0xce: {  	[sflag:s30] =	ssyncset.done $0x0  }
0xcf: {  	s10 =	sadd.s32 $0x230, s9;
	[sflag:s30] =	ssyncadd.s32 $0xFFFFE700  }
0xd0: {  	[tilespmem:s19], [sflag:$0x2] =	stream.indirect.gather [hbm4b:s4+s16], $0x80, s10, s16, $0xb8;
	[tilespmem:$0x1C840] =	vst v63  }
0xd1: {  	_ =	swait.ge [sflag:s31], $0x1900  }
0xd2: {  	[sflag:s31] =	ssyncset.done $0x0  }
.Ltmp1:
0xd3: {  	s10 =	sadd.s32 $0x2A0, s9;
	[sflag:s31] =	ssyncadd.s32 $0xFFFFE700;
	(pc) =	sbr.rel @p1 .LBB2_4-.Ltmp1, $4  }
0xd4: {  	[tilespmem:s21], [sflag:$0x3] =	stream.indirect.gather [hbm4b:s4+s16], $0x80, s10, s16, $0xb8;
	[tilespmem:$0x1C840] =	vst v63  }
0xd5: {  	_ =	swait.ge [sflag:s1], $0x1900  }
0xd6: {  	[sflag:s1] =	ssyncset.done $0x0  }
0xd7: {  	s9 =	sadd.s32 $0x310, s9;
	[sflag:s1] =	ssyncadd.s32 $0xFFFFE700  }
0xd8: {  	[tilespmem:s23], [sflag:$0x4] =	stream.indirect.gather [hbm4b:s4+s16], $0x80, s9, s16, $0xb8;
	[tilespmem:$0x1C840] =	vst v63  }
0xd9: {  	_ =	swait.ge [sflag:s24], $0x1900  }
0xda: {  	[sflag:s24] =	ssyncset.done $0x0  }
0xdb: {  	[sflag:s24] =	ssyncadd.s32 $0xFFFFE700  }
0xdc: {  	[spmem:s2] =	stream.indirect.scatter.add.f32 [tilespmem:s17], [sflag:$0x5], $0x80, s0, s16, $0xb8;
	[tilespmem:$0x1C840] =	vst v63  }
0xdd: {  	_ =	swait.ge [sflag:s25], $0x1900  }
0xde: {  	[sflag:s25] =	ssyncset.done $0x0  }
0xdf: {  	[sflag:s25] =	ssyncadd.s32 $0xFFFFE700  }
0xe0: {  	[spmem:s2] =	stream.indirect.scatter.add.f32 [tilespmem:s19], [sflag:$0x6], $0x80, s3, s16, $0xb8;
	[tilespmem:$0x1C840] =	vst v63  }
0xe1: {  	_ =	swait.ge [sflag:s26], $0x1900  }
0xe2: {  	[sflag:s26] =	ssyncset.done $0x0  }
0xe3: {  	[sflag:s26] =	ssyncadd.s32 $0xFFFFE700  }
0xe4: {  	[spmem:s2] =	stream.indirect.scatter.add.f32 [tilespmem:s21], [sflag:$0x7], $0x80, s5, s16, $0xb8;
	[tilespmem:$0x1C840] =	vst v63  }
0xe5: {  	_ =	swait.ge [sflag:s28], $0x1900  }
0xe6: {  	[sflag:s28] =	ssyncset.done $0x0  }
0xe7: {  	[sflag:s28] =	ssyncadd.s32 $0xFFFFE700  }
0xe8: {  	[spmem:s2] =	stream.indirect.scatter.add.f32 [tilespmem:s23], [sflag:$0x8], $0x80, s6, s16, $0xb8;
	[tilespmem:$0x1C840] =	vst v63  }
0xe9: {  	_ =	swait.ge [sflag:s29], $0x1900  }
0xea: {  	[sflag:s29] =	ssyncset.done $0x0  }
0xeb: {  	[sflag:s29] =	ssyncadd.s32 $0xFFFFE700  }
0xec: {  	_ =	swait.ge [sflag:s30], $0x1900  }
0xed: {  	[sflag:s30] =	ssyncset.done $0x0  }
0xee: {  	[sflag:s30] =	ssyncadd.s32 $0xFFFFE700  }
0xef: {  	_ =	swait.ge [sflag:s31], $0x1900  }
0xf0: {  	[sflag:s31] =	ssyncset.done $0x0  }
0xf1: {  	[sflag:s31] =	ssyncadd.s32 $0xFFFFE700  }
0xf2: {  	_ =	swait.ge [sflag:s1], $0x1900  }
0xf3: {  	[sflag:s1] =	ssyncset.done $0x0  }
0xf4: {  	[sflag:s1] =	ssyncadd.s32 $0xFFFFE700  }
0xf5: {  	[bflag:$0x0] =	sbarrier.arrive $0xFFFF  }
0xf6: {  	s8 =	simm.s32 @p0 $0x1FC9;
	s9 =	rddreg [dreg:$0x8]  }
0xf7: {  	[hbm:s9], [sflag:s8] =	dma.local @p0 [spmem:s12], $0x2080  }
0xf8: {  	s8 =	simm.s32 @p0 $0x9  }
0xf9: {  	_ =	swait.ge @p0 [sflag:s8], $0x2080  }
0xfa: {  	s7 =	sadd.s32 $0x1, s7;
	[sflag:s8] =	ssyncset.done @p0 $0x0  }
0xfb: {  	p1 =	sne.s32 s7, s11;
	[sflag:s8] =	ssyncadd.s32 @p0 $0xFFFFDF80;
	s8 =	rddreg [dreg:$0x7]  }
0xfc: {  	[hbm:s8], [sflag:s13] =	dma.local @!p0 [spmem:s14], $0x2780  }
.Ltmp2:
0xfd: {  	_ = 	snop;
	(pc) =	sbr.rel @p1 .LBB2_1-.Ltmp2, $4  }
0xfe: {  	s8 =	simm.s32 @!p0 $0x9  }
0xff: {  	_ =	swait.ge @!p0 [sflag:s8], $0x2780  }
0x100: {  	[sflag:s8] =	ssyncset.done @!p0 $0x0  }
0x101: {  	[sflag:s8] =	ssyncadd.s32 @!p0 $0xFFFFD880  }
0x102: {  	_ =	sfence.sel $0x180000  }
0x103: {  	[bflag:$0x0] =	sbarrier.arrive $0xFFFF  }
0x104: {  	_ =	strace $0x90000047  }
0x105: {  	s0 =	stileid.u32;
	[bflag:$0x2] =	sbarrier.arrive $0xFFFF  }
0x106: {  	p0 =	sne.s32 s0, $0x0;
	s0 =	rddreg [dreg:$0x2]  }
0x107: {  	s0 =	sadd.s32 @!p0 $0x100000, s0  }
0x108: {  	[sflag:s0] =	ssyncadd.tile.s32 @!p0 $0x1;
	_ =	shalt  }
.Lfunc_end2:
_tile_overlayer_lowered:
.L_overlay_start_2:
0x109: {  	(tag) =	ssettag $0x2  }
0x10a: {  	s0 =	rddreg [dreg:$0x0];
	s2 =	stileid.u32  }
0x10b: {  	s1 =	rddreg [dreg:$0x1];
	p0 =	sne.s32 s2, $0x0  }
0x10c: {  	s3 =	rddreg [dreg:$0x2];
	[bflag:$0x3] =	sbarrier.arrive $0xFFFF;
	s2 =	simm.s32 @!p0 $0x1C09  }
0x10d: {  	[timem:s3], [sflag:s2] =	dma.local @!p0 [hbm:s0], s1  }
0x10e: {  	s0 =	simm.s32 @!p0 $0x9  }
0x10f: {  	_ =	swait.ge @!p0 [sflag:s0], s1  }
0x110: {  	s1 =	ssub.s32 @!p0 $0x0, s1;
	[sflag:s0] =	ssyncset.done @!p0 $0x0  }
0x111: {  	[sflag:s0] =	ssyncadd.s32 @!p0 s1  }
0x112: {  	[bflag:$0x3] =	sbarrier.arrive $0xFFFF  }
0x113: {  	_ =	shalt  }

</sc_bundles>
